<compile_context>
chip_gen: v7x
topology: tpu7x:2x2x1
jax: 0.10.2.dev20260603
libtpu: 0.0.44.dev20260713+nightly
codegen_flags: <defaults>
</compile_context>

<pallas_src>
import functools

import jax
import jax.numpy as jnp
from jax import lax
from jax.experimental import pallas as pl
from jax.experimental.pallas import tpu as pltpu
from jax.experimental.pallas import tpu_sc as plsc

IM_H = 224
IM_W = 224
NVOX = 48
FH = 56
FW = 56
FDIM = 32
NR = 8
PLANE = NVOX * NVOX
NW = 32
PLANES_PER_W = NVOX // 2
CH_PER_W = FDIM // 2
ROWS_PER_CHUNK = 8
CHUNKS_PER_PLANE = NVOX // ROWS_PER_CHUNK
FSLICE = CH_PER_W * FH * FW


def _splat_body(feats_hbm, params_hbm, out_hbm, fv, pv, st_a, st_b,
                sem_a, sem_b):
    c = lax.axis_index("c")
    s = lax.axis_index("s")
    wid = s * 2 + c
    r = lax.shift_right_logical(wid, 2)
    ihalf = lax.bitwise_and(lax.shift_right_logical(wid, 1), 1)
    chalf = lax.bitwise_and(wid, 1)

    pltpu.sync_copy(params_hbm.at[wid], pv)
    pltpu.sync_copy(feats_hbm.at[r, pl.ds(chalf * FSLICE, FSLICE)], fv)

    bx, by, bz = pv[0], pv[1], pv[2]
    skx, sky, skz = pv[3], pv[4], pv[5]
    sjx, sjy, sjz = pv[6], pv[7], pv[8]
    six, siy, siz = pv[9], pv[10], pv[11]

    rsz = jnp.float32(float(FH) / IM_H)
    xmax = jnp.float32(FW - 1)
    ymax = jnp.float32(FH - 1)
    one = jnp.float32(1.0)
    i0 = ihalf * PLANES_PER_W
    ch0 = chalf * CH_PER_W

    def row_body_for(stage):
        def row_body(jj, rr):
            rx, ry, rz = rr
            xh, yh, zh = rx, ry, rz
            for g in range(3):
                inv = one / zh
                x = xh * inv * rsz
                y = yh * inv * rsz
                x = jnp.clip(x, 0.0, xmax)
                y = jnp.clip(y, 0.0, ymax)
                x0i = x.astype(jnp.int32)
                y0i = y.astype(jnp.int32)
                x0i = jnp.clip(x0i, 0, FW - 1)
                y0i = jnp.clip(y0i, 0, FH - 1)
                x0f = x0i.astype(jnp.float32)
                y0f = y0i.astype(jnp.float32)
                x1f = jnp.minimum(x0f + one, xmax)
                y1f = jnp.minimum(y0f + one, ymax)
                x1i = x1f.astype(jnp.int32)
                y1i = y1f.astype(jnp.int32)
                dx1 = x1f - x
                dx0 = x - x0f
                dy1 = y1f - y
                dy0 = y - y0f
                wa = dx1 * dy1
                wb = dx1 * dy0
                wc = dx0 * dy1
                wd = dx0 * dy0
                t0 = y0i * FW
                t1 = y1i * FW
                ja = t0 + x0i
                jb = t1 + x0i
                jc = t0 + x1i
                jd = t1 + x1i
                off = g * 16
                accs = []
                for ch in range(CH_PER_W):
                    if ch:
                        co = jnp.full((16,), ch * FH * FW, jnp.int32)
                        ka, kb, kc, kd = ja + co, jb + co, jc + co, jd + co
                    else:
                        ka, kb, kc, kd = ja, jb, jc, jd
                    ga = plsc.load_gather(fv, [ka])
                    gb = plsc.load_gather(fv, [kb])
                    gc = plsc.load_gather(fv, [kc])
                    gd = plsc.load_gather(fv, [kd])
                    accs.append(wa * ga + wb * gb + wc * gc + wd * gd)
                for ch in range(CH_PER_W):
                    stage[ch, jj, pl.ds(off, 16)] = accs[ch]
                if g < 2:
                    xh = xh + skx
                    yh = yh + sky
                    zh = zh + skz
            return (rx + sjx, ry + sjy, rz + sjz)
        return row_body

    def plane_body(i, plane):
        px, py, pz = plane

        def pair_body(cp, rowc):
            not_first = (i * (CHUNKS_PER_PLANE // 2) + cp) > 0
            i_abs = i0 + i
            j0_a = (2 * cp) * ROWS_PER_CHUNK
            j0_b = j0_a + ROWS_PER_CHUNK
            cpy_a = pltpu.make_async_copy(
                st_a,
                out_hbm.at[r, pl.ds(ch0, CH_PER_W), i_abs,
                           pl.ds(j0_a, ROWS_PER_CHUNK), :],
                sem_a)
            cpy_b = pltpu.make_async_copy(
                st_b,
                out_hbm.at[r, pl.ds(ch0, CH_PER_W), i_abs,
                           pl.ds(j0_b, ROWS_PER_CHUNK), :],
                sem_b)

            @pl.when(not_first)
            def _():
                cpy_a.wait()

            rowc = plsc.parallel_loop(0, ROWS_PER_CHUNK, 1, unroll=2,
                                      carry=rowc)(row_body_for(st_a))
            cpy_a.start()

            @pl.when(not_first)
            def _():
                cpy_b.wait()

            rowc = plsc.parallel_loop(0, ROWS_PER_CHUNK, 1, unroll=2,
                                      carry=rowc)(row_body_for(st_b))
            cpy_b.start()
            return rowc

        lax.fori_loop(0, CHUNKS_PER_PLANE // 2, pair_body, (px, py, pz))
        return (px + six, py + siy, pz + siz)

    lax.fori_loop(0, PLANES_PER_W, plane_body, (bx, by, bz))
    pltpu.make_async_copy(
        st_a, out_hbm.at[r, pl.ds(ch0, CH_PER_W), 0,
                         pl.ds(0, ROWS_PER_CHUNK), :], sem_a).wait()
    pltpu.make_async_copy(
        st_b, out_hbm.at[r, pl.ds(ch0, CH_PER_W), 0,
                         pl.ds(0, ROWS_PER_CHUNK), :], sem_b).wait()


@jax.jit
def _proj_splat(feats, Kcam, vmax, vmin):
    P = Kcam.reshape(NR, 3, 4).astype(jnp.float32)
    bidx = jnp.arange(NR, dtype=jnp.int32) // 4
    vmin_b = vmin[bidx].astype(jnp.float32)
    vmax_b = vmax[bidx].astype(jnp.float32)
    stp = (vmax_b - vmin_b) / jnp.float32(NVOX - 1)
    A = (P[:, :, 0] * vmin_b[:, None, 0] + P[:, :, 1] * vmin_b[:, None, 1]
         + P[:, :, 2] * vmin_b[:, None, 2] + P[:, :, 3])
    Bi = P[:, :, 0] * stp[:, None, 0]
    Bj = P[:, :, 1] * stp[:, None, 1]
    Bk = P[:, :, 2] * stp[:, None, 2]
    lane = jnp.arange(16, dtype=jnp.float32)
    iv = jnp.array([0, 0, 1, 1], dtype=jnp.float32) * PLANES_PER_W
    base = (A[:, None, :, None] + Bi[:, None, :, None] * iv[None, :, None, None]
            + Bk[:, None, :, None] * lane[None, None, None, :])
    base = base.reshape(NW, 3, 16)
    tile = lambda B: jnp.broadcast_to(
        B[:, None, :, None], (NR, 4, 3, 16)).reshape(NW, 3, 16)
    params = jnp.concatenate(
        [base, tile(16.0 * Bk), tile(Bj), tile(Bi)], axis=1)
    feats_flat = feats.astype(jnp.float32).reshape(NR, FDIM * FH * FW)

    mesh = plsc.VectorSubcoreMesh(core_axis_name="c", subcore_axis_name="s")
    run = functools.partial(
        pl.kernel,
        mesh=mesh,
        compiler_params=pltpu.CompilerParams(needs_layout_passes=False),
        out_type=jax.ShapeDtypeStruct((NR, FDIM, NVOX, NVOX, NVOX),
                                      jnp.float32),
        scratch_types=[
            pltpu.VMEM((FSLICE,), jnp.float32),
            pltpu.VMEM((12, 16), jnp.float32),
            pltpu.VMEM((CH_PER_W, ROWS_PER_CHUNK, NVOX), jnp.float32),
            pltpu.VMEM((CH_PER_W, ROWS_PER_CHUNK, NVOX), jnp.float32),
            pltpu.SemaphoreType.DMA,
            pltpu.SemaphoreType.DMA,
        ],
    )(_splat_body)
    return run(feats_flat, params)


def kernel(feats, Kcam, vmax, vmin, nvox):
    del nvox
    return _proj_splat(feats, Kcam, vmax, vmin)

# --- scband reference (transcript-rebuilt; emitter-appended) ---
"""Pipeline reference for scband-proj-splat-32177894981930 (READ-ONLY COPY).

The authoritative reference and input builder live on the scoring server;
editing this copy changes nothing except your own understanding.
"""

import jax, jax.numpy as jnp
import numpy as np

IM_H = 224
IM_W = 224
NVOX = 48


def setup_inputs(seed: int = 0) -> dict:
    key = jax.random.key(seed)
    k1, k2 = jax.random.split(key)
    feats = jax.random.normal(k1, (8, 32, 56, 56), dtype=jnp.float32)
    Kcam = jax.random.uniform(k2, (2, 4, 3, 4), dtype=jnp.float32)
    vmax = jnp.ones((2, 3), dtype=jnp.float32)
    vmin = jnp.zeros((2, 3), dtype=jnp.float32)
    return {"feats": feats, "Kcam": Kcam, "vmax": vmax, "vmin": vmin, "nvox": 48}


def _gather_nd(feats, x, y):
    # feats: [nR, fdim, fh, fw]; x, y: [nR, n] float indices
    xi = x.astype(jnp.int32)
    yi = y.astype(jnp.int32)
    return jax.vmap(lambda f, yy, xx: f[:, yy, xx])(feats, yi, xi)  # [nR, fdim, n]


def reference(feats, Kcam, vmax, vmin, nvox):
    nR, fdim, fh, fw = feats.shape
    batch, view, row, col = Kcam.shape
    rsz_h = float(fh) / IM_H
    rsz_w = float(fw) / IM_W
    nvox_dep = (jnp.asarray(nvox) * 0).astype(feats.dtype)
    grids = []
    for b in range(batch):
        gx = jnp.linspace(vmin[b, 0], vmax[b, 0], NVOX)
        gy = jnp.linspace(vmin[b, 1], vmax[b, 1], NVOX)
        gz = jnp.linspace(vmin[b, 2], vmax[b, 2], NVOX)
        g = jnp.stack(jnp.meshgrid(gx, gy, gz, indexing='ij'))
        rs = jnp.reshape(g, (3, -1))
        nV = rs.shape[1]
        rs = jnp.concatenate([rs, jnp.ones((1, nV), dtype=rs.dtype)], axis=0)
        grids.append(rs)
    rs_grid_batch = jnp.stack(grids, axis=0)  # [batch, 4, nV]
    im_p = jnp.matmul(jnp.reshape(Kcam, (batch, view * row, 4)), rs_grid_batch)
    im_p = jnp.reshape(im_p, (batch * view, 3, -1))
    im_x, im_y, im_z = im_p[:, 0, :], im_p[:, 1, :], im_p[:, 2, :]
    im_x = im_x / im_z * rsz_w
    im_y = im_y / im_z * rsz_h
    im_x = jnp.clip(im_x, 0, fw - 1)
    im_y = jnp.clip(im_y, 0, fh - 1)
    im_x0 = jnp.floor(im_x)
    im_x1 = jnp.clip(im_x0 + 1, 0, fw - 1)
    im_y0 = jnp.floor(im_y)
    im_y1 = jnp.clip(im_y0 + 1, 0, fh - 1)
    Ia = _gather_nd(feats, im_x0, im_y0)
    Ib = _gather_nd(feats, im_x0, im_y1)
    Ic = _gather_nd(feats, im_x1, im_y0)
    Id = _gather_nd(feats, im_x1, im_y1)
    wa = (im_x1 - im_x) * (im_y1 - im_y)
    wb = (im_x1 - im_x) * (im_y - im_y0)
    wc = (im_x - im_x0) * (im_y1 - im_y)
    wd = (im_x - im_x0) * (im_y - im_y0)
    Ibilin = (wa[:, None, :] * Ia + wb[:, None, :] * Ib
              + wc[:, None, :] * Ic + wd[:, None, :] * Id)
    Ibilin = Ibilin + nvox_dep
    return jnp.reshape(Ibilin, (nR, fdim, NVOX, NVOX, NVOX))

if __name__ == "__main__":
    import jax
    _d = setup_inputs()
    print(jax.jit(kernel)(*tuple(_d.values())))

</pallas_src>

<mosaic_0001>
#map = affine_map<(d0, d1) -> (0, 0)>
#map1 = affine_map<(d0, d1) -> (0, 0, 0)>
#map2 = affine_map<(d0, d1) -> (0, 0, 0, 0, 0)>
module attributes {stable_mosaic.version = 14 : i64} {
  func.func @_splat_body(%arg0: i32, %arg1: i32, %arg2: memref<8x100352xf32, #tpu.memory_space<hbm>>, %arg3: memref<32x12x16xf32, #tpu.memory_space<hbm>>, %arg4: memref<8x32x48x48x48xf32, #tpu.memory_space<hbm>>, %arg5: memref<50176xf32, #tpu.memory_space<vmem>>, %arg6: memref<12x16xf32, #tpu.memory_space<vmem>>, %arg7: memref<16x8x48xf32, #tpu.memory_space<vmem>>, %arg8: memref<16x8x48xf32, #tpu.memory_space<vmem>>, %arg9: memref<!tpu.dma_semaphore, #tpu.memory_space<semaphore_mem>>, %arg10: memref<!tpu.dma_semaphore, #tpu.memory_space<semaphore_mem>>) attributes {dimension_semantics = [#tpu.dimension_semantics<core_parallel>, #tpu.dimension_semantics<subcore_parallel>], iteration_bounds = array<i64: 2, 16>, scalar_prefetch = 0 : i64, scratch_operands = 6 : i64, tpu.core_type = #tpu.core_type<sc_vector_subcore>, window_params = [{transform_indices = #map}, {transform_indices = #map1}, {transform_indices = #map2}]} {
    %mul3A = arith.constant 2 : i32
    %mul3A_0 = arith.muli %arg1, %mul3A : i32
    %add3A = arith.addi %mul3A_0, %arg0 : i32
    %shift_right_logical3A = arith.constant 2 : i32
    %shift_right_logical3A_1 = arith.shrui %add3A, %shift_right_logical3A : i32
    %shift_right_logical3A_2 = arith.constant 1 : i32
    %shift_right_logical3A_3 = arith.shrui %add3A, %shift_right_logical3A_2 : i32
    %and3A = arith.constant 1 : i32
    %and3A_4 = arith.andi %shift_right_logical3A_3, %and3A : i32
    %and3A_5 = arith.constant 1 : i32
    %and3A_6 = arith.andi %add3A, %and3A_5 : i32
    "tpu.region"() ({
      %run_scoped3A = tpu.sem_alloc : memref<!tpu.dma_semaphore, #tpu.memory_space<semaphore_mem>>
      %dma_start3A = arith.constant 0 : i32
      %dma_start3A_86 = arith.constant 0 : i32
      %dma_start3A_87 = tpu.memref_slice %arg3[%add3A, %dma_start3A, %dma_start3A_86] : memref<32x12x16xf32, #tpu.memory_space<hbm>> -> memref<1x12x16xf32, #tpu.memory_space<hbm>>
      %dma_start3A_88 = tpu.memref_squeeze %dma_start3A_87 : memref<1x12x16xf32, #tpu.memory_space<hbm>> -> memref<12x16xf32, #tpu.memory_space<hbm>>
      %dma_start3A_89 = arith.constant 0 : i32
      %dma_start3A_90 = arith.constant 0 : i32
      %dma_start3A_91 = tpu.memref_slice %arg3[%add3A, %dma_start3A_89, %dma_start3A_90] : memref<32x12x16xf32, #tpu.memory_space<hbm>> -> memref<1x12x16xf32, #tpu.memory_space<hbm>>
      %dma_start3A_92 = tpu.memref_squeeze %dma_start3A_91 : memref<1x12x16xf32, #tpu.memory_space<hbm>> -> memref<12x16xf32, #tpu.memory_space<hbm>>
      tpu.enqueue_dma source(%dma_start3A_92 : memref<12x16xf32, #tpu.memory_space<hbm>>) target(%arg6 : memref<12x16xf32, #tpu.memory_space<vmem>>) target_semaphore(%run_scoped3A : memref<!tpu.dma_semaphore, #tpu.memory_space<semaphore_mem>>)
      %dma_wait3A_93 = arith.constant 0 : i32
      %dma_wait3A_94 = arith.constant 0 : i32
      %dma_wait3A_95 = tpu.memref_slice %arg3[%add3A, %dma_wait3A_93, %dma_wait3A_94] : memref<32x12x16xf32, #tpu.memory_space<hbm>> -> memref<1x12x16xf32, #tpu.memory_space<hbm>>
      %dma_wait3A_96 = tpu.memref_squeeze %dma_wait3A_95 : memref<1x12x16xf32, #tpu.memory_space<hbm>> -> memref<12x16xf32, #tpu.memory_space<hbm>>
      %dma_wait3A_97 = arith.constant 0 : i32
      %dma_wait3A_98 = arith.constant 0 : i32
      %dma_wait3A_99 = tpu.memref_slice %arg3[%add3A, %dma_wait3A_97, %dma_wait3A_98] : memref<32x12x16xf32, #tpu.memory_space<hbm>> -> memref<1x12x16xf32, #tpu.memory_space<hbm>>
      %dma_wait3A_100 = tpu.memref_squeeze %dma_wait3A_99 : memref<1x12x16xf32, #tpu.memory_space<hbm>> -> memref<12x16xf32, #tpu.memory_space<hbm>>
      tpu.wait_dma2 semaphore(%run_scoped3A : memref<!tpu.dma_semaphore, #tpu.memory_space<semaphore_mem>>) src(%dma_wait3A_100 : memref<12x16xf32, #tpu.memory_space<hbm>>) dst(%arg6 : memref<12x16xf32, #tpu.memory_space<vmem>>)
      tpu.yield
    }) : () -> ()
    %mul3A_7 = arith.constant 50176 : i32
    %mul3A_8 = arith.muli %and3A_6, %mul3A_7 : i32
    "tpu.region"() ({
      %run_scoped3A = tpu.sem_alloc : memref<!tpu.dma_semaphore, #tpu.memory_space<semaphore_mem>>
      %dma_start3A = tpu.memref_slice %arg2[%shift_right_logical3A_1, %mul3A_8] : memref<8x100352xf32, #tpu.memory_space<hbm>> -> memref<1x50176xf32, #tpu.memory_space<hbm>>
      %dma_start3A_86 = tpu.memref_squeeze %dma_start3A : memref<1x50176xf32, #tpu.memory_space<hbm>> -> memref<50176xf32, #tpu.memory_space<hbm>>
      %dma_start3A_87 = tpu.memref_slice %arg2[%shift_right_logical3A_1, %mul3A_8] : memref<8x100352xf32, #tpu.memory_space<hbm>> -> memref<1x50176xf32, #tpu.memory_space<hbm>>
      %dma_start3A_88 = tpu.memref_squeeze %dma_start3A_87 : memref<1x50176xf32, #tpu.memory_space<hbm>> -> memref<50176xf32, #tpu.memory_space<hbm>>
      tpu.enqueue_dma source(%dma_start3A_88 : memref<50176xf32, #tpu.memory_space<hbm>>) target(%arg5 : memref<50176xf32, #tpu.memory_space<vmem>>) target_semaphore(%run_scoped3A : memref<!tpu.dma_semaphore, #tpu.memory_space<semaphore_mem>>)
      %dma_wait3A_89 = tpu.memref_slice %arg2[%shift_right_logical3A_1, %mul3A_8] : memref<8x100352xf32, #tpu.memory_space<hbm>> -> memref<1x50176xf32, #tpu.memory_space<hbm>>
      %dma_wait3A_90 = tpu.memref_squeeze %dma_wait3A_89 : memref<1x50176xf32, #tpu.memory_space<hbm>> -> memref<50176xf32, #tpu.memory_space<hbm>>
      %dma_wait3A_91 = tpu.memref_slice %arg2[%shift_right_logical3A_1, %mul3A_8] : memref<8x100352xf32, #tpu.memory_space<hbm>> -> memref<1x50176xf32, #tpu.memory_space<hbm>>
      %dma_wait3A_92 = tpu.memref_squeeze %dma_wait3A_91 : memref<1x50176xf32, #tpu.memory_space<hbm>> -> memref<50176xf32, #tpu.memory_space<hbm>>
      tpu.wait_dma2 semaphore(%run_scoped3A : memref<!tpu.dma_semaphore, #tpu.memory_space<semaphore_mem>>) src(%dma_wait3A_92 : memref<50176xf32, #tpu.memory_space<hbm>>) dst(%arg5 : memref<50176xf32, #tpu.memory_space<vmem>>)
      tpu.yield
    }) : () -> ()
    %get3A = arith.constant 0 : i32
    %get3A_9 = arith.index_cast %get3A : i32 to index
    %get3A_10 = arith.constant 0 : index
    %get3A_11 = tpu.vector_load %arg6[%get3A_9, %get3A_10] {strides = array<i32>} : memref<12x16xf32, #tpu.memory_space<vmem>>, vector<16xf32>,
    %get3A_12 = arith.constant 1 : i32
    %get3A_13 = arith.index_cast %get3A_12 : i32 to index
    %get3A_14 = arith.constant 0 : index
    %get3A_15 = tpu.vector_load %arg6[%get3A_13, %get3A_14] {strides = array<i32>} : memref<12x16xf32, #tpu.memory_space<vmem>>, vector<16xf32>,
    %get3A_16 = arith.constant 2 : i32
    %get3A_17 = arith.index_cast %get3A_16 : i32 to index
    %get3A_18 = arith.constant 0 : index
    %get3A_19 = tpu.vector_load %arg6[%get3A_17, %get3A_18] {strides = array<i32>} : memref<12x16xf32, #tpu.memory_space<vmem>>, vector<16xf32>,
    %get3A_20 = arith.constant 3 : i32
    %get3A_21 = arith.index_cast %get3A_20 : i32 to index
    %get3A_22 = arith.constant 0 : index
    %get3A_23 = tpu.vector_load %arg6[%get3A_21, %get3A_22] {strides = array<i32>} : memref<12x16xf32, #tpu.memory_space<vmem>>, vector<16xf32>,
    %get3A_24 = arith.constant 4 : i32
    %get3A_25 = arith.index_cast %get3A_24 : i32 to index
    %get3A_26 = arith.constant 0 : index
    %get3A_27 = tpu.vector_load %arg6[%get3A_25, %get3A_26] {strides = array<i32>} : memref<12x16xf32, #tpu.memory_space<vmem>>, vector<16xf32>,
    %get3A_28 = arith.constant 5 : i32
    %get3A_29 = arith.index_cast %get3A_28 : i32 to index
    %get3A_30 = arith.constant 0 : index
    %get3A_31 = tpu.vector_load %arg6[%get3A_29, %get3A_30] {strides = array<i32>} : memref<12x16xf32, #tpu.memory_space<vmem>>, vector<16xf32>,
    %get3A_32 = arith.constant 6 : i32
    %get3A_33 = arith.index_cast %get3A_32 : i32 to index
    %get3A_34 = arith.constant 0 : index
    %get3A_35 = tpu.vector_load %arg6[%get3A_33, %get3A_34] {strides = array<i32>} : memref<12x16xf32, #tpu.memory_space<vmem>>, vector<16xf32>,
    %get3A_36 = arith.constant 7 : i32
    %get3A_37 = arith.index_cast %get3A_36 : i32 to index
    %get3A_38 = arith.constant 0 : index
    %get3A_39 = tpu.vector_load %arg6[%get3A_37, %get3A_38] {strides = array<i32>} : memref<12x16xf32, #tpu.memory_space<vmem>>, vector<16xf32>,
    %get3A_40 = arith.constant 8 : i32
    %get3A_41 = arith.index_cast %get3A_40 : i32 to index
    %get3A_42 = arith.constant 0 : index
    %get3A_43 = tpu.vector_load %arg6[%get3A_41, %get3A_42] {strides = array<i32>} : memref<12x16xf32, #tpu.memory_space<vmem>>, vector<16xf32>,
    %get3A_44 = arith.constant 9 : i32
    %get3A_45 = arith.index_cast %get3A_44 : i32 to index
    %get3A_46 = arith.constant 0 : index
    %get3A_47 = tpu.vector_load %arg6[%get3A_45, %get3A_46] {strides = array<i32>} : memref<12x16xf32, #tpu.memory_space<vmem>>, vector<16xf32>,
    %get3A_48 = arith.constant 10 : i32
    %get3A_49 = arith.index_cast %get3A_48 : i32 to index
    %get3A_50 = arith.constant 0 : index
    %get3A_51 = tpu.vector_load %arg6[%get3A_49, %get3A_50] {strides = array<i32>} : memref<12x16xf32, #tpu.memory_space<vmem>>, vector<16xf32>,
    %get3A_52 = arith.constant 11 : i32
    %get3A_53 = arith.index_cast %get3A_52 : i32 to index
    %get3A_54 = arith.constant 0 : index
    %get3A_55 = tpu.vector_load %arg6[%get3A_53, %get3A_54] {strides = array<i32>} : memref<12x16xf32, #tpu.memory_space<vmem>>, vector<16xf32>,
    %mul3A_56 = arith.constant 24 : i32
    %mul3A_57 = arith.muli %and3A_4, %mul3A_56 : i32
    %mul3A_58 = arith.constant 16 : i32
    %mul3A_59 = arith.muli %and3A_6, %mul3A_58 : i32
    %scan3A = arith.constant 1.000000e+00 : f32
    %scan3A_60 = arith.constant 2.500000e-01 : f32
    %scan3A_61 = arith.constant 5.500000e+01 : f32
    %scan3A_62 = arith.constant 5.500000e+01 : f32
    %scan3A_63 = arith.constant 0 : i32
    %scan3A_64 = arith.constant 24 : i32
    %scan3A_65 = arith.addi %scan3A_63, %scan3A_64 : i32
    %scan3A_66 = arith.constant 1 : i32
    %scan3A_67:3 = scf.for %scan3A_86 = %scan3A_63 to %scan3A_65 step %scan3A_66 iter_args(%scan3A_87 = %get3A_11, %scan3A_88 = %get3A_15, %scan3A_89 = %get3A_19) -> (vector<16xf32>, vector<16xf32>, vector<16xf32>)  : i32 {
      %scan3A_90 = arith.constant 0 : i32
      %scan3A_91 = arith.constant 3 : i32
      %scan3A_92 = arith.addi %scan3A_90, %scan3A_91 : i32
      %scan3A_93 = arith.constant 1 : i32
      %scan3A_94:3 = scf.for %scan3A_99 = %scan3A_90 to %scan3A_92 step %scan3A_93 iter_args(%scan3A_100 = %scan3A_87, %scan3A_101 = %scan3A_88, %scan3A_102 = %scan3A_89) -> (vector<16xf32>, vector<16xf32>, vector<16xf32>)  : i32 {
        %mul3A_103 = arith.constant 3 : i32
        %mul3A_104 = arith.muli %scan3A_86, %mul3A_103 : i32
        %add3A_105 = arith.addi %mul3A_104, %scan3A_99 : i32
        %gt3A = arith.constant 0 : i32
        %gt3A_106 = arith.cmpi sgt, %add3A_105, %gt3A : i32
        %add3A_107 = arith.addi %mul3A_57, %scan3A_86 : i32
        %mul3A_108 = arith.constant 2 : i32
        %mul3A_109 = arith.muli %mul3A_108, %scan3A_99 : i32
        %mul3A_110 = arith.constant 8 : i32
        %mul3A_111 = arith.muli %mul3A_109, %mul3A_110 : i32
        %add3A_112 = arith.constant 8 : i32
        %add3A_113 = arith.addi %mul3A_111, %add3A_112 : i32
        %convert_element_type3A = arith.extui %gt3A_106 : i1 to i32
        %cond3A = arith.constant 0 : i32
        %cond3A_114 = arith.cmpi ne, %convert_element_type3A, %cond3A : i32
        scf.if %cond3A_114 {
          %dma_wait3A_136 = arith.constant 0 : i32
          %dma_wait3A_137 = tpu.memref_slice %arg4[%shift_right_logical3A_1, %mul3A_59, %add3A_107, %mul3A_111, %dma_wait3A_136] : memref<8x32x48x48x48xf32, #tpu.memory_space<hbm>> -> memref<1x16x1x8x48xf32, #tpu.memory_space<hbm>>
          %dma_wait3A_138 = tpu.memref_squeeze %dma_wait3A_137 : memref<1x16x1x8x48xf32, #tpu.memory_space<hbm>> -> memref<16x8x48xf32, #tpu.memory_space<hbm>>
          %dma_wait3A_139 = arith.constant 0 : i32
          %dma_wait3A_140 = tpu.memref_slice %arg4[%shift_right_logical3A_1, %mul3A_59, %add3A_107, %mul3A_111, %dma_wait3A_139] : memref<8x32x48x48x48xf32, #tpu.memory_space<hbm>> -> memref<1x16x1x8x48xf32, #tpu.memory_space<hbm>>
          %dma_wait3A_141 = tpu.memref_squeeze %dma_wait3A_140 : memref<1x16x1x8x48xf32, #tpu.memory_space<hbm>> -> memref<16x8x48xf32, #tpu.memory_space<hbm>>
          tpu.wait_dma2 semaphore(%arg9 : memref<!tpu.dma_semaphore, #tpu.memory_space<semaphore_mem>>) src(%arg7 : memref<16x8x48xf32, #tpu.memory_space<vmem>>) dst(%dma_wait3A_141 : memref<16x8x48xf32, #tpu.memory_space<hbm>>)
        } else {
        }
        %parallel_loop3A = arith.constant 0 : i32
        %parallel_loop3A_115 = arith.constant 8 : i32
        %parallel_loop3A_116 = arith.constant 1 : i32
        %parallel_loop3A_117:3 = scf.for %parallel_loop3A_136 = %parallel_loop3A to %parallel_loop3A_115 step %parallel_loop3A_116 iter_args(%parallel_loop3A_137 = %scan3A_100, %parallel_loop3A_138 = %scan3A_101, %parallel_loop3A_139 = %scan3A_102) -> (vector<16xf32>, vector<16xf32>, vector<16xf32>)  : i32 {
          %parallel_loop3A_140 = vector.broadcast %scan3A : f32 to vector<16xf32>
          %parallel_loop3A_141 = arith.divf %parallel_loop3A_140, %parallel_loop3A_139 : vector<16xf32>
          %parallel_loop3A_142 = arith.mulf %parallel_loop3A_137, %parallel_loop3A_141 : vector<16xf32>
          %parallel_loop3A_143 = vector.broadcast %scan3A_60 : f32 to vector<16xf32>
          %parallel_loop3A_144 = arith.mulf %parallel_loop3A_142, %parallel_loop3A_143 : vector<16xf32>
          %parallel_loop3A_145 = arith.mulf %parallel_loop3A_138, %parallel_loop3A_141 : vector<16xf32>
          %parallel_loop3A_146 = vector.broadcast %scan3A_60 : f32 to vector<16xf32>
          %parallel_loop3A_147 = arith.mulf %parallel_loop3A_145, %parallel_loop3A_146 : vector<16xf32>
          %parallel_loop3A_148 = arith.constant 0.000000e+00 : f32
          %parallel_loop3A_149 = vector.broadcast %parallel_loop3A_148 : f32 to vector<16xf32>
          %parallel_loop3A_150 = arith.maximumf %parallel_loop3A_149, %parallel_loop3A_144 : vector<16xf32>
          %parallel_loop3A_151 = vector.broadcast %scan3A_61 : f32 to vector<16xf32>
          %parallel_loop3A_152 = arith.minimumf %parallel_loop3A_151, %parallel_loop3A_150 : vector<16xf32>
          %parallel_loop3A_153 = arith.constant 0.000000e+00 : f32
          %parallel_loop3A_154 = vector.broadcast %parallel_loop3A_153 : f32 to vector<16xf32>
          %parallel_loop3A_155 = arith.maximumf %parallel_loop3A_154, %parallel_loop3A_147 : vector<16xf32>
          %parallel_loop3A_156 = vector.broadcast %scan3A_62 : f32 to vector<16xf32>
          %parallel_loop3A_157 = arith.minimumf %parallel_loop3A_156, %parallel_loop3A_155 : vector<16xf32>
          %parallel_loop3A_158 = arith.fptosi %parallel_loop3A_152 : vector<16xf32> to vector<16xi32>
          %parallel_loop3A_159 = arith.fptosi %parallel_loop3A_157 : vector<16xf32> to vector<16xi32>
          %parallel_loop3A_160 = arith.constant 0 : i32
          %parallel_loop3A_161 = arith.constant 55 : i32
          %parallel_loop3A_162 = vector.broadcast %parallel_loop3A_160 : i32 to vector<16xi32>
          %parallel_loop3A_163 = arith.maxsi %parallel_loop3A_162, %parallel_loop3A_158 : vector<16xi32>
          %parallel_loop3A_164 = vector.broadcast %parallel_loop3A_161 : i32 to vector<16xi32>
          %parallel_loop3A_165 = arith.minsi %parallel_loop3A_164, %parallel_loop3A_163 : vector<16xi32>
          %parallel_loop3A_166 = arith.constant 0 : i32
          %parallel_loop3A_167 = arith.constant 55 : i32
          %parallel_loop3A_168 = vector.broadcast %parallel_loop3A_166 : i32 to vector<16xi32>
          %parallel_loop3A_169 = arith.maxsi %parallel_loop3A_168, %parallel_loop3A_159 : vector<16xi32>
          %parallel_loop3A_170 = vector.broadcast %parallel_loop3A_167 : i32 to vector<16xi32>
          %parallel_loop3A_171 = arith.minsi %parallel_loop3A_170, %parallel_loop3A_169 : vector<16xi32>
          %parallel_loop3A_172 = arith.sitofp %parallel_loop3A_165 : vector<16xi32> to vector<16xf32>
          %parallel_loop3A_173 = arith.sitofp %parallel_loop3A_171 : vector<16xi32> to vector<16xf32>
          %parallel_loop3A_174 = vector.broadcast %scan3A : f32 to vector<16xf32>
          %parallel_loop3A_175 = arith.addf %parallel_loop3A_172, %parallel_loop3A_174 : vector<16xf32>
          %parallel_loop3A_176 = vector.broadcast %scan3A_61 : f32 to vector<16xf32>
          %parallel_loop3A_177 = arith.minimumf %parallel_loop3A_175, %parallel_loop3A_176 : vector<16xf32>
          %parallel_loop3A_178 = vector.broadcast %scan3A : f32 to vector<16xf32>
          %parallel_loop3A_179 = arith.addf %parallel_loop3A_173, %parallel_loop3A_178 : vector<16xf32>
          %parallel_loop3A_180 = vector.broadcast %scan3A_62 : f32 to vector<16xf32>
          %parallel_loop3A_181 = arith.minimumf %parallel_loop3A_179, %parallel_loop3A_180 : vector<16xf32>
          %parallel_loop3A_182 = arith.fptosi %parallel_loop3A_177 : vector<16xf32> to vector<16xi32>
          %parallel_loop3A_183 = arith.fptosi %parallel_loop3A_181 : vector<16xf32> to vector<16xi32>
          %parallel_loop3A_184 = arith.subf %parallel_loop3A_177, %parallel_loop3A_152 : vector<16xf32>
          %parallel_loop3A_185 = arith.subf %parallel_loop3A_152, %parallel_loop3A_172 : vector<16xf32>
          %parallel_loop3A_186 = arith.subf %parallel_loop3A_181, %parallel_loop3A_157 : vector<16xf32>
          %parallel_loop3A_187 = arith.subf %parallel_loop3A_157, %parallel_loop3A_173 : vector<16xf32>
          %parallel_loop3A_188 = arith.mulf %parallel_loop3A_184, %parallel_loop3A_186 : vector<16xf32>
          %parallel_loop3A_189 = arith.mulf %parallel_loop3A_184, %parallel_loop3A_187 : vector<16xf32>
          %parallel_loop3A_190 = arith.mulf %parallel_loop3A_185, %parallel_loop3A_186 : vector<16xf32>
          %parallel_loop3A_191 = arith.mulf %parallel_loop3A_185, %parallel_loop3A_187 : vector<16xf32>
          %parallel_loop3A_192 = arith.constant 56 : i32
          %parallel_loop3A_193 = vector.broadcast %parallel_loop3A_192 : i32 to vector<16xi32>
          %parallel_loop3A_194 = arith.muli %parallel_loop3A_171, %parallel_loop3A_193 : vector<16xi32>
          %parallel_loop3A_195 = arith.constant 56 : i32
          %parallel_loop3A_196 = vector.broadcast %parallel_loop3A_195 : i32 to vector<16xi32>
          %parallel_loop3A_197 = arith.muli %parallel_loop3A_183, %parallel_loop3A_196 : vector<16xi32>
          %parallel_loop3A_198 = arith.addi %parallel_loop3A_194, %parallel_loop3A_165 : vector<16xi32>
          %parallel_loop3A_199 = arith.addi %parallel_loop3A_197, %parallel_loop3A_165 : vector<16xi32>
          %parallel_loop3A_200 = arith.addi %parallel_loop3A_194, %parallel_loop3A_182 : vector<16xi32>
          %parallel_loop3A_201 = arith.addi %parallel_loop3A_197, %parallel_loop3A_182 : vector<16xi32>
          %parallel_loop3A_202 = tpu.vector_load_idx %arg5[%parallel_loop3A_198] : memref<50176xf32, #tpu.memory_space<vmem>>[vector<16xi32>], vector<16xf32>,
          %parallel_loop3A_203 = tpu.vector_load_idx %arg5[%parallel_loop3A_199] : memref<50176xf32, #tpu.memory_space<vmem>>[vector<16xi32>], vector<16xf32>,
          %parallel_loop3A_204 = tpu.vector_load_idx %arg5[%parallel_loop3A_200] : memref<50176xf32, #tpu.memory_space<vmem>>[vector<16xi32>], vector<16xf32>,
          %parallel_loop3A_205 = tpu.vector_load_idx %arg5[%parallel_loop3A_201] : memref<50176xf32, #tpu.memory_space<vmem>>[vector<16xi32>], vector<16xf32>,
          %parallel_loop3A_206 = arith.mulf %parallel_loop3A_188, %parallel_loop3A_202 : vector<16xf32>
          %parallel_loop3A_207 = arith.mulf %parallel_loop3A_189, %parallel_loop3A_203 : vector<16xf32>
          %parallel_loop3A_208 = arith.addf %parallel_loop3A_206, %parallel_loop3A_207 : vector<16xf32>
          %parallel_loop3A_209 = arith.mulf %parallel_loop3A_190, %parallel_loop3A_204 : vector<16xf32>
          %parallel_loop3A_210 = arith.addf %parallel_loop3A_208, %parallel_loop3A_209 : vector<16xf32>
          %parallel_loop3A_211 = arith.mulf %parallel_loop3A_191, %parallel_loop3A_205 : vector<16xf32>
          %parallel_loop3A_212 = arith.addf %parallel_loop3A_210, %parallel_loop3A_211 : vector<16xf32>
          %parallel_loop3A_213 = arith.constant 3136 : i32
          %parallel_loop3A_214 = vector.broadcast %parallel_loop3A_213 : i32 to vector<16xi32>
          %parallel_loop3A_215 = arith.addi %parallel_loop3A_198, %parallel_loop3A_214 : vector<16xi32>
          %parallel_loop3A_216 = arith.addi %parallel_loop3A_199, %parallel_loop3A_214 : vector<16xi32>
          %parallel_loop3A_217 = arith.addi %parallel_loop3A_200, %parallel_loop3A_214 : vector<16xi32>
          %parallel_loop3A_218 = arith.addi %parallel_loop3A_201, %parallel_loop3A_214 : vector<16xi32>
          %parallel_loop3A_219 = tpu.vector_load_idx %arg5[%parallel_loop3A_215] : memref<50176xf32, #tpu.memory_space<vmem>>[vector<16xi32>], vector<16xf32>,
          %parallel_loop3A_220 = tpu.vector_load_idx %arg5[%parallel_loop3A_216] : memref<50176xf32, #tpu.memory_space<vmem>>[vector<16xi32>], vector<16xf32>,
          %parallel_loop3A_221 = tpu.vector_load_idx %arg5[%parallel_loop3A_217] : memref<50176xf32, #tpu.memory_space<vmem>>[vector<16xi32>], vector<16xf32>,
          %parallel_loop3A_222 = tpu.vector_load_idx %arg5[%parallel_loop3A_218] : memref<50176xf32, #tpu.memory_space<vmem>>[vector<16xi32>], vector<16xf32>,
          %parallel_loop3A_223 = arith.mulf %parallel_loop3A_188, %parallel_loop3A_219 : vector<16xf32>
          %parallel_loop3A_224 = arith.mulf %parallel_loop3A_189, %parallel_loop3A_220 : vector<16xf32>
          %parallel_loop3A_225 = arith.addf %parallel_loop3A_223, %parallel_loop3A_224 : vector<16xf32>
          %parallel_loop3A_226 = arith.mulf %parallel_loop3A_190, %parallel_loop3A_221 : vector<16xf32>
          %parallel_loop3A_227 = arith.addf %parallel_loop3A_225, %parallel_loop3A_226 : vector<16xf32>
          %parallel_loop3A_228 = arith.mulf %parallel_loop3A_191, %parallel_loop3A_222 : vector<16xf32>
          %parallel_loop3A_229 = arith.addf %parallel_loop3A_227, %parallel_loop3A_228 : vector<16xf32>
          %parallel_loop3A_230 = arith.constant 6272 : i32
          %parallel_loop3A_231 = vector.broadcast %parallel_loop3A_230 : i32 to vector<16xi32>
          %parallel_loop3A_232 = arith.addi %parallel_loop3A_198, %parallel_loop3A_231 : vector<16xi32>
          %parallel_loop3A_233 = arith.addi %parallel_loop3A_199, %parallel_loop3A_231 : vector<16xi32>
          %parallel_loop3A_234 = arith.addi %parallel_loop3A_200, %parallel_loop3A_231 : vector<16xi32>
          %parallel_loop3A_235 = arith.addi %parallel_loop3A_201, %parallel_loop3A_231 : vector<16xi32>
          %parallel_loop3A_236 = tpu.vector_load_idx %arg5[%parallel_loop3A_232] : memref<50176xf32, #tpu.memory_space<vmem>>[vector<16xi32>], vector<16xf32>,
          %parallel_loop3A_237 = tpu.vector_load_idx %arg5[%parallel_loop3A_233] : memref<50176xf32, #tpu.memory_space<vmem>>[vector<16xi32>], vector<16xf32>,
          %parallel_loop3A_238 = tpu.vector_load_idx %arg5[%parallel_loop3A_234] : memref<50176xf32, #tpu.memory_space<vmem>>[vector<16xi32>], vector<16xf32>,
          %parallel_loop3A_239 = tpu.vector_load_idx %arg5[%parallel_loop3A_235] : memref<50176xf32, #tpu.memory_space<vmem>>[vector<16xi32>], vector<16xf32>,
          %parallel_loop3A_240 = arith.mulf %parallel_loop3A_188, %parallel_loop3A_236 : vector<16xf32>
          %parallel_loop3A_241 = arith.mulf %parallel_loop3A_189, %parallel_loop3A_237 : vector<16xf32>
          %parallel_loop3A_242 = arith.addf %parallel_loop3A_240, %parallel_loop3A_241 : vector<16xf32>
          %parallel_loop3A_243 = arith.mulf %parallel_loop3A_190, %parallel_loop3A_238 : vector<16xf32>
          %parallel_loop3A_244 = arith.addf %parallel_loop3A_242, %parallel_loop3A_243 : vector<16xf32>
          %parallel_loop3A_245 = arith.mulf %parallel_loop3A_191, %parallel_loop3A_239 : vector<16xf32>
          %parallel_loop3A_246 = arith.addf %parallel_loop3A_244, %parallel_loop3A_245 : vector<16xf32>
          %parallel_loop3A_247 = arith.constant 9408 : i32
          %parallel_loop3A_248 = vector.broadcast %parallel_loop3A_247 : i32 to vector<16xi32>
          %parallel_loop3A_249 = arith.addi %parallel_loop3A_198, %parallel_loop3A_248 : vector<16xi32>
          %parallel_loop3A_250 = arith.addi %parallel_loop3A_199, %parallel_loop3A_248 : vector<16xi32>
          %parallel_loop3A_251 = arith.addi %parallel_loop3A_200, %parallel_loop3A_248 : vector<16xi32>
          %parallel_loop3A_252 = arith.addi %parallel_loop3A_201, %parallel_loop3A_248 : vector<16xi32>
          %parallel_loop3A_253 = tpu.vector_load_idx %arg5[%parallel_loop3A_249] : memref<50176xf32, #tpu.memory_space<vmem>>[vector<16xi32>], vector<16xf32>,
          %parallel_loop3A_254 = tpu.vector_load_idx %arg5[%parallel_loop3A_250] : memref<50176xf32, #tpu.memory_space<vmem>>[vector<16xi32>], vector<16xf32>,
          %parallel_loop3A_255 = tpu.vector_load_idx %arg5[%parallel_loop3A_251] : memref<50176xf32, #tpu.memory_space<vmem>>[vector<16xi32>], vector<16xf32>,
          %parallel_loop3A_256 = tpu.vector_load_idx %arg5[%parallel_loop3A_252] : memref<50176xf32, #tpu.memory_space<vmem>>[vector<16xi32>], vector<16xf32>,
          %parallel_loop3A_257 = arith.mulf %parallel_loop3A_188, %parallel_loop3A_253 : vector<16xf32>
          %parallel_loop3A_258 = arith.mulf %parallel_loop3A_189, %parallel_loop3A_254 : vector<16xf32>
          %parallel_loop3A_259 = arith.addf %parallel_loop3A_257, %parallel_loop3A_258 : vector<16xf32>
          %parallel_loop3A_260 = arith.mulf %parallel_loop3A_190, %parallel_loop3A_255 : vector<16xf32>
          %parallel_loop3A_261 = arith.addf %parallel_loop3A_259, %parallel_loop3A_260 : vector<16xf32>
          %parallel_loop3A_262 = arith.mulf %parallel_loop3A_191, %parallel_loop3A_256 : vector<16xf32>
          %parallel_loop3A_263 = arith.addf %parallel_loop3A_261, %parallel_loop3A_262 : vector<16xf32>
          %parallel_loop3A_264 = arith.constant 12544 : i32
          %parallel_loop3A_265 = vector.broadcast %parallel_loop3A_264 : i32 to vector<16xi32>
          %parallel_loop3A_266 = arith.addi %parallel_loop3A_198, %parallel_loop3A_265 : vector<16xi32>
          %parallel_loop3A_267 = arith.addi %parallel_loop3A_199, %parallel_loop3A_265 : vector<16xi32>
          %parallel_loop3A_268 = arith.addi %parallel_loop3A_200, %parallel_loop3A_265 : vector<16xi32>
          %parallel_loop3A_269 = arith.addi %parallel_loop3A_201, %parallel_loop3A_265 : vector<16xi32>
          %parallel_loop3A_270 = tpu.vector_load_idx %arg5[%parallel_loop3A_266] : memref<50176xf32, #tpu.memory_space<vmem>>[vector<16xi32>], vector<16xf32>,
          %parallel_loop3A_271 = tpu.vector_load_idx %arg5[%parallel_loop3A_267] : memref<50176xf32, #tpu.memory_space<vmem>>[vector<16xi32>], vector<16xf32>,
          %parallel_loop3A_272 = tpu.vector_load_idx %arg5[%parallel_loop3A_268] : memref<50176xf32, #tpu.memory_space<vmem>>[vector<16xi32>], vector<16xf32>,
          %parallel_loop3A_273 = tpu.vector_load_idx %arg5[%parallel_loop3A_269] : memref<50176xf32, #tpu.memory_space<vmem>>[vector<16xi32>], vector<16xf32>,
          %parallel_loop3A_274 = arith.mulf %parallel_loop3A_188, %parallel_loop3A_270 : vector<16xf32>
          %parallel_loop3A_275 = arith.mulf %parallel_loop3A_189, %parallel_loop3A_271 : vector<16xf32>
          %parallel_loop3A_276 = arith.addf %parallel_loop3A_274, %parallel_loop3A_275 : vector<16xf32>
          %parallel_loop3A_277 = arith.mulf %parallel_loop3A_190, %parallel_loop3A_272 : vector<16xf32>
          %parallel_loop3A_278 = arith.addf %parallel_loop3A_276, %parallel_loop3A_277 : vector<16xf32>
          %parallel_loop3A_279 = arith.mulf %parallel_loop3A_191, %parallel_loop3A_273 : vector<16xf32>
          %parallel_loop3A_280 = arith.addf %parallel_loop3A_278, %parallel_loop3A_279 : vector<16xf32>
          %parallel_loop3A_281 = arith.constant 15680 : i32
          %parallel_loop3A_282 = vector.broadcast %parallel_loop3A_281 : i32 to vector<16xi32>
          %parallel_loop3A_283 = arith.addi %parallel_loop3A_198, %parallel_loop3A_282 : vector<16xi32>
          %parallel_loop3A_284 = arith.addi %parallel_loop3A_199, %parallel_loop3A_282 : vector<16xi32>
          %parallel_loop3A_285 = arith.addi %parallel_loop3A_200, %parallel_loop3A_282 : vector<16xi32>
          %parallel_loop3A_286 = arith.addi %parallel_loop3A_201, %parallel_loop3A_282 : vector<16xi32>
          %parallel_loop3A_287 = tpu.vector_load_idx %arg5[%parallel_loop3A_283] : memref<50176xf32, #tpu.memory_space<vmem>>[vector<16xi32>], vector<16xf32>,
          %parallel_loop3A_288 = tpu.vector_load_idx %arg5[%parallel_loop3A_284] : memref<50176xf32, #tpu.memory_space<vmem>>[vector<16xi32>], vector<16xf32>,
          %parallel_loop3A_289 = tpu.vector_load_idx %arg5[%parallel_loop3A_285] : memref<50176xf32, #tpu.memory_space<vmem>>[vector<16xi32>], vector<16xf32>,
          %parallel_loop3A_290 = tpu.vector_load_idx %arg5[%parallel_loop3A_286] : memref<50176xf32, #tpu.memory_space<vmem>>[vector<16xi32>], vector<16xf32>,
          %parallel_loop3A_291 = arith.mulf %parallel_loop3A_188, %parallel_loop3A_287 : vector<16xf32>
          %parallel_loop3A_292 = arith.mulf %parallel_loop3A_189, %parallel_loop3A_288 : vector<16xf32>
          %parallel_loop3A_293 = arith.addf %parallel_loop3A_291, %parallel_loop3A_292 : vector<16xf32>
          %parallel_loop3A_294 = arith.mulf %parallel_loop3A_190, %parallel_loop3A_289 : vector<16xf32>
          %parallel_loop3A_295 = arith.addf %parallel_loop3A_293, %parallel_loop3A_294 : vector<16xf32>
          %parallel_loop3A_296 = arith.mulf %parallel_loop3A_191, %parallel_loop3A_290 : vector<16xf32>
          %parallel_loop3A_297 = arith.addf %parallel_loop3A_295, %parallel_loop3A_296 : vector<16xf32>
          %parallel_loop3A_298 = arith.constant 18816 : i32
          %parallel_loop3A_299 = vector.broadcast %parallel_loop3A_298 : i32 to vector<16xi32>
          %parallel_loop3A_300 = arith.addi %parallel_loop3A_198, %parallel_loop3A_299 : vector<16xi32>
          %parallel_loop3A_301 = arith.addi %parallel_loop3A_199, %parallel_loop3A_299 : vector<16xi32>
          %parallel_loop3A_302 = arith.addi %parallel_loop3A_200, %parallel_loop3A_299 : vector<16xi32>
          %parallel_loop3A_303 = arith.addi %parallel_loop3A_201, %parallel_loop3A_299 : vector<16xi32>
          %parallel_loop3A_304 = tpu.vector_load_idx %arg5[%parallel_loop3A_300] : memref<50176xf32, #tpu.memory_space<vmem>>[vector<16xi32>], vector<16xf32>,
          %parallel_loop3A_305 = tpu.vector_load_idx %arg5[%parallel_loop3A_301] : memref<50176xf32, #tpu.memory_space<vmem>>[vector<16xi32>], vector<16xf32>,
          %parallel_loop3A_306 = tpu.vector_load_idx %arg5[%parallel_loop3A_302] : memref<50176xf32, #tpu.memory_space<vmem>>[vector<16xi32>], vector<16xf32>,
          %parallel_loop3A_307 = tpu.vector_load_idx %arg5[%parallel_loop3A_303] : memref<50176xf32, #tpu.memory_space<vmem>>[vector<16xi32>], vector<16xf32>,
          %parallel_loop3A_308 = arith.mulf %parallel_loop3A_188, %parallel_loop3A_304 : vector<16xf32>
          %parallel_loop3A_309 = arith.mulf %parallel_loop3A_189, %parallel_loop3A_305 : vector<16xf32>
          %parallel_loop3A_310 = arith.addf %parallel_loop3A_308, %parallel_loop3A_309 : vector<16xf32>
          %parallel_loop3A_311 = arith.mulf %parallel_loop3A_190, %parallel_loop3A_306 : vector<16xf32>
          %parallel_loop3A_312 = arith.addf %parallel_loop3A_310, %parallel_loop3A_311 : vector<16xf32>
          %parallel_loop3A_313 = arith.mulf %parallel_loop3A_191, %parallel_loop3A_307 : vector<16xf32>
          %parallel_loop3A_314 = arith.addf %parallel_loop3A_312, %parallel_loop3A_313 : vector<16xf32>
          %parallel_loop3A_315 = arith.constant 21952 : i32
          %parallel_loop3A_316 = vector.broadcast %parallel_loop3A_315 : i32 to vector<16xi32>
          %parallel_loop3A_317 = arith.addi %parallel_loop3A_198, %parallel_loop3A_316 : vector<16xi32>
          %parallel_loop3A_318 = arith.addi %parallel_loop3A_199, %parallel_loop3A_316 : vector<16xi32>
          %parallel_loop3A_319 = arith.addi %parallel_loop3A_200, %parallel_loop3A_316 : vector<16xi32>
          %parallel_loop3A_320 = arith.addi %parallel_loop3A_201, %parallel_loop3A_316 : vector<16xi32>
          %parallel_loop3A_321 = tpu.vector_load_idx %arg5[%parallel_loop3A_317] : memref<50176xf32, #tpu.memory_space<vmem>>[vector<16xi32>], vector<16xf32>,
          %parallel_loop3A_322 = tpu.vector_load_idx %arg5[%parallel_loop3A_318] : memref<50176xf32, #tpu.memory_space<vmem>>[vector<16xi32>], vector<16xf32>,
          %parallel_loop3A_323 = tpu.vector_load_idx %arg5[%parallel_loop3A_319] : memref<50176xf32, #tpu.memory_space<vmem>>[vector<16xi32>], vector<16xf32>,
          %parallel_loop3A_324 = tpu.vector_load_idx %arg5[%parallel_loop3A_320] : memref<50176xf32, #tpu.memory_space<vmem>>[vector<16xi32>], vector<16xf32>,
          %parallel_loop3A_325 = arith.mulf %parallel_loop3A_188, %parallel_loop3A_321 : vector<16xf32>
          %parallel_loop3A_326 = arith.mulf %parallel_loop3A_189, %parallel_loop3A_322 : vector<16xf32>
          %parallel_loop3A_327 = arith.addf %parallel_loop3A_325, %parallel_loop3A_326 : vector<16xf32>
          %parallel_loop3A_328 = arith.mulf %parallel_loop3A_190, %parallel_loop3A_323 : vector<16xf32>
          %parallel_loop3A_329 = arith.addf %parallel_loop3A_327, %parallel_loop3A_328 : vector<16xf32>
          %parallel_loop3A_330 = arith.mulf %parallel_loop3A_191, %parallel_loop3A_324 : vector<16xf32>
          %parallel_loop3A_331 = arith.addf %parallel_loop3A_329, %parallel_loop3A_330 : vector<16xf32>
          %parallel_loop3A_332 = arith.constant 25088 : i32
          %parallel_loop3A_333 = vector.broadcast %parallel_loop3A_332 : i32 to vector<16xi32>
          %parallel_loop3A_334 = arith.addi %parallel_loop3A_198, %parallel_loop3A_333 : vector<16xi32>
          %parallel_loop3A_335 = arith.addi %parallel_loop3A_199, %parallel_loop3A_333 : vector<16xi32>
          %parallel_loop3A_336 = arith.addi %parallel_loop3A_200, %parallel_loop3A_333 : vector<16xi32>
          %parallel_loop3A_337 = arith.addi %parallel_loop3A_201, %parallel_loop3A_333 : vector<16xi32>
          %parallel_loop3A_338 = tpu.vector_load_idx %arg5[%parallel_loop3A_334] : memref<50176xf32, #tpu.memory_space<vmem>>[vector<16xi32>], vector<16xf32>,
          %parallel_loop3A_339 = tpu.vector_load_idx %arg5[%parallel_loop3A_335] : memref<50176xf32, #tpu.memory_space<vmem>>[vector<16xi32>], vector<16xf32>,
          %parallel_loop3A_340 = tpu.vector_load_idx %arg5[%parallel_loop3A_336] : memref<50176xf32, #tpu.memory_space<vmem>>[vector<16xi32>], vector<16xf32>,
          %parallel_loop3A_341 = tpu.vector_load_idx %arg5[%parallel_loop3A_337] : memref<50176xf32, #tpu.memory_space<vmem>>[vector<16xi32>], vector<16xf32>,
          %parallel_loop3A_342 = arith.mulf %parallel_loop3A_188, %parallel_loop3A_338 : vector<16xf32>
          %parallel_loop3A_343 = arith.mulf %parallel_loop3A_189, %parallel_loop3A_339 : vector<16xf32>
          %parallel_loop3A_344 = arith.addf %parallel_loop3A_342, %parallel_loop3A_343 : vector<16xf32>
          %parallel_loop3A_345 = arith.mulf %parallel_loop3A_190, %parallel_loop3A_340 : vector<16xf32>
          %parallel_loop3A_346 = arith.addf %parallel_loop3A_344, %parallel_loop3A_345 : vector<16xf32>
          %parallel_loop3A_347 = arith.mulf %parallel_loop3A_191, %parallel_loop3A_341 : vector<16xf32>
          %parallel_loop3A_348 = arith.addf %parallel_loop3A_346, %parallel_loop3A_347 : vector<16xf32>
          %parallel_loop3A_349 = arith.constant 28224 : i32
          %parallel_loop3A_350 = vector.broadcast %parallel_loop3A_349 : i32 to vector<16xi32>
          %parallel_loop3A_351 = arith.addi %parallel_loop3A_198, %parallel_loop3A_350 : vector<16xi32>
          %parallel_loop3A_352 = arith.addi %parallel_loop3A_199, %parallel_loop3A_350 : vector<16xi32>
          %parallel_loop3A_353 = arith.addi %parallel_loop3A_200, %parallel_loop3A_350 : vector<16xi32>
          %parallel_loop3A_354 = arith.addi %parallel_loop3A_201, %parallel_loop3A_350 : vector<16xi32>
          %parallel_loop3A_355 = tpu.vector_load_idx %arg5[%parallel_loop3A_351] : memref<50176xf32, #tpu.memory_space<vmem>>[vector<16xi32>], vector<16xf32>,
          %parallel_loop3A_356 = tpu.vector_load_idx %arg5[%parallel_loop3A_352] : memref<50176xf32, #tpu.memory_space<vmem>>[vector<16xi32>], vector<16xf32>,
          %parallel_loop3A_357 = tpu.vector_load_idx %arg5[%parallel_loop3A_353] : memref<50176xf32, #tpu.memory_space<vmem>>[vector<16xi32>], vector<16xf32>,
          %parallel_loop3A_358 = tpu.vector_load_idx %arg5[%parallel_loop3A_354] : memref<50176xf32, #tpu.memory_space<vmem>>[vector<16xi32>], vector<16xf32>,
          %parallel_loop3A_359 = arith.mulf %parallel_loop3A_188, %parallel_loop3A_355 : vector<16xf32>
          %parallel_loop3A_360 = arith.mulf %parallel_loop3A_189, %parallel_loop3A_356 : vector<16xf32>
          %parallel_loop3A_361 = arith.addf %parallel_loop3A_359, %parallel_loop3A_360 : vector<16xf32>
          %parallel_loop3A_362 = arith.mulf %parallel_loop3A_190, %parallel_loop3A_357 : vector<16xf32>
          %parallel_loop3A_363 = arith.addf %parallel_loop3A_361, %parallel_loop3A_362 : vector<16xf32>
          %parallel_loop3A_364 = arith.mulf %parallel_loop3A_191, %parallel_loop3A_358 : vector<16xf32>
          %parallel_loop3A_365 = arith.addf %parallel_loop3A_363, %parallel_loop3A_364 : vector<16xf32>
          %parallel_loop3A_366 = arith.constant 31360 : i32
          %parallel_loop3A_367 = vector.broadcast %parallel_loop3A_366 : i32 to vector<16xi32>
          %parallel_loop3A_368 = arith.addi %parallel_loop3A_198, %parallel_loop3A_367 : vector<16xi32>
          %parallel_loop3A_369 = arith.addi %parallel_loop3A_199, %parallel_loop3A_367 : vector<16xi32>
          %parallel_loop3A_370 = arith.addi %parallel_loop3A_200, %parallel_loop3A_367 : vector<16xi32>
          %parallel_loop3A_371 = arith.addi %parallel_loop3A_201, %parallel_loop3A_367 : vector<16xi32>
          %parallel_loop3A_372 = tpu.vector_load_idx %arg5[%parallel_loop3A_368] : memref<50176xf32, #tpu.memory_space<vmem>>[vector<16xi32>], vector<16xf32>,
          %parallel_loop3A_373 = tpu.vector_load_idx %arg5[%parallel_loop3A_369] : memref<50176xf32, #tpu.memory_space<vmem>>[vector<16xi32>], vector<16xf32>,
          %parallel_loop3A_374 = tpu.vector_load_idx %arg5[%parallel_loop3A_370] : memref<50176xf32, #tpu.memory_space<vmem>>[vector<16xi32>], vector<16xf32>,
          %parallel_loop3A_375 = tpu.vector_load_idx %arg5[%parallel_loop3A_371] : memref<50176xf32, #tpu.memory_space<vmem>>[vector<16xi32>], vector<16xf32>,
          %parallel_loop3A_376 = arith.mulf %parallel_loop3A_188, %parallel_loop3A_372 : vector<16xf32>
          %parallel_loop3A_377 = arith.mulf %parallel_loop3A_189, %parallel_loop3A_373 : vector<16xf32>
          %parallel_loop3A_378 = arith.addf %parallel_loop3A_376, %parallel_loop3A_377 : vector<16xf32>
          %parallel_loop3A_379 = arith.mulf %parallel_loop3A_190, %parallel_loop3A_374 : vector<16xf32>
          %parallel_loop3A_380 = arith.addf %parallel_loop3A_378, %parallel_loop3A_379 : vector<16xf32>
          %parallel_loop3A_381 = arith.mulf %parallel_loop3A_191, %parallel_loop3A_375 : vector<16xf32>
          %parallel_loop3A_382 = arith.addf %parallel_loop3A_380, %parallel_loop3A_381 : vector<16xf32>
          %parallel_loop3A_383 = arith.constant 34496 : i32
          %parallel_loop3A_384 = vector.broadcast %parallel_loop3A_383 : i32 to vector<16xi32>
          %parallel_loop3A_385 = arith.addi %parallel_loop3A_198, %parallel_loop3A_384 : vector<16xi32>
          %parallel_loop3A_386 = arith.addi %parallel_loop3A_199, %parallel_loop3A_384 : vector<16xi32>
          %parallel_loop3A_387 = arith.addi %parallel_loop3A_200, %parallel_loop3A_384 : vector<16xi32>
          %parallel_loop3A_388 = arith.addi %parallel_loop3A_201, %parallel_loop3A_384 : vector<16xi32>
          %parallel_loop3A_389 = tpu.vector_load_idx %arg5[%parallel_loop3A_385] : memref<50176xf32, #tpu.memory_space<vmem>>[vector<16xi32>], vector<16xf32>,
          %parallel_loop3A_390 = tpu.vector_load_idx %arg5[%parallel_loop3A_386] : memref<50176xf32, #tpu.memory_space<vmem>>[vector<16xi32>], vector<16xf32>,
          %parallel_loop3A_391 = tpu.vector_load_idx %arg5[%parallel_loop3A_387] : memref<50176xf32, #tpu.memory_space<vmem>>[vector<16xi32>], vector<16xf32>,
          %parallel_loop3A_392 = tpu.vector_load_idx %arg5[%parallel_loop3A_388] : memref<50176xf32, #tpu.memory_space<vmem>>[vector<16xi32>], vector<16xf32>,
          %parallel_loop3A_393 = arith.mulf %parallel_loop3A_188, %parallel_loop3A_389 : vector<16xf32>
          %parallel_loop3A_394 = arith.mulf %parallel_loop3A_189, %parallel_loop3A_390 : vector<16xf32>
          %parallel_loop3A_395 = arith.addf %parallel_loop3A_393, %parallel_loop3A_394 : vector<16xf32>
          %parallel_loop3A_396 = arith.mulf %parallel_loop3A_190, %parallel_loop3A_391 : vector<16xf32>
          %parallel_loop3A_397 = arith.addf %parallel_loop3A_395, %parallel_loop3A_396 : vector<16xf32>
          %parallel_loop3A_398 = arith.mulf %parallel_loop3A_191, %parallel_loop3A_392 : vector<16xf32>
          %parallel_loop3A_399 = arith.addf %parallel_loop3A_397, %parallel_loop3A_398 : vector<16xf32>
          %parallel_loop3A_400 = arith.constant 37632 : i32
          %parallel_loop3A_401 = vector.broadcast %parallel_loop3A_400 : i32 to vector<16xi32>
          %parallel_loop3A_402 = arith.addi %parallel_loop3A_198, %parallel_loop3A_401 : vector<16xi32>
          %parallel_loop3A_403 = arith.addi %parallel_loop3A_199, %parallel_loop3A_401 : vector<16xi32>
          %parallel_loop3A_404 = arith.addi %parallel_loop3A_200, %parallel_loop3A_401 : vector<16xi32>
          %parallel_loop3A_405 = arith.addi %parallel_loop3A_201, %parallel_loop3A_401 : vector<16xi32>
          %parallel_loop3A_406 = tpu.vector_load_idx %arg5[%parallel_loop3A_402] : memref<50176xf32, #tpu.memory_space<vmem>>[vector<16xi32>], vector<16xf32>,
          %parallel_loop3A_407 = tpu.vector_load_idx %arg5[%parallel_loop3A_403] : memref<50176xf32, #tpu.memory_space<vmem>>[vector<16xi32>], vector<16xf32>,
          %parallel_loop3A_408 = tpu.vector_load_idx %arg5[%parallel_loop3A_404] : memref<50176xf32, #tpu.memory_space<vmem>>[vector<16xi32>], vector<16xf32>,
          %parallel_loop3A_409 = tpu.vector_load_idx %arg5[%parallel_loop3A_405] : memref<50176xf32, #tpu.memory_space<vmem>>[vector<16xi32>], vector<16xf32>,
          %parallel_loop3A_410 = arith.mulf %parallel_loop3A_188, %parallel_loop3A_406 : vector<16xf32>
          %parallel_loop3A_411 = arith.mulf %parallel_loop3A_189, %parallel_loop3A_407 : vector<16xf32>
          %parallel_loop3A_412 = arith.addf %parallel_loop3A_410, %parallel_loop3A_411 : vector<16xf32>
          %parallel_loop3A_413 = arith.mulf %parallel_loop3A_190, %parallel_loop3A_408 : vector<16xf32>
          %parallel_loop3A_414 = arith.addf %parallel_loop3A_412, %parallel_loop3A_413 : vector<16xf32>
          %parallel_loop3A_415 = arith.mulf %parallel_loop3A_191, %parallel_loop3A_409 : vector<16xf32>
          %parallel_loop3A_416 = arith.addf %parallel_loop3A_414, %parallel_loop3A_415 : vector<16xf32>
          %parallel_loop3A_417 = arith.constant 40768 : i32
          %parallel_loop3A_418 = vector.broadcast %parallel_loop3A_417 : i32 to vector<16xi32>
          %parallel_loop3A_419 = arith.addi %parallel_loop3A_198, %parallel_loop3A_418 : vector<16xi32>
          %parallel_loop3A_420 = arith.addi %parallel_loop3A_199, %parallel_loop3A_418 : vector<16xi32>
          %parallel_loop3A_421 = arith.addi %parallel_loop3A_200, %parallel_loop3A_418 : vector<16xi32>
          %parallel_loop3A_422 = arith.addi %parallel_loop3A_201, %parallel_loop3A_418 : vector<16xi32>
          %parallel_loop3A_423 = tpu.vector_load_idx %arg5[%parallel_loop3A_419] : memref<50176xf32, #tpu.memory_space<vmem>>[vector<16xi32>], vector<16xf32>,
          %parallel_loop3A_424 = tpu.vector_load_idx %arg5[%parallel_loop3A_420] : memref<50176xf32, #tpu.memory_space<vmem>>[vector<16xi32>], vector<16xf32>,
          %parallel_loop3A_425 = tpu.vector_load_idx %arg5[%parallel_loop3A_421] : memref<50176xf32, #tpu.memory_space<vmem>>[vector<16xi32>], vector<16xf32>,
          %parallel_loop3A_426 = tpu.vector_load_idx %arg5[%parallel_loop3A_422] : memref<50176xf32, #tpu.memory_space<vmem>>[vector<16xi32>], vector<16xf32>,
          %parallel_loop3A_427 = arith.mulf %parallel_loop3A_188, %parallel_loop3A_423 : vector<16xf32>
          %parallel_loop3A_428 = arith.mulf %parallel_loop3A_189, %parallel_loop3A_424 : vector<16xf32>
          %parallel_loop3A_429 = arith.addf %parallel_loop3A_427, %parallel_loop3A_428 : vector<16xf32>
          %parallel_loop3A_430 = arith.mulf %parallel_loop3A_190, %parallel_loop3A_425 : vector<16xf32>
          %parallel_loop3A_431 = arith.addf %parallel_loop3A_429, %parallel_loop3A_430 : vector<16xf32>
          %parallel_loop3A_432 = arith.mulf %parallel_loop3A_191, %parallel_loop3A_426 : vector<16xf32>
          %parallel_loop3A_433 = arith.addf %parallel_loop3A_431, %parallel_loop3A_432 : vector<16xf32>
          %parallel_loop3A_434 = arith.constant 43904 : i32
          %parallel_loop3A_435 = vector.broadcast %parallel_loop3A_434 : i32 to vector<16xi32>
          %parallel_loop3A_436 = arith.addi %parallel_loop3A_198, %parallel_loop3A_435 : vector<16xi32>
          %parallel_loop3A_437 = arith.addi %parallel_loop3A_199, %parallel_loop3A_435 : vector<16xi32>
          %parallel_loop3A_438 = arith.addi %parallel_loop3A_200, %parallel_loop3A_435 : vector<16xi32>
          %parallel_loop3A_439 = arith.addi %parallel_loop3A_201, %parallel_loop3A_435 : vector<16xi32>
          %parallel_loop3A_440 = tpu.vector_load_idx %arg5[%parallel_loop3A_436] : memref<50176xf32, #tpu.memory_space<vmem>>[vector<16xi32>], vector<16xf32>,
          %parallel_loop3A_441 = tpu.vector_load_idx %arg5[%parallel_loop3A_437] : memref<50176xf32, #tpu.memory_space<vmem>>[vector<16xi32>], vector<16xf32>,
          %parallel_loop3A_442 = tpu.vector_load_idx %arg5[%parallel_loop3A_438] : memref<50176xf32, #tpu.memory_space<vmem>>[vector<16xi32>], vector<16xf32>,
          %parallel_loop3A_443 = tpu.vector_load_idx %arg5[%parallel_loop3A_439] : memref<50176xf32, #tpu.memory_space<vmem>>[vector<16xi32>], vector<16xf32>,
          %parallel_loop3A_444 = arith.mulf %parallel_loop3A_188, %parallel_loop3A_440 : vector<16xf32>
          %parallel_loop3A_445 = arith.mulf %parallel_loop3A_189, %parallel_loop3A_441 : vector<16xf32>
          %parallel_loop3A_446 = arith.addf %parallel_loop3A_444, %parallel_loop3A_445 : vector<16xf32>
          %parallel_loop3A_447 = arith.mulf %parallel_loop3A_190, %parallel_loop3A_442 : vector<16xf32>
          %parallel_loop3A_448 = arith.addf %parallel_loop3A_446, %parallel_loop3A_447 : vector<16xf32>
          %parallel_loop3A_449 = arith.mulf %parallel_loop3A_191, %parallel_loop3A_443 : vector<16xf32>
          %parallel_loop3A_450 = arith.addf %parallel_loop3A_448, %parallel_loop3A_449 : vector<16xf32>
          %parallel_loop3A_451 = arith.constant 47040 : i32
          %parallel_loop3A_452 = vector.broadcast %parallel_loop3A_451 : i32 to vector<16xi32>
          %parallel_loop3A_453 = arith.addi %parallel_loop3A_198, %parallel_loop3A_452 : vector<16xi32>
          %parallel_loop3A_454 = arith.addi %parallel_loop3A_199, %parallel_loop3A_452 : vector<16xi32>
          %parallel_loop3A_455 = arith.addi %parallel_loop3A_200, %parallel_loop3A_452 : vector<16xi32>
          %parallel_loop3A_456 = arith.addi %parallel_loop3A_201, %parallel_loop3A_452 : vector<16xi32>
          %parallel_loop3A_457 = tpu.vector_load_idx %arg5[%parallel_loop3A_453] : memref<50176xf32, #tpu.memory_space<vmem>>[vector<16xi32>], vector<16xf32>,
          %parallel_loop3A_458 = tpu.vector_load_idx %arg5[%parallel_loop3A_454] : memref<50176xf32, #tpu.memory_space<vmem>>[vector<16xi32>], vector<16xf32>,
          %parallel_loop3A_459 = tpu.vector_load_idx %arg5[%parallel_loop3A_455] : memref<50176xf32, #tpu.memory_space<vmem>>[vector<16xi32>], vector<16xf32>,
          %parallel_loop3A_460 = tpu.vector_load_idx %arg5[%parallel_loop3A_456] : memref<50176xf32, #tpu.memory_space<vmem>>[vector<16xi32>], vector<16xf32>,
          %parallel_loop3A_461 = arith.mulf %parallel_loop3A_188, %parallel_loop3A_457 : vector<16xf32>
          %parallel_loop3A_462 = arith.mulf %parallel_loop3A_189, %parallel_loop3A_458 : vector<16xf32>
          %parallel_loop3A_463 = arith.addf %parallel_loop3A_461, %parallel_loop3A_462 : vector<16xf32>
          %parallel_loop3A_464 = arith.mulf %parallel_loop3A_190, %parallel_loop3A_459 : vector<16xf32>
          %parallel_loop3A_465 = arith.addf %parallel_loop3A_463, %parallel_loop3A_464 : vector<16xf32>
          %parallel_loop3A_466 = arith.mulf %parallel_loop3A_191, %parallel_loop3A_460 : vector<16xf32>
          %parallel_loop3A_467 = arith.addf %parallel_loop3A_465, %parallel_loop3A_466 : vector<16xf32>
          %parallel_loop3A_468 = arith.constant 0 : i32
          %parallel_loop3A_469 = arith.index_cast %parallel_loop3A_468 : i32 to index
          %parallel_loop3A_470 = arith.index_cast %parallel_loop3A_136 : i32 to index
          %parallel_loop3A_471 = arith.constant 0 : index
          %parallel_loop3A_472 = tpu.vector_load %arg7[%parallel_loop3A_469, %parallel_loop3A_470, %parallel_loop3A_471] {strides = array<i32>} : memref<16x8x48xf32, #tpu.memory_space<vmem>>, vector<16xf32>,
          tpu.vector_store %arg7[%parallel_loop3A_469, %parallel_loop3A_470, %parallel_loop3A_471], %parallel_loop3A_212 {strides = array<i32>} : memref<16x8x48xf32, #tpu.memory_space<vmem>>, vector<16xf32>,
          %parallel_loop3A_473 = arith.constant 1 : i32
          %parallel_loop3A_474 = arith.index_cast %parallel_loop3A_473 : i32 to index
          %parallel_loop3A_475 = arith.index_cast %parallel_loop3A_136 : i32 to index
          %parallel_loop3A_476 = arith.constant 0 : index
          %parallel_loop3A_477 = tpu.vector_load %arg7[%parallel_loop3A_474, %parallel_loop3A_475, %parallel_loop3A_476] {strides = array<i32>} : memref<16x8x48xf32, #tpu.memory_space<vmem>>, vector<16xf32>,
          tpu.vector_store %arg7[%parallel_loop3A_474, %parallel_loop3A_475, %parallel_loop3A_476], %parallel_loop3A_229 {strides = array<i32>} : memref<16x8x48xf32, #tpu.memory_space<vmem>>, vector<16xf32>,
          %parallel_loop3A_478 = arith.constant 2 : i32
          %parallel_loop3A_479 = arith.index_cast %parallel_loop3A_478 : i32 to index
          %parallel_loop3A_480 = arith.index_cast %parallel_loop3A_136 : i32 to index
          %parallel_loop3A_481 = arith.constant 0 : index
          %parallel_loop3A_482 = tpu.vector_load %arg7[%parallel_loop3A_479, %parallel_loop3A_480, %parallel_loop3A_481] {strides = array<i32>} : memref<16x8x48xf32, #tpu.memory_space<vmem>>, vector<16xf32>,
          tpu.vector_store %arg7[%parallel_loop3A_479, %parallel_loop3A_480, %parallel_loop3A_481], %parallel_loop3A_246 {strides = array<i32>} : memref<16x8x48xf32, #tpu.memory_space<vmem>>, vector<16xf32>,
          %parallel_loop3A_483 = arith.constant 3 : i32
          %parallel_loop3A_484 = arith.index_cast %parallel_loop3A_483 : i32 to index
          %parallel_loop3A_485 = arith.index_cast %parallel_loop3A_136 : i32 to index
          %parallel_loop3A_486 = arith.constant 0 : index
          %parallel_loop3A_487 = tpu.vector_load %arg7[%parallel_loop3A_484, %parallel_loop3A_485, %parallel_loop3A_486] {strides = array<i32>} : memref<16x8x48xf32, #tpu.memory_space<vmem>>, vector<16xf32>,
          tpu.vector_store %arg7[%parallel_loop3A_484, %parallel_loop3A_485, %parallel_loop3A_486], %parallel_loop3A_263 {strides = array<i32>} : memref<16x8x48xf32, #tpu.memory_space<vmem>>, vector<16xf32>,
          %parallel_loop3A_488 = arith.constant 4 : i32
          %parallel_loop3A_489 = arith.index_cast %parallel_loop3A_488 : i32 to index
          %parallel_loop3A_490 = arith.index_cast %parallel_loop3A_136 : i32 to index
          %parallel_loop3A_491 = arith.constant 0 : index
          %parallel_loop3A_492 = tpu.vector_load %arg7[%parallel_loop3A_489, %parallel_loop3A_490, %parallel_loop3A_491] {strides = array<i32>} : memref<16x8x48xf32, #tpu.memory_space<vmem>>, vector<16xf32>,
          tpu.vector_store %arg7[%parallel_loop3A_489, %parallel_loop3A_490, %parallel_loop3A_491], %parallel_loop3A_280 {strides = array<i32>} : memref<16x8x48xf32, #tpu.memory_space<vmem>>, vector<16xf32>,
          %parallel_loop3A_493 = arith.constant 5 : i32
          %parallel_loop3A_494 = arith.index_cast %parallel_loop3A_493 : i32 to index
          %parallel_loop3A_495 = arith.index_cast %parallel_loop3A_136 : i32 to index
          %parallel_loop3A_496 = arith.constant 0 : index
          %parallel_loop3A_497 = tpu.vector_load %arg7[%parallel_loop3A_494, %parallel_loop3A_495, %parallel_loop3A_496] {strides = array<i32>} : memref<16x8x48xf32, #tpu.memory_space<vmem>>, vector<16xf32>,
          tpu.vector_store %arg7[%parallel_loop3A_494, %parallel_loop3A_495, %parallel_loop3A_496], %parallel_loop3A_297 {strides = array<i32>} : memref<16x8x48xf32, #tpu.memory_space<vmem>>, vector<16xf32>,
          %parallel_loop3A_498 = arith.constant 6 : i32
          %parallel_loop3A_499 = arith.index_cast %parallel_loop3A_498 : i32 to index
          %parallel_loop3A_500 = arith.index_cast %parallel_loop3A_136 : i32 to index
          %parallel_loop3A_501 = arith.constant 0 : index
          %parallel_loop3A_502 = tpu.vector_load %arg7[%parallel_loop3A_499, %parallel_loop3A_500, %parallel_loop3A_501] {strides = array<i32>} : memref<16x8x48xf32, #tpu.memory_space<vmem>>, vector<16xf32>,
          tpu.vector_store %arg7[%parallel_loop3A_499, %parallel_loop3A_500, %parallel_loop3A_501], %parallel_loop3A_314 {strides = array<i32>} : memref<16x8x48xf32, #tpu.memory_space<vmem>>, vector<16xf32>,
          %parallel_loop3A_503 = arith.constant 7 : i32
          %parallel_loop3A_504 = arith.index_cast %parallel_loop3A_503 : i32 to index
          %parallel_loop3A_505 = arith.index_cast %parallel_loop3A_136 : i32 to index
          %parallel_loop3A_506 = arith.constant 0 : index
          %parallel_loop3A_507 = tpu.vector_load %arg7[%parallel_loop3A_504, %parallel_loop3A_505, %parallel_loop3A_506] {strides = array<i32>} : memref<16x8x48xf32, #tpu.memory_space<vmem>>, vector<16xf32>,
          tpu.vector_store %arg7[%parallel_loop3A_504, %parallel_loop3A_505, %parallel_loop3A_506], %parallel_loop3A_331 {strides = array<i32>} : memref<16x8x48xf32, #tpu.memory_space<vmem>>, vector<16xf32>,
          %parallel_loop3A_508 = arith.constant 8 : i32
          %parallel_loop3A_509 = arith.index_cast %parallel_loop3A_508 : i32 to index
          %parallel_loop3A_510 = arith.index_cast %parallel_loop3A_136 : i32 to index
          %parallel_loop3A_511 = arith.constant 0 : index
          %parallel_loop3A_512 = tpu.vector_load %arg7[%parallel_loop3A_509, %parallel_loop3A_510, %parallel_loop3A_511] {strides = array<i32>} : memref<16x8x48xf32, #tpu.memory_space<vmem>>, vector<16xf32>,
          tpu.vector_store %arg7[%parallel_loop3A_509, %parallel_loop3A_510, %parallel_loop3A_511], %parallel_loop3A_348 {strides = array<i32>} : memref<16x8x48xf32, #tpu.memory_space<vmem>>, vector<16xf32>,
          %parallel_loop3A_513 = arith.constant 9 : i32
          %parallel_loop3A_514 = arith.index_cast %parallel_loop3A_513 : i32 to index
          %parallel_loop3A_515 = arith.index_cast %parallel_loop3A_136 : i32 to index
          %parallel_loop3A_516 = arith.constant 0 : index
          %parallel_loop3A_517 = tpu.vector_load %arg7[%parallel_loop3A_514, %parallel_loop3A_515, %parallel_loop3A_516] {strides = array<i32>} : memref<16x8x48xf32, #tpu.memory_space<vmem>>, vector<16xf32>,
          tpu.vector_store %arg7[%parallel_loop3A_514, %parallel_loop3A_515, %parallel_loop3A_516], %parallel_loop3A_365 {strides = array<i32>} : memref<16x8x48xf32, #tpu.memory_space<vmem>>, vector<16xf32>,
          %parallel_loop3A_518 = arith.constant 10 : i32
          %parallel_loop3A_519 = arith.index_cast %parallel_loop3A_518 : i32 to index
          %parallel_loop3A_520 = arith.index_cast %parallel_loop3A_136 : i32 to index
          %parallel_loop3A_521 = arith.constant 0 : index
          %parallel_loop3A_522 = tpu.vector_load %arg7[%parallel_loop3A_519, %parallel_loop3A_520, %parallel_loop3A_521] {strides = array<i32>} : memref<16x8x48xf32, #tpu.memory_space<vmem>>, vector<16xf32>,
          tpu.vector_store %arg7[%parallel_loop3A_519, %parallel_loop3A_520, %parallel_loop3A_521], %parallel_loop3A_382 {strides = array<i32>} : memref<16x8x48xf32, #tpu.memory_space<vmem>>, vector<16xf32>,
          %parallel_loop3A_523 = arith.constant 11 : i32
          %parallel_loop3A_524 = arith.index_cast %parallel_loop3A_523 : i32 to index
          %parallel_loop3A_525 = arith.index_cast %parallel_loop3A_136 : i32 to index
          %parallel_loop3A_526 = arith.constant 0 : index
          %parallel_loop3A_527 = tpu.vector_load %arg7[%parallel_loop3A_524, %parallel_loop3A_525, %parallel_loop3A_526] {strides = array<i32>} : memref<16x8x48xf32, #tpu.memory_space<vmem>>, vector<16xf32>,
          tpu.vector_store %arg7[%parallel_loop3A_524, %parallel_loop3A_525, %parallel_loop3A_526], %parallel_loop3A_399 {strides = array<i32>} : memref<16x8x48xf32, #tpu.memory_space<vmem>>, vector<16xf32>,
          %parallel_loop3A_528 = arith.constant 12 : i32
          %parallel_loop3A_529 = arith.index_cast %parallel_loop3A_528 : i32 to index
          %parallel_loop3A_530 = arith.index_cast %parallel_loop3A_136 : i32 to index
          %parallel_loop3A_531 = arith.constant 0 : index
          %parallel_loop3A_532 = tpu.vector_load %arg7[%parallel_loop3A_529, %parallel_loop3A_530, %parallel_loop3A_531] {strides = array<i32>} : memref<16x8x48xf32, #tpu.memory_space<vmem>>, vector<16xf32>,
          tpu.vector_store %arg7[%parallel_loop3A_529, %parallel_loop3A_530, %parallel_loop3A_531], %parallel_loop3A_416 {strides = array<i32>} : memref<16x8x48xf32, #tpu.memory_space<vmem>>, vector<16xf32>,
          %parallel_loop3A_533 = arith.constant 13 : i32
          %parallel_loop3A_534 = arith.index_cast %parallel_loop3A_533 : i32 to index
          %parallel_loop3A_535 = arith.index_cast %parallel_loop3A_136 : i32 to index
          %parallel_loop3A_536 = arith.constant 0 : index
          %parallel_loop3A_537 = tpu.vector_load %arg7[%parallel_loop3A_534, %parallel_loop3A_535, %parallel_loop3A_536] {strides = array<i32>} : memref<16x8x48xf32, #tpu.memory_space<vmem>>, vector<16xf32>,
          tpu.vector_store %arg7[%parallel_loop3A_534, %parallel_loop3A_535, %parallel_loop3A_536], %parallel_loop3A_433 {strides = array<i32>} : memref<16x8x48xf32, #tpu.memory_space<vmem>>, vector<16xf32>,
          %parallel_loop3A_538 = arith.constant 14 : i32
          %parallel_loop3A_539 = arith.index_cast %parallel_loop3A_538 : i32 to index
          %parallel_loop3A_540 = arith.index_cast %parallel_loop3A_136 : i32 to index
          %parallel_loop3A_541 = arith.constant 0 : index
          %parallel_loop3A_542 = tpu.vector_load %arg7[%parallel_loop3A_539, %parallel_loop3A_540, %parallel_loop3A_541] {strides = array<i32>} : memref<16x8x48xf32, #tpu.memory_space<vmem>>, vector<16xf32>,
          tpu.vector_store %arg7[%parallel_loop3A_539, %parallel_loop3A_540, %parallel_loop3A_541], %parallel_loop3A_450 {strides = array<i32>} : memref<16x8x48xf32, #tpu.memory_space<vmem>>, vector<16xf32>,
          %parallel_loop3A_543 = arith.constant 15 : i32
          %parallel_loop3A_544 = arith.index_cast %parallel_loop3A_543 : i32 to index
          %parallel_loop3A_545 = arith.index_cast %parallel_loop3A_136 : i32 to index
          %parallel_loop3A_546 = arith.constant 0 : index
          %parallel_loop3A_547 = tpu.vector_load %arg7[%parallel_loop3A_544, %parallel_loop3A_545, %parallel_loop3A_546] {strides = array<i32>} : memref<16x8x48xf32, #tpu.memory_space<vmem>>, vector<16xf32>,
          tpu.vector_store %arg7[%parallel_loop3A_544, %parallel_loop3A_545, %parallel_loop3A_546], %parallel_loop3A_467 {strides = array<i32>} : memref<16x8x48xf32, #tpu.memory_space<vmem>>, vector<16xf32>,
          %parallel_loop3A_548 = arith.addf %parallel_loop3A_137, %get3A_23 : vector<16xf32>
          %parallel_loop3A_549 = arith.addf %parallel_loop3A_138, %get3A_27 : vector<16xf32>
          %parallel_loop3A_550 = arith.addf %parallel_loop3A_139, %get3A_31 : vector<16xf32>
          %parallel_loop3A_551 = vector.broadcast %scan3A : f32 to vector<16xf32>
          %parallel_loop3A_552 = arith.divf %parallel_loop3A_551, %parallel_loop3A_550 : vector<16xf32>
          %parallel_loop3A_553 = arith.mulf %parallel_loop3A_548, %parallel_loop3A_552 : vector<16xf32>
          %parallel_loop3A_554 = vector.broadcast %scan3A_60 : f32 to vector<16xf32>
          %parallel_loop3A_555 = arith.mulf %parallel_loop3A_553, %parallel_loop3A_554 : vector<16xf32>
          %parallel_loop3A_556 = arith.mulf %parallel_loop3A_549, %parallel_loop3A_552 : vector<16xf32>
          %parallel_loop3A_557 = vector.broadcast %scan3A_60 : f32 to vector<16xf32>
          %parallel_loop3A_558 = arith.mulf %parallel_loop3A_556, %parallel_loop3A_557 : vector<16xf32>
          %parallel_loop3A_559 = arith.constant 0.000000e+00 : f32
          %parallel_loop3A_560 = vector.broadcast %parallel_loop3A_559 : f32 to vector<16xf32>
          %parallel_loop3A_561 = arith.maximumf %parallel_loop3A_560, %parallel_loop3A_555 : vector<16xf32>
          %parallel_loop3A_562 = vector.broadcast %scan3A_61 : f32 to vector<16xf32>
          %parallel_loop3A_563 = arith.minimumf %parallel_loop3A_562, %parallel_loop3A_561 : vector<16xf32>
          %parallel_loop3A_564 = arith.constant 0.000000e+00 : f32
          %parallel_loop3A_565 = vector.broadcast %parallel_loop3A_564 : f32 to vector<16xf32>
          %parallel_loop3A_566 = arith.maximumf %parallel_loop3A_565, %parallel_loop3A_558 : vector<16xf32>
          %parallel_loop3A_567 = vector.broadcast %scan3A_62 : f32 to vector<16xf32>
          %parallel_loop3A_568 = arith.minimumf %parallel_loop3A_567, %parallel_loop3A_566 : vector<16xf32>
          %parallel_loop3A_569 = arith.fptosi %parallel_loop3A_563 : vector<16xf32> to vector<16xi32>
          %parallel_loop3A_570 = arith.fptosi %parallel_loop3A_568 : vector<16xf32> to vector<16xi32>
          %parallel_loop3A_571 = arith.constant 0 : i32
          %parallel_loop3A_572 = arith.constant 55 : i32
          %parallel_loop3A_573 = vector.broadcast %parallel_loop3A_571 : i32 to vector<16xi32>
          %parallel_loop3A_574 = arith.maxsi %parallel_loop3A_573, %parallel_loop3A_569 : vector<16xi32>
          %parallel_loop3A_575 = vector.broadcast %parallel_loop3A_572 : i32 to vector<16xi32>
          %parallel_loop3A_576 = arith.minsi %parallel_loop3A_575, %parallel_loop3A_574 : vector<16xi32>
          %parallel_loop3A_577 = arith.constant 0 : i32
          %parallel_loop3A_578 = arith.constant 55 : i32
          %parallel_loop3A_579 = vector.broadcast %parallel_loop3A_577 : i32 to vector<16xi32>
          %parallel_loop3A_580 = arith.maxsi %parallel_loop3A_579, %parallel_loop3A_570 : vector<16xi32>
          %parallel_loop3A_581 = vector.broadcast %parallel_loop3A_578 : i32 to vector<16xi32>
          %parallel_loop3A_582 = arith.minsi %parallel_loop3A_581, %parallel_loop3A_580 : vector<16xi32>
          %parallel_loop3A_583 = arith.sitofp %parallel_loop3A_576 : vector<16xi32> to vector<16xf32>
          %parallel_loop3A_584 = arith.sitofp %parallel_loop3A_582 : vector<16xi32> to vector<16xf32>
          %parallel_loop3A_585 = vector.broadcast %scan3A : f32 to vector<16xf32>
          %parallel_loop3A_586 = arith.addf %parallel_loop3A_583, %parallel_loop3A_585 : vector<16xf32>
          %parallel_loop3A_587 = vector.broadcast %scan3A_61 : f32 to vector<16xf32>
          %parallel_loop3A_588 = arith.minimumf %parallel_loop3A_586, %parallel_loop3A_587 : vector<16xf32>
          %parallel_loop3A_589 = vector.broadcast %scan3A : f32 to vector<16xf32>
          %parallel_loop3A_590 = arith.addf %parallel_loop3A_584, %parallel_loop3A_589 : vector<16xf32>
          %parallel_loop3A_591 = vector.broadcast %scan3A_62 : f32 to vector<16xf32>
          %parallel_loop3A_592 = arith.minimumf %parallel_loop3A_590, %parallel_loop3A_591 : vector<16xf32>
          %parallel_loop3A_593 = arith.fptosi %parallel_loop3A_588 : vector<16xf32> to vector<16xi32>
          %parallel_loop3A_594 = arith.fptosi %parallel_loop3A_592 : vector<16xf32> to vector<16xi32>
          %parallel_loop3A_595 = arith.subf %parallel_loop3A_588, %parallel_loop3A_563 : vector<16xf32>
          %parallel_loop3A_596 = arith.subf %parallel_loop3A_563, %parallel_loop3A_583 : vector<16xf32>
          %parallel_loop3A_597 = arith.subf %parallel_loop3A_592, %parallel_loop3A_568 : vector<16xf32>
          %parallel_loop3A_598 = arith.subf %parallel_loop3A_568, %parallel_loop3A_584 : vector<16xf32>
          %parallel_loop3A_599 = arith.mulf %parallel_loop3A_595, %parallel_loop3A_597 : vector<16xf32>
          %parallel_loop3A_600 = arith.mulf %parallel_loop3A_595, %parallel_loop3A_598 : vector<16xf32>
          %parallel_loop3A_601 = arith.mulf %parallel_loop3A_596, %parallel_loop3A_597 : vector<16xf32>
          %parallel_loop3A_602 = arith.mulf %parallel_loop3A_596, %parallel_loop3A_598 : vector<16xf32>
          %parallel_loop3A_603 = arith.constant 56 : i32
          %parallel_loop3A_604 = vector.broadcast %parallel_loop3A_603 : i32 to vector<16xi32>
          %parallel_loop3A_605 = arith.muli %parallel_loop3A_582, %parallel_loop3A_604 : vector<16xi32>
          %parallel_loop3A_606 = arith.constant 56 : i32
          %parallel_loop3A_607 = vector.broadcast %parallel_loop3A_606 : i32 to vector<16xi32>
          %parallel_loop3A_608 = arith.muli %parallel_loop3A_594, %parallel_loop3A_607 : vector<16xi32>
          %parallel_loop3A_609 = arith.addi %parallel_loop3A_605, %parallel_loop3A_576 : vector<16xi32>
          %parallel_loop3A_610 = arith.addi %parallel_loop3A_608, %parallel_loop3A_576 : vector<16xi32>
          %parallel_loop3A_611 = arith.addi %parallel_loop3A_605, %parallel_loop3A_593 : vector<16xi32>
          %parallel_loop3A_612 = arith.addi %parallel_loop3A_608, %parallel_loop3A_593 : vector<16xi32>
          %parallel_loop3A_613 = tpu.vector_load_idx %arg5[%parallel_loop3A_609] : memref<50176xf32, #tpu.memory_space<vmem>>[vector<16xi32>], vector<16xf32>,
          %parallel_loop3A_614 = tpu.vector_load_idx %arg5[%parallel_loop3A_610] : memref<50176xf32, #tpu.memory_space<vmem>>[vector<16xi32>], vector<16xf32>,
          %parallel_loop3A_615 = tpu.vector_load_idx %arg5[%parallel_loop3A_611] : memref<50176xf32, #tpu.memory_space<vmem>>[vector<16xi32>], vector<16xf32>,
          %parallel_loop3A_616 = tpu.vector_load_idx %arg5[%parallel_loop3A_612] : memref<50176xf32, #tpu.memory_space<vmem>>[vector<16xi32>], vector<16xf32>,
          %parallel_loop3A_617 = arith.mulf %parallel_loop3A_599, %parallel_loop3A_613 : vector<16xf32>
          %parallel_loop3A_618 = arith.mulf %parallel_loop3A_600, %parallel_loop3A_614 : vector<16xf32>
          %parallel_loop3A_619 = arith.addf %parallel_loop3A_617, %parallel_loop3A_618 : vector<16xf32>
          %parallel_loop3A_620 = arith.mulf %parallel_loop3A_601, %parallel_loop3A_615 : vector<16xf32>
          %parallel_loop3A_621 = arith.addf %parallel_loop3A_619, %parallel_loop3A_620 : vector<16xf32>
          %parallel_loop3A_622 = arith.mulf %parallel_loop3A_602, %parallel_loop3A_616 : vector<16xf32>
          %parallel_loop3A_623 = arith.addf %parallel_loop3A_621, %parallel_loop3A_622 : vector<16xf32>
          %parallel_loop3A_624 = arith.constant 3136 : i32
          %parallel_loop3A_625 = vector.broadcast %parallel_loop3A_624 : i32 to vector<16xi32>
          %parallel_loop3A_626 = arith.addi %parallel_loop3A_609, %parallel_loop3A_625 : vector<16xi32>
          %parallel_loop3A_627 = arith.addi %parallel_loop3A_610, %parallel_loop3A_625 : vector<16xi32>
          %parallel_loop3A_628 = arith.addi %parallel_loop3A_611, %parallel_loop3A_625 : vector<16xi32>
          %parallel_loop3A_629 = arith.addi %parallel_loop3A_612, %parallel_loop3A_625 : vector<16xi32>
          %parallel_loop3A_630 = tpu.vector_load_idx %arg5[%parallel_loop3A_626] : memref<50176xf32, #tpu.memory_space<vmem>>[vector<16xi32>], vector<16xf32>,
          %parallel_loop3A_631 = tpu.vector_load_idx %arg5[%parallel_loop3A_627] : memref<50176xf32, #tpu.memory_space<vmem>>[vector<16xi32>], vector<16xf32>,
          %parallel_loop3A_632 = tpu.vector_load_idx %arg5[%parallel_loop3A_628] : memref<50176xf32, #tpu.memory_space<vmem>>[vector<16xi32>], vector<16xf32>,
          %parallel_loop3A_633 = tpu.vector_load_idx %arg5[%parallel_loop3A_629] : memref<50176xf32, #tpu.memory_space<vmem>>[vector<16xi32>], vector<16xf32>,
          %parallel_loop3A_634 = arith.mulf %parallel_loop3A_599, %parallel_loop3A_630 : vector<16xf32>
          %parallel_loop3A_635 = arith.mulf %parallel_loop3A_600, %parallel_loop3A_631 : vector<16xf32>
          %parallel_loop3A_636 = arith.addf %parallel_loop3A_634, %parallel_loop3A_635 : vector<16xf32>
          %parallel_loop3A_637 = arith.mulf %parallel_loop3A_601, %parallel_loop3A_632 : vector<16xf32>
          %parallel_loop3A_638 = arith.addf %parallel_loop3A_636, %parallel_loop3A_637 : vector<16xf32>
          %parallel_loop3A_639 = arith.mulf %parallel_loop3A_602, %parallel_loop3A_633 : vector<16xf32>
          %parallel_loop3A_640 = arith.addf %parallel_loop3A_638, %parallel_loop3A_639 : vector<16xf32>
          %parallel_loop3A_641 = arith.constant 6272 : i32
          %parallel_loop3A_642 = vector.broadcast %parallel_loop3A_641 : i32 to vector<16xi32>
          %parallel_loop3A_643 = arith.addi %parallel_loop3A_609, %parallel_loop3A_642 : vector<16xi32>
          %parallel_loop3A_644 = arith.addi %parallel_loop3A_610, %parallel_loop3A_642 : vector<16xi32>
          %parallel_loop3A_645 = arith.addi %parallel_loop3A_611, %parallel_loop3A_642 : vector<16xi32>
          %parallel_loop3A_646 = arith.addi %parallel_loop3A_612, %parallel_loop3A_642 : vector<16xi32>
          %parallel_loop3A_647 = tpu.vector_load_idx %arg5[%parallel_loop3A_643] : memref<50176xf32, #tpu.memory_space<vmem>>[vector<16xi32>], vector<16xf32>,
          %parallel_loop3A_648 = tpu.vector_load_idx %arg5[%parallel_loop3A_644] : memref<50176xf32, #tpu.memory_space<vmem>>[vector<16xi32>], vector<16xf32>,
          %parallel_loop3A_649 = tpu.vector_load_idx %arg5[%parallel_loop3A_645] : memref<50176xf32, #tpu.memory_space<vmem>>[vector<16xi32>], vector<16xf32>,
          %parallel_loop3A_650 = tpu.vector_load_idx %arg5[%parallel_loop3A_646] : memref<50176xf32, #tpu.memory_space<vmem>>[vector<16xi32>], vector<16xf32>,
          %parallel_loop3A_651 = arith.mulf %parallel_loop3A_599, %parallel_loop3A_647 : vector<16xf32>
          %parallel_loop3A_652 = arith.mulf %parallel_loop3A_600, %parallel_loop3A_648 : vector<16xf32>
          %parallel_loop3A_653 = arith.addf %parallel_loop3A_651, %parallel_loop3A_652 : vector<16xf32>
          %parallel_loop3A_654 = arith.mulf %parallel_loop3A_601, %parallel_loop3A_649 : vector<16xf32>
          %parallel_loop3A_655 = arith.addf %parallel_loop3A_653, %parallel_loop3A_654 : vector<16xf32>
          %parallel_loop3A_656 = arith.mulf %parallel_loop3A_602, %parallel_loop3A_650 : vector<16xf32>
          %parallel_loop3A_657 = arith.addf %parallel_loop3A_655, %parallel_loop3A_656 : vector<16xf32>
          %parallel_loop3A_658 = arith.constant 9408 : i32
          %parallel_loop3A_659 = vector.broadcast %parallel_loop3A_658 : i32 to vector<16xi32>
          %parallel_loop3A_660 = arith.addi %parallel_loop3A_609, %parallel_loop3A_659 : vector<16xi32>
          %parallel_loop3A_661 = arith.addi %parallel_loop3A_610, %parallel_loop3A_659 : vector<16xi32>
          %parallel_loop3A_662 = arith.addi %parallel_loop3A_611, %parallel_loop3A_659 : vector<16xi32>
          %parallel_loop3A_663 = arith.addi %parallel_loop3A_612, %parallel_loop3A_659 : vector<16xi32>
          %parallel_loop3A_664 = tpu.vector_load_idx %arg5[%parallel_loop3A_660] : memref<50176xf32, #tpu.memory_space<vmem>>[vector<16xi32>], vector<16xf32>,
          %parallel_loop3A_665 = tpu.vector_load_idx %arg5[%parallel_loop3A_661] : memref<50176xf32, #tpu.memory_space<vmem>>[vector<16xi32>], vector<16xf32>,
          %parallel_loop3A_666 = tpu.vector_load_idx %arg5[%parallel_loop3A_662] : memref<50176xf32, #tpu.memory_space<vmem>>[vector<16xi32>], vector<16xf32>,
          %parallel_loop3A_667 = tpu.vector_load_idx %arg5[%parallel_loop3A_663] : memref<50176xf32, #tpu.memory_space<vmem>>[vector<16xi32>], vector<16xf32>,
          %parallel_loop3A_668 = arith.mulf %parallel_loop3A_599, %parallel_loop3A_664 : vector<16xf32>
          %parallel_loop3A_669 = arith.mulf %parallel_loop3A_600, %parallel_loop3A_665 : vector<16xf32>
          %parallel_loop3A_670 = arith.addf %parallel_loop3A_668, %parallel_loop3A_669 : vector<16xf32>
          %parallel_loop3A_671 = arith.mulf %parallel_loop3A_601, %parallel_loop3A_666 : vector<16xf32>
          %parallel_loop3A_672 = arith.addf %parallel_loop3A_670, %parallel_loop3A_671 : vector<16xf32>
          %parallel_loop3A_673 = arith.mulf %parallel_loop3A_602, %parallel_loop3A_667 : vector<16xf32>
          %parallel_loop3A_674 = arith.addf %parallel_loop3A_672, %parallel_loop3A_673 : vector<16xf32>
          %parallel_loop3A_675 = arith.constant 12544 : i32
          %parallel_loop3A_676 = vector.broadcast %parallel_loop3A_675 : i32 to vector<16xi32>
          %parallel_loop3A_677 = arith.addi %parallel_loop3A_609, %parallel_loop3A_676 : vector<16xi32>
          %parallel_loop3A_678 = arith.addi %parallel_loop3A_610, %parallel_loop3A_676 : vector<16xi32>
          %parallel_loop3A_679 = arith.addi %parallel_loop3A_611, %parallel_loop3A_676 : vector<16xi32>
          %parallel_loop3A_680 = arith.addi %parallel_loop3A_612, %parallel_loop3A_676 : vector<16xi32>
          %parallel_loop3A_681 = tpu.vector_load_idx %arg5[%parallel_loop3A_677] : memref<50176xf32, #tpu.memory_space<vmem>>[vector<16xi32>], vector<16xf32>,
          %parallel_loop3A_682 = tpu.vector_load_idx %arg5[%parallel_loop3A_678] : memref<50176xf32, #tpu.memory_space<vmem>>[vector<16xi32>], vector<16xf32>,
          %parallel_loop3A_683 = tpu.vector_load_idx %arg5[%parallel_loop3A_679] : memref<50176xf32, #tpu.memory_space<vmem>>[vector<16xi32>], vector<16xf32>,
          %parallel_loop3A_684 = tpu.vector_load_idx %arg5[%parallel_loop3A_680] : memref<50176xf32, #tpu.memory_space<vmem>>[vector<16xi32>], vector<16xf32>,
          %parallel_loop3A_685 = arith.mulf %parallel_loop3A_599, %parallel_loop3A_681 : vector<16xf32>
          %parallel_loop3A_686 = arith.mulf %parallel_loop3A_600, %parallel_loop3A_682 : vector<16xf32>
          %parallel_loop3A_687 = arith.addf %parallel_loop3A_685, %parallel_loop3A_686 : vector<16xf32>
          %parallel_loop3A_688 = arith.mulf %parallel_loop3A_601, %parallel_loop3A_683 : vector<16xf32>
          %parallel_loop3A_689 = arith.addf %parallel_loop3A_687, %parallel_loop3A_688 : vector<16xf32>
          %parallel_loop3A_690 = arith.mulf %parallel_loop3A_602, %parallel_loop3A_684 : vector<16xf32>
          %parallel_loop3A_691 = arith.addf %parallel_loop3A_689, %parallel_loop3A_690 : vector<16xf32>
          %parallel_loop3A_692 = arith.constant 15680 : i32
          %parallel_loop3A_693 = vector.broadcast %parallel_loop3A_692 : i32 to vector<16xi32>
          %parallel_loop3A_694 = arith.addi %parallel_loop3A_609, %parallel_loop3A_693 : vector<16xi32>
          %parallel_loop3A_695 = arith.addi %parallel_loop3A_610, %parallel_loop3A_693 : vector<16xi32>
          %parallel_loop3A_696 = arith.addi %parallel_loop3A_611, %parallel_loop3A_693 : vector<16xi32>
          %parallel_loop3A_697 = arith.addi %parallel_loop3A_612, %parallel_loop3A_693 : vector<16xi32>
          %parallel_loop3A_698 = tpu.vector_load_idx %arg5[%parallel_loop3A_694] : memref<50176xf32, #tpu.memory_space<vmem>>[vector<16xi32>], vector<16xf32>,
          %parallel_loop3A_699 = tpu.vector_load_idx %arg5[%parallel_loop3A_695] : memref<50176xf32, #tpu.memory_space<vmem>>[vector<16xi32>], vector<16xf32>,
          %parallel_loop3A_700 = tpu.vector_load_idx %arg5[%parallel_loop3A_696] : memref<50176xf32, #tpu.memory_space<vmem>>[vector<16xi32>], vector<16xf32>,
          %parallel_loop3A_701 = tpu.vector_load_idx %arg5[%parallel_loop3A_697] : memref<50176xf32, #tpu.memory_space<vmem>>[vector<16xi32>], vector<16xf32>,
          %parallel_loop3A_702 = arith.mulf %parallel_loop3A_599, %parallel_loop3A_698 : vector<16xf32>
          %parallel_loop3A_703 = arith.mulf %parallel_loop3A_600, %parallel_loop3A_699 : vector<16xf32>
          %parallel_loop3A_704 = arith.addf %parallel_loop3A_702, %parallel_loop3A_703 : vector<16xf32>
          %parallel_loop3A_705 = arith.mulf %parallel_loop3A_601, %parallel_loop3A_700 : vector<16xf32>
          %parallel_loop3A_706 = arith.addf %parallel_loop3A_704, %parallel_loop3A_705 : vector<16xf32>
          %parallel_loop3A_707 = arith.mulf %parallel_loop3A_602, %parallel_loop3A_701 : vector<16xf32>
          %parallel_loop3A_708 = arith.addf %parallel_loop3A_706, %parallel_loop3A_707 : vector<16xf32>
          %parallel_loop3A_709 = arith.constant 18816 : i32
          %parallel_loop3A_710 = vector.broadcast %parallel_loop3A_709 : i32 to vector<16xi32>
          %parallel_loop3A_711 = arith.addi %parallel_loop3A_609, %parallel_loop3A_710 : vector<16xi32>
          %parallel_loop3A_712 = arith.addi %parallel_loop3A_610, %parallel_loop3A_710 : vector<16xi32>
          %parallel_loop3A_713 = arith.addi %parallel_loop3A_611, %parallel_loop3A_710 : vector<16xi32>
          %parallel_loop3A_714 = arith.addi %parallel_loop3A_612, %parallel_loop3A_710 : vector<16xi32>
          %parallel_loop3A_715 = tpu.vector_load_idx %arg5[%parallel_loop3A_711] : memref<50176xf32, #tpu.memory_space<vmem>>[vector<16xi32>], vector<16xf32>,
          %parallel_loop3A_716 = tpu.vector_load_idx %arg5[%parallel_loop3A_712] : memref<50176xf32, #tpu.memory_space<vmem>>[vector<16xi32>], vector<16xf32>,
          %parallel_loop3A_717 = tpu.vector_load_idx %arg5[%parallel_loop3A_713] : memref<50176xf32, #tpu.memory_space<vmem>>[vector<16xi32>], vector<16xf32>,
          %parallel_loop3A_718 = tpu.vector_load_idx %arg5[%parallel_loop3A_714] : memref<50176xf32, #tpu.memory_space<vmem>>[vector<16xi32>], vector<16xf32>,
          %parallel_loop3A_719 = arith.mulf %parallel_loop3A_599, %parallel_loop3A_715 : vector<16xf32>
          %parallel_loop3A_720 = arith.mulf %parallel_loop3A_600, %parallel_loop3A_716 : vector<16xf32>
          %parallel_loop3A_721 = arith.addf %parallel_loop3A_719, %parallel_loop3A_720 : vector<16xf32>
          %parallel_loop3A_722 = arith.mulf %parallel_loop3A_601, %parallel_loop3A_717 : vector<16xf32>
          %parallel_loop3A_723 = arith.addf %parallel_loop3A_721, %parallel_loop3A_722 : vector<16xf32>
          %parallel_loop3A_724 = arith.mulf %parallel_loop3A_602, %parallel_loop3A_718 : vector<16xf32>
          %parallel_loop3A_725 = arith.addf %parallel_loop3A_723, %parallel_loop3A_724 : vector<16xf32>
          %parallel_loop3A_726 = arith.constant 21952 : i32
          %parallel_loop3A_727 = vector.broadcast %parallel_loop3A_726 : i32 to vector<16xi32>
          %parallel_loop3A_728 = arith.addi %parallel_loop3A_609, %parallel_loop3A_727 : vector<16xi32>
          %parallel_loop3A_729 = arith.addi %parallel_loop3A_610, %parallel_loop3A_727 : vector<16xi32>
          %parallel_loop3A_730 = arith.addi %parallel_loop3A_611, %parallel_loop3A_727 : vector<16xi32>
          %parallel_loop3A_731 = arith.addi %parallel_loop3A_612, %parallel_loop3A_727 : vector<16xi32>
          %parallel_loop3A_732 = tpu.vector_load_idx %arg5[%parallel_loop3A_728] : memref<50176xf32, #tpu.memory_space<vmem>>[vector<16xi32>], vector<16xf32>,
          %parallel_loop3A_733 = tpu.vector_load_idx %arg5[%parallel_loop3A_729] : memref<50176xf32, #tpu.memory_space<vmem>>[vector<16xi32>], vector<16xf32>,
          %parallel_loop3A_734 = tpu.vector_load_idx %arg5[%parallel_loop3A_730] : memref<50176xf32, #tpu.memory_space<vmem>>[vector<16xi32>], vector<16xf32>,
          %parallel_loop3A_735 = tpu.vector_load_idx %arg5[%parallel_loop3A_731] : memref<50176xf32, #tpu.memory_space<vmem>>[vector<16xi32>], vector<16xf32>,
          %parallel_loop3A_736 = arith.mulf %parallel_loop3A_599, %parallel_loop3A_732 : vector<16xf32>
          %parallel_loop3A_737 = arith.mulf %parallel_loop3A_600, %parallel_loop3A_733 : vector<16xf32>
          %parallel_loop3A_738 = arith.addf %parallel_loop3A_736, %parallel_loop3A_737 : vector<16xf32>
          %parallel_loop3A_739 = arith.mulf %parallel_loop3A_601, %parallel_loop3A_734 : vector<16xf32>
          %parallel_loop3A_740 = arith.addf %parallel_loop3A_738, %parallel_loop3A_739 : vector<16xf32>
          %parallel_loop3A_741 = arith.mulf %parallel_loop3A_602, %parallel_loop3A_735 : vector<16xf32>
          %parallel_loop3A_742 = arith.addf %parallel_loop3A_740, %parallel_loop3A_741 : vector<16xf32>
          %parallel_loop3A_743 = arith.constant 25088 : i32
          %parallel_loop3A_744 = vector.broadcast %parallel_loop3A_743 : i32 to vector<16xi32>
          %parallel_loop3A_745 = arith.addi %parallel_loop3A_609, %parallel_loop3A_744 : vector<16xi32>
          %parallel_loop3A_746 = arith.addi %parallel_loop3A_610, %parallel_loop3A_744 : vector<16xi32>
          %parallel_loop3A_747 = arith.addi %parallel_loop3A_611, %parallel_loop3A_744 : vector<16xi32>
          %parallel_loop3A_748 = arith.addi %parallel_loop3A_612, %parallel_loop3A_744 : vector<16xi32>
          %parallel_loop3A_749 = tpu.vector_load_idx %arg5[%parallel_loop3A_745] : memref<50176xf32, #tpu.memory_space<vmem>>[vector<16xi32>], vector<16xf32>,
          %parallel_loop3A_750 = tpu.vector_load_idx %arg5[%parallel_loop3A_746] : memref<50176xf32, #tpu.memory_space<vmem>>[vector<16xi32>], vector<16xf32>,
          %parallel_loop3A_751 = tpu.vector_load_idx %arg5[%parallel_loop3A_747] : memref<50176xf32, #tpu.memory_space<vmem>>[vector<16xi32>], vector<16xf32>,
          %parallel_loop3A_752 = tpu.vector_load_idx %arg5[%parallel_loop3A_748] : memref<50176xf32, #tpu.memory_space<vmem>>[vector<16xi32>], vector<16xf32>,
          %parallel_loop3A_753 = arith.mulf %parallel_loop3A_599, %parallel_loop3A_749 : vector<16xf32>
          %parallel_loop3A_754 = arith.mulf %parallel_loop3A_600, %parallel_loop3A_750 : vector<16xf32>
          %parallel_loop3A_755 = arith.addf %parallel_loop3A_753, %parallel_loop3A_754 : vector<16xf32>
          %parallel_loop3A_756 = arith.mulf %parallel_loop3A_601, %parallel_loop3A_751 : vector<16xf32>
          %parallel_loop3A_757 = arith.addf %parallel_loop3A_755, %parallel_loop3A_756 : vector<16xf32>
          %parallel_loop3A_758 = arith.mulf %parallel_loop3A_602, %parallel_loop3A_752 : vector<16xf32>
          %parallel_loop3A_759 = arith.addf %parallel_loop3A_757, %parallel_loop3A_758 : vector<16xf32>
          %parallel_loop3A_760 = arith.constant 28224 : i32
          %parallel_loop3A_761 = vector.broadcast %parallel_loop3A_760 : i32 to vector<16xi32>
          %parallel_loop3A_762 = arith.addi %parallel_loop3A_609, %parallel_loop3A_761 : vector<16xi32>
          %parallel_loop3A_763 = arith.addi %parallel_loop3A_610, %parallel_loop3A_761 : vector<16xi32>
          %parallel_loop3A_764 = arith.addi %parallel_loop3A_611, %parallel_loop3A_761 : vector<16xi32>
          %parallel_loop3A_765 = arith.addi %parallel_loop3A_612, %parallel_loop3A_761 : vector<16xi32>
          %parallel_loop3A_766 = tpu.vector_load_idx %arg5[%parallel_loop3A_762] : memref<50176xf32, #tpu.memory_space<vmem>>[vector<16xi32>], vector<16xf32>,
          %parallel_loop3A_767 = tpu.vector_load_idx %arg5[%parallel_loop3A_763] : memref<50176xf32, #tpu.memory_space<vmem>>[vector<16xi32>], vector<16xf32>,
          %parallel_loop3A_768 = tpu.vector_load_idx %arg5[%parallel_loop3A_764] : memref<50176xf32, #tpu.memory_space<vmem>>[vector<16xi32>], vector<16xf32>,
          %parallel_loop3A_769 = tpu.vector_load_idx %arg5[%parallel_loop3A_765] : memref<50176xf32, #tpu.memory_space<vmem>>[vector<16xi32>], vector<16xf32>,
          %parallel_loop3A_770 = arith.mulf %parallel_loop3A_599, %parallel_loop3A_766 : vector<16xf32>
          %parallel_loop3A_771 = arith.mulf %parallel_loop3A_600, %parallel_loop3A_767 : vector<16xf32>
          %parallel_loop3A_772 = arith.addf %parallel_loop3A_770, %parallel_loop3A_771 : vector<16xf32>
          %parallel_loop3A_773 = arith.mulf %parallel_loop3A_601, %parallel_loop3A_768 : vector<16xf32>
          %parallel_loop3A_774 = arith.addf %parallel_loop3A_772, %parallel_loop3A_773 : vector<16xf32>
          %parallel_loop3A_775 = arith.mulf %parallel_loop3A_602, %parallel_loop3A_769 : vector<16xf32>
          %parallel_loop3A_776 = arith.addf %parallel_loop3A_774, %parallel_loop3A_775 : vector<16xf32>
          %parallel_loop3A_777 = arith.constant 31360 : i32
          %parallel_loop3A_778 = vector.broadcast %parallel_loop3A_777 : i32 to vector<16xi32>
          %parallel_loop3A_779 = arith.addi %parallel_loop3A_609, %parallel_loop3A_778 : vector<16xi32>
          %parallel_loop3A_780 = arith.addi %parallel_loop3A_610, %parallel_loop3A_778 : vector<16xi32>
          %parallel_loop3A_781 = arith.addi %parallel_loop3A_611, %parallel_loop3A_778 : vector<16xi32>
          %parallel_loop3A_782 = arith.addi %parallel_loop3A_612, %parallel_loop3A_778 : vector<16xi32>
          %parallel_loop3A_783 = tpu.vector_load_idx %arg5[%parallel_loop3A_779] : memref<50176xf32, #tpu.memory_space<vmem>>[vector<16xi32>], vector<16xf32>,
          %parallel_loop3A_784 = tpu.vector_load_idx %arg5[%parallel_loop3A_780] : memref<50176xf32, #tpu.memory_space<vmem>>[vector<16xi32>], vector<16xf32>,
          %parallel_loop3A_785 = tpu.vector_load_idx %arg5[%parallel_loop3A_781] : memref<50176xf32, #tpu.memory_space<vmem>>[vector<16xi32>], vector<16xf32>,
          %parallel_loop3A_786 = tpu.vector_load_idx %arg5[%parallel_loop3A_782] : memref<50176xf32, #tpu.memory_space<vmem>>[vector<16xi32>], vector<16xf32>,
          %parallel_loop3A_787 = arith.mulf %parallel_loop3A_599, %parallel_loop3A_783 : vector<16xf32>
          %parallel_loop3A_788 = arith.mulf %parallel_loop3A_600, %parallel_loop3A_784 : vector<16xf32>
          %parallel_loop3A_789 = arith.addf %parallel_loop3A_787, %parallel_loop3A_788 : vector<16xf32>
          %parallel_loop3A_790 = arith.mulf %parallel_loop3A_601, %parallel_loop3A_785 : vector<16xf32>
          %parallel_loop3A_791 = arith.addf %parallel_loop3A_789, %parallel_loop3A_790 : vector<16xf32>
          %parallel_loop3A_792 = arith.mulf %parallel_loop3A_602, %parallel_loop3A_786 : vector<16xf32>
          %parallel_loop3A_793 = arith.addf %parallel_loop3A_791, %parallel_loop3A_792 : vector<16xf32>
          %parallel_loop3A_794 = arith.constant 34496 : i32
          %parallel_loop3A_795 = vector.broadcast %parallel_loop3A_794 : i32 to vector<16xi32>
          %parallel_loop3A_796 = arith.addi %parallel_loop3A_609, %parallel_loop3A_795 : vector<16xi32>
          %parallel_loop3A_797 = arith.addi %parallel_loop3A_610, %parallel_loop3A_795 : vector<16xi32>
          %parallel_loop3A_798 = arith.addi %parallel_loop3A_611, %parallel_loop3A_795 : vector<16xi32>
          %parallel_loop3A_799 = arith.addi %parallel_loop3A_612, %parallel_loop3A_795 : vector<16xi32>
          %parallel_loop3A_800 = tpu.vector_load_idx %arg5[%parallel_loop3A_796] : memref<50176xf32, #tpu.memory_space<vmem>>[vector<16xi32>], vector<16xf32>,
          %parallel_loop3A_801 = tpu.vector_load_idx %arg5[%parallel_loop3A_797] : memref<50176xf32, #tpu.memory_space<vmem>>[vector<16xi32>], vector<16xf32>,
          %parallel_loop3A_802 = tpu.vector_load_idx %arg5[%parallel_loop3A_798] : memref<50176xf32, #tpu.memory_space<vmem>>[vector<16xi32>], vector<16xf32>,
          %parallel_loop3A_803 = tpu.vector_load_idx %arg5[%parallel_loop3A_799] : memref<50176xf32, #tpu.memory_space<vmem>>[vector<16xi32>], vector<16xf32>,
          %parallel_loop3A_804 = arith.mulf %parallel_loop3A_599, %parallel_loop3A_800 : vector<16xf32>
          %parallel_loop3A_805 = arith.mulf %parallel_loop3A_600, %parallel_loop3A_801 : vector<16xf32>
          %parallel_loop3A_806 = arith.addf %parallel_loop3A_804, %parallel_loop3A_805 : vector<16xf32>
          %parallel_loop3A_807 = arith.mulf %parallel_loop3A_601, %parallel_loop3A_802 : vector<16xf32>
          %parallel_loop3A_808 = arith.addf %parallel_loop3A_806, %parallel_loop3A_807 : vector<16xf32>
          %parallel_loop3A_809 = arith.mulf %parallel_loop3A_602, %parallel_loop3A_803 : vector<16xf32>
          %parallel_loop3A_810 = arith.addf %parallel_loop3A_808, %parallel_loop3A_809 : vector<16xf32>
          %parallel_loop3A_811 = arith.constant 37632 : i32
          %parallel_loop3A_812 = vector.broadcast %parallel_loop3A_811 : i32 to vector<16xi32>
          %parallel_loop3A_813 = arith.addi %parallel_loop3A_609, %parallel_loop3A_812 : vector<16xi32>
          %parallel_loop3A_814 = arith.addi %parallel_loop3A_610, %parallel_loop3A_812 : vector<16xi32>
          %parallel_loop3A_815 = arith.addi %parallel_loop3A_611, %parallel_loop3A_812 : vector<16xi32>
          %parallel_loop3A_816 = arith.addi %parallel_loop3A_612, %parallel_loop3A_812 : vector<16xi32>
          %parallel_loop3A_817 = tpu.vector_load_idx %arg5[%parallel_loop3A_813] : memref<50176xf32, #tpu.memory_space<vmem>>[vector<16xi32>], vector<16xf32>,
          %parallel_loop3A_818 = tpu.vector_load_idx %arg5[%parallel_loop3A_814] : memref<50176xf32, #tpu.memory_space<vmem>>[vector<16xi32>], vector<16xf32>,
          %parallel_loop3A_819 = tpu.vector_load_idx %arg5[%parallel_loop3A_815] : memref<50176xf32, #tpu.memory_space<vmem>>[vector<16xi32>], vector<16xf32>,
          %parallel_loop3A_820 = tpu.vector_load_idx %arg5[%parallel_loop3A_816] : memref<50176xf32, #tpu.memory_space<vmem>>[vector<16xi32>], vector<16xf32>,
          %parallel_loop3A_821 = arith.mulf %parallel_loop3A_599, %parallel_loop3A_817 : vector<16xf32>
          %parallel_loop3A_822 = arith.mulf %parallel_loop3A_600, %parallel_loop3A_818 : vector<16xf32>
          %parallel_loop3A_823 = arith.addf %parallel_loop3A_821, %parallel_loop3A_822 : vector<16xf32>
          %parallel_loop3A_824 = arith.mulf %parallel_loop3A_601, %parallel_loop3A_819 : vector<16xf32>
          %parallel_loop3A_825 = arith.addf %parallel_loop3A_823, %parallel_loop3A_824 : vector<16xf32>
          %parallel_loop3A_826 = arith.mulf %parallel_loop3A_602, %parallel_loop3A_820 : vector<16xf32>
          %parallel_loop3A_827 = arith.addf %parallel_loop3A_825, %parallel_loop3A_826 : vector<16xf32>
          %parallel_loop3A_828 = arith.constant 40768 : i32
          %parallel_loop3A_829 = vector.broadcast %parallel_loop3A_828 : i32 to vector<16xi32>
          %parallel_loop3A_830 = arith.addi %parallel_loop3A_609, %parallel_loop3A_829 : vector<16xi32>
          %parallel_loop3A_831 = arith.addi %parallel_loop3A_610, %parallel_loop3A_829 : vector<16xi32>
          %parallel_loop3A_832 = arith.addi %parallel_loop3A_611, %parallel_loop3A_829 : vector<16xi32>
          %parallel_loop3A_833 = arith.addi %parallel_loop3A_612, %parallel_loop3A_829 : vector<16xi32>
          %parallel_loop3A_834 = tpu.vector_load_idx %arg5[%parallel_loop3A_830] : memref<50176xf32, #tpu.memory_space<vmem>>[vector<16xi32>], vector<16xf32>,
          %parallel_loop3A_835 = tpu.vector_load_idx %arg5[%parallel_loop3A_831] : memref<50176xf32, #tpu.memory_space<vmem>>[vector<16xi32>], vector<16xf32>,
          %parallel_loop3A_836 = tpu.vector_load_idx %arg5[%parallel_loop3A_832] : memref<50176xf32, #tpu.memory_space<vmem>>[vector<16xi32>], vector<16xf32>,
          %parallel_loop3A_837 = tpu.vector_load_idx %arg5[%parallel_loop3A_833] : memref<50176xf32, #tpu.memory_space<vmem>>[vector<16xi32>], vector<16xf32>,
          %parallel_loop3A_838 = arith.mulf %parallel_loop3A_599, %parallel_loop3A_834 : vector<16xf32>
          %parallel_loop3A_839 = arith.mulf %parallel_loop3A_600, %parallel_loop3A_835 : vector<16xf32>
          %parallel_loop3A_840 = arith.addf %parallel_loop3A_838, %parallel_loop3A_839 : vector<16xf32>
          %parallel_loop3A_841 = arith.mulf %parallel_loop3A_601, %parallel_loop3A_836 : vector<16xf32>
          %parallel_loop3A_842 = arith.addf %parallel_loop3A_840, %parallel_loop3A_841 : vector<16xf32>
          %parallel_loop3A_843 = arith.mulf %parallel_loop3A_602, %parallel_loop3A_837 : vector<16xf32>
          %parallel_loop3A_844 = arith.addf %parallel_loop3A_842, %parallel_loop3A_843 : vector<16xf32>
          %parallel_loop3A_845 = arith.constant 43904 : i32
          %parallel_loop3A_846 = vector.broadcast %parallel_loop3A_845 : i32 to vector<16xi32>
          %parallel_loop3A_847 = arith.addi %parallel_loop3A_609, %parallel_loop3A_846 : vector<16xi32>
          %parallel_loop3A_848 = arith.addi %parallel_loop3A_610, %parallel_loop3A_846 : vector<16xi32>
          %parallel_loop3A_849 = arith.addi %parallel_loop3A_611, %parallel_loop3A_846 : vector<16xi32>
          %parallel_loop3A_850 = arith.addi %parallel_loop3A_612, %parallel_loop3A_846 : vector<16xi32>
          %parallel_loop3A_851 = tpu.vector_load_idx %arg5[%parallel_loop3A_847] : memref<50176xf32, #tpu.memory_space<vmem>>[vector<16xi32>], vector<16xf32>,
          %parallel_loop3A_852 = tpu.vector_load_idx %arg5[%parallel_loop3A_848] : memref<50176xf32, #tpu.memory_space<vmem>>[vector<16xi32>], vector<16xf32>,
          %parallel_loop3A_853 = tpu.vector_load_idx %arg5[%parallel_loop3A_849] : memref<50176xf32, #tpu.memory_space<vmem>>[vector<16xi32>], vector<16xf32>,
          %parallel_loop3A_854 = tpu.vector_load_idx %arg5[%parallel_loop3A_850] : memref<50176xf32, #tpu.memory_space<vmem>>[vector<16xi32>], vector<16xf32>,
          %parallel_loop3A_855 = arith.mulf %parallel_loop3A_599, %parallel_loop3A_851 : vector<16xf32>
          %parallel_loop3A_856 = arith.mulf %parallel_loop3A_600, %parallel_loop3A_852 : vector<16xf32>
          %parallel_loop3A_857 = arith.addf %parallel_loop3A_855, %parallel_loop3A_856 : vector<16xf32>
          %parallel_loop3A_858 = arith.mulf %parallel_loop3A_601, %parallel_loop3A_853 : vector<16xf32>
          %parallel_loop3A_859 = arith.addf %parallel_loop3A_857, %parallel_loop3A_858 : vector<16xf32>
          %parallel_loop3A_860 = arith.mulf %parallel_loop3A_602, %parallel_loop3A_854 : vector<16xf32>
          %parallel_loop3A_861 = arith.addf %parallel_loop3A_859, %parallel_loop3A_860 : vector<16xf32>
          %parallel_loop3A_862 = arith.constant 47040 : i32
          %parallel_loop3A_863 = vector.broadcast %parallel_loop3A_862 : i32 to vector<16xi32>
          %parallel_loop3A_864 = arith.addi %parallel_loop3A_609, %parallel_loop3A_863 : vector<16xi32>
          %parallel_loop3A_865 = arith.addi %parallel_loop3A_610, %parallel_loop3A_863 : vector<16xi32>
          %parallel_loop3A_866 = arith.addi %parallel_loop3A_611, %parallel_loop3A_863 : vector<16xi32>
          %parallel_loop3A_867 = arith.addi %parallel_loop3A_612, %parallel_loop3A_863 : vector<16xi32>
          %parallel_loop3A_868 = tpu.vector_load_idx %arg5[%parallel_loop3A_864] : memref<50176xf32, #tpu.memory_space<vmem>>[vector<16xi32>], vector<16xf32>,
          %parallel_loop3A_869 = tpu.vector_load_idx %arg5[%parallel_loop3A_865] : memref<50176xf32, #tpu.memory_space<vmem>>[vector<16xi32>], vector<16xf32>,
          %parallel_loop3A_870 = tpu.vector_load_idx %arg5[%parallel_loop3A_866] : memref<50176xf32, #tpu.memory_space<vmem>>[vector<16xi32>], vector<16xf32>,
          %parallel_loop3A_871 = tpu.vector_load_idx %arg5[%parallel_loop3A_867] : memref<50176xf32, #tpu.memory_space<vmem>>[vector<16xi32>], vector<16xf32>,
          %parallel_loop3A_872 = arith.mulf %parallel_loop3A_599, %parallel_loop3A_868 : vector<16xf32>
          %parallel_loop3A_873 = arith.mulf %parallel_loop3A_600, %parallel_loop3A_869 : vector<16xf32>
          %parallel_loop3A_874 = arith.addf %parallel_loop3A_872, %parallel_loop3A_873 : vector<16xf32>
          %parallel_loop3A_875 = arith.mulf %parallel_loop3A_601, %parallel_loop3A_870 : vector<16xf32>
          %parallel_loop3A_876 = arith.addf %parallel_loop3A_874, %parallel_loop3A_875 : vector<16xf32>
          %parallel_loop3A_877 = arith.mulf %parallel_loop3A_602, %parallel_loop3A_871 : vector<16xf32>
          %parallel_loop3A_878 = arith.addf %parallel_loop3A_876, %parallel_loop3A_877 : vector<16xf32>
          %parallel_loop3A_879 = arith.constant 0 : i32
          %parallel_loop3A_880 = arith.index_cast %parallel_loop3A_879 : i32 to index
          %parallel_loop3A_881 = arith.index_cast %parallel_loop3A_136 : i32 to index
          %parallel_loop3A_882 = arith.constant 16 : index
          %parallel_loop3A_883 = tpu.vector_load %arg7[%parallel_loop3A_880, %parallel_loop3A_881, %parallel_loop3A_882] {strides = array<i32>} : memref<16x8x48xf32, #tpu.memory_space<vmem>>, vector<16xf32>,
          tpu.vector_store %arg7[%parallel_loop3A_880, %parallel_loop3A_881, %parallel_loop3A_882], %parallel_loop3A_623 {strides = array<i32>} : memref<16x8x48xf32, #tpu.memory_space<vmem>>, vector<16xf32>,
          %parallel_loop3A_884 = arith.constant 1 : i32
          %parallel_loop3A_885 = arith.index_cast %parallel_loop3A_884 : i32 to index
          %parallel_loop3A_886 = arith.index_cast %parallel_loop3A_136 : i32 to index
          %parallel_loop3A_887 = arith.constant 16 : index
          %parallel_loop3A_888 = tpu.vector_load %arg7[%parallel_loop3A_885, %parallel_loop3A_886, %parallel_loop3A_887] {strides = array<i32>} : memref<16x8x48xf32, #tpu.memory_space<vmem>>, vector<16xf32>,
          tpu.vector_store %arg7[%parallel_loop3A_885, %parallel_loop3A_886, %parallel_loop3A_887], %parallel_loop3A_640 {strides = array<i32>} : memref<16x8x48xf32, #tpu.memory_space<vmem>>, vector<16xf32>,
          %parallel_loop3A_889 = arith.constant 2 : i32
          %parallel_loop3A_890 = arith.index_cast %parallel_loop3A_889 : i32 to index
          %parallel_loop3A_891 = arith.index_cast %parallel_loop3A_136 : i32 to index
          %parallel_loop3A_892 = arith.constant 16 : index
          %parallel_loop3A_893 = tpu.vector_load %arg7[%parallel_loop3A_890, %parallel_loop3A_891, %parallel_loop3A_892] {strides = array<i32>} : memref<16x8x48xf32, #tpu.memory_space<vmem>>, vector<16xf32>,
          tpu.vector_store %arg7[%parallel_loop3A_890, %parallel_loop3A_891, %parallel_loop3A_892], %parallel_loop3A_657 {strides = array<i32>} : memref<16x8x48xf32, #tpu.memory_space<vmem>>, vector<16xf32>,
          %parallel_loop3A_894 = arith.constant 3 : i32
          %parallel_loop3A_895 = arith.index_cast %parallel_loop3A_894 : i32 to index
          %parallel_loop3A_896 = arith.index_cast %parallel_loop3A_136 : i32 to index
          %parallel_loop3A_897 = arith.constant 16 : index
          %parallel_loop3A_898 = tpu.vector_load %arg7[%parallel_loop3A_895, %parallel_loop3A_896, %parallel_loop3A_897] {strides = array<i32>} : memref<16x8x48xf32, #tpu.memory_space<vmem>>, vector<16xf32>,
          tpu.vector_store %arg7[%parallel_loop3A_895, %parallel_loop3A_896, %parallel_loop3A_897], %parallel_loop3A_674 {strides = array<i32>} : memref<16x8x48xf32, #tpu.memory_space<vmem>>, vector<16xf32>,
          %parallel_loop3A_899 = arith.constant 4 : i32
          %parallel_loop3A_900 = arith.index_cast %parallel_loop3A_899 : i32 to index
          %parallel_loop3A_901 = arith.index_cast %parallel_loop3A_136 : i32 to index
          %parallel_loop3A_902 = arith.constant 16 : index
          %parallel_loop3A_903 = tpu.vector_load %arg7[%parallel_loop3A_900, %parallel_loop3A_901, %parallel_loop3A_902] {strides = array<i32>} : memref<16x8x48xf32, #tpu.memory_space<vmem>>, vector<16xf32>,
          tpu.vector_store %arg7[%parallel_loop3A_900, %parallel_loop3A_901, %parallel_loop3A_902], %parallel_loop3A_691 {strides = array<i32>} : memref<16x8x48xf32, #tpu.memory_space<vmem>>, vector<16xf32>,
          %parallel_loop3A_904 = arith.constant 5 : i32
          %parallel_loop3A_905 = arith.index_cast %parallel_loop3A_904 : i32 to index
          %parallel_loop3A_906 = arith.index_cast %parallel_loop3A_136 : i32 to index
          %parallel_loop3A_907 = arith.constant 16 : index
          %parallel_loop3A_908 = tpu.vector_load %arg7[%parallel_loop3A_905, %parallel_loop3A_906, %parallel_loop3A_907] {strides = array<i32>} : memref<16x8x48xf32, #tpu.memory_space<vmem>>, vector<16xf32>,
          tpu.vector_store %arg7[%parallel_loop3A_905, %parallel_loop3A_906, %parallel_loop3A_907], %parallel_loop3A_708 {strides = array<i32>} : memref<16x8x48xf32, #tpu.memory_space<vmem>>, vector<16xf32>,
          %parallel_loop3A_909 = arith.constant 6 : i32
          %parallel_loop3A_910 = arith.index_cast %parallel_loop3A_909 : i32 to index
          %parallel_loop3A_911 = arith.index_cast %parallel_loop3A_136 : i32 to index
          %parallel_loop3A_912 = arith.constant 16 : index
          %parallel_loop3A_913 = tpu.vector_load %arg7[%parallel_loop3A_910, %parallel_loop3A_911, %parallel_loop3A_912] {strides = array<i32>} : memref<16x8x48xf32, #tpu.memory_space<vmem>>, vector<16xf32>,
          tpu.vector_store %arg7[%parallel_loop3A_910, %parallel_loop3A_911, %parallel_loop3A_912], %parallel_loop3A_725 {strides = array<i32>} : memref<16x8x48xf32, #tpu.memory_space<vmem>>, vector<16xf32>,
          %parallel_loop3A_914 = arith.constant 7 : i32
          %parallel_loop3A_915 = arith.index_cast %parallel_loop3A_914 : i32 to index
          %parallel_loop3A_916 = arith.index_cast %parallel_loop3A_136 : i32 to index
          %parallel_loop3A_917 = arith.constant 16 : index
          %parallel_loop3A_918 = tpu.vector_load %arg7[%parallel_loop3A_915, %parallel_loop3A_916, %parallel_loop3A_917] {strides = array<i32>} : memref<16x8x48xf32, #tpu.memory_space<vmem>>, vector<16xf32>,
          tpu.vector_store %arg7[%parallel_loop3A_915, %parallel_loop3A_916, %parallel_loop3A_917], %parallel_loop3A_742 {strides = array<i32>} : memref<16x8x48xf32, #tpu.memory_space<vmem>>, vector<16xf32>,
          %parallel_loop3A_919 = arith.constant 8 : i32
          %parallel_loop3A_920 = arith.index_cast %parallel_loop3A_919 : i32 to index
          %parallel_loop3A_921 = arith.index_cast %parallel_loop3A_136 : i32 to index
          %parallel_loop3A_922 = arith.constant 16 : index
          %parallel_loop3A_923 = tpu.vector_load %arg7[%parallel_loop3A_920, %parallel_loop3A_921, %parallel_loop3A_922] {strides = array<i32>} : memref<16x8x48xf32, #tpu.memory_space<vmem>>, vector<16xf32>,
          tpu.vector_store %arg7[%parallel_loop3A_920, %parallel_loop3A_921, %parallel_loop3A_922], %parallel_loop3A_759 {strides = array<i32>} : memref<16x8x48xf32, #tpu.memory_space<vmem>>, vector<16xf32>,
          %parallel_loop3A_924 = arith.constant 9 : i32
          %parallel_loop3A_925 = arith.index_cast %parallel_loop3A_924 : i32 to index
          %parallel_loop3A_926 = arith.index_cast %parallel_loop3A_136 : i32 to index
          %parallel_loop3A_927 = arith.constant 16 : index
          %parallel_loop3A_928 = tpu.vector_load %arg7[%parallel_loop3A_925, %parallel_loop3A_926, %parallel_loop3A_927] {strides = array<i32>} : memref<16x8x48xf32, #tpu.memory_space<vmem>>, vector<16xf32>,
          tpu.vector_store %arg7[%parallel_loop3A_925, %parallel_loop3A_926, %parallel_loop3A_927], %parallel_loop3A_776 {strides = array<i32>} : memref<16x8x48xf32, #tpu.memory_space<vmem>>, vector<16xf32>,
          %parallel_loop3A_929 = arith.constant 10 : i32
          %parallel_loop3A_930 = arith.index_cast %parallel_loop3A_929 : i32 to index
          %parallel_loop3A_931 = arith.index_cast %parallel_loop3A_136 : i32 to index
          %parallel_loop3A_932 = arith.constant 16 : index
          %parallel_loop3A_933 = tpu.vector_load %arg7[%parallel_loop3A_930, %parallel_loop3A_931, %parallel_loop3A_932] {strides = array<i32>} : memref<16x8x48xf32, #tpu.memory_space<vmem>>, vector<16xf32>,
          tpu.vector_store %arg7[%parallel_loop3A_930, %parallel_loop3A_931, %parallel_loop3A_932], %parallel_loop3A_793 {strides = array<i32>} : memref<16x8x48xf32, #tpu.memory_space<vmem>>, vector<16xf32>,
          %parallel_loop3A_934 = arith.constant 11 : i32
          %parallel_loop3A_935 = arith.index_cast %parallel_loop3A_934 : i32 to index
          %parallel_loop3A_936 = arith.index_cast %parallel_loop3A_136 : i32 to index
          %parallel_loop3A_937 = arith.constant 16 : index
          %parallel_loop3A_938 = tpu.vector_load %arg7[%parallel_loop3A_935, %parallel_loop3A_936, %parallel_loop3A_937] {strides = array<i32>} : memref<16x8x48xf32, #tpu.memory_space<vmem>>, vector<16xf32>,
          tpu.vector_store %arg7[%parallel_loop3A_935, %parallel_loop3A_936, %parallel_loop3A_937], %parallel_loop3A_810 {strides = array<i32>} : memref<16x8x48xf32, #tpu.memory_space<vmem>>, vector<16xf32>,
          %parallel_loop3A_939 = arith.constant 12 : i32
          %parallel_loop3A_940 = arith.index_cast %parallel_loop3A_939 : i32 to index
          %parallel_loop3A_941 = arith.index_cast %parallel_loop3A_136 : i32 to index
          %parallel_loop3A_942 = arith.constant 16 : index
          %parallel_loop3A_943 = tpu.vector_load %arg7[%parallel_loop3A_940, %parallel_loop3A_941, %parallel_loop3A_942] {strides = array<i32>} : memref<16x8x48xf32, #tpu.memory_space<vmem>>, vector<16xf32>,
          tpu.vector_store %arg7[%parallel_loop3A_940, %parallel_loop3A_941, %parallel_loop3A_942], %parallel_loop3A_827 {strides = array<i32>} : memref<16x8x48xf32, #tpu.memory_space<vmem>>, vector<16xf32>,
          %parallel_loop3A_944 = arith.constant 13 : i32
          %parallel_loop3A_945 = arith.index_cast %parallel_loop3A_944 : i32 to index
          %parallel_loop3A_946 = arith.index_cast %parallel_loop3A_136 : i32 to index
          %parallel_loop3A_947 = arith.constant 16 : index
          %parallel_loop3A_948 = tpu.vector_load %arg7[%parallel_loop3A_945, %parallel_loop3A_946, %parallel_loop3A_947] {strides = array<i32>} : memref<16x8x48xf32, #tpu.memory_space<vmem>>, vector<16xf32>,
          tpu.vector_store %arg7[%parallel_loop3A_945, %parallel_loop3A_946, %parallel_loop3A_947], %parallel_loop3A_844 {strides = array<i32>} : memref<16x8x48xf32, #tpu.memory_space<vmem>>, vector<16xf32>,
          %parallel_loop3A_949 = arith.constant 14 : i32
          %parallel_loop3A_950 = arith.index_cast %parallel_loop3A_949 : i32 to index
          %parallel_loop3A_951 = arith.index_cast %parallel_loop3A_136 : i32 to index
          %parallel_loop3A_952 = arith.constant 16 : index
          %parallel_loop3A_953 = tpu.vector_load %arg7[%parallel_loop3A_950, %parallel_loop3A_951, %parallel_loop3A_952] {strides = array<i32>} : memref<16x8x48xf32, #tpu.memory_space<vmem>>, vector<16xf32>,
          tpu.vector_store %arg7[%parallel_loop3A_950, %parallel_loop3A_951, %parallel_loop3A_952], %parallel_loop3A_861 {strides = array<i32>} : memref<16x8x48xf32, #tpu.memory_space<vmem>>, vector<16xf32>,
          %parallel_loop3A_954 = arith.constant 15 : i32
          %parallel_loop3A_955 = arith.index_cast %parallel_loop3A_954 : i32 to index
          %parallel_loop3A_956 = arith.index_cast %parallel_loop3A_136 : i32 to index
          %parallel_loop3A_957 = arith.constant 16 : index
          %parallel_loop3A_958 = tpu.vector_load %arg7[%parallel_loop3A_955, %parallel_loop3A_956, %parallel_loop3A_957] {strides = array<i32>} : memref<16x8x48xf32, #tpu.memory_space<vmem>>, vector<16xf32>,
          tpu.vector_store %arg7[%parallel_loop3A_955, %parallel_loop3A_956, %parallel_loop3A_957], %parallel_loop3A_878 {strides = array<i32>} : memref<16x8x48xf32, #tpu.memory_space<vmem>>, vector<16xf32>,
          %parallel_loop3A_959 = arith.addf %parallel_loop3A_548, %get3A_23 : vector<16xf32>
          %parallel_loop3A_960 = arith.addf %parallel_loop3A_549, %get3A_27 : vector<16xf32>
          %parallel_loop3A_961 = arith.addf %parallel_loop3A_550, %get3A_31 : vector<16xf32>
          %parallel_loop3A_962 = vector.broadcast %scan3A : f32 to vector<16xf32>
          %parallel_loop3A_963 = arith.divf %parallel_loop3A_962, %parallel_loop3A_961 : vector<16xf32>
          %parallel_loop3A_964 = arith.mulf %parallel_loop3A_959, %parallel_loop3A_963 : vector<16xf32>
          %parallel_loop3A_965 = vector.broadcast %scan3A_60 : f32 to vector<16xf32>
          %parallel_loop3A_966 = arith.mulf %parallel_loop3A_964, %parallel_loop3A_965 : vector<16xf32>
          %parallel_loop3A_967 = arith.mulf %parallel_loop3A_960, %parallel_loop3A_963 : vector<16xf32>
          %parallel_loop3A_968 = vector.broadcast %scan3A_60 : f32 to vector<16xf32>
          %parallel_loop3A_969 = arith.mulf %parallel_loop3A_967, %parallel_loop3A_968 : vector<16xf32>
          %parallel_loop3A_970 = arith.constant 0.000000e+00 : f32
          %parallel_loop3A_971 = vector.broadcast %parallel_loop3A_970 : f32 to vector<16xf32>
          %parallel_loop3A_972 = arith.maximumf %parallel_loop3A_971, %parallel_loop3A_966 : vector<16xf32>
          %parallel_loop3A_973 = vector.broadcast %scan3A_61 : f32 to vector<16xf32>
          %parallel_loop3A_974 = arith.minimumf %parallel_loop3A_973, %parallel_loop3A_972 : vector<16xf32>
          %parallel_loop3A_975 = arith.constant 0.000000e+00 : f32
          %parallel_loop3A_976 = vector.broadcast %parallel_loop3A_975 : f32 to vector<16xf32>
          %parallel_loop3A_977 = arith.maximumf %parallel_loop3A_976, %parallel_loop3A_969 : vector<16xf32>
          %parallel_loop3A_978 = vector.broadcast %scan3A_62 : f32 to vector<16xf32>
          %parallel_loop3A_979 = arith.minimumf %parallel_loop3A_978, %parallel_loop3A_977 : vector<16xf32>
          %parallel_loop3A_980 = arith.fptosi %parallel_loop3A_974 : vector<16xf32> to vector<16xi32>
          %parallel_loop3A_981 = arith.fptosi %parallel_loop3A_979 : vector<16xf32> to vector<16xi32>
          %parallel_loop3A_982 = arith.constant 0 : i32
          %parallel_loop3A_983 = arith.constant 55 : i32
          %parallel_loop3A_984 = vector.broadcast %parallel_loop3A_982 : i32 to vector<16xi32>
          %parallel_loop3A_985 = arith.maxsi %parallel_loop3A_984, %parallel_loop3A_980 : vector<16xi32>
          %parallel_loop3A_986 = vector.broadcast %parallel_loop3A_983 : i32 to vector<16xi32>
          %parallel_loop3A_987 = arith.minsi %parallel_loop3A_986, %parallel_loop3A_985 : vector<16xi32>
          %parallel_loop3A_988 = arith.constant 0 : i32
          %parallel_loop3A_989 = arith.constant 55 : i32
          %parallel_loop3A_990 = vector.broadcast %parallel_loop3A_988 : i32 to vector<16xi32>
          %parallel_loop3A_991 = arith.maxsi %parallel_loop3A_990, %parallel_loop3A_981 : vector<16xi32>
          %parallel_loop3A_992 = vector.broadcast %parallel_loop3A_989 : i32 to vector<16xi32>
          %parallel_loop3A_993 = arith.minsi %parallel_loop3A_992, %parallel_loop3A_991 : vector<16xi32>
          %parallel_loop3A_994 = arith.sitofp %parallel_loop3A_987 : vector<16xi32> to vector<16xf32>
          %parallel_loop3A_995 = arith.sitofp %parallel_loop3A_993 : vector<16xi32> to vector<16xf32>
          %parallel_loop3A_996 = vector.broadcast %scan3A : f32 to vector<16xf32>
          %parallel_loop3A_997 = arith.addf %parallel_loop3A_994, %parallel_loop3A_996 : vector<16xf32>
          %parallel_loop3A_998 = vector.broadcast %scan3A_61 : f32 to vector<16xf32>
          %parallel_loop3A_999 = arith.minimumf %parallel_loop3A_997, %parallel_loop3A_998 : vector<16xf32>
          %parallel_loop3A_1000 = vector.broadcast %scan3A : f32 to vector<16xf32>
          %parallel_loop3A_1001 = arith.addf %parallel_loop3A_995, %parallel_loop3A_1000 : vector<16xf32>
          %parallel_loop3A_1002 = vector.broadcast %scan3A_62 : f32 to vector<16xf32>
          %parallel_loop3A_1003 = arith.minimumf %parallel_loop3A_1001, %parallel_loop3A_1002 : vector<16xf32>
          %parallel_loop3A_1004 = arith.fptosi %parallel_loop3A_999 : vector<16xf32> to vector<16xi32>
          %parallel_loop3A_1005 = arith.fptosi %parallel_loop3A_1003 : vector<16xf32> to vector<16xi32>
          %parallel_loop3A_1006 = arith.subf %parallel_loop3A_999, %parallel_loop3A_974 : vector<16xf32>
          %parallel_loop3A_1007 = arith.subf %parallel_loop3A_974, %parallel_loop3A_994 : vector<16xf32>
          %parallel_loop3A_1008 = arith.subf %parallel_loop3A_1003, %parallel_loop3A_979 : vector<16xf32>
          %parallel_loop3A_1009 = arith.subf %parallel_loop3A_979, %parallel_loop3A_995 : vector<16xf32>
          %parallel_loop3A_1010 = arith.mulf %parallel_loop3A_1006, %parallel_loop3A_1008 : vector<16xf32>
          %parallel_loop3A_1011 = arith.mulf %parallel_loop3A_1006, %parallel_loop3A_1009 : vector<16xf32>
          %parallel_loop3A_1012 = arith.mulf %parallel_loop3A_1007, %parallel_loop3A_1008 : vector<16xf32>
          %parallel_loop3A_1013 = arith.mulf %parallel_loop3A_1007, %parallel_loop3A_1009 : vector<16xf32>
          %parallel_loop3A_1014 = arith.constant 56 : i32
          %parallel_loop3A_1015 = vector.broadcast %parallel_loop3A_1014 : i32 to vector<16xi32>
          %parallel_loop3A_1016 = arith.muli %parallel_loop3A_993, %parallel_loop3A_1015 : vector<16xi32>
          %parallel_loop3A_1017 = arith.constant 56 : i32
          %parallel_loop3A_1018 = vector.broadcast %parallel_loop3A_1017 : i32 to vector<16xi32>
          %parallel_loop3A_1019 = arith.muli %parallel_loop3A_1005, %parallel_loop3A_1018 : vector<16xi32>
          %parallel_loop3A_1020 = arith.addi %parallel_loop3A_1016, %parallel_loop3A_987 : vector<16xi32>
          %parallel_loop3A_1021 = arith.addi %parallel_loop3A_1019, %parallel_loop3A_987 : vector<16xi32>
          %parallel_loop3A_1022 = arith.addi %parallel_loop3A_1016, %parallel_loop3A_1004 : vector<16xi32>
          %parallel_loop3A_1023 = arith.addi %parallel_loop3A_1019, %parallel_loop3A_1004 : vector<16xi32>
          %parallel_loop3A_1024 = tpu.vector_load_idx %arg5[%parallel_loop3A_1020] : memref<50176xf32, #tpu.memory_space<vmem>>[vector<16xi32>], vector<16xf32>,
          %parallel_loop3A_1025 = tpu.vector_load_idx %arg5[%parallel_loop3A_1021] : memref<50176xf32, #tpu.memory_space<vmem>>[vector<16xi32>], vector<16xf32>,
          %parallel_loop3A_1026 = tpu.vector_load_idx %arg5[%parallel_loop3A_1022] : memref<50176xf32, #tpu.memory_space<vmem>>[vector<16xi32>], vector<16xf32>,
          %parallel_loop3A_1027 = tpu.vector_load_idx %arg5[%parallel_loop3A_1023] : memref<50176xf32, #tpu.memory_space<vmem>>[vector<16xi32>], vector<16xf32>,
          %parallel_loop3A_1028 = arith.mulf %parallel_loop3A_1010, %parallel_loop3A_1024 : vector<16xf32>
          %parallel_loop3A_1029 = arith.mulf %parallel_loop3A_1011, %parallel_loop3A_1025 : vector<16xf32>
          %parallel_loop3A_1030 = arith.addf %parallel_loop3A_1028, %parallel_loop3A_1029 : vector<16xf32>
          %parallel_loop3A_1031 = arith.mulf %parallel_loop3A_1012, %parallel_loop3A_1026 : vector<16xf32>
          %parallel_loop3A_1032 = arith.addf %parallel_loop3A_1030, %parallel_loop3A_1031 : vector<16xf32>
          %parallel_loop3A_1033 = arith.mulf %parallel_loop3A_1013, %parallel_loop3A_1027 : vector<16xf32>
          %parallel_loop3A_1034 = arith.addf %parallel_loop3A_1032, %parallel_loop3A_1033 : vector<16xf32>
          %parallel_loop3A_1035 = arith.constant 3136 : i32
          %parallel_loop3A_1036 = vector.broadcast %parallel_loop3A_1035 : i32 to vector<16xi32>
          %parallel_loop3A_1037 = arith.addi %parallel_loop3A_1020, %parallel_loop3A_1036 : vector<16xi32>
          %parallel_loop3A_1038 = arith.addi %parallel_loop3A_1021, %parallel_loop3A_1036 : vector<16xi32>
          %parallel_loop3A_1039 = arith.addi %parallel_loop3A_1022, %parallel_loop3A_1036 : vector<16xi32>
          %parallel_loop3A_1040 = arith.addi %parallel_loop3A_1023, %parallel_loop3A_1036 : vector<16xi32>
          %parallel_loop3A_1041 = tpu.vector_load_idx %arg5[%parallel_loop3A_1037] : memref<50176xf32, #tpu.memory_space<vmem>>[vector<16xi32>], vector<16xf32>,
          %parallel_loop3A_1042 = tpu.vector_load_idx %arg5[%parallel_loop3A_1038] : memref<50176xf32, #tpu.memory_space<vmem>>[vector<16xi32>], vector<16xf32>,
          %parallel_loop3A_1043 = tpu.vector_load_idx %arg5[%parallel_loop3A_1039] : memref<50176xf32, #tpu.memory_space<vmem>>[vector<16xi32>], vector<16xf32>,
          %parallel_loop3A_1044 = tpu.vector_load_idx %arg5[%parallel_loop3A_1040] : memref<50176xf32, #tpu.memory_space<vmem>>[vector<16xi32>], vector<16xf32>,
          %parallel_loop3A_1045 = arith.mulf %parallel_loop3A_1010, %parallel_loop3A_1041 : vector<16xf32>
          %parallel_loop3A_1046 = arith.mulf %parallel_loop3A_1011, %parallel_loop3A_1042 : vector<16xf32>
          %parallel_loop3A_1047 = arith.addf %parallel_loop3A_1045, %parallel_loop3A_1046 : vector<16xf32>
          %parallel_loop3A_1048 = arith.mulf %parallel_loop3A_1012, %parallel_loop3A_1043 : vector<16xf32>
          %parallel_loop3A_1049 = arith.addf %parallel_loop3A_1047, %parallel_loop3A_1048 : vector<16xf32>
          %parallel_loop3A_1050 = arith.mulf %parallel_loop3A_1013, %parallel_loop3A_1044 : vector<16xf32>
          %parallel_loop3A_1051 = arith.addf %parallel_loop3A_1049, %parallel_loop3A_1050 : vector<16xf32>
          %parallel_loop3A_1052 = arith.constant 6272 : i32
          %parallel_loop3A_1053 = vector.broadcast %parallel_loop3A_1052 : i32 to vector<16xi32>
          %parallel_loop3A_1054 = arith.addi %parallel_loop3A_1020, %parallel_loop3A_1053 : vector<16xi32>
          %parallel_loop3A_1055 = arith.addi %parallel_loop3A_1021, %parallel_loop3A_1053 : vector<16xi32>
          %parallel_loop3A_1056 = arith.addi %parallel_loop3A_1022, %parallel_loop3A_1053 : vector<16xi32>
          %parallel_loop3A_1057 = arith.addi %parallel_loop3A_1023, %parallel_loop3A_1053 : vector<16xi32>
          %parallel_loop3A_1058 = tpu.vector_load_idx %arg5[%parallel_loop3A_1054] : memref<50176xf32, #tpu.memory_space<vmem>>[vector<16xi32>], vector<16xf32>,
          %parallel_loop3A_1059 = tpu.vector_load_idx %arg5[%parallel_loop3A_1055] : memref<50176xf32, #tpu.memory_space<vmem>>[vector<16xi32>], vector<16xf32>,
          %parallel_loop3A_1060 = tpu.vector_load_idx %arg5[%parallel_loop3A_1056] : memref<50176xf32, #tpu.memory_space<vmem>>[vector<16xi32>], vector<16xf32>,
          %parallel_loop3A_1061 = tpu.vector_load_idx %arg5[%parallel_loop3A_1057] : memref<50176xf32, #tpu.memory_space<vmem>>[vector<16xi32>], vector<16xf32>,
          %parallel_loop3A_1062 = arith.mulf %parallel_loop3A_1010, %parallel_loop3A_1058 : vector<16xf32>
          %parallel_loop3A_1063 = arith.mulf %parallel_loop3A_1011, %parallel_loop3A_1059 : vector<16xf32>
          %parallel_loop3A_1064 = arith.addf %parallel_loop3A_1062, %parallel_loop3A_1063 : vector<16xf32>
          %parallel_loop3A_1065 = arith.mulf %parallel_loop3A_1012, %parallel_loop3A_1060 : vector<16xf32>
          %parallel_loop3A_1066 = arith.addf %parallel_loop3A_1064, %parallel_loop3A_1065 : vector<16xf32>
          %parallel_loop3A_1067 = arith.mulf %parallel_loop3A_1013, %parallel_loop3A_1061 : vector<16xf32>
          %parallel_loop3A_1068 = arith.addf %parallel_loop3A_1066, %parallel_loop3A_1067 : vector<16xf32>
          %parallel_loop3A_1069 = arith.constant 9408 : i32
          %parallel_loop3A_1070 = vector.broadcast %parallel_loop3A_1069 : i32 to vector<16xi32>
          %parallel_loop3A_1071 = arith.addi %parallel_loop3A_1020, %parallel_loop3A_1070 : vector<16xi32>
          %parallel_loop3A_1072 = arith.addi %parallel_loop3A_1021, %parallel_loop3A_1070 : vector<16xi32>
          %parallel_loop3A_1073 = arith.addi %parallel_loop3A_1022, %parallel_loop3A_1070 : vector<16xi32>
          %parallel_loop3A_1074 = arith.addi %parallel_loop3A_1023, %parallel_loop3A_1070 : vector<16xi32>
          %parallel_loop3A_1075 = tpu.vector_load_idx %arg5[%parallel_loop3A_1071] : memref<50176xf32, #tpu.memory_space<vmem>>[vector<16xi32>], vector<16xf32>,
          %parallel_loop3A_1076 = tpu.vector_load_idx %arg5[%parallel_loop3A_1072] : memref<50176xf32, #tpu.memory_space<vmem>>[vector<16xi32>], vector<16xf32>,
          %parallel_loop3A_1077 = tpu.vector_load_idx %arg5[%parallel_loop3A_1073] : memref<50176xf32, #tpu.memory_space<vmem>>[vector<16xi32>], vector<16xf32>,
          %parallel_loop3A_1078 = tpu.vector_load_idx %arg5[%parallel_loop3A_1074] : memref<50176xf32, #tpu.memory_space<vmem>>[vector<16xi32>], vector<16xf32>,
          %parallel_loop3A_1079 = arith.mulf %parallel_loop3A_1010, %parallel_loop3A_1075 : vector<16xf32>
          %parallel_loop3A_1080 = arith.mulf %parallel_loop3A_1011, %parallel_loop3A_1076 : vector<16xf32>
          %parallel_loop3A_1081 = arith.addf %parallel_loop3A_1079, %parallel_loop3A_1080 : vector<16xf32>
          %parallel_loop3A_1082 = arith.mulf %parallel_loop3A_1012, %parallel_loop3A_1077 : vector<16xf32>
          %parallel_loop3A_1083 = arith.addf %parallel_loop3A_1081, %parallel_loop3A_1082 : vector<16xf32>
          %parallel_loop3A_1084 = arith.mulf %parallel_loop3A_1013, %parallel_loop3A_1078 : vector<16xf32>
          %parallel_loop3A_1085 = arith.addf %parallel_loop3A_1083, %parallel_loop3A_1084 : vector<16xf32>
          %parallel_loop3A_1086 = arith.constant 12544 : i32
          %parallel_loop3A_1087 = vector.broadcast %parallel_loop3A_1086 : i32 to vector<16xi32>
          %parallel_loop3A_1088 = arith.addi %parallel_loop3A_1020, %parallel_loop3A_1087 : vector<16xi32>
          %parallel_loop3A_1089 = arith.addi %parallel_loop3A_1021, %parallel_loop3A_1087 : vector<16xi32>
          %parallel_loop3A_1090 = arith.addi %parallel_loop3A_1022, %parallel_loop3A_1087 : vector<16xi32>
          %parallel_loop3A_1091 = arith.addi %parallel_loop3A_1023, %parallel_loop3A_1087 : vector<16xi32>
          %parallel_loop3A_1092 = tpu.vector_load_idx %arg5[%parallel_loop3A_1088] : memref<50176xf32, #tpu.memory_space<vmem>>[vector<16xi32>], vector<16xf32>,
          %parallel_loop3A_1093 = tpu.vector_load_idx %arg5[%parallel_loop3A_1089] : memref<50176xf32, #tpu.memory_space<vmem>>[vector<16xi32>], vector<16xf32>,
          %parallel_loop3A_1094 = tpu.vector_load_idx %arg5[%parallel_loop3A_1090] : memref<50176xf32, #tpu.memory_space<vmem>>[vector<16xi32>], vector<16xf32>,
          %parallel_loop3A_1095 = tpu.vector_load_idx %arg5[%parallel_loop3A_1091] : memref<50176xf32, #tpu.memory_space<vmem>>[vector<16xi32>], vector<16xf32>,
          %parallel_loop3A_1096 = arith.mulf %parallel_loop3A_1010, %parallel_loop3A_1092 : vector<16xf32>
          %parallel_loop3A_1097 = arith.mulf %parallel_loop3A_1011, %parallel_loop3A_1093 : vector<16xf32>
          %parallel_loop3A_1098 = arith.addf %parallel_loop3A_1096, %parallel_loop3A_1097 : vector<16xf32>
          %parallel_loop3A_1099 = arith.mulf %parallel_loop3A_1012, %parallel_loop3A_1094 : vector<16xf32>
          %parallel_loop3A_1100 = arith.addf %parallel_loop3A_1098, %parallel_loop3A_1099 : vector<16xf32>
          %parallel_loop3A_1101 = arith.mulf %parallel_loop3A_1013, %parallel_loop3A_1095 : vector<16xf32>
          %parallel_loop3A_1102 = arith.addf %parallel_loop3A_1100, %parallel_loop3A_1101 : vector<16xf32>
          %parallel_loop3A_1103 = arith.constant 15680 : i32
          %parallel_loop3A_1104 = vector.broadcast %parallel_loop3A_1103 : i32 to vector<16xi32>
          %parallel_loop3A_1105 = arith.addi %parallel_loop3A_1020, %parallel_loop3A_1104 : vector<16xi32>
          %parallel_loop3A_1106 = arith.addi %parallel_loop3A_1021, %parallel_loop3A_1104 : vector<16xi32>
          %parallel_loop3A_1107 = arith.addi %parallel_loop3A_1022, %parallel_loop3A_1104 : vector<16xi32>
          %parallel_loop3A_1108 = arith.addi %parallel_loop3A_1023, %parallel_loop3A_1104 : vector<16xi32>
          %parallel_loop3A_1109 = tpu.vector_load_idx %arg5[%parallel_loop3A_1105] : memref<50176xf32, #tpu.memory_space<vmem>>[vector<16xi32>], vector<16xf32>,
          %parallel_loop3A_1110 = tpu.vector_load_idx %arg5[%parallel_loop3A_1106] : memref<50176xf32, #tpu.memory_space<vmem>>[vector<16xi32>], vector<16xf32>,
          %parallel_loop3A_1111 = tpu.vector_load_idx %arg5[%parallel_loop3A_1107] : memref<50176xf32, #tpu.memory_space<vmem>>[vector<16xi32>], vector<16xf32>,
          %parallel_loop3A_1112 = tpu.vector_load_idx %arg5[%parallel_loop3A_1108] : memref<50176xf32, #tpu.memory_space<vmem>>[vector<16xi32>], vector<16xf32>,
          %parallel_loop3A_1113 = arith.mulf %parallel_loop3A_1010, %parallel_loop3A_1109 : vector<16xf32>
          %parallel_loop3A_1114 = arith.mulf %parallel_loop3A_1011, %parallel_loop3A_1110 : vector<16xf32>
          %parallel_loop3A_1115 = arith.addf %parallel_loop3A_1113, %parallel_loop3A_1114 : vector<16xf32>
          %parallel_loop3A_1116 = arith.mulf %parallel_loop3A_1012, %parallel_loop3A_1111 : vector<16xf32>
          %parallel_loop3A_1117 = arith.addf %parallel_loop3A_1115, %parallel_loop3A_1116 : vector<16xf32>
          %parallel_loop3A_1118 = arith.mulf %parallel_loop3A_1013, %parallel_loop3A_1112 : vector<16xf32>
          %parallel_loop3A_1119 = arith.addf %parallel_loop3A_1117, %parallel_loop3A_1118 : vector<16xf32>
          %parallel_loop3A_1120 = arith.constant 18816 : i32
          %parallel_loop3A_1121 = vector.broadcast %parallel_loop3A_1120 : i32 to vector<16xi32>
          %parallel_loop3A_1122 = arith.addi %parallel_loop3A_1020, %parallel_loop3A_1121 : vector<16xi32>
          %parallel_loop3A_1123 = arith.addi %parallel_loop3A_1021, %parallel_loop3A_1121 : vector<16xi32>
          %parallel_loop3A_1124 = arith.addi %parallel_loop3A_1022, %parallel_loop3A_1121 : vector<16xi32>
          %parallel_loop3A_1125 = arith.addi %parallel_loop3A_1023, %parallel_loop3A_1121 : vector<16xi32>
          %parallel_loop3A_1126 = tpu.vector_load_idx %arg5[%parallel_loop3A_1122] : memref<50176xf32, #tpu.memory_space<vmem>>[vector<16xi32>], vector<16xf32>,
          %parallel_loop3A_1127 = tpu.vector_load_idx %arg5[%parallel_loop3A_1123] : memref<50176xf32, #tpu.memory_space<vmem>>[vector<16xi32>], vector<16xf32>,
          %parallel_loop3A_1128 = tpu.vector_load_idx %arg5[%parallel_loop3A_1124] : memref<50176xf32, #tpu.memory_space<vmem>>[vector<16xi32>], vector<16xf32>,
          %parallel_loop3A_1129 = tpu.vector_load_idx %arg5[%parallel_loop3A_1125] : memref<50176xf32, #tpu.memory_space<vmem>>[vector<16xi32>], vector<16xf32>,
          %parallel_loop3A_1130 = arith.mulf %parallel_loop3A_1010, %parallel_loop3A_1126 : vector<16xf32>
          %parallel_loop3A_1131 = arith.mulf %parallel_loop3A_1011, %parallel_loop3A_1127 : vector<16xf32>
          %parallel_loop3A_1132 = arith.addf %parallel_loop3A_1130, %parallel_loop3A_1131 : vector<16xf32>
          %parallel_loop3A_1133 = arith.mulf %parallel_loop3A_1012, %parallel_loop3A_1128 : vector<16xf32>
          %parallel_loop3A_1134 = arith.addf %parallel_loop3A_1132, %parallel_loop3A_1133 : vector<16xf32>
          %parallel_loop3A_1135 = arith.mulf %parallel_loop3A_1013, %parallel_loop3A_1129 : vector<16xf32>
          %parallel_loop3A_1136 = arith.addf %parallel_loop3A_1134, %parallel_loop3A_1135 : vector<16xf32>
          %parallel_loop3A_1137 = arith.constant 21952 : i32
          %parallel_loop3A_1138 = vector.broadcast %parallel_loop3A_1137 : i32 to vector<16xi32>
          %parallel_loop3A_1139 = arith.addi %parallel_loop3A_1020, %parallel_loop3A_1138 : vector<16xi32>
          %parallel_loop3A_1140 = arith.addi %parallel_loop3A_1021, %parallel_loop3A_1138 : vector<16xi32>
          %parallel_loop3A_1141 = arith.addi %parallel_loop3A_1022, %parallel_loop3A_1138 : vector<16xi32>
          %parallel_loop3A_1142 = arith.addi %parallel_loop3A_1023, %parallel_loop3A_1138 : vector<16xi32>
          %parallel_loop3A_1143 = tpu.vector_load_idx %arg5[%parallel_loop3A_1139] : memref<50176xf32, #tpu.memory_space<vmem>>[vector<16xi32>], vector<16xf32>,
          %parallel_loop3A_1144 = tpu.vector_load_idx %arg5[%parallel_loop3A_1140] : memref<50176xf32, #tpu.memory_space<vmem>>[vector<16xi32>], vector<16xf32>,
          %parallel_loop3A_1145 = tpu.vector_load_idx %arg5[%parallel_loop3A_1141] : memref<50176xf32, #tpu.memory_space<vmem>>[vector<16xi32>], vector<16xf32>,
          %parallel_loop3A_1146 = tpu.vector_load_idx %arg5[%parallel_loop3A_1142] : memref<50176xf32, #tpu.memory_space<vmem>>[vector<16xi32>], vector<16xf32>,
          %parallel_loop3A_1147 = arith.mulf %parallel_loop3A_1010, %parallel_loop3A_1143 : vector<16xf32>
          %parallel_loop3A_1148 = arith.mulf %parallel_loop3A_1011, %parallel_loop3A_1144 : vector<16xf32>
          %parallel_loop3A_1149 = arith.addf %parallel_loop3A_1147, %parallel_loop3A_1148 : vector<16xf32>
          %parallel_loop3A_1150 = arith.mulf %parallel_loop3A_1012, %parallel_loop3A_1145 : vector<16xf32>
          %parallel_loop3A_1151 = arith.addf %parallel_loop3A_1149, %parallel_loop3A_1150 : vector<16xf32>
          %parallel_loop3A_1152 = arith.mulf %parallel_loop3A_1013, %parallel_loop3A_1146 : vector<16xf32>
          %parallel_loop3A_1153 = arith.addf %parallel_loop3A_1151, %parallel_loop3A_1152 : vector<16xf32>
          %parallel_loop3A_1154 = arith.constant 25088 : i32
          %parallel_loop3A_1155 = vector.broadcast %parallel_loop3A_1154 : i32 to vector<16xi32>
          %parallel_loop3A_1156 = arith.addi %parallel_loop3A_1020, %parallel_loop3A_1155 : vector<16xi32>
          %parallel_loop3A_1157 = arith.addi %parallel_loop3A_1021, %parallel_loop3A_1155 : vector<16xi32>
          %parallel_loop3A_1158 = arith.addi %parallel_loop3A_1022, %parallel_loop3A_1155 : vector<16xi32>
          %parallel_loop3A_1159 = arith.addi %parallel_loop3A_1023, %parallel_loop3A_1155 : vector<16xi32>
          %parallel_loop3A_1160 = tpu.vector_load_idx %arg5[%parallel_loop3A_1156] : memref<50176xf32, #tpu.memory_space<vmem>>[vector<16xi32>], vector<16xf32>,
          %parallel_loop3A_1161 = tpu.vector_load_idx %arg5[%parallel_loop3A_1157] : memref<50176xf32, #tpu.memory_space<vmem>>[vector<16xi32>], vector<16xf32>,
          %parallel_loop3A_1162 = tpu.vector_load_idx %arg5[%parallel_loop3A_1158] : memref<50176xf32, #tpu.memory_space<vmem>>[vector<16xi32>], vector<16xf32>,
          %parallel_loop3A_1163 = tpu.vector_load_idx %arg5[%parallel_loop3A_1159] : memref<50176xf32, #tpu.memory_space<vmem>>[vector<16xi32>], vector<16xf32>,
          %parallel_loop3A_1164 = arith.mulf %parallel_loop3A_1010, %parallel_loop3A_1160 : vector<16xf32>
          %parallel_loop3A_1165 = arith.mulf %parallel_loop3A_1011, %parallel_loop3A_1161 : vector<16xf32>
          %parallel_loop3A_1166 = arith.addf %parallel_loop3A_1164, %parallel_loop3A_1165 : vector<16xf32>
          %parallel_loop3A_1167 = arith.mulf %parallel_loop3A_1012, %parallel_loop3A_1162 : vector<16xf32>
          %parallel_loop3A_1168 = arith.addf %parallel_loop3A_1166, %parallel_loop3A_1167 : vector<16xf32>
          %parallel_loop3A_1169 = arith.mulf %parallel_loop3A_1013, %parallel_loop3A_1163 : vector<16xf32>
          %parallel_loop3A_1170 = arith.addf %parallel_loop3A_1168, %parallel_loop3A_1169 : vector<16xf32>
          %parallel_loop3A_1171 = arith.constant 28224 : i32
          %parallel_loop3A_1172 = vector.broadcast %parallel_loop3A_1171 : i32 to vector<16xi32>
          %parallel_loop3A_1173 = arith.addi %parallel_loop3A_1020, %parallel_loop3A_1172 : vector<16xi32>
          %parallel_loop3A_1174 = arith.addi %parallel_loop3A_1021, %parallel_loop3A_1172 : vector<16xi32>
          %parallel_loop3A_1175 = arith.addi %parallel_loop3A_1022, %parallel_loop3A_1172 : vector<16xi32>
          %parallel_loop3A_1176 = arith.addi %parallel_loop3A_1023, %parallel_loop3A_1172 : vector<16xi32>
          %parallel_loop3A_1177 = tpu.vector_load_idx %arg5[%parallel_loop3A_1173] : memref<50176xf32, #tpu.memory_space<vmem>>[vector<16xi32>], vector<16xf32>,
          %parallel_loop3A_1178 = tpu.vector_load_idx %arg5[%parallel_loop3A_1174] : memref<50176xf32, #tpu.memory_space<vmem>>[vector<16xi32>], vector<16xf32>,
          %parallel_loop3A_1179 = tpu.vector_load_idx %arg5[%parallel_loop3A_1175] : memref<50176xf32, #tpu.memory_space<vmem>>[vector<16xi32>], vector<16xf32>,
          %parallel_loop3A_1180 = tpu.vector_load_idx %arg5[%parallel_loop3A_1176] : memref<50176xf32, #tpu.memory_space<vmem>>[vector<16xi32>], vector<16xf32>,
          %parallel_loop3A_1181 = arith.mulf %parallel_loop3A_1010, %parallel_loop3A_1177 : vector<16xf32>
          %parallel_loop3A_1182 = arith.mulf %parallel_loop3A_1011, %parallel_loop3A_1178 : vector<16xf32>
          %parallel_loop3A_1183 = arith.addf %parallel_loop3A_1181, %parallel_loop3A_1182 : vector<16xf32>
          %parallel_loop3A_1184 = arith.mulf %parallel_loop3A_1012, %parallel_loop3A_1179 : vector<16xf32>
          %parallel_loop3A_1185 = arith.addf %parallel_loop3A_1183, %parallel_loop3A_1184 : vector<16xf32>
          %parallel_loop3A_1186 = arith.mulf %parallel_loop3A_1013, %parallel_loop3A_1180 : vector<16xf32>
          %parallel_loop3A_1187 = arith.addf %parallel_loop3A_1185, %parallel_loop3A_1186 : vector<16xf32>
          %parallel_loop3A_1188 = arith.constant 31360 : i32
          %parallel_loop3A_1189 = vector.broadcast %parallel_loop3A_1188 : i32 to vector<16xi32>
          %parallel_loop3A_1190 = arith.addi %parallel_loop3A_1020, %parallel_loop3A_1189 : vector<16xi32>
          %parallel_loop3A_1191 = arith.addi %parallel_loop3A_1021, %parallel_loop3A_1189 : vector<16xi32>
          %parallel_loop3A_1192 = arith.addi %parallel_loop3A_1022, %parallel_loop3A_1189 : vector<16xi32>
          %parallel_loop3A_1193 = arith.addi %parallel_loop3A_1023, %parallel_loop3A_1189 : vector<16xi32>
          %parallel_loop3A_1194 = tpu.vector_load_idx %arg5[%parallel_loop3A_1190] : memref<50176xf32, #tpu.memory_space<vmem>>[vector<16xi32>], vector<16xf32>,
          %parallel_loop3A_1195 = tpu.vector_load_idx %arg5[%parallel_loop3A_1191] : memref<50176xf32, #tpu.memory_space<vmem>>[vector<16xi32>], vector<16xf32>,
          %parallel_loop3A_1196 = tpu.vector_load_idx %arg5[%parallel_loop3A_1192] : memref<50176xf32, #tpu.memory_space<vmem>>[vector<16xi32>], vector<16xf32>,
          %parallel_loop3A_1197 = tpu.vector_load_idx %arg5[%parallel_loop3A_1193] : memref<50176xf32, #tpu.memory_space<vmem>>[vector<16xi32>], vector<16xf32>,
          %parallel_loop3A_1198 = arith.mulf %parallel_loop3A_1010, %parallel_loop3A_1194 : vector<16xf32>
          %parallel_loop3A_1199 = arith.mulf %parallel_loop3A_1011, %parallel_loop3A_1195 : vector<16xf32>
          %parallel_loop3A_1200 = arith.addf %parallel_loop3A_1198, %parallel_loop3A_1199 : vector<16xf32>
          %parallel_loop3A_1201 = arith.mulf %parallel_loop3A_1012, %parallel_loop3A_1196 : vector<16xf32>
          %parallel_loop3A_1202 = arith.addf %parallel_loop3A_1200, %parallel_loop3A_1201 : vector<16xf32>
          %parallel_loop3A_1203 = arith.mulf %parallel_loop3A_1013, %parallel_loop3A_1197 : vector<16xf32>
          %parallel_loop3A_1204 = arith.addf %parallel_loop3A_1202, %parallel_loop3A_1203 : vector<16xf32>
          %parallel_loop3A_1205 = arith.constant 34496 : i32
          %parallel_loop3A_1206 = vector.broadcast %parallel_loop3A_1205 : i32 to vector<16xi32>
          %parallel_loop3A_1207 = arith.addi %parallel_loop3A_1020, %parallel_loop3A_1206 : vector<16xi32>
          %parallel_loop3A_1208 = arith.addi %parallel_loop3A_1021, %parallel_loop3A_1206 : vector<16xi32>
          %parallel_loop3A_1209 = arith.addi %parallel_loop3A_1022, %parallel_loop3A_1206 : vector<16xi32>
          %parallel_loop3A_1210 = arith.addi %parallel_loop3A_1023, %parallel_loop3A_1206 : vector<16xi32>
          %parallel_loop3A_1211 = tpu.vector_load_idx %arg5[%parallel_loop3A_1207] : memref<50176xf32, #tpu.memory_space<vmem>>[vector<16xi32>], vector<16xf32>,
          %parallel_loop3A_1212 = tpu.vector_load_idx %arg5[%parallel_loop3A_1208] : memref<50176xf32, #tpu.memory_space<vmem>>[vector<16xi32>], vector<16xf32>,
          %parallel_loop3A_1213 = tpu.vector_load_idx %arg5[%parallel_loop3A_1209] : memref<50176xf32, #tpu.memory_space<vmem>>[vector<16xi32>], vector<16xf32>,
          %parallel_loop3A_1214 = tpu.vector_load_idx %arg5[%parallel_loop3A_1210] : memref<50176xf32, #tpu.memory_space<vmem>>[vector<16xi32>], vector<16xf32>,
          %parallel_loop3A_1215 = arith.mulf %parallel_loop3A_1010, %parallel_loop3A_1211 : vector<16xf32>
          %parallel_loop3A_1216 = arith.mulf %parallel_loop3A_1011, %parallel_loop3A_1212 : vector<16xf32>
          %parallel_loop3A_1217 = arith.addf %parallel_loop3A_1215, %parallel_loop3A_1216 : vector<16xf32>
          %parallel_loop3A_1218 = arith.mulf %parallel_loop3A_1012, %parallel_loop3A_1213 : vector<16xf32>
          %parallel_loop3A_1219 = arith.addf %parallel_loop3A_1217, %parallel_loop3A_1218 : vector<16xf32>
          %parallel_loop3A_1220 = arith.mulf %parallel_loop3A_1013, %parallel_loop3A_1214 : vector<16xf32>
          %parallel_loop3A_1221 = arith.addf %parallel_loop3A_1219, %parallel_loop3A_1220 : vector<16xf32>
          %parallel_loop3A_1222 = arith.constant 37632 : i32
          %parallel_loop3A_1223 = vector.broadcast %parallel_loop3A_1222 : i32 to vector<16xi32>
          %parallel_loop3A_1224 = arith.addi %parallel_loop3A_1020, %parallel_loop3A_1223 : vector<16xi32>
          %parallel_loop3A_1225 = arith.addi %parallel_loop3A_1021, %parallel_loop3A_1223 : vector<16xi32>
          %parallel_loop3A_1226 = arith.addi %parallel_loop3A_1022, %parallel_loop3A_1223 : vector<16xi32>
          %parallel_loop3A_1227 = arith.addi %parallel_loop3A_1023, %parallel_loop3A_1223 : vector<16xi32>
          %parallel_loop3A_1228 = tpu.vector_load_idx %arg5[%parallel_loop3A_1224] : memref<50176xf32, #tpu.memory_space<vmem>>[vector<16xi32>], vector<16xf32>,
          %parallel_loop3A_1229 = tpu.vector_load_idx %arg5[%parallel_loop3A_1225] : memref<50176xf32, #tpu.memory_space<vmem>>[vector<16xi32>], vector<16xf32>,
          %parallel_loop3A_1230 = tpu.vector_load_idx %arg5[%parallel_loop3A_1226] : memref<50176xf32, #tpu.memory_space<vmem>>[vector<16xi32>], vector<16xf32>,
          %parallel_loop3A_1231 = tpu.vector_load_idx %arg5[%parallel_loop3A_1227] : memref<50176xf32, #tpu.memory_space<vmem>>[vector<16xi32>], vector<16xf32>,
          %parallel_loop3A_1232 = arith.mulf %parallel_loop3A_1010, %parallel_loop3A_1228 : vector<16xf32>
          %parallel_loop3A_1233 = arith.mulf %parallel_loop3A_1011, %parallel_loop3A_1229 : vector<16xf32>
          %parallel_loop3A_1234 = arith.addf %parallel_loop3A_1232, %parallel_loop3A_1233 : vector<16xf32>
          %parallel_loop3A_1235 = arith.mulf %parallel_loop3A_1012, %parallel_loop3A_1230 : vector<16xf32>
          %parallel_loop3A_1236 = arith.addf %parallel_loop3A_1234, %parallel_loop3A_1235 : vector<16xf32>
          %parallel_loop3A_1237 = arith.mulf %parallel_loop3A_1013, %parallel_loop3A_1231 : vector<16xf32>
          %parallel_loop3A_1238 = arith.addf %parallel_loop3A_1236, %parallel_loop3A_1237 : vector<16xf32>
          %parallel_loop3A_1239 = arith.constant 40768 : i32
          %parallel_loop3A_1240 = vector.broadcast %parallel_loop3A_1239 : i32 to vector<16xi32>
          %parallel_loop3A_1241 = arith.addi %parallel_loop3A_1020, %parallel_loop3A_1240 : vector<16xi32>
          %parallel_loop3A_1242 = arith.addi %parallel_loop3A_1021, %parallel_loop3A_1240 : vector<16xi32>
          %parallel_loop3A_1243 = arith.addi %parallel_loop3A_1022, %parallel_loop3A_1240 : vector<16xi32>
          %parallel_loop3A_1244 = arith.addi %parallel_loop3A_1023, %parallel_loop3A_1240 : vector<16xi32>
          %parallel_loop3A_1245 = tpu.vector_load_idx %arg5[%parallel_loop3A_1241] : memref<50176xf32, #tpu.memory_space<vmem>>[vector<16xi32>], vector<16xf32>,
          %parallel_loop3A_1246 = tpu.vector_load_idx %arg5[%parallel_loop3A_1242] : memref<50176xf32, #tpu.memory_space<vmem>>[vector<16xi32>], vector<16xf32>,
          %parallel_loop3A_1247 = tpu.vector_load_idx %arg5[%parallel_loop3A_1243] : memref<50176xf32, #tpu.memory_space<vmem>>[vector<16xi32>], vector<16xf32>,
          %parallel_loop3A_1248 = tpu.vector_load_idx %arg5[%parallel_loop3A_1244] : memref<50176xf32, #tpu.memory_space<vmem>>[vector<16xi32>], vector<16xf32>,
          %parallel_loop3A_1249 = arith.mulf %parallel_loop3A_1010, %parallel_loop3A_1245 : vector<16xf32>
          %parallel_loop3A_1250 = arith.mulf %parallel_loop3A_1011, %parallel_loop3A_1246 : vector<16xf32>
          %parallel_loop3A_1251 = arith.addf %parallel_loop3A_1249, %parallel_loop3A_1250 : vector<16xf32>
          %parallel_loop3A_1252 = arith.mulf %parallel_loop3A_1012, %parallel_loop3A_1247 : vector<16xf32>
          %parallel_loop3A_1253 = arith.addf %parallel_loop3A_1251, %parallel_loop3A_1252 : vector<16xf32>
          %parallel_loop3A_1254 = arith.mulf %parallel_loop3A_1013, %parallel_loop3A_1248 : vector<16xf32>
          %parallel_loop3A_1255 = arith.addf %parallel_loop3A_1253, %parallel_loop3A_1254 : vector<16xf32>
          %parallel_loop3A_1256 = arith.constant 43904 : i32
          %parallel_loop3A_1257 = vector.broadcast %parallel_loop3A_1256 : i32 to vector<16xi32>
          %parallel_loop3A_1258 = arith.addi %parallel_loop3A_1020, %parallel_loop3A_1257 : vector<16xi32>
          %parallel_loop3A_1259 = arith.addi %parallel_loop3A_1021, %parallel_loop3A_1257 : vector<16xi32>
          %parallel_loop3A_1260 = arith.addi %parallel_loop3A_1022, %parallel_loop3A_1257 : vector<16xi32>
          %parallel_loop3A_1261 = arith.addi %parallel_loop3A_1023, %parallel_loop3A_1257 : vector<16xi32>
          %parallel_loop3A_1262 = tpu.vector_load_idx %arg5[%parallel_loop3A_1258] : memref<50176xf32, #tpu.memory_space<vmem>>[vector<16xi32>], vector<16xf32>,
          %parallel_loop3A_1263 = tpu.vector_load_idx %arg5[%parallel_loop3A_1259] : memref<50176xf32, #tpu.memory_space<vmem>>[vector<16xi32>], vector<16xf32>,
          %parallel_loop3A_1264 = tpu.vector_load_idx %arg5[%parallel_loop3A_1260] : memref<50176xf32, #tpu.memory_space<vmem>>[vector<16xi32>], vector<16xf32>,
          %parallel_loop3A_1265 = tpu.vector_load_idx %arg5[%parallel_loop3A_1261] : memref<50176xf32, #tpu.memory_space<vmem>>[vector<16xi32>], vector<16xf32>,
          %parallel_loop3A_1266 = arith.mulf %parallel_loop3A_1010, %parallel_loop3A_1262 : vector<16xf32>
          %parallel_loop3A_1267 = arith.mulf %parallel_loop3A_1011, %parallel_loop3A_1263 : vector<16xf32>
          %parallel_loop3A_1268 = arith.addf %parallel_loop3A_1266, %parallel_loop3A_1267 : vector<16xf32>
          %parallel_loop3A_1269 = arith.mulf %parallel_loop3A_1012, %parallel_loop3A_1264 : vector<16xf32>
          %parallel_loop3A_1270 = arith.addf %parallel_loop3A_1268, %parallel_loop3A_1269 : vector<16xf32>
          %parallel_loop3A_1271 = arith.mulf %parallel_loop3A_1013, %parallel_loop3A_1265 : vector<16xf32>
          %parallel_loop3A_1272 = arith.addf %parallel_loop3A_1270, %parallel_loop3A_1271 : vector<16xf32>
          %parallel_loop3A_1273 = arith.constant 47040 : i32
          %parallel_loop3A_1274 = vector.broadcast %parallel_loop3A_1273 : i32 to vector<16xi32>
          %parallel_loop3A_1275 = arith.addi %parallel_loop3A_1020, %parallel_loop3A_1274 : vector<16xi32>
          %parallel_loop3A_1276 = arith.addi %parallel_loop3A_1021, %parallel_loop3A_1274 : vector<16xi32>
          %parallel_loop3A_1277 = arith.addi %parallel_loop3A_1022, %parallel_loop3A_1274 : vector<16xi32>
          %parallel_loop3A_1278 = arith.addi %parallel_loop3A_1023, %parallel_loop3A_1274 : vector<16xi32>
          %parallel_loop3A_1279 = tpu.vector_load_idx %arg5[%parallel_loop3A_1275] : memref<50176xf32, #tpu.memory_space<vmem>>[vector<16xi32>], vector<16xf32>,
          %parallel_loop3A_1280 = tpu.vector_load_idx %arg5[%parallel_loop3A_1276] : memref<50176xf32, #tpu.memory_space<vmem>>[vector<16xi32>], vector<16xf32>,
          %parallel_loop3A_1281 = tpu.vector_load_idx %arg5[%parallel_loop3A_1277] : memref<50176xf32, #tpu.memory_space<vmem>>[vector<16xi32>], vector<16xf32>,
          %parallel_loop3A_1282 = tpu.vector_load_idx %arg5[%parallel_loop3A_1278] : memref<50176xf32, #tpu.memory_space<vmem>>[vector<16xi32>], vector<16xf32>,
          %parallel_loop3A_1283 = arith.mulf %parallel_loop3A_1010, %parallel_loop3A_1279 : vector<16xf32>
          %parallel_loop3A_1284 = arith.mulf %parallel_loop3A_1011, %parallel_loop3A_1280 : vector<16xf32>
          %parallel_loop3A_1285 = arith.addf %parallel_loop3A_1283, %parallel_loop3A_1284 : vector<16xf32>
          %parallel_loop3A_1286 = arith.mulf %parallel_loop3A_1012, %parallel_loop3A_1281 : vector<16xf32>
          %parallel_loop3A_1287 = arith.addf %parallel_loop3A_1285, %parallel_loop3A_1286 : vector<16xf32>
          %parallel_loop3A_1288 = arith.mulf %parallel_loop3A_1013, %parallel_loop3A_1282 : vector<16xf32>
          %parallel_loop3A_1289 = arith.addf %parallel_loop3A_1287, %parallel_loop3A_1288 : vector<16xf32>
          %parallel_loop3A_1290 = arith.constant 0 : i32
          %parallel_loop3A_1291 = arith.index_cast %parallel_loop3A_1290 : i32 to index
          %parallel_loop3A_1292 = arith.index_cast %parallel_loop3A_136 : i32 to index
          %parallel_loop3A_1293 = arith.constant 32 : index
          %parallel_loop3A_1294 = tpu.vector_load %arg7[%parallel_loop3A_1291, %parallel_loop3A_1292, %parallel_loop3A_1293] {strides = array<i32>} : memref<16x8x48xf32, #tpu.memory_space<vmem>>, vector<16xf32>,
          tpu.vector_store %arg7[%parallel_loop3A_1291, %parallel_loop3A_1292, %parallel_loop3A_1293], %parallel_loop3A_1034 {strides = array<i32>} : memref<16x8x48xf32, #tpu.memory_space<vmem>>, vector<16xf32>,
          %parallel_loop3A_1295 = arith.constant 1 : i32
          %parallel_loop3A_1296 = arith.index_cast %parallel_loop3A_1295 : i32 to index
          %parallel_loop3A_1297 = arith.index_cast %parallel_loop3A_136 : i32 to index
          %parallel_loop3A_1298 = arith.constant 32 : index
          %parallel_loop3A_1299 = tpu.vector_load %arg7[%parallel_loop3A_1296, %parallel_loop3A_1297, %parallel_loop3A_1298] {strides = array<i32>} : memref<16x8x48xf32, #tpu.memory_space<vmem>>, vector<16xf32>,
          tpu.vector_store %arg7[%parallel_loop3A_1296, %parallel_loop3A_1297, %parallel_loop3A_1298], %parallel_loop3A_1051 {strides = array<i32>} : memref<16x8x48xf32, #tpu.memory_space<vmem>>, vector<16xf32>,
          %parallel_loop3A_1300 = arith.constant 2 : i32
          %parallel_loop3A_1301 = arith.index_cast %parallel_loop3A_1300 : i32 to index
          %parallel_loop3A_1302 = arith.index_cast %parallel_loop3A_136 : i32 to index
          %parallel_loop3A_1303 = arith.constant 32 : index
          %parallel_loop3A_1304 = tpu.vector_load %arg7[%parallel_loop3A_1301, %parallel_loop3A_1302, %parallel_loop3A_1303] {strides = array<i32>} : memref<16x8x48xf32, #tpu.memory_space<vmem>>, vector<16xf32>,
          tpu.vector_store %arg7[%parallel_loop3A_1301, %parallel_loop3A_1302, %parallel_loop3A_1303], %parallel_loop3A_1068 {strides = array<i32>} : memref<16x8x48xf32, #tpu.memory_space<vmem>>, vector<16xf32>,
          %parallel_loop3A_1305 = arith.constant 3 : i32
          %parallel_loop3A_1306 = arith.index_cast %parallel_loop3A_1305 : i32 to index
          %parallel_loop3A_1307 = arith.index_cast %parallel_loop3A_136 : i32 to index
          %parallel_loop3A_1308 = arith.constant 32 : index
          %parallel_loop3A_1309 = tpu.vector_load %arg7[%parallel_loop3A_1306, %parallel_loop3A_1307, %parallel_loop3A_1308] {strides = array<i32>} : memref<16x8x48xf32, #tpu.memory_space<vmem>>, vector<16xf32>,
          tpu.vector_store %arg7[%parallel_loop3A_1306, %parallel_loop3A_1307, %parallel_loop3A_1308], %parallel_loop3A_1085 {strides = array<i32>} : memref<16x8x48xf32, #tpu.memory_space<vmem>>, vector<16xf32>,
          %parallel_loop3A_1310 = arith.constant 4 : i32
          %parallel_loop3A_1311 = arith.index_cast %parallel_loop3A_1310 : i32 to index
          %parallel_loop3A_1312 = arith.index_cast %parallel_loop3A_136 : i32 to index
          %parallel_loop3A_1313 = arith.constant 32 : index
          %parallel_loop3A_1314 = tpu.vector_load %arg7[%parallel_loop3A_1311, %parallel_loop3A_1312, %parallel_loop3A_1313] {strides = array<i32>} : memref<16x8x48xf32, #tpu.memory_space<vmem>>, vector<16xf32>,
          tpu.vector_store %arg7[%parallel_loop3A_1311, %parallel_loop3A_1312, %parallel_loop3A_1313], %parallel_loop3A_1102 {strides = array<i32>} : memref<16x8x48xf32, #tpu.memory_space<vmem>>, vector<16xf32>,
          %parallel_loop3A_1315 = arith.constant 5 : i32
          %parallel_loop3A_1316 = arith.index_cast %parallel_loop3A_1315 : i32 to index
          %parallel_loop3A_1317 = arith.index_cast %parallel_loop3A_136 : i32 to index
          %parallel_loop3A_1318 = arith.constant 32 : index
          %parallel_loop3A_1319 = tpu.vector_load %arg7[%parallel_loop3A_1316, %parallel_loop3A_1317, %parallel_loop3A_1318] {strides = array<i32>} : memref<16x8x48xf32, #tpu.memory_space<vmem>>, vector<16xf32>,
          tpu.vector_store %arg7[%parallel_loop3A_1316, %parallel_loop3A_1317, %parallel_loop3A_1318], %parallel_loop3A_1119 {strides = array<i32>} : memref<16x8x48xf32, #tpu.memory_space<vmem>>, vector<16xf32>,
          %parallel_loop3A_1320 = arith.constant 6 : i32
          %parallel_loop3A_1321 = arith.index_cast %parallel_loop3A_1320 : i32 to index
          %parallel_loop3A_1322 = arith.index_cast %parallel_loop3A_136 : i32 to index
          %parallel_loop3A_1323 = arith.constant 32 : index
          %parallel_loop3A_1324 = tpu.vector_load %arg7[%parallel_loop3A_1321, %parallel_loop3A_1322, %parallel_loop3A_1323] {strides = array<i32>} : memref<16x8x48xf32, #tpu.memory_space<vmem>>, vector<16xf32>,
          tpu.vector_store %arg7[%parallel_loop3A_1321, %parallel_loop3A_1322, %parallel_loop3A_1323], %parallel_loop3A_1136 {strides = array<i32>} : memref<16x8x48xf32, #tpu.memory_space<vmem>>, vector<16xf32>,
          %parallel_loop3A_1325 = arith.constant 7 : i32
          %parallel_loop3A_1326 = arith.index_cast %parallel_loop3A_1325 : i32 to index
          %parallel_loop3A_1327 = arith.index_cast %parallel_loop3A_136 : i32 to index
          %parallel_loop3A_1328 = arith.constant 32 : index
          %parallel_loop3A_1329 = tpu.vector_load %arg7[%parallel_loop3A_1326, %parallel_loop3A_1327, %parallel_loop3A_1328] {strides = array<i32>} : memref<16x8x48xf32, #tpu.memory_space<vmem>>, vector<16xf32>,
          tpu.vector_store %arg7[%parallel_loop3A_1326, %parallel_loop3A_1327, %parallel_loop3A_1328], %parallel_loop3A_1153 {strides = array<i32>} : memref<16x8x48xf32, #tpu.memory_space<vmem>>, vector<16xf32>,
          %parallel_loop3A_1330 = arith.constant 8 : i32
          %parallel_loop3A_1331 = arith.index_cast %parallel_loop3A_1330 : i32 to index
          %parallel_loop3A_1332 = arith.index_cast %parallel_loop3A_136 : i32 to index
          %parallel_loop3A_1333 = arith.constant 32 : index
          %parallel_loop3A_1334 = tpu.vector_load %arg7[%parallel_loop3A_1331, %parallel_loop3A_1332, %parallel_loop3A_1333] {strides = array<i32>} : memref<16x8x48xf32, #tpu.memory_space<vmem>>, vector<16xf32>,
          tpu.vector_store %arg7[%parallel_loop3A_1331, %parallel_loop3A_1332, %parallel_loop3A_1333], %parallel_loop3A_1170 {strides = array<i32>} : memref<16x8x48xf32, #tpu.memory_space<vmem>>, vector<16xf32>,
          %parallel_loop3A_1335 = arith.constant 9 : i32
          %parallel_loop3A_1336 = arith.index_cast %parallel_loop3A_1335 : i32 to index
          %parallel_loop3A_1337 = arith.index_cast %parallel_loop3A_136 : i32 to index
          %parallel_loop3A_1338 = arith.constant 32 : index
          %parallel_loop3A_1339 = tpu.vector_load %arg7[%parallel_loop3A_1336, %parallel_loop3A_1337, %parallel_loop3A_1338] {strides = array<i32>} : memref<16x8x48xf32, #tpu.memory_space<vmem>>, vector<16xf32>,
          tpu.vector_store %arg7[%parallel_loop3A_1336, %parallel_loop3A_1337, %parallel_loop3A_1338], %parallel_loop3A_1187 {strides = array<i32>} : memref<16x8x48xf32, #tpu.memory_space<vmem>>, vector<16xf32>,
          %parallel_loop3A_1340 = arith.constant 10 : i32
          %parallel_loop3A_1341 = arith.index_cast %parallel_loop3A_1340 : i32 to index
          %parallel_loop3A_1342 = arith.index_cast %parallel_loop3A_136 : i32 to index
          %parallel_loop3A_1343 = arith.constant 32 : index
          %parallel_loop3A_1344 = tpu.vector_load %arg7[%parallel_loop3A_1341, %parallel_loop3A_1342, %parallel_loop3A_1343] {strides = array<i32>} : memref<16x8x48xf32, #tpu.memory_space<vmem>>, vector<16xf32>,
          tpu.vector_store %arg7[%parallel_loop3A_1341, %parallel_loop3A_1342, %parallel_loop3A_1343], %parallel_loop3A_1204 {strides = array<i32>} : memref<16x8x48xf32, #tpu.memory_space<vmem>>, vector<16xf32>,
          %parallel_loop3A_1345 = arith.constant 11 : i32
          %parallel_loop3A_1346 = arith.index_cast %parallel_loop3A_1345 : i32 to index
          %parallel_loop3A_1347 = arith.index_cast %parallel_loop3A_136 : i32 to index
          %parallel_loop3A_1348 = arith.constant 32 : index
          %parallel_loop3A_1349 = tpu.vector_load %arg7[%parallel_loop3A_1346, %parallel_loop3A_1347, %parallel_loop3A_1348] {strides = array<i32>} : memref<16x8x48xf32, #tpu.memory_space<vmem>>, vector<16xf32>,
          tpu.vector_store %arg7[%parallel_loop3A_1346, %parallel_loop3A_1347, %parallel_loop3A_1348], %parallel_loop3A_1221 {strides = array<i32>} : memref<16x8x48xf32, #tpu.memory_space<vmem>>, vector<16xf32>,
          %parallel_loop3A_1350 = arith.constant 12 : i32
          %parallel_loop3A_1351 = arith.index_cast %parallel_loop3A_1350 : i32 to index
          %parallel_loop3A_1352 = arith.index_cast %parallel_loop3A_136 : i32 to index
          %parallel_loop3A_1353 = arith.constant 32 : index
          %parallel_loop3A_1354 = tpu.vector_load %arg7[%parallel_loop3A_1351, %parallel_loop3A_1352, %parallel_loop3A_1353] {strides = array<i32>} : memref<16x8x48xf32, #tpu.memory_space<vmem>>, vector<16xf32>,
          tpu.vector_store %arg7[%parallel_loop3A_1351, %parallel_loop3A_1352, %parallel_loop3A_1353], %parallel_loop3A_1238 {strides = array<i32>} : memref<16x8x48xf32, #tpu.memory_space<vmem>>, vector<16xf32>,
          %parallel_loop3A_1355 = arith.constant 13 : i32
          %parallel_loop3A_1356 = arith.index_cast %parallel_loop3A_1355 : i32 to index
          %parallel_loop3A_1357 = arith.index_cast %parallel_loop3A_136 : i32 to index
          %parallel_loop3A_1358 = arith.constant 32 : index
          %parallel_loop3A_1359 = tpu.vector_load %arg7[%parallel_loop3A_1356, %parallel_loop3A_1357, %parallel_loop3A_1358] {strides = array<i32>} : memref<16x8x48xf32, #tpu.memory_space<vmem>>, vector<16xf32>,
          tpu.vector_store %arg7[%parallel_loop3A_1356, %parallel_loop3A_1357, %parallel_loop3A_1358], %parallel_loop3A_1255 {strides = array<i32>} : memref<16x8x48xf32, #tpu.memory_space<vmem>>, vector<16xf32>,
          %parallel_loop3A_1360 = arith.constant 14 : i32
          %parallel_loop3A_1361 = arith.index_cast %parallel_loop3A_1360 : i32 to index
          %parallel_loop3A_1362 = arith.index_cast %parallel_loop3A_136 : i32 to index
          %parallel_loop3A_1363 = arith.constant 32 : index
          %parallel_loop3A_1364 = tpu.vector_load %arg7[%parallel_loop3A_1361, %parallel_loop3A_1362, %parallel_loop3A_1363] {strides = array<i32>} : memref<16x8x48xf32, #tpu.memory_space<vmem>>, vector<16xf32>,
          tpu.vector_store %arg7[%parallel_loop3A_1361, %parallel_loop3A_1362, %parallel_loop3A_1363], %parallel_loop3A_1272 {strides = array<i32>} : memref<16x8x48xf32, #tpu.memory_space<vmem>>, vector<16xf32>,
          %parallel_loop3A_1365 = arith.constant 15 : i32
          %parallel_loop3A_1366 = arith.index_cast %parallel_loop3A_1365 : i32 to index
          %parallel_loop3A_1367 = arith.index_cast %parallel_loop3A_136 : i32 to index
          %parallel_loop3A_1368 = arith.constant 32 : index
          %parallel_loop3A_1369 = tpu.vector_load %arg7[%parallel_loop3A_1366, %parallel_loop3A_1367, %parallel_loop3A_1368] {strides = array<i32>} : memref<16x8x48xf32, #tpu.memory_space<vmem>>, vector<16xf32>,
          tpu.vector_store %arg7[%parallel_loop3A_1366, %parallel_loop3A_1367, %parallel_loop3A_1368], %parallel_loop3A_1289 {strides = array<i32>} : memref<16x8x48xf32, #tpu.memory_space<vmem>>, vector<16xf32>,
          %parallel_loop3A_1370 = arith.addf %parallel_loop3A_137, %get3A_35 : vector<16xf32>
          %parallel_loop3A_1371 = arith.addf %parallel_loop3A_138, %get3A_39 : vector<16xf32>
          %parallel_loop3A_1372 = arith.addf %parallel_loop3A_139, %get3A_43 : vector<16xf32>
          scf.yield %parallel_loop3A_1370, %parallel_loop3A_1371, %parallel_loop3A_1372 : vector<16xf32>, vector<16xf32>, vector<16xf32>
        } {sc.loop_unroll_factor = 2 : i64, sc.parallel_access}
        %dma_start3A = arith.constant 0 : i32
        %dma_start3A_118 = tpu.memref_slice %arg4[%shift_right_logical3A_1, %mul3A_59, %add3A_107, %mul3A_111, %dma_start3A] : memref<8x32x48x48x48xf32, #tpu.memory_space<hbm>> -> memref<1x16x1x8x48xf32, #tpu.memory_space<hbm>>
        %dma_start3A_119 = tpu.memref_squeeze %dma_start3A_118 : memref<1x16x1x8x48xf32, #tpu.memory_space<hbm>> -> memref<16x8x48xf32, #tpu.memory_space<hbm>>
        %dma_start3A_120 = arith.constant 0 : i32
        %dma_start3A_121 = tpu.memref_slice %arg4[%shift_right_logical3A_1, %mul3A_59, %add3A_107, %mul3A_111, %dma_start3A_120] : memref<8x32x48x48x48xf32, #tpu.memory_space<hbm>> -> memref<1x16x1x8x48xf32, #tpu.memory_space<hbm>>
        %dma_start3A_122 = tpu.memref_squeeze %dma_start3A_121 : memref<1x16x1x8x48xf32, #tpu.memory_space<hbm>> -> memref<16x8x48xf32, #tpu.memory_space<hbm>>
        tpu.enqueue_dma source(%arg7 : memref<16x8x48xf32, #tpu.memory_space<vmem>>) target(%dma_start3A_122 : memref<16x8x48xf32, #tpu.memory_space<hbm>>) target_semaphore(%arg9 : memref<!tpu.dma_semaphore, #tpu.memory_space<semaphore_mem>>)
        %convert_element_type3A_123 = arith.extui %gt3A_106 : i1 to i32
        %cond3A_124 = arith.constant 0 : i32
        %cond3A_125 = arith.cmpi ne, %convert_element_type3A_123, %cond3A_124 : i32
        scf.if %cond3A_125 {
          %dma_wait3A_136 = arith.constant 0 : i32
          %dma_wait3A_137 = tpu.memref_slice %arg4[%shift_right_logical3A_1, %mul3A_59, %add3A_107, %add3A_113, %dma_wait3A_136] : memref<8x32x48x48x48xf32, #tpu.memory_space<hbm>> -> memref<1x16x1x8x48xf32, #tpu.memory_space<hbm>>
          %dma_wait3A_138 = tpu.memref_squeeze %dma_wait3A_137 : memref<1x16x1x8x48xf32, #tpu.memory_space<hbm>> -> memref<16x8x48xf32, #tpu.memory_space<hbm>>
          %dma_wait3A_139 = arith.constant 0 : i32
          %dma_wait3A_140 = tpu.memref_slice %arg4[%shift_right_logical3A_1, %mul3A_59, %add3A_107, %add3A_113, %dma_wait3A_139] : memref<8x32x48x48x48xf32, #tpu.memory_space<hbm>> -> memref<1x16x1x8x48xf32, #tpu.memory_space<hbm>>
          %dma_wait3A_141 = tpu.memref_squeeze %dma_wait3A_140 : memref<1x16x1x8x48xf32, #tpu.memory_space<hbm>> -> memref<16x8x48xf32, #tpu.memory_space<hbm>>
          tpu.wait_dma2 semaphore(%arg10 : memref<!tpu.dma_semaphore, #tpu.memory_space<semaphore_mem>>) src(%arg8 : memref<16x8x48xf32, #tpu.memory_space<vmem>>) dst(%dma_wait3A_141 : memref<16x8x48xf32, #tpu.memory_space<hbm>>)
        } else {
        }
        %parallel_loop3A_126 = arith.constant 0 : i32
        %parallel_loop3A_127 = arith.constant 8 : i32
        %parallel_loop3A_128 = arith.constant 1 : i32
        %parallel_loop3A_129:3 = scf.for %parallel_loop3A_136 = %parallel_loop3A_126 to %parallel_loop3A_127 step %parallel_loop3A_128 iter_args(%parallel_loop3A_137 = %parallel_loop3A_117#0, %parallel_loop3A_138 = %parallel_loop3A_117#1, %parallel_loop3A_139 = %parallel_loop3A_117#2) -> (vector<16xf32>, vector<16xf32>, vector<16xf32>)  : i32 {
          %parallel_loop3A_140 = vector.broadcast %scan3A : f32 to vector<16xf32>
          %parallel_loop3A_141 = arith.divf %parallel_loop3A_140, %parallel_loop3A_139 : vector<16xf32>
          %parallel_loop3A_142 = arith.mulf %parallel_loop3A_137, %parallel_loop3A_141 : vector<16xf32>
          %parallel_loop3A_143 = vector.broadcast %scan3A_60 : f32 to vector<16xf32>
          %parallel_loop3A_144 = arith.mulf %parallel_loop3A_142, %parallel_loop3A_143 : vector<16xf32>
          %parallel_loop3A_145 = arith.mulf %parallel_loop3A_138, %parallel_loop3A_141 : vector<16xf32>
          %parallel_loop3A_146 = vector.broadcast %scan3A_60 : f32 to vector<16xf32>
          %parallel_loop3A_147 = arith.mulf %parallel_loop3A_145, %parallel_loop3A_146 : vector<16xf32>
          %parallel_loop3A_148 = arith.constant 0.000000e+00 : f32
          %parallel_loop3A_149 = vector.broadcast %parallel_loop3A_148 : f32 to vector<16xf32>
          %parallel_loop3A_150 = arith.maximumf %parallel_loop3A_149, %parallel_loop3A_144 : vector<16xf32>
          %parallel_loop3A_151 = vector.broadcast %scan3A_61 : f32 to vector<16xf32>
          %parallel_loop3A_152 = arith.minimumf %parallel_loop3A_151, %parallel_loop3A_150 : vector<16xf32>
          %parallel_loop3A_153 = arith.constant 0.000000e+00 : f32
          %parallel_loop3A_154 = vector.broadcast %parallel_loop3A_153 : f32 to vector<16xf32>
          %parallel_loop3A_155 = arith.maximumf %parallel_loop3A_154, %parallel_loop3A_147 : vector<16xf32>
          %parallel_loop3A_156 = vector.broadcast %scan3A_62 : f32 to vector<16xf32>
          %parallel_loop3A_157 = arith.minimumf %parallel_loop3A_156, %parallel_loop3A_155 : vector<16xf32>
          %parallel_loop3A_158 = arith.fptosi %parallel_loop3A_152 : vector<16xf32> to vector<16xi32>
          %parallel_loop3A_159 = arith.fptosi %parallel_loop3A_157 : vector<16xf32> to vector<16xi32>
          %parallel_loop3A_160 = arith.constant 0 : i32
          %parallel_loop3A_161 = arith.constant 55 : i32
          %parallel_loop3A_162 = vector.broadcast %parallel_loop3A_160 : i32 to vector<16xi32>
          %parallel_loop3A_163 = arith.maxsi %parallel_loop3A_162, %parallel_loop3A_158 : vector<16xi32>
          %parallel_loop3A_164 = vector.broadcast %parallel_loop3A_161 : i32 to vector<16xi32>
          %parallel_loop3A_165 = arith.minsi %parallel_loop3A_164, %parallel_loop3A_163 : vector<16xi32>
          %parallel_loop3A_166 = arith.constant 0 : i32
          %parallel_loop3A_167 = arith.constant 55 : i32
          %parallel_loop3A_168 = vector.broadcast %parallel_loop3A_166 : i32 to vector<16xi32>
          %parallel_loop3A_169 = arith.maxsi %parallel_loop3A_168, %parallel_loop3A_159 : vector<16xi32>
          %parallel_loop3A_170 = vector.broadcast %parallel_loop3A_167 : i32 to vector<16xi32>
          %parallel_loop3A_171 = arith.minsi %parallel_loop3A_170, %parallel_loop3A_169 : vector<16xi32>
          %parallel_loop3A_172 = arith.sitofp %parallel_loop3A_165 : vector<16xi32> to vector<16xf32>
          %parallel_loop3A_173 = arith.sitofp %parallel_loop3A_171 : vector<16xi32> to vector<16xf32>
          %parallel_loop3A_174 = vector.broadcast %scan3A : f32 to vector<16xf32>
          %parallel_loop3A_175 = arith.addf %parallel_loop3A_172, %parallel_loop3A_174 : vector<16xf32>
          %parallel_loop3A_176 = vector.broadcast %scan3A_61 : f32 to vector<16xf32>
          %parallel_loop3A_177 = arith.minimumf %parallel_loop3A_175, %parallel_loop3A_176 : vector<16xf32>
          %parallel_loop3A_178 = vector.broadcast %scan3A : f32 to vector<16xf32>
          %parallel_loop3A_179 = arith.addf %parallel_loop3A_173, %parallel_loop3A_178 : vector<16xf32>
          %parallel_loop3A_180 = vector.broadcast %scan3A_62 : f32 to vector<16xf32>
          %parallel_loop3A_181 = arith.minimumf %parallel_loop3A_179, %parallel_loop3A_180 : vector<16xf32>
          %parallel_loop3A_182 = arith.fptosi %parallel_loop3A_177 : vector<16xf32> to vector<16xi32>
          %parallel_loop3A_183 = arith.fptosi %parallel_loop3A_181 : vector<16xf32> to vector<16xi32>
          %parallel_loop3A_184 = arith.subf %parallel_loop3A_177, %parallel_loop3A_152 : vector<16xf32>
          %parallel_loop3A_185 = arith.subf %parallel_loop3A_152, %parallel_loop3A_172 : vector<16xf32>
          %parallel_loop3A_186 = arith.subf %parallel_loop3A_181, %parallel_loop3A_157 : vector<16xf32>
          %parallel_loop3A_187 = arith.subf %parallel_loop3A_157, %parallel_loop3A_173 : vector<16xf32>
          %parallel_loop3A_188 = arith.mulf %parallel_loop3A_184, %parallel_loop3A_186 : vector<16xf32>
          %parallel_loop3A_189 = arith.mulf %parallel_loop3A_184, %parallel_loop3A_187 : vector<16xf32>
          %parallel_loop3A_190 = arith.mulf %parallel_loop3A_185, %parallel_loop3A_186 : vector<16xf32>
          %parallel_loop3A_191 = arith.mulf %parallel_loop3A_185, %parallel_loop3A_187 : vector<16xf32>
          %parallel_loop3A_192 = arith.constant 56 : i32
          %parallel_loop3A_193 = vector.broadcast %parallel_loop3A_192 : i32 to vector<16xi32>
          %parallel_loop3A_194 = arith.muli %parallel_loop3A_171, %parallel_loop3A_193 : vector<16xi32>
          %parallel_loop3A_195 = arith.constant 56 : i32
          %parallel_loop3A_196 = vector.broadcast %parallel_loop3A_195 : i32 to vector<16xi32>
          %parallel_loop3A_197 = arith.muli %parallel_loop3A_183, %parallel_loop3A_196 : vector<16xi32>
          %parallel_loop3A_198 = arith.addi %parallel_loop3A_194, %parallel_loop3A_165 : vector<16xi32>
          %parallel_loop3A_199 = arith.addi %parallel_loop3A_197, %parallel_loop3A_165 : vector<16xi32>
          %parallel_loop3A_200 = arith.addi %parallel_loop3A_194, %parallel_loop3A_182 : vector<16xi32>
          %parallel_loop3A_201 = arith.addi %parallel_loop3A_197, %parallel_loop3A_182 : vector<16xi32>
          %parallel_loop3A_202 = tpu.vector_load_idx %arg5[%parallel_loop3A_198] : memref<50176xf32, #tpu.memory_space<vmem>>[vector<16xi32>], vector<16xf32>,
          %parallel_loop3A_203 = tpu.vector_load_idx %arg5[%parallel_loop3A_199] : memref<50176xf32, #tpu.memory_space<vmem>>[vector<16xi32>], vector<16xf32>,
          %parallel_loop3A_204 = tpu.vector_load_idx %arg5[%parallel_loop3A_200] : memref<50176xf32, #tpu.memory_space<vmem>>[vector<16xi32>], vector<16xf32>,
          %parallel_loop3A_205 = tpu.vector_load_idx %arg5[%parallel_loop3A_201] : memref<50176xf32, #tpu.memory_space<vmem>>[vector<16xi32>], vector<16xf32>,
          %parallel_loop3A_206 = arith.mulf %parallel_loop3A_188, %parallel_loop3A_202 : vector<16xf32>
          %parallel_loop3A_207 = arith.mulf %parallel_loop3A_189, %parallel_loop3A_203 : vector<16xf32>
          %parallel_loop3A_208 = arith.addf %parallel_loop3A_206, %parallel_loop3A_207 : vector<16xf32>
          %parallel_loop3A_209 = arith.mulf %parallel_loop3A_190, %parallel_loop3A_204 : vector<16xf32>
          %parallel_loop3A_210 = arith.addf %parallel_loop3A_208, %parallel_loop3A_209 : vector<16xf32>
          %parallel_loop3A_211 = arith.mulf %parallel_loop3A_191, %parallel_loop3A_205 : vector<16xf32>
          %parallel_loop3A_212 = arith.addf %parallel_loop3A_210, %parallel_loop3A_211 : vector<16xf32>
          %parallel_loop3A_213 = arith.constant 3136 : i32
          %parallel_loop3A_214 = vector.broadcast %parallel_loop3A_213 : i32 to vector<16xi32>
          %parallel_loop3A_215 = arith.addi %parallel_loop3A_198, %parallel_loop3A_214 : vector<16xi32>
          %parallel_loop3A_216 = arith.addi %parallel_loop3A_199, %parallel_loop3A_214 : vector<16xi32>
          %parallel_loop3A_217 = arith.addi %parallel_loop3A_200, %parallel_loop3A_214 : vector<16xi32>
          %parallel_loop3A_218 = arith.addi %parallel_loop3A_201, %parallel_loop3A_214 : vector<16xi32>
          %parallel_loop3A_219 = tpu.vector_load_idx %arg5[%parallel_loop3A_215] : memref<50176xf32, #tpu.memory_space<vmem>>[vector<16xi32>], vector<16xf32>,
          %parallel_loop3A_220 = tpu.vector_load_idx %arg5[%parallel_loop3A_216] : memref<50176xf32, #tpu.memory_space<vmem>>[vector<16xi32>], vector<16xf32>,
          %parallel_loop3A_221 = tpu.vector_load_idx %arg5[%parallel_loop3A_217] : memref<50176xf32, #tpu.memory_space<vmem>>[vector<16xi32>], vector<16xf32>,
          %parallel_loop3A_222 = tpu.vector_load_idx %arg5[%parallel_loop3A_218] : memref<50176xf32, #tpu.memory_space<vmem>>[vector<16xi32>], vector<16xf32>,
          %parallel_loop3A_223 = arith.mulf %parallel_loop3A_188, %parallel_loop3A_219 : vector<16xf32>
          %parallel_loop3A_224 = arith.mulf %parallel_loop3A_189, %parallel_loop3A_220 : vector<16xf32>
          %parallel_loop3A_225 = arith.addf %parallel_loop3A_223, %parallel_loop3A_224 : vector<16xf32>
          %parallel_loop3A_226 = arith.mulf %parallel_loop3A_190, %parallel_loop3A_221 : vector<16xf32>
          %parallel_loop3A_227 = arith.addf %parallel_loop3A_225, %parallel_loop3A_226 : vector<16xf32>
          %parallel_loop3A_228 = arith.mulf %parallel_loop3A_191, %parallel_loop3A_222 : vector<16xf32>
          %parallel_loop3A_229 = arith.addf %parallel_loop3A_227, %parallel_loop3A_228 : vector<16xf32>
          %parallel_loop3A_230 = arith.constant 6272 : i32
          %parallel_loop3A_231 = vector.broadcast %parallel_loop3A_230 : i32 to vector<16xi32>
          %parallel_loop3A_232 = arith.addi %parallel_loop3A_198, %parallel_loop3A_231 : vector<16xi32>
          %parallel_loop3A_233 = arith.addi %parallel_loop3A_199, %parallel_loop3A_231 : vector<16xi32>
          %parallel_loop3A_234 = arith.addi %parallel_loop3A_200, %parallel_loop3A_231 : vector<16xi32>
          %parallel_loop3A_235 = arith.addi %parallel_loop3A_201, %parallel_loop3A_231 : vector<16xi32>
          %parallel_loop3A_236 = tpu.vector_load_idx %arg5[%parallel_loop3A_232] : memref<50176xf32, #tpu.memory_space<vmem>>[vector<16xi32>], vector<16xf32>,
          %parallel_loop3A_237 = tpu.vector_load_idx %arg5[%parallel_loop3A_233] : memref<50176xf32, #tpu.memory_space<vmem>>[vector<16xi32>], vector<16xf32>,
          %parallel_loop3A_238 = tpu.vector_load_idx %arg5[%parallel_loop3A_234] : memref<50176xf32, #tpu.memory_space<vmem>>[vector<16xi32>], vector<16xf32>,
          %parallel_loop3A_239 = tpu.vector_load_idx %arg5[%parallel_loop3A_235] : memref<50176xf32, #tpu.memory_space<vmem>>[vector<16xi32>], vector<16xf32>,
          %parallel_loop3A_240 = arith.mulf %parallel_loop3A_188, %parallel_loop3A_236 : vector<16xf32>
          %parallel_loop3A_241 = arith.mulf %parallel_loop3A_189, %parallel_loop3A_237 : vector<16xf32>
          %parallel_loop3A_242 = arith.addf %parallel_loop3A_240, %parallel_loop3A_241 : vector<16xf32>
          %parallel_loop3A_243 = arith.mulf %parallel_loop3A_190, %parallel_loop3A_238 : vector<16xf32>
          %parallel_loop3A_244 = arith.addf %parallel_loop3A_242, %parallel_loop3A_243 : vector<16xf32>
          %parallel_loop3A_245 = arith.mulf %parallel_loop3A_191, %parallel_loop3A_239 : vector<16xf32>
          %parallel_loop3A_246 = arith.addf %parallel_loop3A_244, %parallel_loop3A_245 : vector<16xf32>
          %parallel_loop3A_247 = arith.constant 9408 : i32
          %parallel_loop3A_248 = vector.broadcast %parallel_loop3A_247 : i32 to vector<16xi32>
          %parallel_loop3A_249 = arith.addi %parallel_loop3A_198, %parallel_loop3A_248 : vector<16xi32>
          %parallel_loop3A_250 = arith.addi %parallel_loop3A_199, %parallel_loop3A_248 : vector<16xi32>
          %parallel_loop3A_251 = arith.addi %parallel_loop3A_200, %parallel_loop3A_248 : vector<16xi32>
          %parallel_loop3A_252 = arith.addi %parallel_loop3A_201, %parallel_loop3A_248 : vector<16xi32>
          %parallel_loop3A_253 = tpu.vector_load_idx %arg5[%parallel_loop3A_249] : memref<50176xf32, #tpu.memory_space<vmem>>[vector<16xi32>], vector<16xf32>,
          %parallel_loop3A_254 = tpu.vector_load_idx %arg5[%parallel_loop3A_250] : memref<50176xf32, #tpu.memory_space<vmem>>[vector<16xi32>], vector<16xf32>,
          %parallel_loop3A_255 = tpu.vector_load_idx %arg5[%parallel_loop3A_251] : memref<50176xf32, #tpu.memory_space<vmem>>[vector<16xi32>], vector<16xf32>,
          %parallel_loop3A_256 = tpu.vector_load_idx %arg5[%parallel_loop3A_252] : memref<50176xf32, #tpu.memory_space<vmem>>[vector<16xi32>], vector<16xf32>,
          %parallel_loop3A_257 = arith.mulf %parallel_loop3A_188, %parallel_loop3A_253 : vector<16xf32>
          %parallel_loop3A_258 = arith.mulf %parallel_loop3A_189, %parallel_loop3A_254 : vector<16xf32>
          %parallel_loop3A_259 = arith.addf %parallel_loop3A_257, %parallel_loop3A_258 : vector<16xf32>
          %parallel_loop3A_260 = arith.mulf %parallel_loop3A_190, %parallel_loop3A_255 : vector<16xf32>
          %parallel_loop3A_261 = arith.addf %parallel_loop3A_259, %parallel_loop3A_260 : vector<16xf32>
          %parallel_loop3A_262 = arith.mulf %parallel_loop3A_191, %parallel_loop3A_256 : vector<16xf32>
          %parallel_loop3A_263 = arith.addf %parallel_loop3A_261, %parallel_loop3A_262 : vector<16xf32>
          %parallel_loop3A_264 = arith.constant 12544 : i32
          %parallel_loop3A_265 = vector.broadcast %parallel_loop3A_264 : i32 to vector<16xi32>
          %parallel_loop3A_266 = arith.addi %parallel_loop3A_198, %parallel_loop3A_265 : vector<16xi32>
          %parallel_loop3A_267 = arith.addi %parallel_loop3A_199, %parallel_loop3A_265 : vector<16xi32>
          %parallel_loop3A_268 = arith.addi %parallel_loop3A_200, %parallel_loop3A_265 : vector<16xi32>
          %parallel_loop3A_269 = arith.addi %parallel_loop3A_201, %parallel_loop3A_265 : vector<16xi32>
          %parallel_loop3A_270 = tpu.vector_load_idx %arg5[%parallel_loop3A_266] : memref<50176xf32, #tpu.memory_space<vmem>>[vector<16xi32>], vector<16xf32>,
          %parallel_loop3A_271 = tpu.vector_load_idx %arg5[%parallel_loop3A_267] : memref<50176xf32, #tpu.memory_space<vmem>>[vector<16xi32>], vector<16xf32>,
          %parallel_loop3A_272 = tpu.vector_load_idx %arg5[%parallel_loop3A_268] : memref<50176xf32, #tpu.memory_space<vmem>>[vector<16xi32>], vector<16xf32>,
          %parallel_loop3A_273 = tpu.vector_load_idx %arg5[%parallel_loop3A_269] : memref<50176xf32, #tpu.memory_space<vmem>>[vector<16xi32>], vector<16xf32>,
          %parallel_loop3A_274 = arith.mulf %parallel_loop3A_188, %parallel_loop3A_270 : vector<16xf32>
          %parallel_loop3A_275 = arith.mulf %parallel_loop3A_189, %parallel_loop3A_271 : vector<16xf32>
          %parallel_loop3A_276 = arith.addf %parallel_loop3A_274, %parallel_loop3A_275 : vector<16xf32>
          %parallel_loop3A_277 = arith.mulf %parallel_loop3A_190, %parallel_loop3A_272 : vector<16xf32>
          %parallel_loop3A_278 = arith.addf %parallel_loop3A_276, %parallel_loop3A_277 : vector<16xf32>
          %parallel_loop3A_279 = arith.mulf %parallel_loop3A_191, %parallel_loop3A_273 : vector<16xf32>
          %parallel_loop3A_280 = arith.addf %parallel_loop3A_278, %parallel_loop3A_279 : vector<16xf32>
          %parallel_loop3A_281 = arith.constant 15680 : i32
          %parallel_loop3A_282 = vector.broadcast %parallel_loop3A_281 : i32 to vector<16xi32>
          %parallel_loop3A_283 = arith.addi %parallel_loop3A_198, %parallel_loop3A_282 : vector<16xi32>
          %parallel_loop3A_284 = arith.addi %parallel_loop3A_199, %parallel_loop3A_282 : vector<16xi32>
          %parallel_loop3A_285 = arith.addi %parallel_loop3A_200, %parallel_loop3A_282 : vector<16xi32>
          %parallel_loop3A_286 = arith.addi %parallel_loop3A_201, %parallel_loop3A_282 : vector<16xi32>
          %parallel_loop3A_287 = tpu.vector_load_idx %arg5[%parallel_loop3A_283] : memref<50176xf32, #tpu.memory_space<vmem>>[vector<16xi32>], vector<16xf32>,
          %parallel_loop3A_288 = tpu.vector_load_idx %arg5[%parallel_loop3A_284] : memref<50176xf32, #tpu.memory_space<vmem>>[vector<16xi32>], vector<16xf32>,
          %parallel_loop3A_289 = tpu.vector_load_idx %arg5[%parallel_loop3A_285] : memref<50176xf32, #tpu.memory_space<vmem>>[vector<16xi32>], vector<16xf32>,
          %parallel_loop3A_290 = tpu.vector_load_idx %arg5[%parallel_loop3A_286] : memref<50176xf32, #tpu.memory_space<vmem>>[vector<16xi32>], vector<16xf32>,
          %parallel_loop3A_291 = arith.mulf %parallel_loop3A_188, %parallel_loop3A_287 : vector<16xf32>
          %parallel_loop3A_292 = arith.mulf %parallel_loop3A_189, %parallel_loop3A_288 : vector<16xf32>
          %parallel_loop3A_293 = arith.addf %parallel_loop3A_291, %parallel_loop3A_292 : vector<16xf32>
          %parallel_loop3A_294 = arith.mulf %parallel_loop3A_190, %parallel_loop3A_289 : vector<16xf32>
          %parallel_loop3A_295 = arith.addf %parallel_loop3A_293, %parallel_loop3A_294 : vector<16xf32>
          %parallel_loop3A_296 = arith.mulf %parallel_loop3A_191, %parallel_loop3A_290 : vector<16xf32>
          %parallel_loop3A_297 = arith.addf %parallel_loop3A_295, %parallel_loop3A_296 : vector<16xf32>
          %parallel_loop3A_298 = arith.constant 18816 : i32
          %parallel_loop3A_299 = vector.broadcast %parallel_loop3A_298 : i32 to vector<16xi32>
          %parallel_loop3A_300 = arith.addi %parallel_loop3A_198, %parallel_loop3A_299 : vector<16xi32>
          %parallel_loop3A_301 = arith.addi %parallel_loop3A_199, %parallel_loop3A_299 : vector<16xi32>
          %parallel_loop3A_302 = arith.addi %parallel_loop3A_200, %parallel_loop3A_299 : vector<16xi32>
          %parallel_loop3A_303 = arith.addi %parallel_loop3A_201, %parallel_loop3A_299 : vector<16xi32>
          %parallel_loop3A_304 = tpu.vector_load_idx %arg5[%parallel_loop3A_300] : memref<50176xf32, #tpu.memory_space<vmem>>[vector<16xi32>], vector<16xf32>,
          %parallel_loop3A_305 = tpu.vector_load_idx %arg5[%parallel_loop3A_301] : memref<50176xf32, #tpu.memory_space<vmem>>[vector<16xi32>], vector<16xf32>,
          %parallel_loop3A_306 = tpu.vector_load_idx %arg5[%parallel_loop3A_302] : memref<50176xf32, #tpu.memory_space<vmem>>[vector<16xi32>], vector<16xf32>,
          %parallel_loop3A_307 = tpu.vector_load_idx %arg5[%parallel_loop3A_303] : memref<50176xf32, #tpu.memory_space<vmem>>[vector<16xi32>], vector<16xf32>,
          %parallel_loop3A_308 = arith.mulf %parallel_loop3A_188, %parallel_loop3A_304 : vector<16xf32>
          %parallel_loop3A_309 = arith.mulf %parallel_loop3A_189, %parallel_loop3A_305 : vector<16xf32>
          %parallel_loop3A_310 = arith.addf %parallel_loop3A_308, %parallel_loop3A_309 : vector<16xf32>
          %parallel_loop3A_311 = arith.mulf %parallel_loop3A_190, %parallel_loop3A_306 : vector<16xf32>
          %parallel_loop3A_312 = arith.addf %parallel_loop3A_310, %parallel_loop3A_311 : vector<16xf32>
          %parallel_loop3A_313 = arith.mulf %parallel_loop3A_191, %parallel_loop3A_307 : vector<16xf32>
          %parallel_loop3A_314 = arith.addf %parallel_loop3A_312, %parallel_loop3A_313 : vector<16xf32>
          %parallel_loop3A_315 = arith.constant 21952 : i32
          %parallel_loop3A_316 = vector.broadcast %parallel_loop3A_315 : i32 to vector<16xi32>
          %parallel_loop3A_317 = arith.addi %parallel_loop3A_198, %parallel_loop3A_316 : vector<16xi32>
          %parallel_loop3A_318 = arith.addi %parallel_loop3A_199, %parallel_loop3A_316 : vector<16xi32>
          %parallel_loop3A_319 = arith.addi %parallel_loop3A_200, %parallel_loop3A_316 : vector<16xi32>
          %parallel_loop3A_320 = arith.addi %parallel_loop3A_201, %parallel_loop3A_316 : vector<16xi32>
          %parallel_loop3A_321 = tpu.vector_load_idx %arg5[%parallel_loop3A_317] : memref<50176xf32, #tpu.memory_space<vmem>>[vector<16xi32>], vector<16xf32>,
          %parallel_loop3A_322 = tpu.vector_load_idx %arg5[%parallel_loop3A_318] : memref<50176xf32, #tpu.memory_space<vmem>>[vector<16xi32>], vector<16xf32>,
          %parallel_loop3A_323 = tpu.vector_load_idx %arg5[%parallel_loop3A_319] : memref<50176xf32, #tpu.memory_space<vmem>>[vector<16xi32>], vector<16xf32>,
          %parallel_loop3A_324 = tpu.vector_load_idx %arg5[%parallel_loop3A_320] : memref<50176xf32, #tpu.memory_space<vmem>>[vector<16xi32>], vector<16xf32>,
          %parallel_loop3A_325 = arith.mulf %parallel_loop3A_188, %parallel_loop3A_321 : vector<16xf32>
          %parallel_loop3A_326 = arith.mulf %parallel_loop3A_189, %parallel_loop3A_322 : vector<16xf32>
          %parallel_loop3A_327 = arith.addf %parallel_loop3A_325, %parallel_loop3A_326 : vector<16xf32>
          %parallel_loop3A_328 = arith.mulf %parallel_loop3A_190, %parallel_loop3A_323 : vector<16xf32>
          %parallel_loop3A_329 = arith.addf %parallel_loop3A_327, %parallel_loop3A_328 : vector<16xf32>
          %parallel_loop3A_330 = arith.mulf %parallel_loop3A_191, %parallel_loop3A_324 : vector<16xf32>
          %parallel_loop3A_331 = arith.addf %parallel_loop3A_329, %parallel_loop3A_330 : vector<16xf32>
          %parallel_loop3A_332 = arith.constant 25088 : i32
          %parallel_loop3A_333 = vector.broadcast %parallel_loop3A_332 : i32 to vector<16xi32>
          %parallel_loop3A_334 = arith.addi %parallel_loop3A_198, %parallel_loop3A_333 : vector<16xi32>
          %parallel_loop3A_335 = arith.addi %parallel_loop3A_199, %parallel_loop3A_333 : vector<16xi32>
          %parallel_loop3A_336 = arith.addi %parallel_loop3A_200, %parallel_loop3A_333 : vector<16xi32>
          %parallel_loop3A_337 = arith.addi %parallel_loop3A_201, %parallel_loop3A_333 : vector<16xi32>
          %parallel_loop3A_338 = tpu.vector_load_idx %arg5[%parallel_loop3A_334] : memref<50176xf32, #tpu.memory_space<vmem>>[vector<16xi32>], vector<16xf32>,
          %parallel_loop3A_339 = tpu.vector_load_idx %arg5[%parallel_loop3A_335] : memref<50176xf32, #tpu.memory_space<vmem>>[vector<16xi32>], vector<16xf32>,
          %parallel_loop3A_340 = tpu.vector_load_idx %arg5[%parallel_loop3A_336] : memref<50176xf32, #tpu.memory_space<vmem>>[vector<16xi32>], vector<16xf32>,
          %parallel_loop3A_341 = tpu.vector_load_idx %arg5[%parallel_loop3A_337] : memref<50176xf32, #tpu.memory_space<vmem>>[vector<16xi32>], vector<16xf32>,
          %parallel_loop3A_342 = arith.mulf %parallel_loop3A_188, %parallel_loop3A_338 : vector<16xf32>
          %parallel_loop3A_343 = arith.mulf %parallel_loop3A_189, %parallel_loop3A_339 : vector<16xf32>
          %parallel_loop3A_344 = arith.addf %parallel_loop3A_342, %parallel_loop3A_343 : vector<16xf32>
          %parallel_loop3A_345 = arith.mulf %parallel_loop3A_190, %parallel_loop3A_340 : vector<16xf32>
          %parallel_loop3A_346 = arith.addf %parallel_loop3A_344, %parallel_loop3A_345 : vector<16xf32>
          %parallel_loop3A_347 = arith.mulf %parallel_loop3A_191, %parallel_loop3A_341 : vector<16xf32>
          %parallel_loop3A_348 = arith.addf %parallel_loop3A_346, %parallel_loop3A_347 : vector<16xf32>
          %parallel_loop3A_349 = arith.constant 28224 : i32
          %parallel_loop3A_350 = vector.broadcast %parallel_loop3A_349 : i32 to vector<16xi32>
          %parallel_loop3A_351 = arith.addi %parallel_loop3A_198, %parallel_loop3A_350 : vector<16xi32>
          %parallel_loop3A_352 = arith.addi %parallel_loop3A_199, %parallel_loop3A_350 : vector<16xi32>
          %parallel_loop3A_353 = arith.addi %parallel_loop3A_200, %parallel_loop3A_350 : vector<16xi32>
          %parallel_loop3A_354 = arith.addi %parallel_loop3A_201, %parallel_loop3A_350 : vector<16xi32>
          %parallel_loop3A_355 = tpu.vector_load_idx %arg5[%parallel_loop3A_351] : memref<50176xf32, #tpu.memory_space<vmem>>[vector<16xi32>], vector<16xf32>,
          %parallel_loop3A_356 = tpu.vector_load_idx %arg5[%parallel_loop3A_352] : memref<50176xf32, #tpu.memory_space<vmem>>[vector<16xi32>], vector<16xf32>,
          %parallel_loop3A_357 = tpu.vector_load_idx %arg5[%parallel_loop3A_353] : memref<50176xf32, #tpu.memory_space<vmem>>[vector<16xi32>], vector<16xf32>,
          %parallel_loop3A_358 = tpu.vector_load_idx %arg5[%parallel_loop3A_354] : memref<50176xf32, #tpu.memory_space<vmem>>[vector<16xi32>], vector<16xf32>,
          %parallel_loop3A_359 = arith.mulf %parallel_loop3A_188, %parallel_loop3A_355 : vector<16xf32>
          %parallel_loop3A_360 = arith.mulf %parallel_loop3A_189, %parallel_loop3A_356 : vector<16xf32>
          %parallel_loop3A_361 = arith.addf %parallel_loop3A_359, %parallel_loop3A_360 : vector<16xf32>
          %parallel_loop3A_362 = arith.mulf %parallel_loop3A_190, %parallel_loop3A_357 : vector<16xf32>
          %parallel_loop3A_363 = arith.addf %parallel_loop3A_361, %parallel_loop3A_362 : vector<16xf32>
          %parallel_loop3A_364 = arith.mulf %parallel_loop3A_191, %parallel_loop3A_358 : vector<16xf32>
          %parallel_loop3A_365 = arith.addf %parallel_loop3A_363, %parallel_loop3A_364 : vector<16xf32>
          %parallel_loop3A_366 = arith.constant 31360 : i32
          %parallel_loop3A_367 = vector.broadcast %parallel_loop3A_366 : i32 to vector<16xi32>
          %parallel_loop3A_368 = arith.addi %parallel_loop3A_198, %parallel_loop3A_367 : vector<16xi32>
          %parallel_loop3A_369 = arith.addi %parallel_loop3A_199, %parallel_loop3A_367 : vector<16xi32>
          %parallel_loop3A_370 = arith.addi %parallel_loop3A_200, %parallel_loop3A_367 : vector<16xi32>
          %parallel_loop3A_371 = arith.addi %parallel_loop3A_201, %parallel_loop3A_367 : vector<16xi32>
          %parallel_loop3A_372 = tpu.vector_load_idx %arg5[%parallel_loop3A_368] : memref<50176xf32, #tpu.memory_space<vmem>>[vector<16xi32>], vector<16xf32>,
          %parallel_loop3A_373 = tpu.vector_load_idx %arg5[%parallel_loop3A_369] : memref<50176xf32, #tpu.memory_space<vmem>>[vector<16xi32>], vector<16xf32>,
          %parallel_loop3A_374 = tpu.vector_load_idx %arg5[%parallel_loop3A_370] : memref<50176xf32, #tpu.memory_space<vmem>>[vector<16xi32>], vector<16xf32>,
          %parallel_loop3A_375 = tpu.vector_load_idx %arg5[%parallel_loop3A_371] : memref<50176xf32, #tpu.memory_space<vmem>>[vector<16xi32>], vector<16xf32>,
          %parallel_loop3A_376 = arith.mulf %parallel_loop3A_188, %parallel_loop3A_372 : vector<16xf32>
          %parallel_loop3A_377 = arith.mulf %parallel_loop3A_189, %parallel_loop3A_373 : vector<16xf32>
          %parallel_loop3A_378 = arith.addf %parallel_loop3A_376, %parallel_loop3A_377 : vector<16xf32>
          %parallel_loop3A_379 = arith.mulf %parallel_loop3A_190, %parallel_loop3A_374 : vector<16xf32>
          %parallel_loop3A_380 = arith.addf %parallel_loop3A_378, %parallel_loop3A_379 : vector<16xf32>
          %parallel_loop3A_381 = arith.mulf %parallel_loop3A_191, %parallel_loop3A_375 : vector<16xf32>
          %parallel_loop3A_382 = arith.addf %parallel_loop3A_380, %parallel_loop3A_381 : vector<16xf32>
          %parallel_loop3A_383 = arith.constant 34496 : i32
          %parallel_loop3A_384 = vector.broadcast %parallel_loop3A_383 : i32 to vector<16xi32>
          %parallel_loop3A_385 = arith.addi %parallel_loop3A_198, %parallel_loop3A_384 : vector<16xi32>
          %parallel_loop3A_386 = arith.addi %parallel_loop3A_199, %parallel_loop3A_384 : vector<16xi32>
          %parallel_loop3A_387 = arith.addi %parallel_loop3A_200, %parallel_loop3A_384 : vector<16xi32>
          %parallel_loop3A_388 = arith.addi %parallel_loop3A_201, %parallel_loop3A_384 : vector<16xi32>
          %parallel_loop3A_389 = tpu.vector_load_idx %arg5[%parallel_loop3A_385] : memref<50176xf32, #tpu.memory_space<vmem>>[vector<16xi32>], vector<16xf32>,
          %parallel_loop3A_390 = tpu.vector_load_idx %arg5[%parallel_loop3A_386] : memref<50176xf32, #tpu.memory_space<vmem>>[vector<16xi32>], vector<16xf32>,
          %parallel_loop3A_391 = tpu.vector_load_idx %arg5[%parallel_loop3A_387] : memref<50176xf32, #tpu.memory_space<vmem>>[vector<16xi32>], vector<16xf32>,
          %parallel_loop3A_392 = tpu.vector_load_idx %arg5[%parallel_loop3A_388] : memref<50176xf32, #tpu.memory_space<vmem>>[vector<16xi32>], vector<16xf32>,
          %parallel_loop3A_393 = arith.mulf %parallel_loop3A_188, %parallel_loop3A_389 : vector<16xf32>
          %parallel_loop3A_394 = arith.mulf %parallel_loop3A_189, %parallel_loop3A_390 : vector<16xf32>
          %parallel_loop3A_395 = arith.addf %parallel_loop3A_393, %parallel_loop3A_394 : vector<16xf32>
          %parallel_loop3A_396 = arith.mulf %parallel_loop3A_190, %parallel_loop3A_391 : vector<16xf32>
          %parallel_loop3A_397 = arith.addf %parallel_loop3A_395, %parallel_loop3A_396 : vector<16xf32>
          %parallel_loop3A_398 = arith.mulf %parallel_loop3A_191, %parallel_loop3A_392 : vector<16xf32>
          %parallel_loop3A_399 = arith.addf %parallel_loop3A_397, %parallel_loop3A_398 : vector<16xf32>
          %parallel_loop3A_400 = arith.constant 37632 : i32
          %parallel_loop3A_401 = vector.broadcast %parallel_loop3A_400 : i32 to vector<16xi32>
          %parallel_loop3A_402 = arith.addi %parallel_loop3A_198, %parallel_loop3A_401 : vector<16xi32>
          %parallel_loop3A_403 = arith.addi %parallel_loop3A_199, %parallel_loop3A_401 : vector<16xi32>
          %parallel_loop3A_404 = arith.addi %parallel_loop3A_200, %parallel_loop3A_401 : vector<16xi32>
          %parallel_loop3A_405 = arith.addi %parallel_loop3A_201, %parallel_loop3A_401 : vector<16xi32>
          %parallel_loop3A_406 = tpu.vector_load_idx %arg5[%parallel_loop3A_402] : memref<50176xf32, #tpu.memory_space<vmem>>[vector<16xi32>], vector<16xf32>,
          %parallel_loop3A_407 = tpu.vector_load_idx %arg5[%parallel_loop3A_403] : memref<50176xf32, #tpu.memory_space<vmem>>[vector<16xi32>], vector<16xf32>,
          %parallel_loop3A_408 = tpu.vector_load_idx %arg5[%parallel_loop3A_404] : memref<50176xf32, #tpu.memory_space<vmem>>[vector<16xi32>], vector<16xf32>,
          %parallel_loop3A_409 = tpu.vector_load_idx %arg5[%parallel_loop3A_405] : memref<50176xf32, #tpu.memory_space<vmem>>[vector<16xi32>], vector<16xf32>,
          %parallel_loop3A_410 = arith.mulf %parallel_loop3A_188, %parallel_loop3A_406 : vector<16xf32>
          %parallel_loop3A_411 = arith.mulf %parallel_loop3A_189, %parallel_loop3A_407 : vector<16xf32>
          %parallel_loop3A_412 = arith.addf %parallel_loop3A_410, %parallel_loop3A_411 : vector<16xf32>
          %parallel_loop3A_413 = arith.mulf %parallel_loop3A_190, %parallel_loop3A_408 : vector<16xf32>
          %parallel_loop3A_414 = arith.addf %parallel_loop3A_412, %parallel_loop3A_413 : vector<16xf32>
          %parallel_loop3A_415 = arith.mulf %parallel_loop3A_191, %parallel_loop3A_409 : vector<16xf32>
          %parallel_loop3A_416 = arith.addf %parallel_loop3A_414, %parallel_loop3A_415 : vector<16xf32>
          %parallel_loop3A_417 = arith.constant 40768 : i32
          %parallel_loop3A_418 = vector.broadcast %parallel_loop3A_417 : i32 to vector<16xi32>
          %parallel_loop3A_419 = arith.addi %parallel_loop3A_198, %parallel_loop3A_418 : vector<16xi32>
          %parallel_loop3A_420 = arith.addi %parallel_loop3A_199, %parallel_loop3A_418 : vector<16xi32>
          %parallel_loop3A_421 = arith.addi %parallel_loop3A_200, %parallel_loop3A_418 : vector<16xi32>
          %parallel_loop3A_422 = arith.addi %parallel_loop3A_201, %parallel_loop3A_418 : vector<16xi32>
          %parallel_loop3A_423 = tpu.vector_load_idx %arg5[%parallel_loop3A_419] : memref<50176xf32, #tpu.memory_space<vmem>>[vector<16xi32>], vector<16xf32>,
          %parallel_loop3A_424 = tpu.vector_load_idx %arg5[%parallel_loop3A_420] : memref<50176xf32, #tpu.memory_space<vmem>>[vector<16xi32>], vector<16xf32>,
          %parallel_loop3A_425 = tpu.vector_load_idx %arg5[%parallel_loop3A_421] : memref<50176xf32, #tpu.memory_space<vmem>>[vector<16xi32>], vector<16xf32>,
          %parallel_loop3A_426 = tpu.vector_load_idx %arg5[%parallel_loop3A_422] : memref<50176xf32, #tpu.memory_space<vmem>>[vector<16xi32>], vector<16xf32>,
          %parallel_loop3A_427 = arith.mulf %parallel_loop3A_188, %parallel_loop3A_423 : vector<16xf32>
          %parallel_loop3A_428 = arith.mulf %parallel_loop3A_189, %parallel_loop3A_424 : vector<16xf32>
          %parallel_loop3A_429 = arith.addf %parallel_loop3A_427, %parallel_loop3A_428 : vector<16xf32>
          %parallel_loop3A_430 = arith.mulf %parallel_loop3A_190, %parallel_loop3A_425 : vector<16xf32>
          %parallel_loop3A_431 = arith.addf %parallel_loop3A_429, %parallel_loop3A_430 : vector<16xf32>
          %parallel_loop3A_432 = arith.mulf %parallel_loop3A_191, %parallel_loop3A_426 : vector<16xf32>
          %parallel_loop3A_433 = arith.addf %parallel_loop3A_431, %parallel_loop3A_432 : vector<16xf32>
          %parallel_loop3A_434 = arith.constant 43904 : i32
          %parallel_loop3A_435 = vector.broadcast %parallel_loop3A_434 : i32 to vector<16xi32>
          %parallel_loop3A_436 = arith.addi %parallel_loop3A_198, %parallel_loop3A_435 : vector<16xi32>
          %parallel_loop3A_437 = arith.addi %parallel_loop3A_199, %parallel_loop3A_435 : vector<16xi32>
          %parallel_loop3A_438 = arith.addi %parallel_loop3A_200, %parallel_loop3A_435 : vector<16xi32>
          %parallel_loop3A_439 = arith.addi %parallel_loop3A_201, %parallel_loop3A_435 : vector<16xi32>
          %parallel_loop3A_440 = tpu.vector_load_idx %arg5[%parallel_loop3A_436] : memref<50176xf32, #tpu.memory_space<vmem>>[vector<16xi32>], vector<16xf32>,
          %parallel_loop3A_441 = tpu.vector_load_idx %arg5[%parallel_loop3A_437] : memref<50176xf32, #tpu.memory_space<vmem>>[vector<16xi32>], vector<16xf32>,
          %parallel_loop3A_442 = tpu.vector_load_idx %arg5[%parallel_loop3A_438] : memref<50176xf32, #tpu.memory_space<vmem>>[vector<16xi32>], vector<16xf32>,
          %parallel_loop3A_443 = tpu.vector_load_idx %arg5[%parallel_loop3A_439] : memref<50176xf32, #tpu.memory_space<vmem>>[vector<16xi32>], vector<16xf32>,
          %parallel_loop3A_444 = arith.mulf %parallel_loop3A_188, %parallel_loop3A_440 : vector<16xf32>
          %parallel_loop3A_445 = arith.mulf %parallel_loop3A_189, %parallel_loop3A_441 : vector<16xf32>
          %parallel_loop3A_446 = arith.addf %parallel_loop3A_444, %parallel_loop3A_445 : vector<16xf32>
          %parallel_loop3A_447 = arith.mulf %parallel_loop3A_190, %parallel_loop3A_442 : vector<16xf32>
          %parallel_loop3A_448 = arith.addf %parallel_loop3A_446, %parallel_loop3A_447 : vector<16xf32>
          %parallel_loop3A_449 = arith.mulf %parallel_loop3A_191, %parallel_loop3A_443 : vector<16xf32>
          %parallel_loop3A_450 = arith.addf %parallel_loop3A_448, %parallel_loop3A_449 : vector<16xf32>
          %parallel_loop3A_451 = arith.constant 47040 : i32
          %parallel_loop3A_452 = vector.broadcast %parallel_loop3A_451 : i32 to vector<16xi32>
          %parallel_loop3A_453 = arith.addi %parallel_loop3A_198, %parallel_loop3A_452 : vector<16xi32>
          %parallel_loop3A_454 = arith.addi %parallel_loop3A_199, %parallel_loop3A_452 : vector<16xi32>
          %parallel_loop3A_455 = arith.addi %parallel_loop3A_200, %parallel_loop3A_452 : vector<16xi32>
          %parallel_loop3A_456 = arith.addi %parallel_loop3A_201, %parallel_loop3A_452 : vector<16xi32>
          %parallel_loop3A_457 = tpu.vector_load_idx %arg5[%parallel_loop3A_453] : memref<50176xf32, #tpu.memory_space<vmem>>[vector<16xi32>], vector<16xf32>,
          %parallel_loop3A_458 = tpu.vector_load_idx %arg5[%parallel_loop3A_454] : memref<50176xf32, #tpu.memory_space<vmem>>[vector<16xi32>], vector<16xf32>,
          %parallel_loop3A_459 = tpu.vector_load_idx %arg5[%parallel_loop3A_455] : memref<50176xf32, #tpu.memory_space<vmem>>[vector<16xi32>], vector<16xf32>,
          %parallel_loop3A_460 = tpu.vector_load_idx %arg5[%parallel_loop3A_456] : memref<50176xf32, #tpu.memory_space<vmem>>[vector<16xi32>], vector<16xf32>,
          %parallel_loop3A_461 = arith.mulf %parallel_loop3A_188, %parallel_loop3A_457 : vector<16xf32>
          %parallel_loop3A_462 = arith.mulf %parallel_loop3A_189, %parallel_loop3A_458 : vector<16xf32>
          %parallel_loop3A_463 = arith.addf %parallel_loop3A_461, %parallel_loop3A_462 : vector<16xf32>
          %parallel_loop3A_464 = arith.mulf %parallel_loop3A_190, %parallel_loop3A_459 : vector<16xf32>
          %parallel_loop3A_465 = arith.addf %parallel_loop3A_463, %parallel_loop3A_464 : vector<16xf32>
          %parallel_loop3A_466 = arith.mulf %parallel_loop3A_191, %parallel_loop3A_460 : vector<16xf32>
          %parallel_loop3A_467 = arith.addf %parallel_loop3A_465, %parallel_loop3A_466 : vector<16xf32>
          %parallel_loop3A_468 = arith.constant 0 : i32
          %parallel_loop3A_469 = arith.index_cast %parallel_loop3A_468 : i32 to index
          %parallel_loop3A_470 = arith.index_cast %parallel_loop3A_136 : i32 to index
          %parallel_loop3A_471 = arith.constant 0 : index
          %parallel_loop3A_472 = tpu.vector_load %arg8[%parallel_loop3A_469, %parallel_loop3A_470, %parallel_loop3A_471] {strides = array<i32>} : memref<16x8x48xf32, #tpu.memory_space<vmem>>, vector<16xf32>,
          tpu.vector_store %arg8[%parallel_loop3A_469, %parallel_loop3A_470, %parallel_loop3A_471], %parallel_loop3A_212 {strides = array<i32>} : memref<16x8x48xf32, #tpu.memory_space<vmem>>, vector<16xf32>,
          %parallel_loop3A_473 = arith.constant 1 : i32
          %parallel_loop3A_474 = arith.index_cast %parallel_loop3A_473 : i32 to index
          %parallel_loop3A_475 = arith.index_cast %parallel_loop3A_136 : i32 to index
          %parallel_loop3A_476 = arith.constant 0 : index
          %parallel_loop3A_477 = tpu.vector_load %arg8[%parallel_loop3A_474, %parallel_loop3A_475, %parallel_loop3A_476] {strides = array<i32>} : memref<16x8x48xf32, #tpu.memory_space<vmem>>, vector<16xf32>,
          tpu.vector_store %arg8[%parallel_loop3A_474, %parallel_loop3A_475, %parallel_loop3A_476], %parallel_loop3A_229 {strides = array<i32>} : memref<16x8x48xf32, #tpu.memory_space<vmem>>, vector<16xf32>,
          %parallel_loop3A_478 = arith.constant 2 : i32
          %parallel_loop3A_479 = arith.index_cast %parallel_loop3A_478 : i32 to index
          %parallel_loop3A_480 = arith.index_cast %parallel_loop3A_136 : i32 to index
          %parallel_loop3A_481 = arith.constant 0 : index
          %parallel_loop3A_482 = tpu.vector_load %arg8[%parallel_loop3A_479, %parallel_loop3A_480, %parallel_loop3A_481] {strides = array<i32>} : memref<16x8x48xf32, #tpu.memory_space<vmem>>, vector<16xf32>,
          tpu.vector_store %arg8[%parallel_loop3A_479, %parallel_loop3A_480, %parallel_loop3A_481], %parallel_loop3A_246 {strides = array<i32>} : memref<16x8x48xf32, #tpu.memory_space<vmem>>, vector<16xf32>,
          %parallel_loop3A_483 = arith.constant 3 : i32
          %parallel_loop3A_484 = arith.index_cast %parallel_loop3A_483 : i32 to index
          %parallel_loop3A_485 = arith.index_cast %parallel_loop3A_136 : i32 to index
          %parallel_loop3A_486 = arith.constant 0 : index
          %parallel_loop3A_487 = tpu.vector_load %arg8[%parallel_loop3A_484, %parallel_loop3A_485, %parallel_loop3A_486] {strides = array<i32>} : memref<16x8x48xf32, #tpu.memory_space<vmem>>, vector<16xf32>,
          tpu.vector_store %arg8[%parallel_loop3A_484, %parallel_loop3A_485, %parallel_loop3A_486], %parallel_loop3A_263 {strides = array<i32>} : memref<16x8x48xf32, #tpu.memory_space<vmem>>, vector<16xf32>,
          %parallel_loop3A_488 = arith.constant 4 : i32
          %parallel_loop3A_489 = arith.index_cast %parallel_loop3A_488 : i32 to index
          %parallel_loop3A_490 = arith.index_cast %parallel_loop3A_136 : i32 to index
          %parallel_loop3A_491 = arith.constant 0 : index
          %parallel_loop3A_492 = tpu.vector_load %arg8[%parallel_loop3A_489, %parallel_loop3A_490, %parallel_loop3A_491] {strides = array<i32>} : memref<16x8x48xf32, #tpu.memory_space<vmem>>, vector<16xf32>,
          tpu.vector_store %arg8[%parallel_loop3A_489, %parallel_loop3A_490, %parallel_loop3A_491], %parallel_loop3A_280 {strides = array<i32>} : memref<16x8x48xf32, #tpu.memory_space<vmem>>, vector<16xf32>,
          %parallel_loop3A_493 = arith.constant 5 : i32
          %parallel_loop3A_494 = arith.index_cast %parallel_loop3A_493 : i32 to index
          %parallel_loop3A_495 = arith.index_cast %parallel_loop3A_136 : i32 to index
          %parallel_loop3A_496 = arith.constant 0 : index
          %parallel_loop3A_497 = tpu.vector_load %arg8[%parallel_loop3A_494, %parallel_loop3A_495, %parallel_loop3A_496] {strides = array<i32>} : memref<16x8x48xf32, #tpu.memory_space<vmem>>, vector<16xf32>,
          tpu.vector_store %arg8[%parallel_loop3A_494, %parallel_loop3A_495, %parallel_loop3A_496], %parallel_loop3A_297 {strides = array<i32>} : memref<16x8x48xf32, #tpu.memory_space<vmem>>, vector<16xf32>,
          %parallel_loop3A_498 = arith.constant 6 : i32
          %parallel_loop3A_499 = arith.index_cast %parallel_loop3A_498 : i32 to index
          %parallel_loop3A_500 = arith.index_cast %parallel_loop3A_136 : i32 to index
          %parallel_loop3A_501 = arith.constant 0 : index
          %parallel_loop3A_502 = tpu.vector_load %arg8[%parallel_loop3A_499, %parallel_loop3A_500, %parallel_loop3A_501] {strides = array<i32>} : memref<16x8x48xf32, #tpu.memory_space<vmem>>, vector<16xf32>,
          tpu.vector_store %arg8[%parallel_loop3A_499, %parallel_loop3A_500, %parallel_loop3A_501], %parallel_loop3A_314 {strides = array<i32>} : memref<16x8x48xf32, #tpu.memory_space<vmem>>, vector<16xf32>,
          %parallel_loop3A_503 = arith.constant 7 : i32
          %parallel_loop3A_504 = arith.index_cast %parallel_loop3A_503 : i32 to index
          %parallel_loop3A_505 = arith.index_cast %parallel_loop3A_136 : i32 to index
          %parallel_loop3A_506 = arith.constant 0 : index
          %parallel_loop3A_507 = tpu.vector_load %arg8[%parallel_loop3A_504, %parallel_loop3A_505, %parallel_loop3A_506] {strides = array<i32>} : memref<16x8x48xf32, #tpu.memory_space<vmem>>, vector<16xf32>,
          tpu.vector_store %arg8[%parallel_loop3A_504, %parallel_loop3A_505, %parallel_loop3A_506], %parallel_loop3A_331 {strides = array<i32>} : memref<16x8x48xf32, #tpu.memory_space<vmem>>, vector<16xf32>,
          %parallel_loop3A_508 = arith.constant 8 : i32
          %parallel_loop3A_509 = arith.index_cast %parallel_loop3A_508 : i32 to index
          %parallel_loop3A_510 = arith.index_cast %parallel_loop3A_136 : i32 to index
          %parallel_loop3A_511 = arith.constant 0 : index
          %parallel_loop3A_512 = tpu.vector_load %arg8[%parallel_loop3A_509, %parallel_loop3A_510, %parallel_loop3A_511] {strides = array<i32>} : memref<16x8x48xf32, #tpu.memory_space<vmem>>, vector<16xf32>,
          tpu.vector_store %arg8[%parallel_loop3A_509, %parallel_loop3A_510, %parallel_loop3A_511], %parallel_loop3A_348 {strides = array<i32>} : memref<16x8x48xf32, #tpu.memory_space<vmem>>, vector<16xf32>,
          %parallel_loop3A_513 = arith.constant 9 : i32
          %parallel_loop3A_514 = arith.index_cast %parallel_loop3A_513 : i32 to index
          %parallel_loop3A_515 = arith.index_cast %parallel_loop3A_136 : i32 to index
          %parallel_loop3A_516 = arith.constant 0 : index
          %parallel_loop3A_517 = tpu.vector_load %arg8[%parallel_loop3A_514, %parallel_loop3A_515, %parallel_loop3A_516] {strides = array<i32>} : memref<16x8x48xf32, #tpu.memory_space<vmem>>, vector<16xf32>,
          tpu.vector_store %arg8[%parallel_loop3A_514, %parallel_loop3A_515, %parallel_loop3A_516], %parallel_loop3A_365 {strides = array<i32>} : memref<16x8x48xf32, #tpu.memory_space<vmem>>, vector<16xf32>,
          %parallel_loop3A_518 = arith.constant 10 : i32
          %parallel_loop3A_519 = arith.index_cast %parallel_loop3A_518 : i32 to index
          %parallel_loop3A_520 = arith.index_cast %parallel_loop3A_136 : i32 to index
          %parallel_loop3A_521 = arith.constant 0 : index
          %parallel_loop3A_522 = tpu.vector_load %arg8[%parallel_loop3A_519, %parallel_loop3A_520, %parallel_loop3A_521] {strides = array<i32>} : memref<16x8x48xf32, #tpu.memory_space<vmem>>, vector<16xf32>,
          tpu.vector_store %arg8[%parallel_loop3A_519, %parallel_loop3A_520, %parallel_loop3A_521], %parallel_loop3A_382 {strides = array<i32>} : memref<16x8x48xf32, #tpu.memory_space<vmem>>, vector<16xf32>,
          %parallel_loop3A_523 = arith.constant 11 : i32
          %parallel_loop3A_524 = arith.index_cast %parallel_loop3A_523 : i32 to index
          %parallel_loop3A_525 = arith.index_cast %parallel_loop3A_136 : i32 to index
          %parallel_loop3A_526 = arith.constant 0 : index
          %parallel_loop3A_527 = tpu.vector_load %arg8[%parallel_loop3A_524, %parallel_loop3A_525, %parallel_loop3A_526] {strides = array<i32>} : memref<16x8x48xf32, #tpu.memory_space<vmem>>, vector<16xf32>,
          tpu.vector_store %arg8[%parallel_loop3A_524, %parallel_loop3A_525, %parallel_loop3A_526], %parallel_loop3A_399 {strides = array<i32>} : memref<16x8x48xf32, #tpu.memory_space<vmem>>, vector<16xf32>,
          %parallel_loop3A_528 = arith.constant 12 : i32
          %parallel_loop3A_529 = arith.index_cast %parallel_loop3A_528 : i32 to index
          %parallel_loop3A_530 = arith.index_cast %parallel_loop3A_136 : i32 to index
          %parallel_loop3A_531 = arith.constant 0 : index
          %parallel_loop3A_532 = tpu.vector_load %arg8[%parallel_loop3A_529, %parallel_loop3A_530, %parallel_loop3A_531] {strides = array<i32>} : memref<16x8x48xf32, #tpu.memory_space<vmem>>, vector<16xf32>,
          tpu.vector_store %arg8[%parallel_loop3A_529, %parallel_loop3A_530, %parallel_loop3A_531], %parallel_loop3A_416 {strides = array<i32>} : memref<16x8x48xf32, #tpu.memory_space<vmem>>, vector<16xf32>,
          %parallel_loop3A_533 = arith.constant 13 : i32
          %parallel_loop3A_534 = arith.index_cast %parallel_loop3A_533 : i32 to index
          %parallel_loop3A_535 = arith.index_cast %parallel_loop3A_136 : i32 to index
          %parallel_loop3A_536 = arith.constant 0 : index
          %parallel_loop3A_537 = tpu.vector_load %arg8[%parallel_loop3A_534, %parallel_loop3A_535, %parallel_loop3A_536] {strides = array<i32>} : memref<16x8x48xf32, #tpu.memory_space<vmem>>, vector<16xf32>,
          tpu.vector_store %arg8[%parallel_loop3A_534, %parallel_loop3A_535, %parallel_loop3A_536], %parallel_loop3A_433 {strides = array<i32>} : memref<16x8x48xf32, #tpu.memory_space<vmem>>, vector<16xf32>,
          %parallel_loop3A_538 = arith.constant 14 : i32
          %parallel_loop3A_539 = arith.index_cast %parallel_loop3A_538 : i32 to index
          %parallel_loop3A_540 = arith.index_cast %parallel_loop3A_136 : i32 to index
          %parallel_loop3A_541 = arith.constant 0 : index
          %parallel_loop3A_542 = tpu.vector_load %arg8[%parallel_loop3A_539, %parallel_loop3A_540, %parallel_loop3A_541] {strides = array<i32>} : memref<16x8x48xf32, #tpu.memory_space<vmem>>, vector<16xf32>,
          tpu.vector_store %arg8[%parallel_loop3A_539, %parallel_loop3A_540, %parallel_loop3A_541], %parallel_loop3A_450 {strides = array<i32>} : memref<16x8x48xf32, #tpu.memory_space<vmem>>, vector<16xf32>,
          %parallel_loop3A_543 = arith.constant 15 : i32
          %parallel_loop3A_544 = arith.index_cast %parallel_loop3A_543 : i32 to index
          %parallel_loop3A_545 = arith.index_cast %parallel_loop3A_136 : i32 to index
          %parallel_loop3A_546 = arith.constant 0 : index
          %parallel_loop3A_547 = tpu.vector_load %arg8[%parallel_loop3A_544, %parallel_loop3A_545, %parallel_loop3A_546] {strides = array<i32>} : memref<16x8x48xf32, #tpu.memory_space<vmem>>, vector<16xf32>,
          tpu.vector_store %arg8[%parallel_loop3A_544, %parallel_loop3A_545, %parallel_loop3A_546], %parallel_loop3A_467 {strides = array<i32>} : memref<16x8x48xf32, #tpu.memory_space<vmem>>, vector<16xf32>,
          %parallel_loop3A_548 = arith.addf %parallel_loop3A_137, %get3A_23 : vector<16xf32>
          %parallel_loop3A_549 = arith.addf %parallel_loop3A_138, %get3A_27 : vector<16xf32>
          %parallel_loop3A_550 = arith.addf %parallel_loop3A_139, %get3A_31 : vector<16xf32>
          %parallel_loop3A_551 = vector.broadcast %scan3A : f32 to vector<16xf32>
          %parallel_loop3A_552 = arith.divf %parallel_loop3A_551, %parallel_loop3A_550 : vector<16xf32>
          %parallel_loop3A_553 = arith.mulf %parallel_loop3A_548, %parallel_loop3A_552 : vector<16xf32>
          %parallel_loop3A_554 = vector.broadcast %scan3A_60 : f32 to vector<16xf32>
          %parallel_loop3A_555 = arith.mulf %parallel_loop3A_553, %parallel_loop3A_554 : vector<16xf32>
          %parallel_loop3A_556 = arith.mulf %parallel_loop3A_549, %parallel_loop3A_552 : vector<16xf32>
          %parallel_loop3A_557 = vector.broadcast %scan3A_60 : f32 to vector<16xf32>
          %parallel_loop3A_558 = arith.mulf %parallel_loop3A_556, %parallel_loop3A_557 : vector<16xf32>
          %parallel_loop3A_559 = arith.constant 0.000000e+00 : f32
          %parallel_loop3A_560 = vector.broadcast %parallel_loop3A_559 : f32 to vector<16xf32>
          %parallel_loop3A_561 = arith.maximumf %parallel_loop3A_560, %parallel_loop3A_555 : vector<16xf32>
          %parallel_loop3A_562 = vector.broadcast %scan3A_61 : f32 to vector<16xf32>
          %parallel_loop3A_563 = arith.minimumf %parallel_loop3A_562, %parallel_loop3A_561 : vector<16xf32>
          %parallel_loop3A_564 = arith.constant 0.000000e+00 : f32
          %parallel_loop3A_565 = vector.broadcast %parallel_loop3A_564 : f32 to vector<16xf32>
          %parallel_loop3A_566 = arith.maximumf %parallel_loop3A_565, %parallel_loop3A_558 : vector<16xf32>
          %parallel_loop3A_567 = vector.broadcast %scan3A_62 : f32 to vector<16xf32>
          %parallel_loop3A_568 = arith.minimumf %parallel_loop3A_567, %parallel_loop3A_566 : vector<16xf32>
          %parallel_loop3A_569 = arith.fptosi %parallel_loop3A_563 : vector<16xf32> to vector<16xi32>
          %parallel_loop3A_570 = arith.fptosi %parallel_loop3A_568 : vector<16xf32> to vector<16xi32>
          %parallel_loop3A_571 = arith.constant 0 : i32
          %parallel_loop3A_572 = arith.constant 55 : i32
          %parallel_loop3A_573 = vector.broadcast %parallel_loop3A_571 : i32 to vector<16xi32>
          %parallel_loop3A_574 = arith.maxsi %parallel_loop3A_573, %parallel_loop3A_569 : vector<16xi32>
          %parallel_loop3A_575 = vector.broadcast %parallel_loop3A_572 : i32 to vector<16xi32>
          %parallel_loop3A_576 = arith.minsi %parallel_loop3A_575, %parallel_loop3A_574 : vector<16xi32>
          %parallel_loop3A_577 = arith.constant 0 : i32
          %parallel_loop3A_578 = arith.constant 55 : i32
          %parallel_loop3A_579 = vector.broadcast %parallel_loop3A_577 : i32 to vector<16xi32>
          %parallel_loop3A_580 = arith.maxsi %parallel_loop3A_579, %parallel_loop3A_570 : vector<16xi32>
          %parallel_loop3A_581 = vector.broadcast %parallel_loop3A_578 : i32 to vector<16xi32>
          %parallel_loop3A_582 = arith.minsi %parallel_loop3A_581, %parallel_loop3A_580 : vector<16xi32>
          %parallel_loop3A_583 = arith.sitofp %parallel_loop3A_576 : vector<16xi32> to vector<16xf32>
          %parallel_loop3A_584 = arith.sitofp %parallel_loop3A_582 : vector<16xi32> to vector<16xf32>
          %parallel_loop3A_585 = vector.broadcast %scan3A : f32 to vector<16xf32>
          %parallel_loop3A_586 = arith.addf %parallel_loop3A_583, %parallel_loop3A_585 : vector<16xf32>
          %parallel_loop3A_587 = vector.broadcast %scan3A_61 : f32 to vector<16xf32>
          %parallel_loop3A_588 = arith.minimumf %parallel_loop3A_586, %parallel_loop3A_587 : vector<16xf32>
          %parallel_loop3A_589 = vector.broadcast %scan3A : f32 to vector<16xf32>
          %parallel_loop3A_590 = arith.addf %parallel_loop3A_584, %parallel_loop3A_589 : vector<16xf32>
          %parallel_loop3A_591 = vector.broadcast %scan3A_62 : f32 to vector<16xf32>
          %parallel_loop3A_592 = arith.minimumf %parallel_loop3A_590, %parallel_loop3A_591 : vector<16xf32>
          %parallel_loop3A_593 = arith.fptosi %parallel_loop3A_588 : vector<16xf32> to vector<16xi32>
          %parallel_loop3A_594 = arith.fptosi %parallel_loop3A_592 : vector<16xf32> to vector<16xi32>
          %parallel_loop3A_595 = arith.subf %parallel_loop3A_588, %parallel_loop3A_563 : vector<16xf32>
          %parallel_loop3A_596 = arith.subf %parallel_loop3A_563, %parallel_loop3A_583 : vector<16xf32>
          %parallel_loop3A_597 = arith.subf %parallel_loop3A_592, %parallel_loop3A_568 : vector<16xf32>
          %parallel_loop3A_598 = arith.subf %parallel_loop3A_568, %parallel_loop3A_584 : vector<16xf32>
          %parallel_loop3A_599 = arith.mulf %parallel_loop3A_595, %parallel_loop3A_597 : vector<16xf32>
          %parallel_loop3A_600 = arith.mulf %parallel_loop3A_595, %parallel_loop3A_598 : vector<16xf32>
          %parallel_loop3A_601 = arith.mulf %parallel_loop3A_596, %parallel_loop3A_597 : vector<16xf32>
          %parallel_loop3A_602 = arith.mulf %parallel_loop3A_596, %parallel_loop3A_598 : vector<16xf32>
          %parallel_loop3A_603 = arith.constant 56 : i32
          %parallel_loop3A_604 = vector.broadcast %parallel_loop3A_603 : i32 to vector<16xi32>
          %parallel_loop3A_605 = arith.muli %parallel_loop3A_582, %parallel_loop3A_604 : vector<16xi32>
          %parallel_loop3A_606 = arith.constant 56 : i32
          %parallel_loop3A_607 = vector.broadcast %parallel_loop3A_606 : i32 to vector<16xi32>
          %parallel_loop3A_608 = arith.muli %parallel_loop3A_594, %parallel_loop3A_607 : vector<16xi32>
          %parallel_loop3A_609 = arith.addi %parallel_loop3A_605, %parallel_loop3A_576 : vector<16xi32>
          %parallel_loop3A_610 = arith.addi %parallel_loop3A_608, %parallel_loop3A_576 : vector<16xi32>
          %parallel_loop3A_611 = arith.addi %parallel_loop3A_605, %parallel_loop3A_593 : vector<16xi32>
          %parallel_loop3A_612 = arith.addi %parallel_loop3A_608, %parallel_loop3A_593 : vector<16xi32>
          %parallel_loop3A_613 = tpu.vector_load_idx %arg5[%parallel_loop3A_609] : memref<50176xf32, #tpu.memory_space<vmem>>[vector<16xi32>], vector<16xf32>,
          %parallel_loop3A_614 = tpu.vector_load_idx %arg5[%parallel_loop3A_610] : memref<50176xf32, #tpu.memory_space<vmem>>[vector<16xi32>], vector<16xf32>,
          %parallel_loop3A_615 = tpu.vector_load_idx %arg5[%parallel_loop3A_611] : memref<50176xf32, #tpu.memory_space<vmem>>[vector<16xi32>], vector<16xf32>,
          %parallel_loop3A_616 = tpu.vector_load_idx %arg5[%parallel_loop3A_612] : memref<50176xf32, #tpu.memory_space<vmem>>[vector<16xi32>], vector<16xf32>,
          %parallel_loop3A_617 = arith.mulf %parallel_loop3A_599, %parallel_loop3A_613 : vector<16xf32>
          %parallel_loop3A_618 = arith.mulf %parallel_loop3A_600, %parallel_loop3A_614 : vector<16xf32>
          %parallel_loop3A_619 = arith.addf %parallel_loop3A_617, %parallel_loop3A_618 : vector<16xf32>
          %parallel_loop3A_620 = arith.mulf %parallel_loop3A_601, %parallel_loop3A_615 : vector<16xf32>
          %parallel_loop3A_621 = arith.addf %parallel_loop3A_619, %parallel_loop3A_620 : vector<16xf32>
          %parallel_loop3A_622 = arith.mulf %parallel_loop3A_602, %parallel_loop3A_616 : vector<16xf32>
          %parallel_loop3A_623 = arith.addf %parallel_loop3A_621, %parallel_loop3A_622 : vector<16xf32>
          %parallel_loop3A_624 = arith.constant 3136 : i32
          %parallel_loop3A_625 = vector.broadcast %parallel_loop3A_624 : i32 to vector<16xi32>
          %parallel_loop3A_626 = arith.addi %parallel_loop3A_609, %parallel_loop3A_625 : vector<16xi32>
          %parallel_loop3A_627 = arith.addi %parallel_loop3A_610, %parallel_loop3A_625 : vector<16xi32>
          %parallel_loop3A_628 = arith.addi %parallel_loop3A_611, %parallel_loop3A_625 : vector<16xi32>
          %parallel_loop3A_629 = arith.addi %parallel_loop3A_612, %parallel_loop3A_625 : vector<16xi32>
          %parallel_loop3A_630 = tpu.vector_load_idx %arg5[%parallel_loop3A_626] : memref<50176xf32, #tpu.memory_space<vmem>>[vector<16xi32>], vector<16xf32>,
          %parallel_loop3A_631 = tpu.vector_load_idx %arg5[%parallel_loop3A_627] : memref<50176xf32, #tpu.memory_space<vmem>>[vector<16xi32>], vector<16xf32>,
          %parallel_loop3A_632 = tpu.vector_load_idx %arg5[%parallel_loop3A_628] : memref<50176xf32, #tpu.memory_space<vmem>>[vector<16xi32>], vector<16xf32>,
          %parallel_loop3A_633 = tpu.vector_load_idx %arg5[%parallel_loop3A_629] : memref<50176xf32, #tpu.memory_space<vmem>>[vector<16xi32>], vector<16xf32>,
          %parallel_loop3A_634 = arith.mulf %parallel_loop3A_599, %parallel_loop3A_630 : vector<16xf32>
          %parallel_loop3A_635 = arith.mulf %parallel_loop3A_600, %parallel_loop3A_631 : vector<16xf32>
          %parallel_loop3A_636 = arith.addf %parallel_loop3A_634, %parallel_loop3A_635 : vector<16xf32>
          %parallel_loop3A_637 = arith.mulf %parallel_loop3A_601, %parallel_loop3A_632 : vector<16xf32>
          %parallel_loop3A_638 = arith.addf %parallel_loop3A_636, %parallel_loop3A_637 : vector<16xf32>
          %parallel_loop3A_639 = arith.mulf %parallel_loop3A_602, %parallel_loop3A_633 : vector<16xf32>
          %parallel_loop3A_640 = arith.addf %parallel_loop3A_638, %parallel_loop3A_639 : vector<16xf32>
          %parallel_loop3A_641 = arith.constant 6272 : i32
          %parallel_loop3A_642 = vector.broadcast %parallel_loop3A_641 : i32 to vector<16xi32>
          %parallel_loop3A_643 = arith.addi %parallel_loop3A_609, %parallel_loop3A_642 : vector<16xi32>
          %parallel_loop3A_644 = arith.addi %parallel_loop3A_610, %parallel_loop3A_642 : vector<16xi32>
          %parallel_loop3A_645 = arith.addi %parallel_loop3A_611, %parallel_loop3A_642 : vector<16xi32>
          %parallel_loop3A_646 = arith.addi %parallel_loop3A_612, %parallel_loop3A_642 : vector<16xi32>
          %parallel_loop3A_647 = tpu.vector_load_idx %arg5[%parallel_loop3A_643] : memref<50176xf32, #tpu.memory_space<vmem>>[vector<16xi32>], vector<16xf32>,
          %parallel_loop3A_648 = tpu.vector_load_idx %arg5[%parallel_loop3A_644] : memref<50176xf32, #tpu.memory_space<vmem>>[vector<16xi32>], vector<16xf32>,
          %parallel_loop3A_649 = tpu.vector_load_idx %arg5[%parallel_loop3A_645] : memref<50176xf32, #tpu.memory_space<vmem>>[vector<16xi32>], vector<16xf32>,
          %parallel_loop3A_650 = tpu.vector_load_idx %arg5[%parallel_loop3A_646] : memref<50176xf32, #tpu.memory_space<vmem>>[vector<16xi32>], vector<16xf32>,
          %parallel_loop3A_651 = arith.mulf %parallel_loop3A_599, %parallel_loop3A_647 : vector<16xf32>
          %parallel_loop3A_652 = arith.mulf %parallel_loop3A_600, %parallel_loop3A_648 : vector<16xf32>
          %parallel_loop3A_653 = arith.addf %parallel_loop3A_651, %parallel_loop3A_652 : vector<16xf32>
          %parallel_loop3A_654 = arith.mulf %parallel_loop3A_601, %parallel_loop3A_649 : vector<16xf32>
          %parallel_loop3A_655 = arith.addf %parallel_loop3A_653, %parallel_loop3A_654 : vector<16xf32>
          %parallel_loop3A_656 = arith.mulf %parallel_loop3A_602, %parallel_loop3A_650 : vector<16xf32>
          %parallel_loop3A_657 = arith.addf %parallel_loop3A_655, %parallel_loop3A_656 : vector<16xf32>
          %parallel_loop3A_658 = arith.constant 9408 : i32
          %parallel_loop3A_659 = vector.broadcast %parallel_loop3A_658 : i32 to vector<16xi32>
          %parallel_loop3A_660 = arith.addi %parallel_loop3A_609, %parallel_loop3A_659 : vector<16xi32>
          %parallel_loop3A_661 = arith.addi %parallel_loop3A_610, %parallel_loop3A_659 : vector<16xi32>
          %parallel_loop3A_662 = arith.addi %parallel_loop3A_611, %parallel_loop3A_659 : vector<16xi32>
          %parallel_loop3A_663 = arith.addi %parallel_loop3A_612, %parallel_loop3A_659 : vector<16xi32>
          %parallel_loop3A_664 = tpu.vector_load_idx %arg5[%parallel_loop3A_660] : memref<50176xf32, #tpu.memory_space<vmem>>[vector<16xi32>], vector<16xf32>,
          %parallel_loop3A_665 = tpu.vector_load_idx %arg5[%parallel_loop3A_661] : memref<50176xf32, #tpu.memory_space<vmem>>[vector<16xi32>], vector<16xf32>,
          %parallel_loop3A_666 = tpu.vector_load_idx %arg5[%parallel_loop3A_662] : memref<50176xf32, #tpu.memory_space<vmem>>[vector<16xi32>], vector<16xf32>,
          %parallel_loop3A_667 = tpu.vector_load_idx %arg5[%parallel_loop3A_663] : memref<50176xf32, #tpu.memory_space<vmem>>[vector<16xi32>], vector<16xf32>,
          %parallel_loop3A_668 = arith.mulf %parallel_loop3A_599, %parallel_loop3A_664 : vector<16xf32>
          %parallel_loop3A_669 = arith.mulf %parallel_loop3A_600, %parallel_loop3A_665 : vector<16xf32>
          %parallel_loop3A_670 = arith.addf %parallel_loop3A_668, %parallel_loop3A_669 : vector<16xf32>
          %parallel_loop3A_671 = arith.mulf %parallel_loop3A_601, %parallel_loop3A_666 : vector<16xf32>
          %parallel_loop3A_672 = arith.addf %parallel_loop3A_670, %parallel_loop3A_671 : vector<16xf32>
          %parallel_loop3A_673 = arith.mulf %parallel_loop3A_602, %parallel_loop3A_667 : vector<16xf32>
          %parallel_loop3A_674 = arith.addf %parallel_loop3A_672, %parallel_loop3A_673 : vector<16xf32>
          %parallel_loop3A_675 = arith.constant 12544 : i32
          %parallel_loop3A_676 = vector.broadcast %parallel_loop3A_675 : i32 to vector<16xi32>
          %parallel_loop3A_677 = arith.addi %parallel_loop3A_609, %parallel_loop3A_676 : vector<16xi32>
          %parallel_loop3A_678 = arith.addi %parallel_loop3A_610, %parallel_loop3A_676 : vector<16xi32>
          %parallel_loop3A_679 = arith.addi %parallel_loop3A_611, %parallel_loop3A_676 : vector<16xi32>
          %parallel_loop3A_680 = arith.addi %parallel_loop3A_612, %parallel_loop3A_676 : vector<16xi32>
          %parallel_loop3A_681 = tpu.vector_load_idx %arg5[%parallel_loop3A_677] : memref<50176xf32, #tpu.memory_space<vmem>>[vector<16xi32>], vector<16xf32>,
          %parallel_loop3A_682 = tpu.vector_load_idx %arg5[%parallel_loop3A_678] : memref<50176xf32, #tpu.memory_space<vmem>>[vector<16xi32>], vector<16xf32>,
          %parallel_loop3A_683 = tpu.vector_load_idx %arg5[%parallel_loop3A_679] : memref<50176xf32, #tpu.memory_space<vmem>>[vector<16xi32>], vector<16xf32>,
          %parallel_loop3A_684 = tpu.vector_load_idx %arg5[%parallel_loop3A_680] : memref<50176xf32, #tpu.memory_space<vmem>>[vector<16xi32>], vector<16xf32>,
          %parallel_loop3A_685 = arith.mulf %parallel_loop3A_599, %parallel_loop3A_681 : vector<16xf32>
          %parallel_loop3A_686 = arith.mulf %parallel_loop3A_600, %parallel_loop3A_682 : vector<16xf32>
          %parallel_loop3A_687 = arith.addf %parallel_loop3A_685, %parallel_loop3A_686 : vector<16xf32>
          %parallel_loop3A_688 = arith.mulf %parallel_loop3A_601, %parallel_loop3A_683 : vector<16xf32>
          %parallel_loop3A_689 = arith.addf %parallel_loop3A_687, %parallel_loop3A_688 : vector<16xf32>
          %parallel_loop3A_690 = arith.mulf %parallel_loop3A_602, %parallel_loop3A_684 : vector<16xf32>
          %parallel_loop3A_691 = arith.addf %parallel_loop3A_689, %parallel_loop3A_690 : vector<16xf32>
          %parallel_loop3A_692 = arith.constant 15680 : i32
          %parallel_loop3A_693 = vector.broadcast %parallel_loop3A_692 : i32 to vector<16xi32>
          %parallel_loop3A_694 = arith.addi %parallel_loop3A_609, %parallel_loop3A_693 : vector<16xi32>
          %parallel_loop3A_695 = arith.addi %parallel_loop3A_610, %parallel_loop3A_693 : vector<16xi32>
          %parallel_loop3A_696 = arith.addi %parallel_loop3A_611, %parallel_loop3A_693 : vector<16xi32>
          %parallel_loop3A_697 = arith.addi %parallel_loop3A_612, %parallel_loop3A_693 : vector<16xi32>
          %parallel_loop3A_698 = tpu.vector_load_idx %arg5[%parallel_loop3A_694] : memref<50176xf32, #tpu.memory_space<vmem>>[vector<16xi32>], vector<16xf32>,
          %parallel_loop3A_699 = tpu.vector_load_idx %arg5[%parallel_loop3A_695] : memref<50176xf32, #tpu.memory_space<vmem>>[vector<16xi32>], vector<16xf32>,
          %parallel_loop3A_700 = tpu.vector_load_idx %arg5[%parallel_loop3A_696] : memref<50176xf32, #tpu.memory_space<vmem>>[vector<16xi32>], vector<16xf32>,
          %parallel_loop3A_701 = tpu.vector_load_idx %arg5[%parallel_loop3A_697] : memref<50176xf32, #tpu.memory_space<vmem>>[vector<16xi32>], vector<16xf32>,
          %parallel_loop3A_702 = arith.mulf %parallel_loop3A_599, %parallel_loop3A_698 : vector<16xf32>
          %parallel_loop3A_703 = arith.mulf %parallel_loop3A_600, %parallel_loop3A_699 : vector<16xf32>
          %parallel_loop3A_704 = arith.addf %parallel_loop3A_702, %parallel_loop3A_703 : vector<16xf32>
          %parallel_loop3A_705 = arith.mulf %parallel_loop3A_601, %parallel_loop3A_700 : vector<16xf32>
          %parallel_loop3A_706 = arith.addf %parallel_loop3A_704, %parallel_loop3A_705 : vector<16xf32>
          %parallel_loop3A_707 = arith.mulf %parallel_loop3A_602, %parallel_loop3A_701 : vector<16xf32>
          %parallel_loop3A_708 = arith.addf %parallel_loop3A_706, %parallel_loop3A_707 : vector<16xf32>
          %parallel_loop3A_709 = arith.constant 18816 : i32
          %parallel_loop3A_710 = vector.broadcast %parallel_loop3A_709 : i32 to vector<16xi32>
          %parallel_loop3A_711 = arith.addi %parallel_loop3A_609, %parallel_loop3A_710 : vector<16xi32>
          %parallel_loop3A_712 = arith.addi %parallel_loop3A_610, %parallel_loop3A_710 : vector<16xi32>
          %parallel_loop3A_713 = arith.addi %parallel_loop3A_611, %parallel_loop3A_710 : vector<16xi32>
          %parallel_loop3A_714 = arith.addi %parallel_loop3A_612, %parallel_loop3A_710 : vector<16xi32>
          %parallel_loop3A_715 = tpu.vector_load_idx %arg5[%parallel_loop3A_711] : memref<50176xf32, #tpu.memory_space<vmem>>[vector<16xi32>], vector<16xf32>,
          %parallel_loop3A_716 = tpu.vector_load_idx %arg5[%parallel_loop3A_712] : memref<50176xf32, #tpu.memory_space<vmem>>[vector<16xi32>], vector<16xf32>,
          %parallel_loop3A_717 = tpu.vector_load_idx %arg5[%parallel_loop3A_713] : memref<50176xf32, #tpu.memory_space<vmem>>[vector<16xi32>], vector<16xf32>,
          %parallel_loop3A_718 = tpu.vector_load_idx %arg5[%parallel_loop3A_714] : memref<50176xf32, #tpu.memory_space<vmem>>[vector<16xi32>], vector<16xf32>,
          %parallel_loop3A_719 = arith.mulf %parallel_loop3A_599, %parallel_loop3A_715 : vector<16xf32>
          %parallel_loop3A_720 = arith.mulf %parallel_loop3A_600, %parallel_loop3A_716 : vector<16xf32>
          %parallel_loop3A_721 = arith.addf %parallel_loop3A_719, %parallel_loop3A_720 : vector<16xf32>
          %parallel_loop3A_722 = arith.mulf %parallel_loop3A_601, %parallel_loop3A_717 : vector<16xf32>
          %parallel_loop3A_723 = arith.addf %parallel_loop3A_721, %parallel_loop3A_722 : vector<16xf32>
          %parallel_loop3A_724 = arith.mulf %parallel_loop3A_602, %parallel_loop3A_718 : vector<16xf32>
          %parallel_loop3A_725 = arith.addf %parallel_loop3A_723, %parallel_loop3A_724 : vector<16xf32>
          %parallel_loop3A_726 = arith.constant 21952 : i32
          %parallel_loop3A_727 = vector.broadcast %parallel_loop3A_726 : i32 to vector<16xi32>
          %parallel_loop3A_728 = arith.addi %parallel_loop3A_609, %parallel_loop3A_727 : vector<16xi32>
          %parallel_loop3A_729 = arith.addi %parallel_loop3A_610, %parallel_loop3A_727 : vector<16xi32>
          %parallel_loop3A_730 = arith.addi %parallel_loop3A_611, %parallel_loop3A_727 : vector<16xi32>
          %parallel_loop3A_731 = arith.addi %parallel_loop3A_612, %parallel_loop3A_727 : vector<16xi32>
          %parallel_loop3A_732 = tpu.vector_load_idx %arg5[%parallel_loop3A_728] : memref<50176xf32, #tpu.memory_space<vmem>>[vector<16xi32>], vector<16xf32>,
          %parallel_loop3A_733 = tpu.vector_load_idx %arg5[%parallel_loop3A_729] : memref<50176xf32, #tpu.memory_space<vmem>>[vector<16xi32>], vector<16xf32>,
          %parallel_loop3A_734 = tpu.vector_load_idx %arg5[%parallel_loop3A_730] : memref<50176xf32, #tpu.memory_space<vmem>>[vector<16xi32>], vector<16xf32>,
          %parallel_loop3A_735 = tpu.vector_load_idx %arg5[%parallel_loop3A_731] : memref<50176xf32, #tpu.memory_space<vmem>>[vector<16xi32>], vector<16xf32>,
          %parallel_loop3A_736 = arith.mulf %parallel_loop3A_599, %parallel_loop3A_732 : vector<16xf32>
          %parallel_loop3A_737 = arith.mulf %parallel_loop3A_600, %parallel_loop3A_733 : vector<16xf32>
          %parallel_loop3A_738 = arith.addf %parallel_loop3A_736, %parallel_loop3A_737 : vector<16xf32>
          %parallel_loop3A_739 = arith.mulf %parallel_loop3A_601, %parallel_loop3A_734 : vector<16xf32>
          %parallel_loop3A_740 = arith.addf %parallel_loop3A_738, %parallel_loop3A_739 : vector<16xf32>
          %parallel_loop3A_741 = arith.mulf %parallel_loop3A_602, %parallel_loop3A_735 : vector<16xf32>
          %parallel_loop3A_742 = arith.addf %parallel_loop3A_740, %parallel_loop3A_741 : vector<16xf32>
          %parallel_loop3A_743 = arith.constant 25088 : i32
          %parallel_loop3A_744 = vector.broadcast %parallel_loop3A_743 : i32 to vector<16xi32>
          %parallel_loop3A_745 = arith.addi %parallel_loop3A_609, %parallel_loop3A_744 : vector<16xi32>
          %parallel_loop3A_746 = arith.addi %parallel_loop3A_610, %parallel_loop3A_744 : vector<16xi32>
          %parallel_loop3A_747 = arith.addi %parallel_loop3A_611, %parallel_loop3A_744 : vector<16xi32>
          %parallel_loop3A_748 = arith.addi %parallel_loop3A_612, %parallel_loop3A_744 : vector<16xi32>
          %parallel_loop3A_749 = tpu.vector_load_idx %arg5[%parallel_loop3A_745] : memref<50176xf32, #tpu.memory_space<vmem>>[vector<16xi32>], vector<16xf32>,
          %parallel_loop3A_750 = tpu.vector_load_idx %arg5[%parallel_loop3A_746] : memref<50176xf32, #tpu.memory_space<vmem>>[vector<16xi32>], vector<16xf32>,
          %parallel_loop3A_751 = tpu.vector_load_idx %arg5[%parallel_loop3A_747] : memref<50176xf32, #tpu.memory_space<vmem>>[vector<16xi32>], vector<16xf32>,
          %parallel_loop3A_752 = tpu.vector_load_idx %arg5[%parallel_loop3A_748] : memref<50176xf32, #tpu.memory_space<vmem>>[vector<16xi32>], vector<16xf32>,
          %parallel_loop3A_753 = arith.mulf %parallel_loop3A_599, %parallel_loop3A_749 : vector<16xf32>
          %parallel_loop3A_754 = arith.mulf %parallel_loop3A_600, %parallel_loop3A_750 : vector<16xf32>
          %parallel_loop3A_755 = arith.addf %parallel_loop3A_753, %parallel_loop3A_754 : vector<16xf32>
          %parallel_loop3A_756 = arith.mulf %parallel_loop3A_601, %parallel_loop3A_751 : vector<16xf32>
          %parallel_loop3A_757 = arith.addf %parallel_loop3A_755, %parallel_loop3A_756 : vector<16xf32>
          %parallel_loop3A_758 = arith.mulf %parallel_loop3A_602, %parallel_loop3A_752 : vector<16xf32>
          %parallel_loop3A_759 = arith.addf %parallel_loop3A_757, %parallel_loop3A_758 : vector<16xf32>
          %parallel_loop3A_760 = arith.constant 28224 : i32
          %parallel_loop3A_761 = vector.broadcast %parallel_loop3A_760 : i32 to vector<16xi32>
          %parallel_loop3A_762 = arith.addi %parallel_loop3A_609, %parallel_loop3A_761 : vector<16xi32>
          %parallel_loop3A_763 = arith.addi %parallel_loop3A_610, %parallel_loop3A_761 : vector<16xi32>
          %parallel_loop3A_764 = arith.addi %parallel_loop3A_611, %parallel_loop3A_761 : vector<16xi32>
          %parallel_loop3A_765 = arith.addi %parallel_loop3A_612, %parallel_loop3A_761 : vector<16xi32>
          %parallel_loop3A_766 = tpu.vector_load_idx %arg5[%parallel_loop3A_762] : memref<50176xf32, #tpu.memory_space<vmem>>[vector<16xi32>], vector<16xf32>,
          %parallel_loop3A_767 = tpu.vector_load_idx %arg5[%parallel_loop3A_763] : memref<50176xf32, #tpu.memory_space<vmem>>[vector<16xi32>], vector<16xf32>,
          %parallel_loop3A_768 = tpu.vector_load_idx %arg5[%parallel_loop3A_764] : memref<50176xf32, #tpu.memory_space<vmem>>[vector<16xi32>], vector<16xf32>,
          %parallel_loop3A_769 = tpu.vector_load_idx %arg5[%parallel_loop3A_765] : memref<50176xf32, #tpu.memory_space<vmem>>[vector<16xi32>], vector<16xf32>,
          %parallel_loop3A_770 = arith.mulf %parallel_loop3A_599, %parallel_loop3A_766 : vector<16xf32>
          %parallel_loop3A_771 = arith.mulf %parallel_loop3A_600, %parallel_loop3A_767 : vector<16xf32>
          %parallel_loop3A_772 = arith.addf %parallel_loop3A_770, %parallel_loop3A_771 : vector<16xf32>
          %parallel_loop3A_773 = arith.mulf %parallel_loop3A_601, %parallel_loop3A_768 : vector<16xf32>
          %parallel_loop3A_774 = arith.addf %parallel_loop3A_772, %parallel_loop3A_773 : vector<16xf32>
          %parallel_loop3A_775 = arith.mulf %parallel_loop3A_602, %parallel_loop3A_769 : vector<16xf32>
          %parallel_loop3A_776 = arith.addf %parallel_loop3A_774, %parallel_loop3A_775 : vector<16xf32>
          %parallel_loop3A_777 = arith.constant 31360 : i32
          %parallel_loop3A_778 = vector.broadcast %parallel_loop3A_777 : i32 to vector<16xi32>
          %parallel_loop3A_779 = arith.addi %parallel_loop3A_609, %parallel_loop3A_778 : vector<16xi32>
          %parallel_loop3A_780 = arith.addi %parallel_loop3A_610, %parallel_loop3A_778 : vector<16xi32>
          %parallel_loop3A_781 = arith.addi %parallel_loop3A_611, %parallel_loop3A_778 : vector<16xi32>
          %parallel_loop3A_782 = arith.addi %parallel_loop3A_612, %parallel_loop3A_778 : vector<16xi32>
          %parallel_loop3A_783 = tpu.vector_load_idx %arg5[%parallel_loop3A_779] : memref<50176xf32, #tpu.memory_space<vmem>>[vector<16xi32>], vector<16xf32>,
          %parallel_loop3A_784 = tpu.vector_load_idx %arg5[%parallel_loop3A_780] : memref<50176xf32, #tpu.memory_space<vmem>>[vector<16xi32>], vector<16xf32>,
          %parallel_loop3A_785 = tpu.vector_load_idx %arg5[%parallel_loop3A_781] : memref<50176xf32, #tpu.memory_space<vmem>>[vector<16xi32>], vector<16xf32>,
          %parallel_loop3A_786 = tpu.vector_load_idx %arg5[%parallel_loop3A_782] : memref<50176xf32, #tpu.memory_space<vmem>>[vector<16xi32>], vector<16xf32>,
          %parallel_loop3A_787 = arith.mulf %parallel_loop3A_599, %parallel_loop3A_783 : vector<16xf32>
          %parallel_loop3A_788 = arith.mulf %parallel_loop3A_600, %parallel_loop3A_784 : vector<16xf32>
          %parallel_loop3A_789 = arith.addf %parallel_loop3A_787, %parallel_loop3A_788 : vector<16xf32>
          %parallel_loop3A_790 = arith.mulf %parallel_loop3A_601, %parallel_loop3A_785 : vector<16xf32>
          %parallel_loop3A_791 = arith.addf %parallel_loop3A_789, %parallel_loop3A_790 : vector<16xf32>
          %parallel_loop3A_792 = arith.mulf %parallel_loop3A_602, %parallel_loop3A_786 : vector<16xf32>
          %parallel_loop3A_793 = arith.addf %parallel_loop3A_791, %parallel_loop3A_792 : vector<16xf32>
          %parallel_loop3A_794 = arith.constant 34496 : i32
          %parallel_loop3A_795 = vector.broadcast %parallel_loop3A_794 : i32 to vector<16xi32>
          %parallel_loop3A_796 = arith.addi %parallel_loop3A_609, %parallel_loop3A_795 : vector<16xi32>
          %parallel_loop3A_797 = arith.addi %parallel_loop3A_610, %parallel_loop3A_795 : vector<16xi32>
          %parallel_loop3A_798 = arith.addi %parallel_loop3A_611, %parallel_loop3A_795 : vector<16xi32>
          %parallel_loop3A_799 = arith.addi %parallel_loop3A_612, %parallel_loop3A_795 : vector<16xi32>
          %parallel_loop3A_800 = tpu.vector_load_idx %arg5[%parallel_loop3A_796] : memref<50176xf32, #tpu.memory_space<vmem>>[vector<16xi32>], vector<16xf32>,
          %parallel_loop3A_801 = tpu.vector_load_idx %arg5[%parallel_loop3A_797] : memref<50176xf32, #tpu.memory_space<vmem>>[vector<16xi32>], vector<16xf32>,
          %parallel_loop3A_802 = tpu.vector_load_idx %arg5[%parallel_loop3A_798] : memref<50176xf32, #tpu.memory_space<vmem>>[vector<16xi32>], vector<16xf32>,
          %parallel_loop3A_803 = tpu.vector_load_idx %arg5[%parallel_loop3A_799] : memref<50176xf32, #tpu.memory_space<vmem>>[vector<16xi32>], vector<16xf32>,
          %parallel_loop3A_804 = arith.mulf %parallel_loop3A_599, %parallel_loop3A_800 : vector<16xf32>
          %parallel_loop3A_805 = arith.mulf %parallel_loop3A_600, %parallel_loop3A_801 : vector<16xf32>
          %parallel_loop3A_806 = arith.addf %parallel_loop3A_804, %parallel_loop3A_805 : vector<16xf32>
          %parallel_loop3A_807 = arith.mulf %parallel_loop3A_601, %parallel_loop3A_802 : vector<16xf32>
          %parallel_loop3A_808 = arith.addf %parallel_loop3A_806, %parallel_loop3A_807 : vector<16xf32>
          %parallel_loop3A_809 = arith.mulf %parallel_loop3A_602, %parallel_loop3A_803 : vector<16xf32>
          %parallel_loop3A_810 = arith.addf %parallel_loop3A_808, %parallel_loop3A_809 : vector<16xf32>
          %parallel_loop3A_811 = arith.constant 37632 : i32
          %parallel_loop3A_812 = vector.broadcast %parallel_loop3A_811 : i32 to vector<16xi32>
          %parallel_loop3A_813 = arith.addi %parallel_loop3A_609, %parallel_loop3A_812 : vector<16xi32>
          %parallel_loop3A_814 = arith.addi %parallel_loop3A_610, %parallel_loop3A_812 : vector<16xi32>
          %parallel_loop3A_815 = arith.addi %parallel_loop3A_611, %parallel_loop3A_812 : vector<16xi32>
          %parallel_loop3A_816 = arith.addi %parallel_loop3A_612, %parallel_loop3A_812 : vector<16xi32>
          %parallel_loop3A_817 = tpu.vector_load_idx %arg5[%parallel_loop3A_813] : memref<50176xf32, #tpu.memory_space<vmem>>[vector<16xi32>], vector<16xf32>,
          %parallel_loop3A_818 = tpu.vector_load_idx %arg5[%parallel_loop3A_814] : memref<50176xf32, #tpu.memory_space<vmem>>[vector<16xi32>], vector<16xf32>,
          %parallel_loop3A_819 = tpu.vector_load_idx %arg5[%parallel_loop3A_815] : memref<50176xf32, #tpu.memory_space<vmem>>[vector<16xi32>], vector<16xf32>,
          %parallel_loop3A_820 = tpu.vector_load_idx %arg5[%parallel_loop3A_816] : memref<50176xf32, #tpu.memory_space<vmem>>[vector<16xi32>], vector<16xf32>,
          %parallel_loop3A_821 = arith.mulf %parallel_loop3A_599, %parallel_loop3A_817 : vector<16xf32>
          %parallel_loop3A_822 = arith.mulf %parallel_loop3A_600, %parallel_loop3A_818 : vector<16xf32>
          %parallel_loop3A_823 = arith.addf %parallel_loop3A_821, %parallel_loop3A_822 : vector<16xf32>
          %parallel_loop3A_824 = arith.mulf %parallel_loop3A_601, %parallel_loop3A_819 : vector<16xf32>
          %parallel_loop3A_825 = arith.addf %parallel_loop3A_823, %parallel_loop3A_824 : vector<16xf32>
          %parallel_loop3A_826 = arith.mulf %parallel_loop3A_602, %parallel_loop3A_820 : vector<16xf32>
          %parallel_loop3A_827 = arith.addf %parallel_loop3A_825, %parallel_loop3A_826 : vector<16xf32>
          %parallel_loop3A_828 = arith.constant 40768 : i32
          %parallel_loop3A_829 = vector.broadcast %parallel_loop3A_828 : i32 to vector<16xi32>
          %parallel_loop3A_830 = arith.addi %parallel_loop3A_609, %parallel_loop3A_829 : vector<16xi32>
          %parallel_loop3A_831 = arith.addi %parallel_loop3A_610, %parallel_loop3A_829 : vector<16xi32>
          %parallel_loop3A_832 = arith.addi %parallel_loop3A_611, %parallel_loop3A_829 : vector<16xi32>
          %parallel_loop3A_833 = arith.addi %parallel_loop3A_612, %parallel_loop3A_829 : vector<16xi32>
          %parallel_loop3A_834 = tpu.vector_load_idx %arg5[%parallel_loop3A_830] : memref<50176xf32, #tpu.memory_space<vmem>>[vector<16xi32>], vector<16xf32>,
          %parallel_loop3A_835 = tpu.vector_load_idx %arg5[%parallel_loop3A_831] : memref<50176xf32, #tpu.memory_space<vmem>>[vector<16xi32>], vector<16xf32>,
          %parallel_loop3A_836 = tpu.vector_load_idx %arg5[%parallel_loop3A_832] : memref<50176xf32, #tpu.memory_space<vmem>>[vector<16xi32>], vector<16xf32>,
          %parallel_loop3A_837 = tpu.vector_load_idx %arg5[%parallel_loop3A_833] : memref<50176xf32, #tpu.memory_space<vmem>>[vector<16xi32>], vector<16xf32>,
          %parallel_loop3A_838 = arith.mulf %parallel_loop3A_599, %parallel_loop3A_834 : vector<16xf32>
          %parallel_loop3A_839 = arith.mulf %parallel_loop3A_600, %parallel_loop3A_835 : vector<16xf32>
          %parallel_loop3A_840 = arith.addf %parallel_loop3A_838, %parallel_loop3A_839 : vector<16xf32>
          %parallel_loop3A_841 = arith.mulf %parallel_loop3A_601, %parallel_loop3A_836 : vector<16xf32>
          %parallel_loop3A_842 = arith.addf %parallel_loop3A_840, %parallel_loop3A_841 : vector<16xf32>
          %parallel_loop3A_843 = arith.mulf %parallel_loop3A_602, %parallel_loop3A_837 : vector<16xf32>
          %parallel_loop3A_844 = arith.addf %parallel_loop3A_842, %parallel_loop3A_843 : vector<16xf32>
          %parallel_loop3A_845 = arith.constant 43904 : i32
          %parallel_loop3A_846 = vector.broadcast %parallel_loop3A_845 : i32 to vector<16xi32>
          %parallel_loop3A_847 = arith.addi %parallel_loop3A_609, %parallel_loop3A_846 : vector<16xi32>
          %parallel_loop3A_848 = arith.addi %parallel_loop3A_610, %parallel_loop3A_846 : vector<16xi32>
          %parallel_loop3A_849 = arith.addi %parallel_loop3A_611, %parallel_loop3A_846 : vector<16xi32>
          %parallel_loop3A_850 = arith.addi %parallel_loop3A_612, %parallel_loop3A_846 : vector<16xi32>
          %parallel_loop3A_851 = tpu.vector_load_idx %arg5[%parallel_loop3A_847] : memref<50176xf32, #tpu.memory_space<vmem>>[vector<16xi32>], vector<16xf32>,
          %parallel_loop3A_852 = tpu.vector_load_idx %arg5[%parallel_loop3A_848] : memref<50176xf32, #tpu.memory_space<vmem>>[vector<16xi32>], vector<16xf32>,
          %parallel_loop3A_853 = tpu.vector_load_idx %arg5[%parallel_loop3A_849] : memref<50176xf32, #tpu.memory_space<vmem>>[vector<16xi32>], vector<16xf32>,
          %parallel_loop3A_854 = tpu.vector_load_idx %arg5[%parallel_loop3A_850] : memref<50176xf32, #tpu.memory_space<vmem>>[vector<16xi32>], vector<16xf32>,
          %parallel_loop3A_855 = arith.mulf %parallel_loop3A_599, %parallel_loop3A_851 : vector<16xf32>
          %parallel_loop3A_856 = arith.mulf %parallel_loop3A_600, %parallel_loop3A_852 : vector<16xf32>
          %parallel_loop3A_857 = arith.addf %parallel_loop3A_855, %parallel_loop3A_856 : vector<16xf32>
          %parallel_loop3A_858 = arith.mulf %parallel_loop3A_601, %parallel_loop3A_853 : vector<16xf32>
          %parallel_loop3A_859 = arith.addf %parallel_loop3A_857, %parallel_loop3A_858 : vector<16xf32>
          %parallel_loop3A_860 = arith.mulf %parallel_loop3A_602, %parallel_loop3A_854 : vector<16xf32>
          %parallel_loop3A_861 = arith.addf %parallel_loop3A_859, %parallel_loop3A_860 : vector<16xf32>
          %parallel_loop3A_862 = arith.constant 47040 : i32
          %parallel_loop3A_863 = vector.broadcast %parallel_loop3A_862 : i32 to vector<16xi32>
          %parallel_loop3A_864 = arith.addi %parallel_loop3A_609, %parallel_loop3A_863 : vector<16xi32>
          %parallel_loop3A_865 = arith.addi %parallel_loop3A_610, %parallel_loop3A_863 : vector<16xi32>
          %parallel_loop3A_866 = arith.addi %parallel_loop3A_611, %parallel_loop3A_863 : vector<16xi32>
          %parallel_loop3A_867 = arith.addi %parallel_loop3A_612, %parallel_loop3A_863 : vector<16xi32>
          %parallel_loop3A_868 = tpu.vector_load_idx %arg5[%parallel_loop3A_864] : memref<50176xf32, #tpu.memory_space<vmem>>[vector<16xi32>], vector<16xf32>,
          %parallel_loop3A_869 = tpu.vector_load_idx %arg5[%parallel_loop3A_865] : memref<50176xf32, #tpu.memory_space<vmem>>[vector<16xi32>], vector<16xf32>,
          %parallel_loop3A_870 = tpu.vector_load_idx %arg5[%parallel_loop3A_866] : memref<50176xf32, #tpu.memory_space<vmem>>[vector<16xi32>], vector<16xf32>,
          %parallel_loop3A_871 = tpu.vector_load_idx %arg5[%parallel_loop3A_867] : memref<50176xf32, #tpu.memory_space<vmem>>[vector<16xi32>], vector<16xf32>,
          %parallel_loop3A_872 = arith.mulf %parallel_loop3A_599, %parallel_loop3A_868 : vector<16xf32>
          %parallel_loop3A_873 = arith.mulf %parallel_loop3A_600, %parallel_loop3A_869 : vector<16xf32>
          %parallel_loop3A_874 = arith.addf %parallel_loop3A_872, %parallel_loop3A_873 : vector<16xf32>
          %parallel_loop3A_875 = arith.mulf %parallel_loop3A_601, %parallel_loop3A_870 : vector<16xf32>
          %parallel_loop3A_876 = arith.addf %parallel_loop3A_874, %parallel_loop3A_875 : vector<16xf32>
          %parallel_loop3A_877 = arith.mulf %parallel_loop3A_602, %parallel_loop3A_871 : vector<16xf32>
          %parallel_loop3A_878 = arith.addf %parallel_loop3A_876, %parallel_loop3A_877 : vector<16xf32>
          %parallel_loop3A_879 = arith.constant 0 : i32
          %parallel_loop3A_880 = arith.index_cast %parallel_loop3A_879 : i32 to index
          %parallel_loop3A_881 = arith.index_cast %parallel_loop3A_136 : i32 to index
          %parallel_loop3A_882 = arith.constant 16 : index
          %parallel_loop3A_883 = tpu.vector_load %arg8[%parallel_loop3A_880, %parallel_loop3A_881, %parallel_loop3A_882] {strides = array<i32>} : memref<16x8x48xf32, #tpu.memory_space<vmem>>, vector<16xf32>,
          tpu.vector_store %arg8[%parallel_loop3A_880, %parallel_loop3A_881, %parallel_loop3A_882], %parallel_loop3A_623 {strides = array<i32>} : memref<16x8x48xf32, #tpu.memory_space<vmem>>, vector<16xf32>,
          %parallel_loop3A_884 = arith.constant 1 : i32
          %parallel_loop3A_885 = arith.index_cast %parallel_loop3A_884 : i32 to index
          %parallel_loop3A_886 = arith.index_cast %parallel_loop3A_136 : i32 to index
          %parallel_loop3A_887 = arith.constant 16 : index
          %parallel_loop3A_888 = tpu.vector_load %arg8[%parallel_loop3A_885, %parallel_loop3A_886, %parallel_loop3A_887] {strides = array<i32>} : memref<16x8x48xf32, #tpu.memory_space<vmem>>, vector<16xf32>,
          tpu.vector_store %arg8[%parallel_loop3A_885, %parallel_loop3A_886, %parallel_loop3A_887], %parallel_loop3A_640 {strides = array<i32>} : memref<16x8x48xf32, #tpu.memory_space<vmem>>, vector<16xf32>,
          %parallel_loop3A_889 = arith.constant 2 : i32
          %parallel_loop3A_890 = arith.index_cast %parallel_loop3A_889 : i32 to index
          %parallel_loop3A_891 = arith.index_cast %parallel_loop3A_136 : i32 to index
          %parallel_loop3A_892 = arith.constant 16 : index
          %parallel_loop3A_893 = tpu.vector_load %arg8[%parallel_loop3A_890, %parallel_loop3A_891, %parallel_loop3A_892] {strides = array<i32>} : memref<16x8x48xf32, #tpu.memory_space<vmem>>, vector<16xf32>,
          tpu.vector_store %arg8[%parallel_loop3A_890, %parallel_loop3A_891, %parallel_loop3A_892], %parallel_loop3A_657 {strides = array<i32>} : memref<16x8x48xf32, #tpu.memory_space<vmem>>, vector<16xf32>,
          %parallel_loop3A_894 = arith.constant 3 : i32
          %parallel_loop3A_895 = arith.index_cast %parallel_loop3A_894 : i32 to index
          %parallel_loop3A_896 = arith.index_cast %parallel_loop3A_136 : i32 to index
          %parallel_loop3A_897 = arith.constant 16 : index
          %parallel_loop3A_898 = tpu.vector_load %arg8[%parallel_loop3A_895, %parallel_loop3A_896, %parallel_loop3A_897] {strides = array<i32>} : memref<16x8x48xf32, #tpu.memory_space<vmem>>, vector<16xf32>,
          tpu.vector_store %arg8[%parallel_loop3A_895, %parallel_loop3A_896, %parallel_loop3A_897], %parallel_loop3A_674 {strides = array<i32>} : memref<16x8x48xf32, #tpu.memory_space<vmem>>, vector<16xf32>,
          %parallel_loop3A_899 = arith.constant 4 : i32
          %parallel_loop3A_900 = arith.index_cast %parallel_loop3A_899 : i32 to index
          %parallel_loop3A_901 = arith.index_cast %parallel_loop3A_136 : i32 to index
          %parallel_loop3A_902 = arith.constant 16 : index
          %parallel_loop3A_903 = tpu.vector_load %arg8[%parallel_loop3A_900, %parallel_loop3A_901, %parallel_loop3A_902] {strides = array<i32>} : memref<16x8x48xf32, #tpu.memory_space<vmem>>, vector<16xf32>,
          tpu.vector_store %arg8[%parallel_loop3A_900, %parallel_loop3A_901, %parallel_loop3A_902], %parallel_loop3A_691 {strides = array<i32>} : memref<16x8x48xf32, #tpu.memory_space<vmem>>, vector<16xf32>,
          %parallel_loop3A_904 = arith.constant 5 : i32
          %parallel_loop3A_905 = arith.index_cast %parallel_loop3A_904 : i32 to index
          %parallel_loop3A_906 = arith.index_cast %parallel_loop3A_136 : i32 to index
          %parallel_loop3A_907 = arith.constant 16 : index
          %parallel_loop3A_908 = tpu.vector_load %arg8[%parallel_loop3A_905, %parallel_loop3A_906, %parallel_loop3A_907] {strides = array<i32>} : memref<16x8x48xf32, #tpu.memory_space<vmem>>, vector<16xf32>,
          tpu.vector_store %arg8[%parallel_loop3A_905, %parallel_loop3A_906, %parallel_loop3A_907], %parallel_loop3A_708 {strides = array<i32>} : memref<16x8x48xf32, #tpu.memory_space<vmem>>, vector<16xf32>,
          %parallel_loop3A_909 = arith.constant 6 : i32
          %parallel_loop3A_910 = arith.index_cast %parallel_loop3A_909 : i32 to index
          %parallel_loop3A_911 = arith.index_cast %parallel_loop3A_136 : i32 to index
          %parallel_loop3A_912 = arith.constant 16 : index
          %parallel_loop3A_913 = tpu.vector_load %arg8[%parallel_loop3A_910, %parallel_loop3A_911, %parallel_loop3A_912] {strides = array<i32>} : memref<16x8x48xf32, #tpu.memory_space<vmem>>, vector<16xf32>,
          tpu.vector_store %arg8[%parallel_loop3A_910, %parallel_loop3A_911, %parallel_loop3A_912], %parallel_loop3A_725 {strides = array<i32>} : memref<16x8x48xf32, #tpu.memory_space<vmem>>, vector<16xf32>,
          %parallel_loop3A_914 = arith.constant 7 : i32
          %parallel_loop3A_915 = arith.index_cast %parallel_loop3A_914 : i32 to index
          %parallel_loop3A_916 = arith.index_cast %parallel_loop3A_136 : i32 to index
          %parallel_loop3A_917 = arith.constant 16 : index
          %parallel_loop3A_918 = tpu.vector_load %arg8[%parallel_loop3A_915, %parallel_loop3A_916, %parallel_loop3A_917] {strides = array<i32>} : memref<16x8x48xf32, #tpu.memory_space<vmem>>, vector<16xf32>,
          tpu.vector_store %arg8[%parallel_loop3A_915, %parallel_loop3A_916, %parallel_loop3A_917], %parallel_loop3A_742 {strides = array<i32>} : memref<16x8x48xf32, #tpu.memory_space<vmem>>, vector<16xf32>,
          %parallel_loop3A_919 = arith.constant 8 : i32
          %parallel_loop3A_920 = arith.index_cast %parallel_loop3A_919 : i32 to index
          %parallel_loop3A_921 = arith.index_cast %parallel_loop3A_136 : i32 to index
          %parallel_loop3A_922 = arith.constant 16 : index
          %parallel_loop3A_923 = tpu.vector_load %arg8[%parallel_loop3A_920, %parallel_loop3A_921, %parallel_loop3A_922] {strides = array<i32>} : memref<16x8x48xf32, #tpu.memory_space<vmem>>, vector<16xf32>,
          tpu.vector_store %arg8[%parallel_loop3A_920, %parallel_loop3A_921, %parallel_loop3A_922], %parallel_loop3A_759 {strides = array<i32>} : memref<16x8x48xf32, #tpu.memory_space<vmem>>, vector<16xf32>,
          %parallel_loop3A_924 = arith.constant 9 : i32
          %parallel_loop3A_925 = arith.index_cast %parallel_loop3A_924 : i32 to index
          %parallel_loop3A_926 = arith.index_cast %parallel_loop3A_136 : i32 to index
          %parallel_loop3A_927 = arith.constant 16 : index
          %parallel_loop3A_928 = tpu.vector_load %arg8[%parallel_loop3A_925, %parallel_loop3A_926, %parallel_loop3A_927] {strides = array<i32>} : memref<16x8x48xf32, #tpu.memory_space<vmem>>, vector<16xf32>,
          tpu.vector_store %arg8[%parallel_loop3A_925, %parallel_loop3A_926, %parallel_loop3A_927], %parallel_loop3A_776 {strides = array<i32>} : memref<16x8x48xf32, #tpu.memory_space<vmem>>, vector<16xf32>,
          %parallel_loop3A_929 = arith.constant 10 : i32
          %parallel_loop3A_930 = arith.index_cast %parallel_loop3A_929 : i32 to index
          %parallel_loop3A_931 = arith.index_cast %parallel_loop3A_136 : i32 to index
          %parallel_loop3A_932 = arith.constant 16 : index
          %parallel_loop3A_933 = tpu.vector_load %arg8[%parallel_loop3A_930, %parallel_loop3A_931, %parallel_loop3A_932] {strides = array<i32>} : memref<16x8x48xf32, #tpu.memory_space<vmem>>, vector<16xf32>,
          tpu.vector_store %arg8[%parallel_loop3A_930, %parallel_loop3A_931, %parallel_loop3A_932], %parallel_loop3A_793 {strides = array<i32>} : memref<16x8x48xf32, #tpu.memory_space<vmem>>, vector<16xf32>,
          %parallel_loop3A_934 = arith.constant 11 : i32
          %parallel_loop3A_935 = arith.index_cast %parallel_loop3A_934 : i32 to index
          %parallel_loop3A_936 = arith.index_cast %parallel_loop3A_136 : i32 to index
          %parallel_loop3A_937 = arith.constant 16 : index
          %parallel_loop3A_938 = tpu.vector_load %arg8[%parallel_loop3A_935, %parallel_loop3A_936, %parallel_loop3A_937] {strides = array<i32>} : memref<16x8x48xf32, #tpu.memory_space<vmem>>, vector<16xf32>,
          tpu.vector_store %arg8[%parallel_loop3A_935, %parallel_loop3A_936, %parallel_loop3A_937], %parallel_loop3A_810 {strides = array<i32>} : memref<16x8x48xf32, #tpu.memory_space<vmem>>, vector<16xf32>,
          %parallel_loop3A_939 = arith.constant 12 : i32
          %parallel_loop3A_940 = arith.index_cast %parallel_loop3A_939 : i32 to index
          %parallel_loop3A_941 = arith.index_cast %parallel_loop3A_136 : i32 to index
          %parallel_loop3A_942 = arith.constant 16 : index
          %parallel_loop3A_943 = tpu.vector_load %arg8[%parallel_loop3A_940, %parallel_loop3A_941, %parallel_loop3A_942] {strides = array<i32>} : memref<16x8x48xf32, #tpu.memory_space<vmem>>, vector<16xf32>,
          tpu.vector_store %arg8[%parallel_loop3A_940, %parallel_loop3A_941, %parallel_loop3A_942], %parallel_loop3A_827 {strides = array<i32>} : memref<16x8x48xf32, #tpu.memory_space<vmem>>, vector<16xf32>,
          %parallel_loop3A_944 = arith.constant 13 : i32
          %parallel_loop3A_945 = arith.index_cast %parallel_loop3A_944 : i32 to index
          %parallel_loop3A_946 = arith.index_cast %parallel_loop3A_136 : i32 to index
          %parallel_loop3A_947 = arith.constant 16 : index
          %parallel_loop3A_948 = tpu.vector_load %arg8[%parallel_loop3A_945, %parallel_loop3A_946, %parallel_loop3A_947] {strides = array<i32>} : memref<16x8x48xf32, #tpu.memory_space<vmem>>, vector<16xf32>,
          tpu.vector_store %arg8[%parallel_loop3A_945, %parallel_loop3A_946, %parallel_loop3A_947], %parallel_loop3A_844 {strides = array<i32>} : memref<16x8x48xf32, #tpu.memory_space<vmem>>, vector<16xf32>,
          %parallel_loop3A_949 = arith.constant 14 : i32
          %parallel_loop3A_950 = arith.index_cast %parallel_loop3A_949 : i32 to index
          %parallel_loop3A_951 = arith.index_cast %parallel_loop3A_136 : i32 to index
          %parallel_loop3A_952 = arith.constant 16 : index
          %parallel_loop3A_953 = tpu.vector_load %arg8[%parallel_loop3A_950, %parallel_loop3A_951, %parallel_loop3A_952] {strides = array<i32>} : memref<16x8x48xf32, #tpu.memory_space<vmem>>, vector<16xf32>,
          tpu.vector_store %arg8[%parallel_loop3A_950, %parallel_loop3A_951, %parallel_loop3A_952], %parallel_loop3A_861 {strides = array<i32>} : memref<16x8x48xf32, #tpu.memory_space<vmem>>, vector<16xf32>,
          %parallel_loop3A_954 = arith.constant 15 : i32
          %parallel_loop3A_955 = arith.index_cast %parallel_loop3A_954 : i32 to index
          %parallel_loop3A_956 = arith.index_cast %parallel_loop3A_136 : i32 to index
          %parallel_loop3A_957 = arith.constant 16 : index
          %parallel_loop3A_958 = tpu.vector_load %arg8[%parallel_loop3A_955, %parallel_loop3A_956, %parallel_loop3A_957] {strides = array<i32>} : memref<16x8x48xf32, #tpu.memory_space<vmem>>, vector<16xf32>,
          tpu.vector_store %arg8[%parallel_loop3A_955, %parallel_loop3A_956, %parallel_loop3A_957], %parallel_loop3A_878 {strides = array<i32>} : memref<16x8x48xf32, #tpu.memory_space<vmem>>, vector<16xf32>,
          %parallel_loop3A_959 = arith.addf %parallel_loop3A_548, %get3A_23 : vector<16xf32>
          %parallel_loop3A_960 = arith.addf %parallel_loop3A_549, %get3A_27 : vector<16xf32>
          %parallel_loop3A_961 = arith.addf %parallel_loop3A_550, %get3A_31 : vector<16xf32>
          %parallel_loop3A_962 = vector.broadcast %scan3A : f32 to vector<16xf32>
          %parallel_loop3A_963 = arith.divf %parallel_loop3A_962, %parallel_loop3A_961 : vector<16xf32>
          %parallel_loop3A_964 = arith.mulf %parallel_loop3A_959, %parallel_loop3A_963 : vector<16xf32>
          %parallel_loop3A_965 = vector.broadcast %scan3A_60 : f32 to vector<16xf32>
          %parallel_loop3A_966 = arith.mulf %parallel_loop3A_964, %parallel_loop3A_965 : vector<16xf32>
          %parallel_loop3A_967 = arith.mulf %parallel_loop3A_960, %parallel_loop3A_963 : vector<16xf32>
          %parallel_loop3A_968 = vector.broadcast %scan3A_60 : f32 to vector<16xf32>
          %parallel_loop3A_969 = arith.mulf %parallel_loop3A_967, %parallel_loop3A_968 : vector<16xf32>
          %parallel_loop3A_970 = arith.constant 0.000000e+00 : f32
          %parallel_loop3A_971 = vector.broadcast %parallel_loop3A_970 : f32 to vector<16xf32>
          %parallel_loop3A_972 = arith.maximumf %parallel_loop3A_971, %parallel_loop3A_966 : vector<16xf32>
          %parallel_loop3A_973 = vector.broadcast %scan3A_61 : f32 to vector<16xf32>
          %parallel_loop3A_974 = arith.minimumf %parallel_loop3A_973, %parallel_loop3A_972 : vector<16xf32>
          %parallel_loop3A_975 = arith.constant 0.000000e+00 : f32
          %parallel_loop3A_976 = vector.broadcast %parallel_loop3A_975 : f32 to vector<16xf32>
          %parallel_loop3A_977 = arith.maximumf %parallel_loop3A_976, %parallel_loop3A_969 : vector<16xf32>
          %parallel_loop3A_978 = vector.broadcast %scan3A_62 : f32 to vector<16xf32>
          %parallel_loop3A_979 = arith.minimumf %parallel_loop3A_978, %parallel_loop3A_977 : vector<16xf32>
          %parallel_loop3A_980 = arith.fptosi %parallel_loop3A_974 : vector<16xf32> to vector<16xi32>
          %parallel_loop3A_981 = arith.fptosi %parallel_loop3A_979 : vector<16xf32> to vector<16xi32>
          %parallel_loop3A_982 = arith.constant 0 : i32
          %parallel_loop3A_983 = arith.constant 55 : i32
          %parallel_loop3A_984 = vector.broadcast %parallel_loop3A_982 : i32 to vector<16xi32>
          %parallel_loop3A_985 = arith.maxsi %parallel_loop3A_984, %parallel_loop3A_980 : vector<16xi32>
          %parallel_loop3A_986 = vector.broadcast %parallel_loop3A_983 : i32 to vector<16xi32>
          %parallel_loop3A_987 = arith.minsi %parallel_loop3A_986, %parallel_loop3A_985 : vector<16xi32>
          %parallel_loop3A_988 = arith.constant 0 : i32
          %parallel_loop3A_989 = arith.constant 55 : i32
          %parallel_loop3A_990 = vector.broadcast %parallel_loop3A_988 : i32 to vector<16xi32>
          %parallel_loop3A_991 = arith.maxsi %parallel_loop3A_990, %parallel_loop3A_981 : vector<16xi32>
          %parallel_loop3A_992 = vector.broadcast %parallel_loop3A_989 : i32 to vector<16xi32>
          %parallel_loop3A_993 = arith.minsi %parallel_loop3A_992, %parallel_loop3A_991 : vector<16xi32>
          %parallel_loop3A_994 = arith.sitofp %parallel_loop3A_987 : vector<16xi32> to vector<16xf32>
          %parallel_loop3A_995 = arith.sitofp %parallel_loop3A_993 : vector<16xi32> to vector<16xf32>
          %parallel_loop3A_996 = vector.broadcast %scan3A : f32 to vector<16xf32>
          %parallel_loop3A_997 = arith.addf %parallel_loop3A_994, %parallel_loop3A_996 : vector<16xf32>
          %parallel_loop3A_998 = vector.broadcast %scan3A_61 : f32 to vector<16xf32>
          %parallel_loop3A_999 = arith.minimumf %parallel_loop3A_997, %parallel_loop3A_998 : vector<16xf32>
          %parallel_loop3A_1000 = vector.broadcast %scan3A : f32 to vector<16xf32>
          %parallel_loop3A_1001 = arith.addf %parallel_loop3A_995, %parallel_loop3A_1000 : vector<16xf32>
          %parallel_loop3A_1002 = vector.broadcast %scan3A_62 : f32 to vector<16xf32>
          %parallel_loop3A_1003 = arith.minimumf %parallel_loop3A_1001, %parallel_loop3A_1002 : vector<16xf32>
          %parallel_loop3A_1004 = arith.fptosi %parallel_loop3A_999 : vector<16xf32> to vector<16xi32>
          %parallel_loop3A_1005 = arith.fptosi %parallel_loop3A_1003 : vector<16xf32> to vector<16xi32>
          %parallel_loop3A_1006 = arith.subf %parallel_loop3A_999, %parallel_loop3A_974 : vector<16xf32>
          %parallel_loop3A_1007 = arith.subf %parallel_loop3A_974, %parallel_loop3A_994 : vector<16xf32>
          %parallel_loop3A_1008 = arith.subf %parallel_loop3A_1003, %parallel_loop3A_979 : vector<16xf32>
          %parallel_loop3A_1009 = arith.subf %parallel_loop3A_979, %parallel_loop3A_995 : vector<16xf32>
          %parallel_loop3A_1010 = arith.mulf %parallel_loop3A_1006, %parallel_loop3A_1008 : vector<16xf32>
          %parallel_loop3A_1011 = arith.mulf %parallel_loop3A_1006, %parallel_loop3A_1009 : vector<16xf32>
          %parallel_loop3A_1012 = arith.mulf %parallel_loop3A_1007, %parallel_loop3A_1008 : vector<16xf32>
          %parallel_loop3A_1013 = arith.mulf %parallel_loop3A_1007, %parallel_loop3A_1009 : vector<16xf32>
          %parallel_loop3A_1014 = arith.constant 56 : i32
          %parallel_loop3A_1015 = vector.broadcast %parallel_loop3A_1014 : i32 to vector<16xi32>
          %parallel_loop3A_1016 = arith.muli %parallel_loop3A_993, %parallel_loop3A_1015 : vector<16xi32>
          %parallel_loop3A_1017 = arith.constant 56 : i32
          %parallel_loop3A_1018 = vector.broadcast %parallel_loop3A_1017 : i32 to vector<16xi32>
          %parallel_loop3A_1019 = arith.muli %parallel_loop3A_1005, %parallel_loop3A_1018 : vector<16xi32>
          %parallel_loop3A_1020 = arith.addi %parallel_loop3A_1016, %parallel_loop3A_987 : vector<16xi32>
          %parallel_loop3A_1021 = arith.addi %parallel_loop3A_1019, %parallel_loop3A_987 : vector<16xi32>
          %parallel_loop3A_1022 = arith.addi %parallel_loop3A_1016, %parallel_loop3A_1004 : vector<16xi32>
          %parallel_loop3A_1023 = arith.addi %parallel_loop3A_1019, %parallel_loop3A_1004 : vector<16xi32>
          %parallel_loop3A_1024 = tpu.vector_load_idx %arg5[%parallel_loop3A_1020] : memref<50176xf32, #tpu.memory_space<vmem>>[vector<16xi32>], vector<16xf32>,
          %parallel_loop3A_1025 = tpu.vector_load_idx %arg5[%parallel_loop3A_1021] : memref<50176xf32, #tpu.memory_space<vmem>>[vector<16xi32>], vector<16xf32>,
          %parallel_loop3A_1026 = tpu.vector_load_idx %arg5[%parallel_loop3A_1022] : memref<50176xf32, #tpu.memory_space<vmem>>[vector<16xi32>], vector<16xf32>,
          %parallel_loop3A_1027 = tpu.vector_load_idx %arg5[%parallel_loop3A_1023] : memref<50176xf32, #tpu.memory_space<vmem>>[vector<16xi32>], vector<16xf32>,
          %parallel_loop3A_1028 = arith.mulf %parallel_loop3A_1010, %parallel_loop3A_1024 : vector<16xf32>
          %parallel_loop3A_1029 = arith.mulf %parallel_loop3A_1011, %parallel_loop3A_1025 : vector<16xf32>
          %parallel_loop3A_1030 = arith.addf %parallel_loop3A_1028, %parallel_loop3A_1029 : vector<16xf32>
          %parallel_loop3A_1031 = arith.mulf %parallel_loop3A_1012, %parallel_loop3A_1026 : vector<16xf32>
          %parallel_loop3A_1032 = arith.addf %parallel_loop3A_1030, %parallel_loop3A_1031 : vector<16xf32>
          %parallel_loop3A_1033 = arith.mulf %parallel_loop3A_1013, %parallel_loop3A_1027 : vector<16xf32>
          %parallel_loop3A_1034 = arith.addf %parallel_loop3A_1032, %parallel_loop3A_1033 : vector<16xf32>
          %parallel_loop3A_1035 = arith.constant 3136 : i32
          %parallel_loop3A_1036 = vector.broadcast %parallel_loop3A_1035 : i32 to vector<16xi32>
          %parallel_loop3A_1037 = arith.addi %parallel_loop3A_1020, %parallel_loop3A_1036 : vector<16xi32>
          %parallel_loop3A_1038 = arith.addi %parallel_loop3A_1021, %parallel_loop3A_1036 : vector<16xi32>
          %parallel_loop3A_1039 = arith.addi %parallel_loop3A_1022, %parallel_loop3A_1036 : vector<16xi32>
          %parallel_loop3A_1040 = arith.addi %parallel_loop3A_1023, %parallel_loop3A_1036 : vector<16xi32>
          %parallel_loop3A_1041 = tpu.vector_load_idx %arg5[%parallel_loop3A_1037] : memref<50176xf32, #tpu.memory_space<vmem>>[vector<16xi32>], vector<16xf32>,
          %parallel_loop3A_1042 = tpu.vector_load_idx %arg5[%parallel_loop3A_1038] : memref<50176xf32, #tpu.memory_space<vmem>>[vector<16xi32>], vector<16xf32>,
          %parallel_loop3A_1043 = tpu.vector_load_idx %arg5[%parallel_loop3A_1039] : memref<50176xf32, #tpu.memory_space<vmem>>[vector<16xi32>], vector<16xf32>,
          %parallel_loop3A_1044 = tpu.vector_load_idx %arg5[%parallel_loop3A_1040] : memref<50176xf32, #tpu.memory_space<vmem>>[vector<16xi32>], vector<16xf32>,
          %parallel_loop3A_1045 = arith.mulf %parallel_loop3A_1010, %parallel_loop3A_1041 : vector<16xf32>
          %parallel_loop3A_1046 = arith.mulf %parallel_loop3A_1011, %parallel_loop3A_1042 : vector<16xf32>
          %parallel_loop3A_1047 = arith.addf %parallel_loop3A_1045, %parallel_loop3A_1046 : vector<16xf32>
          %parallel_loop3A_1048 = arith.mulf %parallel_loop3A_1012, %parallel_loop3A_1043 : vector<16xf32>
          %parallel_loop3A_1049 = arith.addf %parallel_loop3A_1047, %parallel_loop3A_1048 : vector<16xf32>
          %parallel_loop3A_1050 = arith.mulf %parallel_loop3A_1013, %parallel_loop3A_1044 : vector<16xf32>
          %parallel_loop3A_1051 = arith.addf %parallel_loop3A_1049, %parallel_loop3A_1050 : vector<16xf32>
          %parallel_loop3A_1052 = arith.constant 6272 : i32
          %parallel_loop3A_1053 = vector.broadcast %parallel_loop3A_1052 : i32 to vector<16xi32>
          %parallel_loop3A_1054 = arith.addi %parallel_loop3A_1020, %parallel_loop3A_1053 : vector<16xi32>
          %parallel_loop3A_1055 = arith.addi %parallel_loop3A_1021, %parallel_loop3A_1053 : vector<16xi32>
          %parallel_loop3A_1056 = arith.addi %parallel_loop3A_1022, %parallel_loop3A_1053 : vector<16xi32>
          %parallel_loop3A_1057 = arith.addi %parallel_loop3A_1023, %parallel_loop3A_1053 : vector<16xi32>
          %parallel_loop3A_1058 = tpu.vector_load_idx %arg5[%parallel_loop3A_1054] : memref<50176xf32, #tpu.memory_space<vmem>>[vector<16xi32>], vector<16xf32>,
          %parallel_loop3A_1059 = tpu.vector_load_idx %arg5[%parallel_loop3A_1055] : memref<50176xf32, #tpu.memory_space<vmem>>[vector<16xi32>], vector<16xf32>,
          %parallel_loop3A_1060 = tpu.vector_load_idx %arg5[%parallel_loop3A_1056] : memref<50176xf32, #tpu.memory_space<vmem>>[vector<16xi32>], vector<16xf32>,
          %parallel_loop3A_1061 = tpu.vector_load_idx %arg5[%parallel_loop3A_1057] : memref<50176xf32, #tpu.memory_space<vmem>>[vector<16xi32>], vector<16xf32>,
          %parallel_loop3A_1062 = arith.mulf %parallel_loop3A_1010, %parallel_loop3A_1058 : vector<16xf32>
          %parallel_loop3A_1063 = arith.mulf %parallel_loop3A_1011, %parallel_loop3A_1059 : vector<16xf32>
          %parallel_loop3A_1064 = arith.addf %parallel_loop3A_1062, %parallel_loop3A_1063 : vector<16xf32>
          %parallel_loop3A_1065 = arith.mulf %parallel_loop3A_1012, %parallel_loop3A_1060 : vector<16xf32>
          %parallel_loop3A_1066 = arith.addf %parallel_loop3A_1064, %parallel_loop3A_1065 : vector<16xf32>
          %parallel_loop3A_1067 = arith.mulf %parallel_loop3A_1013, %parallel_loop3A_1061 : vector<16xf32>
          %parallel_loop3A_1068 = arith.addf %parallel_loop3A_1066, %parallel_loop3A_1067 : vector<16xf32>
          %parallel_loop3A_1069 = arith.constant 9408 : i32
          %parallel_loop3A_1070 = vector.broadcast %parallel_loop3A_1069 : i32 to vector<16xi32>
          %parallel_loop3A_1071 = arith.addi %parallel_loop3A_1020, %parallel_loop3A_1070 : vector<16xi32>
          %parallel_loop3A_1072 = arith.addi %parallel_loop3A_1021, %parallel_loop3A_1070 : vector<16xi32>
          %parallel_loop3A_1073 = arith.addi %parallel_loop3A_1022, %parallel_loop3A_1070 : vector<16xi32>
          %parallel_loop3A_1074 = arith.addi %parallel_loop3A_1023, %parallel_loop3A_1070 : vector<16xi32>
          %parallel_loop3A_1075 = tpu.vector_load_idx %arg5[%parallel_loop3A_1071] : memref<50176xf32, #tpu.memory_space<vmem>>[vector<16xi32>], vector<16xf32>,
          %parallel_loop3A_1076 = tpu.vector_load_idx %arg5[%parallel_loop3A_1072] : memref<50176xf32, #tpu.memory_space<vmem>>[vector<16xi32>], vector<16xf32>,
          %parallel_loop3A_1077 = tpu.vector_load_idx %arg5[%parallel_loop3A_1073] : memref<50176xf32, #tpu.memory_space<vmem>>[vector<16xi32>], vector<16xf32>,
          %parallel_loop3A_1078 = tpu.vector_load_idx %arg5[%parallel_loop3A_1074] : memref<50176xf32, #tpu.memory_space<vmem>>[vector<16xi32>], vector<16xf32>,
          %parallel_loop3A_1079 = arith.mulf %parallel_loop3A_1010, %parallel_loop3A_1075 : vector<16xf32>
          %parallel_loop3A_1080 = arith.mulf %parallel_loop3A_1011, %parallel_loop3A_1076 : vector<16xf32>
          %parallel_loop3A_1081 = arith.addf %parallel_loop3A_1079, %parallel_loop3A_1080 : vector<16xf32>
          %parallel_loop3A_1082 = arith.mulf %parallel_loop3A_1012, %parallel_loop3A_1077 : vector<16xf32>
          %parallel_loop3A_1083 = arith.addf %parallel_loop3A_1081, %parallel_loop3A_1082 : vector<16xf32>
          %parallel_loop3A_1084 = arith.mulf %parallel_loop3A_1013, %parallel_loop3A_1078 : vector<16xf32>
          %parallel_loop3A_1085 = arith.addf %parallel_loop3A_1083, %parallel_loop3A_1084 : vector<16xf32>
          %parallel_loop3A_1086 = arith.constant 12544 : i32
          %parallel_loop3A_1087 = vector.broadcast %parallel_loop3A_1086 : i32 to vector<16xi32>
          %parallel_loop3A_1088 = arith.addi %parallel_loop3A_1020, %parallel_loop3A_1087 : vector<16xi32>
          %parallel_loop3A_1089 = arith.addi %parallel_loop3A_1021, %parallel_loop3A_1087 : vector<16xi32>
          %parallel_loop3A_1090 = arith.addi %parallel_loop3A_1022, %parallel_loop3A_1087 : vector<16xi32>
          %parallel_loop3A_1091 = arith.addi %parallel_loop3A_1023, %parallel_loop3A_1087 : vector<16xi32>
          %parallel_loop3A_1092 = tpu.vector_load_idx %arg5[%parallel_loop3A_1088] : memref<50176xf32, #tpu.memory_space<vmem>>[vector<16xi32>], vector<16xf32>,
          %parallel_loop3A_1093 = tpu.vector_load_idx %arg5[%parallel_loop3A_1089] : memref<50176xf32, #tpu.memory_space<vmem>>[vector<16xi32>], vector<16xf32>,
          %parallel_loop3A_1094 = tpu.vector_load_idx %arg5[%parallel_loop3A_1090] : memref<50176xf32, #tpu.memory_space<vmem>>[vector<16xi32>], vector<16xf32>,
          %parallel_loop3A_1095 = tpu.vector_load_idx %arg5[%parallel_loop3A_1091] : memref<50176xf32, #tpu.memory_space<vmem>>[vector<16xi32>], vector<16xf32>,
          %parallel_loop3A_1096 = arith.mulf %parallel_loop3A_1010, %parallel_loop3A_1092 : vector<16xf32>
          %parallel_loop3A_1097 = arith.mulf %parallel_loop3A_1011, %parallel_loop3A_1093 : vector<16xf32>
          %parallel_loop3A_1098 = arith.addf %parallel_loop3A_1096, %parallel_loop3A_1097 : vector<16xf32>
          %parallel_loop3A_1099 = arith.mulf %parallel_loop3A_1012, %parallel_loop3A_1094 : vector<16xf32>
          %parallel_loop3A_1100 = arith.addf %parallel_loop3A_1098, %parallel_loop3A_1099 : vector<16xf32>
          %parallel_loop3A_1101 = arith.mulf %parallel_loop3A_1013, %parallel_loop3A_1095 : vector<16xf32>
          %parallel_loop3A_1102 = arith.addf %parallel_loop3A_1100, %parallel_loop3A_1101 : vector<16xf32>
          %parallel_loop3A_1103 = arith.constant 15680 : i32
          %parallel_loop3A_1104 = vector.broadcast %parallel_loop3A_1103 : i32 to vector<16xi32>
          %parallel_loop3A_1105 = arith.addi %parallel_loop3A_1020, %parallel_loop3A_1104 : vector<16xi32>
          %parallel_loop3A_1106 = arith.addi %parallel_loop3A_1021, %parallel_loop3A_1104 : vector<16xi32>
          %parallel_loop3A_1107 = arith.addi %parallel_loop3A_1022, %parallel_loop3A_1104 : vector<16xi32>
          %parallel_loop3A_1108 = arith.addi %parallel_loop3A_1023, %parallel_loop3A_1104 : vector<16xi32>
          %parallel_loop3A_1109 = tpu.vector_load_idx %arg5[%parallel_loop3A_1105] : memref<50176xf32, #tpu.memory_space<vmem>>[vector<16xi32>], vector<16xf32>,
          %parallel_loop3A_1110 = tpu.vector_load_idx %arg5[%parallel_loop3A_1106] : memref<50176xf32, #tpu.memory_space<vmem>>[vector<16xi32>], vector<16xf32>,
          %parallel_loop3A_1111 = tpu.vector_load_idx %arg5[%parallel_loop3A_1107] : memref<50176xf32, #tpu.memory_space<vmem>>[vector<16xi32>], vector<16xf32>,
          %parallel_loop3A_1112 = tpu.vector_load_idx %arg5[%parallel_loop3A_1108] : memref<50176xf32, #tpu.memory_space<vmem>>[vector<16xi32>], vector<16xf32>,
          %parallel_loop3A_1113 = arith.mulf %parallel_loop3A_1010, %parallel_loop3A_1109 : vector<16xf32>
          %parallel_loop3A_1114 = arith.mulf %parallel_loop3A_1011, %parallel_loop3A_1110 : vector<16xf32>
          %parallel_loop3A_1115 = arith.addf %parallel_loop3A_1113, %parallel_loop3A_1114 : vector<16xf32>
          %parallel_loop3A_1116 = arith.mulf %parallel_loop3A_1012, %parallel_loop3A_1111 : vector<16xf32>
          %parallel_loop3A_1117 = arith.addf %parallel_loop3A_1115, %parallel_loop3A_1116 : vector<16xf32>
          %parallel_loop3A_1118 = arith.mulf %parallel_loop3A_1013, %parallel_loop3A_1112 : vector<16xf32>
          %parallel_loop3A_1119 = arith.addf %parallel_loop3A_1117, %parallel_loop3A_1118 : vector<16xf32>
          %parallel_loop3A_1120 = arith.constant 18816 : i32
          %parallel_loop3A_1121 = vector.broadcast %parallel_loop3A_1120 : i32 to vector<16xi32>
          %parallel_loop3A_1122 = arith.addi %parallel_loop3A_1020, %parallel_loop3A_1121 : vector<16xi32>
          %parallel_loop3A_1123 = arith.addi %parallel_loop3A_1021, %parallel_loop3A_1121 : vector<16xi32>
          %parallel_loop3A_1124 = arith.addi %parallel_loop3A_1022, %parallel_loop3A_1121 : vector<16xi32>
          %parallel_loop3A_1125 = arith.addi %parallel_loop3A_1023, %parallel_loop3A_1121 : vector<16xi32>
          %parallel_loop3A_1126 = tpu.vector_load_idx %arg5[%parallel_loop3A_1122] : memref<50176xf32, #tpu.memory_space<vmem>>[vector<16xi32>], vector<16xf32>,
          %parallel_loop3A_1127 = tpu.vector_load_idx %arg5[%parallel_loop3A_1123] : memref<50176xf32, #tpu.memory_space<vmem>>[vector<16xi32>], vector<16xf32>,
          %parallel_loop3A_1128 = tpu.vector_load_idx %arg5[%parallel_loop3A_1124] : memref<50176xf32, #tpu.memory_space<vmem>>[vector<16xi32>], vector<16xf32>,
          %parallel_loop3A_1129 = tpu.vector_load_idx %arg5[%parallel_loop3A_1125] : memref<50176xf32, #tpu.memory_space<vmem>>[vector<16xi32>], vector<16xf32>,
          %parallel_loop3A_1130 = arith.mulf %parallel_loop3A_1010, %parallel_loop3A_1126 : vector<16xf32>
          %parallel_loop3A_1131 = arith.mulf %parallel_loop3A_1011, %parallel_loop3A_1127 : vector<16xf32>
          %parallel_loop3A_1132 = arith.addf %parallel_loop3A_1130, %parallel_loop3A_1131 : vector<16xf32>
          %parallel_loop3A_1133 = arith.mulf %parallel_loop3A_1012, %parallel_loop3A_1128 : vector<16xf32>
          %parallel_loop3A_1134 = arith.addf %parallel_loop3A_1132, %parallel_loop3A_1133 : vector<16xf32>
          %parallel_loop3A_1135 = arith.mulf %parallel_loop3A_1013, %parallel_loop3A_1129 : vector<16xf32>
          %parallel_loop3A_1136 = arith.addf %parallel_loop3A_1134, %parallel_loop3A_1135 : vector<16xf32>
          %parallel_loop3A_1137 = arith.constant 21952 : i32
          %parallel_loop3A_1138 = vector.broadcast %parallel_loop3A_1137 : i32 to vector<16xi32>
          %parallel_loop3A_1139 = arith.addi %parallel_loop3A_1020, %parallel_loop3A_1138 : vector<16xi32>
          %parallel_loop3A_1140 = arith.addi %parallel_loop3A_1021, %parallel_loop3A_1138 : vector<16xi32>
          %parallel_loop3A_1141 = arith.addi %parallel_loop3A_1022, %parallel_loop3A_1138 : vector<16xi32>
          %parallel_loop3A_1142 = arith.addi %parallel_loop3A_1023, %parallel_loop3A_1138 : vector<16xi32>
          %parallel_loop3A_1143 = tpu.vector_load_idx %arg5[%parallel_loop3A_1139] : memref<50176xf32, #tpu.memory_space<vmem>>[vector<16xi32>], vector<16xf32>,
          %parallel_loop3A_1144 = tpu.vector_load_idx %arg5[%parallel_loop3A_1140] : memref<50176xf32, #tpu.memory_space<vmem>>[vector<16xi32>], vector<16xf32>,
          %parallel_loop3A_1145 = tpu.vector_load_idx %arg5[%parallel_loop3A_1141] : memref<50176xf32, #tpu.memory_space<vmem>>[vector<16xi32>], vector<16xf32>,
          %parallel_loop3A_1146 = tpu.vector_load_idx %arg5[%parallel_loop3A_1142] : memref<50176xf32, #tpu.memory_space<vmem>>[vector<16xi32>], vector<16xf32>,
          %parallel_loop3A_1147 = arith.mulf %parallel_loop3A_1010, %parallel_loop3A_1143 : vector<16xf32>
          %parallel_loop3A_1148 = arith.mulf %parallel_loop3A_1011, %parallel_loop3A_1144 : vector<16xf32>
          %parallel_loop3A_1149 = arith.addf %parallel_loop3A_1147, %parallel_loop3A_1148 : vector<16xf32>
          %parallel_loop3A_1150 = arith.mulf %parallel_loop3A_1012, %parallel_loop3A_1145 : vector<16xf32>
          %parallel_loop3A_1151 = arith.addf %parallel_loop3A_1149, %parallel_loop3A_1150 : vector<16xf32>
          %parallel_loop3A_1152 = arith.mulf %parallel_loop3A_1013, %parallel_loop3A_1146 : vector<16xf32>
          %parallel_loop3A_1153 = arith.addf %parallel_loop3A_1151, %parallel_loop3A_1152 : vector<16xf32>
          %parallel_loop3A_1154 = arith.constant 25088 : i32
          %parallel_loop3A_1155 = vector.broadcast %parallel_loop3A_1154 : i32 to vector<16xi32>
          %parallel_loop3A_1156 = arith.addi %parallel_loop3A_1020, %parallel_loop3A_1155 : vector<16xi32>
          %parallel_loop3A_1157 = arith.addi %parallel_loop3A_1021, %parallel_loop3A_1155 : vector<16xi32>
          %parallel_loop3A_1158 = arith.addi %parallel_loop3A_1022, %parallel_loop3A_1155 : vector<16xi32>
          %parallel_loop3A_1159 = arith.addi %parallel_loop3A_1023, %parallel_loop3A_1155 : vector<16xi32>
          %parallel_loop3A_1160 = tpu.vector_load_idx %arg5[%parallel_loop3A_1156] : memref<50176xf32, #tpu.memory_space<vmem>>[vector<16xi32>], vector<16xf32>,
          %parallel_loop3A_1161 = tpu.vector_load_idx %arg5[%parallel_loop3A_1157] : memref<50176xf32, #tpu.memory_space<vmem>>[vector<16xi32>], vector<16xf32>,
          %parallel_loop3A_1162 = tpu.vector_load_idx %arg5[%parallel_loop3A_1158] : memref<50176xf32, #tpu.memory_space<vmem>>[vector<16xi32>], vector<16xf32>,
          %parallel_loop3A_1163 = tpu.vector_load_idx %arg5[%parallel_loop3A_1159] : memref<50176xf32, #tpu.memory_space<vmem>>[vector<16xi32>], vector<16xf32>,
          %parallel_loop3A_1164 = arith.mulf %parallel_loop3A_1010, %parallel_loop3A_1160 : vector<16xf32>
          %parallel_loop3A_1165 = arith.mulf %parallel_loop3A_1011, %parallel_loop3A_1161 : vector<16xf32>
          %parallel_loop3A_1166 = arith.addf %parallel_loop3A_1164, %parallel_loop3A_1165 : vector<16xf32>
          %parallel_loop3A_1167 = arith.mulf %parallel_loop3A_1012, %parallel_loop3A_1162 : vector<16xf32>
          %parallel_loop3A_1168 = arith.addf %parallel_loop3A_1166, %parallel_loop3A_1167 : vector<16xf32>
          %parallel_loop3A_1169 = arith.mulf %parallel_loop3A_1013, %parallel_loop3A_1163 : vector<16xf32>
          %parallel_loop3A_1170 = arith.addf %parallel_loop3A_1168, %parallel_loop3A_1169 : vector<16xf32>
          %parallel_loop3A_1171 = arith.constant 28224 : i32
          %parallel_loop3A_1172 = vector.broadcast %parallel_loop3A_1171 : i32 to vector<16xi32>
          %parallel_loop3A_1173 = arith.addi %parallel_loop3A_1020, %parallel_loop3A_1172 : vector<16xi32>
          %parallel_loop3A_1174 = arith.addi %parallel_loop3A_1021, %parallel_loop3A_1172 : vector<16xi32>
          %parallel_loop3A_1175 = arith.addi %parallel_loop3A_1022, %parallel_loop3A_1172 : vector<16xi32>
          %parallel_loop3A_1176 = arith.addi %parallel_loop3A_1023, %parallel_loop3A_1172 : vector<16xi32>
          %parallel_loop3A_1177 = tpu.vector_load_idx %arg5[%parallel_loop3A_1173] : memref<50176xf32, #tpu.memory_space<vmem>>[vector<16xi32>], vector<16xf32>,
          %parallel_loop3A_1178 = tpu.vector_load_idx %arg5[%parallel_loop3A_1174] : memref<50176xf32, #tpu.memory_space<vmem>>[vector<16xi32>], vector<16xf32>,
          %parallel_loop3A_1179 = tpu.vector_load_idx %arg5[%parallel_loop3A_1175] : memref<50176xf32, #tpu.memory_space<vmem>>[vector<16xi32>], vector<16xf32>,
          %parallel_loop3A_1180 = tpu.vector_load_idx %arg5[%parallel_loop3A_1176] : memref<50176xf32, #tpu.memory_space<vmem>>[vector<16xi32>], vector<16xf32>,
          %parallel_loop3A_1181 = arith.mulf %parallel_loop3A_1010, %parallel_loop3A_1177 : vector<16xf32>
          %parallel_loop3A_1182 = arith.mulf %parallel_loop3A_1011, %parallel_loop3A_1178 : vector<16xf32>
          %parallel_loop3A_1183 = arith.addf %parallel_loop3A_1181, %parallel_loop3A_1182 : vector<16xf32>
          %parallel_loop3A_1184 = arith.mulf %parallel_loop3A_1012, %parallel_loop3A_1179 : vector<16xf32>
          %parallel_loop3A_1185 = arith.addf %parallel_loop3A_1183, %parallel_loop3A_1184 : vector<16xf32>
          %parallel_loop3A_1186 = arith.mulf %parallel_loop3A_1013, %parallel_loop3A_1180 : vector<16xf32>
          %parallel_loop3A_1187 = arith.addf %parallel_loop3A_1185, %parallel_loop3A_1186 : vector<16xf32>
          %parallel_loop3A_1188 = arith.constant 31360 : i32
          %parallel_loop3A_1189 = vector.broadcast %parallel_loop3A_1188 : i32 to vector<16xi32>
          %parallel_loop3A_1190 = arith.addi %parallel_loop3A_1020, %parallel_loop3A_1189 : vector<16xi32>
          %parallel_loop3A_1191 = arith.addi %parallel_loop3A_1021, %parallel_loop3A_1189 : vector<16xi32>
          %parallel_loop3A_1192 = arith.addi %parallel_loop3A_1022, %parallel_loop3A_1189 : vector<16xi32>
          %parallel_loop3A_1193 = arith.addi %parallel_loop3A_1023, %parallel_loop3A_1189 : vector<16xi32>
          %parallel_loop3A_1194 = tpu.vector_load_idx %arg5[%parallel_loop3A_1190] : memref<50176xf32, #tpu.memory_space<vmem>>[vector<16xi32>], vector<16xf32>,
          %parallel_loop3A_1195 = tpu.vector_load_idx %arg5[%parallel_loop3A_1191] : memref<50176xf32, #tpu.memory_space<vmem>>[vector<16xi32>], vector<16xf32>,
          %parallel_loop3A_1196 = tpu.vector_load_idx %arg5[%parallel_loop3A_1192] : memref<50176xf32, #tpu.memory_space<vmem>>[vector<16xi32>], vector<16xf32>,
          %parallel_loop3A_1197 = tpu.vector_load_idx %arg5[%parallel_loop3A_1193] : memref<50176xf32, #tpu.memory_space<vmem>>[vector<16xi32>], vector<16xf32>,
          %parallel_loop3A_1198 = arith.mulf %parallel_loop3A_1010, %parallel_loop3A_1194 : vector<16xf32>
          %parallel_loop3A_1199 = arith.mulf %parallel_loop3A_1011, %parallel_loop3A_1195 : vector<16xf32>
          %parallel_loop3A_1200 = arith.addf %parallel_loop3A_1198, %parallel_loop3A_1199 : vector<16xf32>
          %parallel_loop3A_1201 = arith.mulf %parallel_loop3A_1012, %parallel_loop3A_1196 : vector<16xf32>
          %parallel_loop3A_1202 = arith.addf %parallel_loop3A_1200, %parallel_loop3A_1201 : vector<16xf32>
          %parallel_loop3A_1203 = arith.mulf %parallel_loop3A_1013, %parallel_loop3A_1197 : vector<16xf32>
          %parallel_loop3A_1204 = arith.addf %parallel_loop3A_1202, %parallel_loop3A_1203 : vector<16xf32>
          %parallel_loop3A_1205 = arith.constant 34496 : i32
          %parallel_loop3A_1206 = vector.broadcast %parallel_loop3A_1205 : i32 to vector<16xi32>
          %parallel_loop3A_1207 = arith.addi %parallel_loop3A_1020, %parallel_loop3A_1206 : vector<16xi32>
          %parallel_loop3A_1208 = arith.addi %parallel_loop3A_1021, %parallel_loop3A_1206 : vector<16xi32>
          %parallel_loop3A_1209 = arith.addi %parallel_loop3A_1022, %parallel_loop3A_1206 : vector<16xi32>
          %parallel_loop3A_1210 = arith.addi %parallel_loop3A_1023, %parallel_loop3A_1206 : vector<16xi32>
          %parallel_loop3A_1211 = tpu.vector_load_idx %arg5[%parallel_loop3A_1207] : memref<50176xf32, #tpu.memory_space<vmem>>[vector<16xi32>], vector<16xf32>,
          %parallel_loop3A_1212 = tpu.vector_load_idx %arg5[%parallel_loop3A_1208] : memref<50176xf32, #tpu.memory_space<vmem>>[vector<16xi32>], vector<16xf32>,
          %parallel_loop3A_1213 = tpu.vector_load_idx %arg5[%parallel_loop3A_1209] : memref<50176xf32, #tpu.memory_space<vmem>>[vector<16xi32>], vector<16xf32>,
          %parallel_loop3A_1214 = tpu.vector_load_idx %arg5[%parallel_loop3A_1210] : memref<50176xf32, #tpu.memory_space<vmem>>[vector<16xi32>], vector<16xf32>,
          %parallel_loop3A_1215 = arith.mulf %parallel_loop3A_1010, %parallel_loop3A_1211 : vector<16xf32>
          %parallel_loop3A_1216 = arith.mulf %parallel_loop3A_1011, %parallel_loop3A_1212 : vector<16xf32>
          %parallel_loop3A_1217 = arith.addf %parallel_loop3A_1215, %parallel_loop3A_1216 : vector<16xf32>
          %parallel_loop3A_1218 = arith.mulf %parallel_loop3A_1012, %parallel_loop3A_1213 : vector<16xf32>
          %parallel_loop3A_1219 = arith.addf %parallel_loop3A_1217, %parallel_loop3A_1218 : vector<16xf32>
          %parallel_loop3A_1220 = arith.mulf %parallel_loop3A_1013, %parallel_loop3A_1214 : vector<16xf32>
          %parallel_loop3A_1221 = arith.addf %parallel_loop3A_1219, %parallel_loop3A_1220 : vector<16xf32>
          %parallel_loop3A_1222 = arith.constant 37632 : i32
          %parallel_loop3A_1223 = vector.broadcast %parallel_loop3A_1222 : i32 to vector<16xi32>
          %parallel_loop3A_1224 = arith.addi %parallel_loop3A_1020, %parallel_loop3A_1223 : vector<16xi32>
          %parallel_loop3A_1225 = arith.addi %parallel_loop3A_1021, %parallel_loop3A_1223 : vector<16xi32>
          %parallel_loop3A_1226 = arith.addi %parallel_loop3A_1022, %parallel_loop3A_1223 : vector<16xi32>
          %parallel_loop3A_1227 = arith.addi %parallel_loop3A_1023, %parallel_loop3A_1223 : vector<16xi32>
          %parallel_loop3A_1228 = tpu.vector_load_idx %arg5[%parallel_loop3A_1224] : memref<50176xf32, #tpu.memory_space<vmem>>[vector<16xi32>], vector<16xf32>,
          %parallel_loop3A_1229 = tpu.vector_load_idx %arg5[%parallel_loop3A_1225] : memref<50176xf32, #tpu.memory_space<vmem>>[vector<16xi32>], vector<16xf32>,
          %parallel_loop3A_1230 = tpu.vector_load_idx %arg5[%parallel_loop3A_1226] : memref<50176xf32, #tpu.memory_space<vmem>>[vector<16xi32>], vector<16xf32>,
          %parallel_loop3A_1231 = tpu.vector_load_idx %arg5[%parallel_loop3A_1227] : memref<50176xf32, #tpu.memory_space<vmem>>[vector<16xi32>], vector<16xf32>,
          %parallel_loop3A_1232 = arith.mulf %parallel_loop3A_1010, %parallel_loop3A_1228 : vector<16xf32>
          %parallel_loop3A_1233 = arith.mulf %parallel_loop3A_1011, %parallel_loop3A_1229 : vector<16xf32>
          %parallel_loop3A_1234 = arith.addf %parallel_loop3A_1232, %parallel_loop3A_1233 : vector<16xf32>
          %parallel_loop3A_1235 = arith.mulf %parallel_loop3A_1012, %parallel_loop3A_1230 : vector<16xf32>
          %parallel_loop3A_1236 = arith.addf %parallel_loop3A_1234, %parallel_loop3A_1235 : vector<16xf32>
          %parallel_loop3A_1237 = arith.mulf %parallel_loop3A_1013, %parallel_loop3A_1231 : vector<16xf32>
          %parallel_loop3A_1238 = arith.addf %parallel_loop3A_1236, %parallel_loop3A_1237 : vector<16xf32>
          %parallel_loop3A_1239 = arith.constant 40768 : i32
          %parallel_loop3A_1240 = vector.broadcast %parallel_loop3A_1239 : i32 to vector<16xi32>
          %parallel_loop3A_1241 = arith.addi %parallel_loop3A_1020, %parallel_loop3A_1240 : vector<16xi32>
          %parallel_loop3A_1242 = arith.addi %parallel_loop3A_1021, %parallel_loop3A_1240 : vector<16xi32>
          %parallel_loop3A_1243 = arith.addi %parallel_loop3A_1022, %parallel_loop3A_1240 : vector<16xi32>
          %parallel_loop3A_1244 = arith.addi %parallel_loop3A_1023, %parallel_loop3A_1240 : vector<16xi32>
          %parallel_loop3A_1245 = tpu.vector_load_idx %arg5[%parallel_loop3A_1241] : memref<50176xf32, #tpu.memory_space<vmem>>[vector<16xi32>], vector<16xf32>,
          %parallel_loop3A_1246 = tpu.vector_load_idx %arg5[%parallel_loop3A_1242] : memref<50176xf32, #tpu.memory_space<vmem>>[vector<16xi32>], vector<16xf32>,
          %parallel_loop3A_1247 = tpu.vector_load_idx %arg5[%parallel_loop3A_1243] : memref<50176xf32, #tpu.memory_space<vmem>>[vector<16xi32>], vector<16xf32>,
          %parallel_loop3A_1248 = tpu.vector_load_idx %arg5[%parallel_loop3A_1244] : memref<50176xf32, #tpu.memory_space<vmem>>[vector<16xi32>], vector<16xf32>,
          %parallel_loop3A_1249 = arith.mulf %parallel_loop3A_1010, %parallel_loop3A_1245 : vector<16xf32>
          %parallel_loop3A_1250 = arith.mulf %parallel_loop3A_1011, %parallel_loop3A_1246 : vector<16xf32>
          %parallel_loop3A_1251 = arith.addf %parallel_loop3A_1249, %parallel_loop3A_1250 : vector<16xf32>
          %parallel_loop3A_1252 = arith.mulf %parallel_loop3A_1012, %parallel_loop3A_1247 : vector<16xf32>
          %parallel_loop3A_1253 = arith.addf %parallel_loop3A_1251, %parallel_loop3A_1252 : vector<16xf32>
          %parallel_loop3A_1254 = arith.mulf %parallel_loop3A_1013, %parallel_loop3A_1248 : vector<16xf32>
          %parallel_loop3A_1255 = arith.addf %parallel_loop3A_1253, %parallel_loop3A_1254 : vector<16xf32>
          %parallel_loop3A_1256 = arith.constant 43904 : i32
          %parallel_loop3A_1257 = vector.broadcast %parallel_loop3A_1256 : i32 to vector<16xi32>
          %parallel_loop3A_1258 = arith.addi %parallel_loop3A_1020, %parallel_loop3A_1257 : vector<16xi32>
          %parallel_loop3A_1259 = arith.addi %parallel_loop3A_1021, %parallel_loop3A_1257 : vector<16xi32>
          %parallel_loop3A_1260 = arith.addi %parallel_loop3A_1022, %parallel_loop3A_1257 : vector<16xi32>
          %parallel_loop3A_1261 = arith.addi %parallel_loop3A_1023, %parallel_loop3A_1257 : vector<16xi32>
          %parallel_loop3A_1262 = tpu.vector_load_idx %arg5[%parallel_loop3A_1258] : memref<50176xf32, #tpu.memory_space<vmem>>[vector<16xi32>], vector<16xf32>,
          %parallel_loop3A_1263 = tpu.vector_load_idx %arg5[%parallel_loop3A_1259] : memref<50176xf32, #tpu.memory_space<vmem>>[vector<16xi32>], vector<16xf32>,
          %parallel_loop3A_1264 = tpu.vector_load_idx %arg5[%parallel_loop3A_1260] : memref<50176xf32, #tpu.memory_space<vmem>>[vector<16xi32>], vector<16xf32>,
          %parallel_loop3A_1265 = tpu.vector_load_idx %arg5[%parallel_loop3A_1261] : memref<50176xf32, #tpu.memory_space<vmem>>[vector<16xi32>], vector<16xf32>,
          %parallel_loop3A_1266 = arith.mulf %parallel_loop3A_1010, %parallel_loop3A_1262 : vector<16xf32>
          %parallel_loop3A_1267 = arith.mulf %parallel_loop3A_1011, %parallel_loop3A_1263 : vector<16xf32>
          %parallel_loop3A_1268 = arith.addf %parallel_loop3A_1266, %parallel_loop3A_1267 : vector<16xf32>
          %parallel_loop3A_1269 = arith.mulf %parallel_loop3A_1012, %parallel_loop3A_1264 : vector<16xf32>
          %parallel_loop3A_1270 = arith.addf %parallel_loop3A_1268, %parallel_loop3A_1269 : vector<16xf32>
          %parallel_loop3A_1271 = arith.mulf %parallel_loop3A_1013, %parallel_loop3A_1265 : vector<16xf32>
          %parallel_loop3A_1272 = arith.addf %parallel_loop3A_1270, %parallel_loop3A_1271 : vector<16xf32>
          %parallel_loop3A_1273 = arith.constant 47040 : i32
          %parallel_loop3A_1274 = vector.broadcast %parallel_loop3A_1273 : i32 to vector<16xi32>
          %parallel_loop3A_1275 = arith.addi %parallel_loop3A_1020, %parallel_loop3A_1274 : vector<16xi32>
          %parallel_loop3A_1276 = arith.addi %parallel_loop3A_1021, %parallel_loop3A_1274 : vector<16xi32>
          %parallel_loop3A_1277 = arith.addi %parallel_loop3A_1022, %parallel_loop3A_1274 : vector<16xi32>
          %parallel_loop3A_1278 = arith.addi %parallel_loop3A_1023, %parallel_loop3A_1274 : vector<16xi32>
          %parallel_loop3A_1279 = tpu.vector_load_idx %arg5[%parallel_loop3A_1275] : memref<50176xf32, #tpu.memory_space<vmem>>[vector<16xi32>], vector<16xf32>,
          %parallel_loop3A_1280 = tpu.vector_load_idx %arg5[%parallel_loop3A_1276] : memref<50176xf32, #tpu.memory_space<vmem>>[vector<16xi32>], vector<16xf32>,
          %parallel_loop3A_1281 = tpu.vector_load_idx %arg5[%parallel_loop3A_1277] : memref<50176xf32, #tpu.memory_space<vmem>>[vector<16xi32>], vector<16xf32>,
          %parallel_loop3A_1282 = tpu.vector_load_idx %arg5[%parallel_loop3A_1278] : memref<50176xf32, #tpu.memory_space<vmem>>[vector<16xi32>], vector<16xf32>,
          %parallel_loop3A_1283 = arith.mulf %parallel_loop3A_1010, %parallel_loop3A_1279 : vector<16xf32>
          %parallel_loop3A_1284 = arith.mulf %parallel_loop3A_1011, %parallel_loop3A_1280 : vector<16xf32>
          %parallel_loop3A_1285 = arith.addf %parallel_loop3A_1283, %parallel_loop3A_1284 : vector<16xf32>
          %parallel_loop3A_1286 = arith.mulf %parallel_loop3A_1012, %parallel_loop3A_1281 : vector<16xf32>
          %parallel_loop3A_1287 = arith.addf %parallel_loop3A_1285, %parallel_loop3A_1286 : vector<16xf32>
          %parallel_loop3A_1288 = arith.mulf %parallel_loop3A_1013, %parallel_loop3A_1282 : vector<16xf32>
          %parallel_loop3A_1289 = arith.addf %parallel_loop3A_1287, %parallel_loop3A_1288 : vector<16xf32>
          %parallel_loop3A_1290 = arith.constant 0 : i32
          %parallel_loop3A_1291 = arith.index_cast %parallel_loop3A_1290 : i32 to index
          %parallel_loop3A_1292 = arith.index_cast %parallel_loop3A_136 : i32 to index
          %parallel_loop3A_1293 = arith.constant 32 : index
          %parallel_loop3A_1294 = tpu.vector_load %arg8[%parallel_loop3A_1291, %parallel_loop3A_1292, %parallel_loop3A_1293] {strides = array<i32>} : memref<16x8x48xf32, #tpu.memory_space<vmem>>, vector<16xf32>,
          tpu.vector_store %arg8[%parallel_loop3A_1291, %parallel_loop3A_1292, %parallel_loop3A_1293], %parallel_loop3A_1034 {strides = array<i32>} : memref<16x8x48xf32, #tpu.memory_space<vmem>>, vector<16xf32>,
          %parallel_loop3A_1295 = arith.constant 1 : i32
          %parallel_loop3A_1296 = arith.index_cast %parallel_loop3A_1295 : i32 to index
          %parallel_loop3A_1297 = arith.index_cast %parallel_loop3A_136 : i32 to index
          %parallel_loop3A_1298 = arith.constant 32 : index
          %parallel_loop3A_1299 = tpu.vector_load %arg8[%parallel_loop3A_1296, %parallel_loop3A_1297, %parallel_loop3A_1298] {strides = array<i32>} : memref<16x8x48xf32, #tpu.memory_space<vmem>>, vector<16xf32>,
          tpu.vector_store %arg8[%parallel_loop3A_1296, %parallel_loop3A_1297, %parallel_loop3A_1298], %parallel_loop3A_1051 {strides = array<i32>} : memref<16x8x48xf32, #tpu.memory_space<vmem>>, vector<16xf32>,
          %parallel_loop3A_1300 = arith.constant 2 : i32
          %parallel_loop3A_1301 = arith.index_cast %parallel_loop3A_1300 : i32 to index
          %parallel_loop3A_1302 = arith.index_cast %parallel_loop3A_136 : i32 to index
          %parallel_loop3A_1303 = arith.constant 32 : index
          %parallel_loop3A_1304 = tpu.vector_load %arg8[%parallel_loop3A_1301, %parallel_loop3A_1302, %parallel_loop3A_1303] {strides = array<i32>} : memref<16x8x48xf32, #tpu.memory_space<vmem>>, vector<16xf32>,
          tpu.vector_store %arg8[%parallel_loop3A_1301, %parallel_loop3A_1302, %parallel_loop3A_1303], %parallel_loop3A_1068 {strides = array<i32>} : memref<16x8x48xf32, #tpu.memory_space<vmem>>, vector<16xf32>,
          %parallel_loop3A_1305 = arith.constant 3 : i32
          %parallel_loop3A_1306 = arith.index_cast %parallel_loop3A_1305 : i32 to index
          %parallel_loop3A_1307 = arith.index_cast %parallel_loop3A_136 : i32 to index
          %parallel_loop3A_1308 = arith.constant 32 : index
          %parallel_loop3A_1309 = tpu.vector_load %arg8[%parallel_loop3A_1306, %parallel_loop3A_1307, %parallel_loop3A_1308] {strides = array<i32>} : memref<16x8x48xf32, #tpu.memory_space<vmem>>, vector<16xf32>,
          tpu.vector_store %arg8[%parallel_loop3A_1306, %parallel_loop3A_1307, %parallel_loop3A_1308], %parallel_loop3A_1085 {strides = array<i32>} : memref<16x8x48xf32, #tpu.memory_space<vmem>>, vector<16xf32>,
          %parallel_loop3A_1310 = arith.constant 4 : i32
          %parallel_loop3A_1311 = arith.index_cast %parallel_loop3A_1310 : i32 to index
          %parallel_loop3A_1312 = arith.index_cast %parallel_loop3A_136 : i32 to index
          %parallel_loop3A_1313 = arith.constant 32 : index
          %parallel_loop3A_1314 = tpu.vector_load %arg8[%parallel_loop3A_1311, %parallel_loop3A_1312, %parallel_loop3A_1313] {strides = array<i32>} : memref<16x8x48xf32, #tpu.memory_space<vmem>>, vector<16xf32>,
          tpu.vector_store %arg8[%parallel_loop3A_1311, %parallel_loop3A_1312, %parallel_loop3A_1313], %parallel_loop3A_1102 {strides = array<i32>} : memref<16x8x48xf32, #tpu.memory_space<vmem>>, vector<16xf32>,
          %parallel_loop3A_1315 = arith.constant 5 : i32
          %parallel_loop3A_1316 = arith.index_cast %parallel_loop3A_1315 : i32 to index
          %parallel_loop3A_1317 = arith.index_cast %parallel_loop3A_136 : i32 to index
          %parallel_loop3A_1318 = arith.constant 32 : index
          %parallel_loop3A_1319 = tpu.vector_load %arg8[%parallel_loop3A_1316, %parallel_loop3A_1317, %parallel_loop3A_1318] {strides = array<i32>} : memref<16x8x48xf32, #tpu.memory_space<vmem>>, vector<16xf32>,
          tpu.vector_store %arg8[%parallel_loop3A_1316, %parallel_loop3A_1317, %parallel_loop3A_1318], %parallel_loop3A_1119 {strides = array<i32>} : memref<16x8x48xf32, #tpu.memory_space<vmem>>, vector<16xf32>,
          %parallel_loop3A_1320 = arith.constant 6 : i32
          %parallel_loop3A_1321 = arith.index_cast %parallel_loop3A_1320 : i32 to index
          %parallel_loop3A_1322 = arith.index_cast %parallel_loop3A_136 : i32 to index
          %parallel_loop3A_1323 = arith.constant 32 : index
          %parallel_loop3A_1324 = tpu.vector_load %arg8[%parallel_loop3A_1321, %parallel_loop3A_1322, %parallel_loop3A_1323] {strides = array<i32>} : memref<16x8x48xf32, #tpu.memory_space<vmem>>, vector<16xf32>,
          tpu.vector_store %arg8[%parallel_loop3A_1321, %parallel_loop3A_1322, %parallel_loop3A_1323], %parallel_loop3A_1136 {strides = array<i32>} : memref<16x8x48xf32, #tpu.memory_space<vmem>>, vector<16xf32>,
          %parallel_loop3A_1325 = arith.constant 7 : i32
          %parallel_loop3A_1326 = arith.index_cast %parallel_loop3A_1325 : i32 to index
          %parallel_loop3A_1327 = arith.index_cast %parallel_loop3A_136 : i32 to index
          %parallel_loop3A_1328 = arith.constant 32 : index
          %parallel_loop3A_1329 = tpu.vector_load %arg8[%parallel_loop3A_1326, %parallel_loop3A_1327, %parallel_loop3A_1328] {strides = array<i32>} : memref<16x8x48xf32, #tpu.memory_space<vmem>>, vector<16xf32>,
          tpu.vector_store %arg8[%parallel_loop3A_1326, %parallel_loop3A_1327, %parallel_loop3A_1328], %parallel_loop3A_1153 {strides = array<i32>} : memref<16x8x48xf32, #tpu.memory_space<vmem>>, vector<16xf32>,
          %parallel_loop3A_1330 = arith.constant 8 : i32
          %parallel_loop3A_1331 = arith.index_cast %parallel_loop3A_1330 : i32 to index
          %parallel_loop3A_1332 = arith.index_cast %parallel_loop3A_136 : i32 to index
          %parallel_loop3A_1333 = arith.constant 32 : index
          %parallel_loop3A_1334 = tpu.vector_load %arg8[%parallel_loop3A_1331, %parallel_loop3A_1332, %parallel_loop3A_1333] {strides = array<i32>} : memref<16x8x48xf32, #tpu.memory_space<vmem>>, vector<16xf32>,
          tpu.vector_store %arg8[%parallel_loop3A_1331, %parallel_loop3A_1332, %parallel_loop3A_1333], %parallel_loop3A_1170 {strides = array<i32>} : memref<16x8x48xf32, #tpu.memory_space<vmem>>, vector<16xf32>,
          %parallel_loop3A_1335 = arith.constant 9 : i32
          %parallel_loop3A_1336 = arith.index_cast %parallel_loop3A_1335 : i32 to index
          %parallel_loop3A_1337 = arith.index_cast %parallel_loop3A_136 : i32 to index
          %parallel_loop3A_1338 = arith.constant 32 : index
          %parallel_loop3A_1339 = tpu.vector_load %arg8[%parallel_loop3A_1336, %parallel_loop3A_1337, %parallel_loop3A_1338] {strides = array<i32>} : memref<16x8x48xf32, #tpu.memory_space<vmem>>, vector<16xf32>,
          tpu.vector_store %arg8[%parallel_loop3A_1336, %parallel_loop3A_1337, %parallel_loop3A_1338], %parallel_loop3A_1187 {strides = array<i32>} : memref<16x8x48xf32, #tpu.memory_space<vmem>>, vector<16xf32>,
          %parallel_loop3A_1340 = arith.constant 10 : i32
          %parallel_loop3A_1341 = arith.index_cast %parallel_loop3A_1340 : i32 to index
          %parallel_loop3A_1342 = arith.index_cast %parallel_loop3A_136 : i32 to index
          %parallel_loop3A_1343 = arith.constant 32 : index
          %parallel_loop3A_1344 = tpu.vector_load %arg8[%parallel_loop3A_1341, %parallel_loop3A_1342, %parallel_loop3A_1343] {strides = array<i32>} : memref<16x8x48xf32, #tpu.memory_space<vmem>>, vector<16xf32>,
          tpu.vector_store %arg8[%parallel_loop3A_1341, %parallel_loop3A_1342, %parallel_loop3A_1343], %parallel_loop3A_1204 {strides = array<i32>} : memref<16x8x48xf32, #tpu.memory_space<vmem>>, vector<16xf32>,
          %parallel_loop3A_1345 = arith.constant 11 : i32
          %parallel_loop3A_1346 = arith.index_cast %parallel_loop3A_1345 : i32 to index
          %parallel_loop3A_1347 = arith.index_cast %parallel_loop3A_136 : i32 to index
          %parallel_loop3A_1348 = arith.constant 32 : index
          %parallel_loop3A_1349 = tpu.vector_load %arg8[%parallel_loop3A_1346, %parallel_loop3A_1347, %parallel_loop3A_1348] {strides = array<i32>} : memref<16x8x48xf32, #tpu.memory_space<vmem>>, vector<16xf32>,
          tpu.vector_store %arg8[%parallel_loop3A_1346, %parallel_loop3A_1347, %parallel_loop3A_1348], %parallel_loop3A_1221 {strides = array<i32>} : memref<16x8x48xf32, #tpu.memory_space<vmem>>, vector<16xf32>,
          %parallel_loop3A_1350 = arith.constant 12 : i32
          %parallel_loop3A_1351 = arith.index_cast %parallel_loop3A_1350 : i32 to index
          %parallel_loop3A_1352 = arith.index_cast %parallel_loop3A_136 : i32 to index
          %parallel_loop3A_1353 = arith.constant 32 : index
          %parallel_loop3A_1354 = tpu.vector_load %arg8[%parallel_loop3A_1351, %parallel_loop3A_1352, %parallel_loop3A_1353] {strides = array<i32>} : memref<16x8x48xf32, #tpu.memory_space<vmem>>, vector<16xf32>,
          tpu.vector_store %arg8[%parallel_loop3A_1351, %parallel_loop3A_1352, %parallel_loop3A_1353], %parallel_loop3A_1238 {strides = array<i32>} : memref<16x8x48xf32, #tpu.memory_space<vmem>>, vector<16xf32>,
          %parallel_loop3A_1355 = arith.constant 13 : i32
          %parallel_loop3A_1356 = arith.index_cast %parallel_loop3A_1355 : i32 to index
          %parallel_loop3A_1357 = arith.index_cast %parallel_loop3A_136 : i32 to index
          %parallel_loop3A_1358 = arith.constant 32 : index
          %parallel_loop3A_1359 = tpu.vector_load %arg8[%parallel_loop3A_1356, %parallel_loop3A_1357, %parallel_loop3A_1358] {strides = array<i32>} : memref<16x8x48xf32, #tpu.memory_space<vmem>>, vector<16xf32>,
          tpu.vector_store %arg8[%parallel_loop3A_1356, %parallel_loop3A_1357, %parallel_loop3A_1358], %parallel_loop3A_1255 {strides = array<i32>} : memref<16x8x48xf32, #tpu.memory_space<vmem>>, vector<16xf32>,
          %parallel_loop3A_1360 = arith.constant 14 : i32
          %parallel_loop3A_1361 = arith.index_cast %parallel_loop3A_1360 : i32 to index
          %parallel_loop3A_1362 = arith.index_cast %parallel_loop3A_136 : i32 to index
          %parallel_loop3A_1363 = arith.constant 32 : index
          %parallel_loop3A_1364 = tpu.vector_load %arg8[%parallel_loop3A_1361, %parallel_loop3A_1362, %parallel_loop3A_1363] {strides = array<i32>} : memref<16x8x48xf32, #tpu.memory_space<vmem>>, vector<16xf32>,
          tpu.vector_store %arg8[%parallel_loop3A_1361, %parallel_loop3A_1362, %parallel_loop3A_1363], %parallel_loop3A_1272 {strides = array<i32>} : memref<16x8x48xf32, #tpu.memory_space<vmem>>, vector<16xf32>,
          %parallel_loop3A_1365 = arith.constant 15 : i32
          %parallel_loop3A_1366 = arith.index_cast %parallel_loop3A_1365 : i32 to index
          %parallel_loop3A_1367 = arith.index_cast %parallel_loop3A_136 : i32 to index
          %parallel_loop3A_1368 = arith.constant 32 : index
          %parallel_loop3A_1369 = tpu.vector_load %arg8[%parallel_loop3A_1366, %parallel_loop3A_1367, %parallel_loop3A_1368] {strides = array<i32>} : memref<16x8x48xf32, #tpu.memory_space<vmem>>, vector<16xf32>,
          tpu.vector_store %arg8[%parallel_loop3A_1366, %parallel_loop3A_1367, %parallel_loop3A_1368], %parallel_loop3A_1289 {strides = array<i32>} : memref<16x8x48xf32, #tpu.memory_space<vmem>>, vector<16xf32>,
          %parallel_loop3A_1370 = arith.addf %parallel_loop3A_137, %get3A_35 : vector<16xf32>
          %parallel_loop3A_1371 = arith.addf %parallel_loop3A_138, %get3A_39 : vector<16xf32>
          %parallel_loop3A_1372 = arith.addf %parallel_loop3A_139, %get3A_43 : vector<16xf32>
          scf.yield %parallel_loop3A_1370, %parallel_loop3A_1371, %parallel_loop3A_1372 : vector<16xf32>, vector<16xf32>, vector<16xf32>
        } {sc.loop_unroll_factor = 2 : i64, sc.parallel_access}
        %dma_start3A_130 = arith.constant 0 : i32
        %dma_start3A_131 = tpu.memref_slice %arg4[%shift_right_logical3A_1, %mul3A_59, %add3A_107, %add3A_113, %dma_start3A_130] : memref<8x32x48x48x48xf32, #tpu.memory_space<hbm>> -> memref<1x16x1x8x48xf32, #tpu.memory_space<hbm>>
        %dma_start3A_132 = tpu.memref_squeeze %dma_start3A_131 : memref<1x16x1x8x48xf32, #tpu.memory_space<hbm>> -> memref<16x8x48xf32, #tpu.memory_space<hbm>>
        %dma_start3A_133 = arith.constant 0 : i32
        %dma_start3A_134 = tpu.memref_slice %arg4[%shift_right_logical3A_1, %mul3A_59, %add3A_107, %add3A_113, %dma_start3A_133] : memref<8x32x48x48x48xf32, #tpu.memory_space<hbm>> -> memref<1x16x1x8x48xf32, #tpu.memory_space<hbm>>
        %dma_start3A_135 = tpu.memref_squeeze %dma_start3A_134 : memref<1x16x1x8x48xf32, #tpu.memory_space<hbm>> -> memref<16x8x48xf32, #tpu.memory_space<hbm>>
        tpu.enqueue_dma source(%arg8 : memref<16x8x48xf32, #tpu.memory_space<vmem>>) target(%dma_start3A_135 : memref<16x8x48xf32, #tpu.memory_space<hbm>>) target_semaphore(%arg10 : memref<!tpu.dma_semaphore, #tpu.memory_space<semaphore_mem>>)
        scf.yield %parallel_loop3A_129#0, %parallel_loop3A_129#1, %parallel_loop3A_129#2 : vector<16xf32>, vector<16xf32>, vector<16xf32>
      }
      %scan3A_95 = arith.constant 3 : i32
      %add3A_96 = arith.addf %scan3A_87, %get3A_47 : vector<16xf32>
      %add3A_97 = arith.addf %scan3A_88, %get3A_51 : vector<16xf32>
      %add3A_98 = arith.addf %scan3A_89, %get3A_55 : vector<16xf32>
      scf.yield %add3A_96, %add3A_97, %add3A_98 : vector<16xf32>, vector<16xf32>, vector<16xf32>
    }
    %scan3A_68 = arith.constant 24 : i32
    %dma_wait3A = arith.constant 0 : i32
    %dma_wait3A_69 = arith.constant 0 : i32
    %dma_wait3A_70 = arith.constant 0 : i32
    %dma_wait3A_71 = tpu.memref_slice %arg4[%shift_right_logical3A_1, %mul3A_59, %dma_wait3A, %dma_wait3A_69, %dma_wait3A_70] : memref<8x32x48x48x48xf32, #tpu.memory_space<hbm>> -> memref<1x16x1x8x48xf32, #tpu.memory_space<hbm>>
    %dma_wait3A_72 = tpu.memref_squeeze %dma_wait3A_71 : memref<1x16x1x8x48xf32, #tpu.memory_space<hbm>> -> memref<16x8x48xf32, #tpu.memory_space<hbm>>
    %dma_wait3A_73 = arith.constant 0 : i32
    %dma_wait3A_74 = arith.constant 0 : i32
    %dma_wait3A_75 = tpu.memref_slice %arg4[%shift_right_logical3A_1, %mul3A_59, %dma_wait3A, %dma_wait3A_73, %dma_wait3A_74] : memref<8x32x48x48x48xf32, #tpu.memory_space<hbm>> -> memref<1x16x1x8x48xf32, #tpu.memory_space<hbm>>
    %dma_wait3A_76 = tpu.memref_squeeze %dma_wait3A_75 : memref<1x16x1x8x48xf32, #tpu.memory_space<hbm>> -> memref<16x8x48xf32, #tpu.memory_space<hbm>>
    tpu.wait_dma2 semaphore(%arg9 : memref<!tpu.dma_semaphore, #tpu.memory_space<semaphore_mem>>) src(%arg7 : memref<16x8x48xf32, #tpu.memory_space<vmem>>) dst(%dma_wait3A_76 : memref<16x8x48xf32, #tpu.memory_space<hbm>>)
    %dma_wait3A_77 = arith.constant 0 : i32
    %dma_wait3A_78 = arith.constant 0 : i32
    %dma_wait3A_79 = arith.constant 0 : i32
    %dma_wait3A_80 = tpu.memref_slice %arg4[%shift_right_logical3A_1, %mul3A_59, %dma_wait3A_77, %dma_wait3A_78, %dma_wait3A_79] : memref<8x32x48x48x48xf32, #tpu.memory_space<hbm>> -> memref<1x16x1x8x48xf32, #tpu.memory_space<hbm>>
    %dma_wait3A_81 = tpu.memref_squeeze %dma_wait3A_80 : memref<1x16x1x8x48xf32, #tpu.memory_space<hbm>> -> memref<16x8x48xf32, #tpu.memory_space<hbm>>
    %dma_wait3A_82 = arith.constant 0 : i32
    %dma_wait3A_83 = arith.constant 0 : i32
    %dma_wait3A_84 = tpu.memref_slice %arg4[%shift_right_logical3A_1, %mul3A_59, %dma_wait3A_77, %dma_wait3A_82, %dma_wait3A_83] : memref<8x32x48x48x48xf32, #tpu.memory_space<hbm>> -> memref<1x16x1x8x48xf32, #tpu.memory_space<hbm>>
    %dma_wait3A_85 = tpu.memref_squeeze %dma_wait3A_84 : memref<1x16x1x8x48xf32, #tpu.memory_space<hbm>> -> memref<16x8x48xf32, #tpu.memory_space<hbm>>
    tpu.wait_dma2 semaphore(%arg10 : memref<!tpu.dma_semaphore, #tpu.memory_space<semaphore_mem>>) src(%arg8 : memref<16x8x48xf32, #tpu.memory_space<vmem>>) dst(%dma_wait3A_85 : memref<16x8x48xf32, #tpu.memory_space<hbm>>)
    return
  }
}

</mosaic_0001>

<sc_bundles>
// kernel: _proj_splat.3.cloned.1.call-start
scs
__scs_entry_jumppad:
0x0: {  	(pc) =	sbr.rel $0x88, $3  }
0x1: {  	(tag) =	ssettag $0x0;
	lr =	simm.s32 $0x1  }
0x2: {  	[smem:$0x3F9D] =	sst lr;
	_ =	strace $0xD0000000  }
0x3: {  	_ = 	snop  }
0x4: {  	_ = 	snop  }
0x5: {  	_ = 	snop  }
0x6: {  	_ = 	snop  }
0x7: {  	_ = 	snop  }
__scs_overlays_trampoline_lowered:
0x8: {  	[smem:$0x3FAC] =	sst s0  }
0x9: {  	[smem:$0x3FAD] =	sst s1  }
0xa: {  	[smem:$0x3FAE] =	sst s2  }
0xb: {  	[smem:$0x3FAF] =	sst s3  }
0xc: {  	[smem:$0x3FB0] =	sst s4  }
0xd: {  	[smem:$0x3FB1] =	sst s5  }
0xe: {  	[smem:$0x3FB2] =	sst s6  }
0xf: {  	[smem:$0x3FB3] =	sst s7  }
0x10: {  	[smem:$0x3FB4] =	sst s8  }
0x11: {  	[smem:$0x3FB5] =	sst s9;
	s0 =	simm.s32 @!p0 $0x0  }
0x12: {  	s1 =	sld [smem:$0x3F9B];
	s0 =	simm.s32 @p0 $0x1  }
0x13: {  	[smem:$0x3FB6] =	sst s0;
	s0 =	simm.s32 @!p1 $0x0  }
0x14: {  	s2 =	sld [smem:$0x3F9A];
	s0 =	simm.s32 @p1 $0x1  }
0x15: {  	[smem:$0x3FB7] =	sst s0;
	s0 =	simm.s32 @!p2 $0x0  }
0x16: {  	s3 =	sld [smem:$0x3FDB];
	s0 =	simm.s32 @p2 $0x1  }
0x17: {  	s4 =	simm.s32 $0x1BF5;
	[smem:$0x3FB9] =	sst s0  }
0x18: {  	s0 =	sld [smem:$0x3F9C];
	_ =	swait.ge [sflag:s4], $0x0  }
0x19: {  	s7 =	sld [smem:$0x3F9D]  }
0x1a: {  	s8 =	sadd.s32 $0xFFFFE003, lr  }
0x1b: {  	s9 =	sadd.s32 $0xFFFFFEF7, lr;
	s5 =	simm.s32 $0xFFFFFFFF;
	p2 =	slt.u32 s8, $0xFFFFF086  }
0x1c: {  	p1 =	slt.u32 s9, $0xF7A;
	s5 =	simm.s32 @!p2 $0x0  }
0x1d: {  	s5 =	simm.s32 @p1 $0x1;
	p0 =	seq.s32 s7, s2  }
0x1e: {  	s7 =	smul.u32 @!p0 $0xF7A, s2;
	p2 =	seq.s32 @!p0 s5, $0x0  }
0x1f: {  	s9 =	smul.u32 $0xF7A, s1;
	s8 =	simm.s32 @!p0 $0x1BF5;
	p2 =	por !p2, p0  }
0x20: {  	[sflag:s8] =	ssyncset.s32 @!p0 $0xFFFFF086;
	s6 =	sadd.s32 @!p0 s3, s7;
	s7 =	simm.s32 @!p0 $0x108  }
0x21: {  	s3 =	sadd.s32 s3, s9;
	s6 =	sadd.s32 @!p0 $0x88, s6;
	s7 =	simm.s32 @p2 $0x1082  }
0x22: {  	[simem:s7], [sflag:s8] =	dma.local @!p0 [hbm:s6], $0xF7A  }
0x23: {  	s9 =	sor.u32 $0xD0000000, s2;
	s6 =	simm.s32 $0x108;
	_ =	swait.ge @!p0 [sflag:s8], $0x0  }
0x24: {  	s3 =	sadd.s32 $0x88, s3;
	s6 =	simm.s32 @!p1 $0x1082;
	[sflag:s4] =	ssyncset.s32 $0xFFFFF086  }
0x25: {  	[simem:s6], [sflag:s4] =	dma.local [hbm:s3], $0xF7A  }
0x26: {  	[smem:$0x3F9D] =	sst s1;
	(tag) =	ssettag s2;
	_ =	strace s9  }
0x27: {  	s1 =	sld [smem:$0x3FAD]  }
0x28: {  	s2 =	sld [smem:$0x3FAE]  }
0x29: {  	s4 =	sld [smem:$0x3FB0]  }
0x2a: {  	p0 =	seq.s32 s5, $0x0;
	s5 =	sld [smem:$0x3FB1]  }
0x2b: {  	s6 =	sld [smem:$0x3FB2]  }
0x2c: {  	s7 =	sld [smem:$0x3FB3]  }
0x2d: {  	s3 =	simm.s32 $0x108;
	s8 =	sld [smem:$0x3FB4]  }
0x2e: {  	s3 =	simm.s32 @!p0 $0x1082;
	s9 =	sld [smem:$0x3FB5]  }
0x2f: {  	lr =	sadd.s32 s0, s3;
	s0 =	sld [smem:$0x3FAC]  }
0x30: {  	s3 =	sld [smem:$0x3FAF]  }
0x31: {  	[smem:$0x3FB8] =	sst s10  }
0x32: {  	s10 =	sld [smem:$0x3FB6];
	_ =	sdelay $0x3  }
0x33: {  	p0 =	seq.s32 s10, $0x1;
	s10 =	sld [smem:$0x3FB8];
	_ =	sdelay $0x3  }
0x34: {  	[smem:$0x3FB8] =	sst s10  }
0x35: {  	s10 =	sld [smem:$0x3FB7];
	_ =	sdelay $0x3  }
0x36: {  	p1 =	seq.s32 s10, $0x1;
	s10 =	sld [smem:$0x3FB8];
	_ =	sdelay $0x3  }
0x37: {  	[smem:$0x3FB8] =	sst s10  }
0x38: {  	s10 =	sld [smem:$0x3FB9]  }
0x39: {  	_ = 	snop;
	(pc) =	sbr.ind lr, $3  }
0x3a: {  	_ = 	snop  }
0x3b: {  	_ = 	snop  }
0x3c: {  	p2 =	seq.s32 s10, $0x1;
	s10 =	sld [smem:$0x3FB8]  }
0x3d: {  	_ =	shalt  }
0x3e: {  	_ =	shalt  }
0x3f: {  	_ =	shalt  }
0x40: {  	_ =	shalt  }
0x41: {  	_ =	shalt  }
0x42: {  	_ =	shalt  }
0x43: {  	_ =	shalt  }
0x44: {  	_ =	shalt  }
0x45: {  	_ =	shalt  }
0x46: {  	_ =	shalt  }
0x47: {  	_ =	shalt  }
0x48: {  	_ =	shalt  }
0x49: {  	_ =	shalt  }
0x4a: {  	_ =	shalt  }
0x4b: {  	_ =	shalt  }
0x4c: {  	_ =	shalt  }
0x4d: {  	_ =	shalt  }
0x4e: {  	_ =	shalt  }
0x4f: {  	_ =	shalt  }
0x50: {  	_ =	shalt  }
0x51: {  	_ =	shalt  }
0x52: {  	_ =	shalt  }
0x53: {  	_ =	shalt  }
0x54: {  	_ =	shalt  }
0x55: {  	_ =	shalt  }
0x56: {  	_ =	shalt  }
0x57: {  	_ =	shalt  }
0x58: {  	_ =	shalt  }
0x59: {  	_ =	shalt  }
0x5a: {  	_ =	shalt  }
0x5b: {  	_ =	shalt  }
0x5c: {  	_ =	shalt  }
0x5d: {  	_ =	shalt  }
0x5e: {  	_ =	shalt  }
0x5f: {  	_ =	shalt  }
0x60: {  	_ =	shalt  }
0x61: {  	_ =	shalt  }
0x62: {  	_ =	shalt  }
0x63: {  	_ =	shalt  }
0x64: {  	_ =	shalt  }
0x65: {  	_ =	shalt  }
0x66: {  	_ =	shalt  }
0x67: {  	_ =	shalt  }
0x68: {  	_ =	shalt  }
0x69: {  	_ =	shalt  }
0x6a: {  	_ =	shalt  }
0x6b: {  	_ =	shalt  }
0x6c: {  	_ =	shalt  }
0x6d: {  	_ =	shalt  }
0x6e: {  	_ =	shalt  }
0x6f: {  	_ =	shalt  }
0x70: {  	_ =	shalt  }
0x71: {  	_ =	shalt  }
0x72: {  	_ =	shalt  }
0x73: {  	_ =	shalt  }
0x74: {  	_ =	shalt  }
0x75: {  	_ =	shalt  }
0x76: {  	_ =	shalt  }
0x77: {  	_ =	shalt  }
0x78: {  	_ =	shalt  }
0x79: {  	_ =	shalt  }
0x7a: {  	_ =	shalt  }
0x7b: {  	_ =	shalt  }
0x7c: {  	_ =	shalt  }
0x7d: {  	_ =	shalt  }
0x7e: {  	_ =	shalt  }
0x7f: {  	_ =	shalt  }
0x80: {  	_ =	shalt  }
0x81: {  	_ =	shalt  }
0x82: {  	_ =	shalt  }
0x83: {  	_ =	shalt  }
0x84: {  	_ =	shalt  }
0x85: {  	_ =	shalt  }
0x86: {  	_ =	shalt  }
0x87: {  	_ =	shalt  }
.Lfunc_end0:
.L_simem_size_0:
called_computation_lowered:
.L_overlay_start_0:
0x88: {  	s2 =	sld [smem:$0x3FD9]  }
0x89: {  	s3 =	sld [smem:$0x3FFE];
	_ =	sdelay $0x1  }
0x8a: {  	s1 =	srdreg.scid  }
0x8b: {  	s0 =	sand.u32 $0x1, s1  }
0x8c: {  	s17 =	sshll.u32 s0, $0xA;
	s2 =	sadd.s32 s3, s2  }
0x8d: {  	s2 =	sadd.s32 s2, s17  }
0x8e: {  	[smem:$0x3FC4] =	sst s2  }
0x8f: {  	_ = 	snop  }
0x90: {  	s2 =	sld [smem:$0x3FD0];
	(tm) =	ssettm $0x1  }
0x91: {  	s18 =	sld [smem:$0x3FFB];
	_ =	sdelay $0x3  }
0x92: {  	_ =	strace s18  }
0x93: {  	s3 =	sld [smem:$0x3FFC];
	_ =	sdelay $0x3  }
0x94: {  	_ =	strace s3  }
0x95: {  	s3 =	sld [smem:$0x3FFD];
	_ =	sdelay $0x3  }
0x96: {  	_ =	strace s3  }
0x97: {  	_ =	strace $0x8FFFFFFF  }
0x98: {  	s19 =	sld [smem:$0x3FDB];
	_ =	sdelay $0x1  }
0x99: {  	s4 =	simm.s32 $_scs_section_size  }
0x9a: {  	s5 =	simm.s32 $_size__tile_overlayer_lowered;
	s6 =	simm.s32 $_tile_overlayer_lowered  }
0x9b: {  	s22 =	simm.s32 $0x1BFF;
	s21 =	sshll.u32 s6, $0x1;
	s3 =	sadd.s32 s4, s19  }
0x9c: {  	s7 =	simm.s32 $0x0;
	s20 =	sshll.u32 s5, $0x1;
	s5 =	sadd.s32 s21, s3  }
0x9d: {  	[timem:s7], [sflag:s22] =	dma.local [hbm:s5], s20  }
0x9e: {  	_ =	swait.ge [sflag:s22], s20  }
0x9f: {  	s4 =	ssub.s32 $0x0, s20;
	[sflag:s22] =	ssyncset.done $0x0  }
0xa0: {  	[sflag:s22] =	ssyncadd.s32 s4;
	_ =	sdelay $0x1  }
0xa1: {  	s23 =	simm.s32 $0x1B8B  }
0xa2: {  	_ =	swait.ge [sflag:s23], $0x1  }
0xa3: {  	[sflag:s23] =	ssyncset.done $0x0  }
0xa4: {  	s25 =	simm.s32 $0x1B8E;
	s24 =	sld [smem:$0x3FFE];
	[sflag:s23] =	ssyncadd.s32 $0xFFFFFFFF  }
0xa5: {  	s26 =	simm.s32 $execute0_lowered;
	[smem:$0x3FD2] =	sst s25  }
0xa6: {  	s5 =	sshll.u32 s26, $0x1;
	_ =	strace $0x80000046;
	[dreg:$0x1] =	wrdreg $0xFFFFFFFF  }
0xa7: {  	s28 =	simm.s32 $_size_execute0_lowered;
	s3 =	sadd.s32 s3, s5;
	[dreg:$0x0] =	wrdreg $0x0  }
0xa8: {  	s5 =	sshll.u32 s28, $0x1;
	[dreg:$0x2] =	wrdreg s3  }
0xa9: {  	[dreg:$0x3] =	wrdreg s5  }
0xaa: {  	[dreg:$0x4] =	wrdreg $0xC0  }
0xab: {  	_ =	task [dreg:s7], $0x5FFFF  }
0xac: {  	[dreg:$0x1] =	wrdreg $0xFFFFFFFF  }
0xad: {  	[dreg:$0x0] =	wrdreg $0x60  }
0xae: {  	[dreg:$0x2] =	wrdreg s24  }
0xaf: {  	[dreg:$0x3] =	wrdreg s2  }
0xb0: {  	[dreg:$0x4] =	wrdreg $0x9  }
0xb1: {  	_ =	task.clear_ibuf [dreg:s7], $0x5FFFF;
	_ =	strace $0x90000046  }
0xb2: {  	s29 =	simm.s32 $0x9;
	_ =	strace $0x80000048  }
0xb3: {  	_ =	swait.ge [sflag:s29], $0x1  }
0xb4: {  	[sflag:s29] =	ssyncadd.s32 $0xFFFFFFFF  }
0xb5: {  	_ =	strace $0x90000048  }
0xb6: {  	_ =	sfence  }
0xb7: {  	s30 =	sld [smem:$0x0];
	_ =	sdelay $0x2  }
0xb8: {  	s31 =	sshll.u32 s1, $0xD;
	s1 =	sshrl.u32 s1, $0x2  }
0xb9: {  	s3 =	sand.u32 $0x4000, s31;
	s1 =	sadd.s32 s1, s30  }
0xba: {  	s0 =	sor.u32 s3, s0;
	s1 =	sshll.u32 s1, $0x11  }
0xbb: {  	s0 =	sor.u32 s1, s0  }
0xbc: {  	s0 =	sadd.s32 $0x8F2B, s0  }
0xbd: {  	[sflag:s0] =	ssyncadd.remote.s32 $0x1  }
0xbe: {  	_ =	sfence.sel $0xFFFF  }
0xbf: {  	[dreg:$0x0] =	wrdreg $0xFFFFFFFF;
	(pc) =	sbr.abs _section_cstart, $3  }
0xc0: {  	[dreg:$0x1] =	wrdreg $0xFFFFFFFF  }
0xc1: {  	_ =	task.clear_ibuf [dreg:s7], $0x2FFFF;
	_ =	strace $0x9FFFFFFF  }
0xc2: {  	(tm) =	ssettm $0x7FFFFFFF  }
0xc3: {  	_ =	shalt  }
tec
execute0_lowered:
.L_overlay_start_1:
0x0: {  	(tag) =	ssettag $0x1  }
0x1: {  	s5 =	rddreg [dreg:$0x0]  }
0x2: {  	s1 =	rddreg [dreg:$0x1]  }
0x3: {  	s0 =	rddreg [dreg:$0x2];
	s2 =	simm.s32 $0x0  }
0x4: {  	s3 =	srdreg.scid;
	s12 =	simm.s32 $0x400;
	s13 =	simm.s32 $0x48000  }
0x5: {  	s14 =	simm.s32 $0xCC00;
	s15 =	simm.s32 $0x10C00;
	s16 =	simm.s32 $0x1  }
0x6: {  	s17 =	simm.s32 $0x2;
	[smem:$0x7FF] =	sst s2;
	s4 =	sand.u32 $0x1, s3  }
0x7: {  	s18 =	simm.s32 $0x0;
	_ =	strace $0x80000047;
	s11 =	smul.u32 $0x62000, s4  }
0x8: {  	s3 =	sshll.u32 s4, $0x8;
	s6 =	ssub.s32 $0x2, s4;
	s31 =	smul.u32 $0x480000, s4  }
0x9: {  	s7 =	sadd.s32 s3, s5;
	s3 =	stileid.u32;
	s8 =	sshrl.u32 s6, $0x1  }
0xa: {  	s9 =	sshrl.u32 s3, $0x1;
	s10 =	sshll.u32 s3, $0x9;
	s8 =	ssub.s32 s6, s8  }
0xb: {  	s30 =	sand.u32 $0x1, s3;
	s28 =	sadd.s32 s10, s7;
	s29 =	sshll.u32 s9, $0x7  }
0xc: {  	s9 =	smul.u32 $0x900000, s9;
	s10 =	ssub.s32 $0x0, s30;
	s8 =	smax.u32 s8, $0x1  }
0xd: {  	s7 =	sor.u32 s11, s29;
	s4 =	sadd.s32 $0x18800, s28;
	s6 =	sand.u32 $0x18, s10  }
0xe: {  	s10 =	simm.s32 $0x3;
	s11 =	simm.s32 $0x80;
	s7 =	sshrl.u32 s7, $0x3  }
0xf: {  	s5 =	sadd.s32 s5, s7;
	s7 =	sadd.s32 s31, s9;
	s9 =	simm.s32 $0xC400  }
.LBB2_1:
0x10: {  	[tilespmem:s9], [sflag:$0x3] =	stream.linear.gather [hbm4b:s4+s2], $0x600, $0x38;
	[tilespmem:$0x14C00] =	vst v63  }
0x11: {  	_ =	swait.ge [sflag:s10], $0x600  }
0x12: {  	[sflag:s10] =	ssyncset.done $0x0  }
0x13: {  	[sflag:s10] =	ssyncadd.s32 $0xFFFFFA00  }
0x14: {  	[tilespmem:s2], [sflag:$0x3] =	stream.strided.gather [hbm4b:s5+s11], $0xC400, s12, s11, $0x38;
	[tilespmem:$0x14C00] =	vst v63  }
0x15: {  	_ =	swait.ge [sflag:s10], $0xC400  }
0x16: {  	[sflag:s10] =	ssyncset.done $0x0  }
0x17: {  	[sflag:s10] =	ssyncadd.s32 $0xFFFF3C00  }
0x18: {  	v0 =	vld [tilespmem:$0xC880]  }
0x19: {  	v62 =	vld [tilespmem:$0xC900]  }
0x1a: {  	v63 =	vld [tilespmem:$0xC980]  }
0x1b: {  	v54 =	vld [tilespmem:$0xC580]  }
0x1c: {  	v51 =	vld [tilespmem:$0xC600]  }
0x1d: {  	v48 =	vld [tilespmem:$0xC680];
	[tilespmem:$0x1FF70] =	vst v0  }
0x1e: {  	v55 =	vld [tilespmem:$0xC700];
	[tilespmem:$0x1FF80] =	vst v62  }
0x1f: {  	v56 =	vld [tilespmem:$0xC780];
	[tilespmem:$0x1FF90] =	vst v63  }
0x20: {  	v57 =	vld [tilespmem:$0xC800];
	[tilespmem:$0x1FFA0] =	vst v54  }
0x21: {  	[tilespmem:$0x1FFB0] =	vst v51  }
0x22: {  	v14 =	vld [tilespmem:$0xC500];
	[tilespmem:$0x1FFC0] =	vst v48  }
0x23: {  	[tilespmem:$0x1FFD0] =	vst v55  }
0x24: {  	v12 =	vld [tilespmem:$0xC400];
	[tilespmem:$0x1FFE0] =	vst v56  }
0x25: {  	s19 =	simm.s32 $0x0;
	v13 =	vld [tilespmem:$0xC480];
	[tilespmem:$0x1FFF0] =	vst v57  }
.LBB2_2:
0x26: {  	s20 =	sadd.s32 s6, s19  }
0x27: {  	s20 =	smul.u32 $0x1800, s20  }
0x28: {  	[tilespmem:$0x1FF40] =	vst v14  }
0x29: {  	s20 =	sadd.s32 s7, s20;
	[tilespmem:$0x1FF60] =	vst v12  }
0x2a: {  	s21 =	smul.u32 $0x3, s19;
	s23 =	simm.s32 $0x0;
	s22 =	sor.u32 $0x400, s20;
	[tilespmem:$0x1FF50] =	vst v13  }
.LBB2_3:
0x2b: {  	_ = 	snop  }
0x2c: {  	s24 =	sor.u32 s21, s23  }
0x2d: {  	p0 =	seq.s32 s24, $0x0  }
0x2e: {  	s24 =	simm.s32 @!p0 $0x1  }
0x2f: {  	_ =	swait.ge @!p0 [sflag:s24], $0x4000  }
0x30: {  	[sflag:s24] =	ssyncset.done @!p0 $0x0  }
0x31: {  	s25 =	simm.s32 $0xEC00;
	[sflag:s24] =	ssyncadd.s32 @!p0 $0xFFFFC000;
	s24 =	simm.s32 $0xFFFFFFFE  }
.LBB2_4:
0x32: {  	_ = 	snop  }
0x33: {  	(erf) = vrcp.f32 v14;
	_ =	sdelay $0x8  }
0x34: {  	v15 =	vpop (erf)  }
0x35: {  	v16 =	vmul.f32 v15, v13;
	v15 =	vmul.f32 v15, v12;
	_ =	sdelay $0x1  }
0x36: {  	v16 =	vmul.f32 $2.500000000e-01, v16;
	v15 =	vmul.f32 $2.500000000e-01, v15;
	_ =	sdelay $0x1  }
0x37: {  	v16 =	vmax.f32 v16, $0.0e+00;
	v15 =	vmax.f32 v15, $0.0e+00  }
0x38: {  	v16 =	vmin.f32 v16, $5.500000000e+01;
	v18 =	vmin.f32 v15, $5.500000000e+01  }
0x39: {  	v17 =	vtrunc.f32 v16;
	v15 =	vtrunc.f32 v18  }
0x3a: {  	v17 =	vcvt.f32.s32 v17;
	v15 =	vcvt.f32.s32 v15;
	_ =	sdelay $0x1  }
0x3b: {  	vm0 =	vgt.s32 v17, $0x0;
	vm5 =	vgt.s32 v15, $0x0  }
0x3c: {  	v17 =	vnsel vm0, $0x0, v17;
	v15 =	vnsel vm5, $0x0, v15  }
0x3d: {  	v17 =	vmin.u32 v17, $0x37;
	v15 =	vmin.u32 v15, $0x37  }
0x3e: {  	v19 =	vcvt.s32.f32 v17;
	v25 =	vcvt.s32.f32 v15;
	_ =	sdelay $0x1  }
0x3f: {  	v20 =	vadd.f32 $1.000000000e+00, v19;
	v21 =	vadd.f32 $1.000000000e+00, v25;
	_ =	sdelay $0x1  }
0x40: {  	v23 =	vmul.u32 $0x38, v17;
	v20 =	vmin.f32 v20, $5.500000000e+01;
	v21 =	vmin.f32 v21, $5.500000000e+01  }
0x41: {  	v22 =	vtrunc.f32 v20;
	v47 =	vtrunc.f32 v21  }
0x42: {  	v24 =	vadd.s32 v15, v23;
	v22 =	vcvt.f32.s32 v22;
	v26 =	vcvt.f32.s32 v47  }
0x43: {  	v49 =	vadd.s32 $0xC40, v24  }
0x44: {  	v22 =	vmul.u32 $0x38, v22;
	v23 =	vadd.s32 v26, v23  }
0x45: {  	v30 =	vadd.s32 $0xC40, v23  }
0x46: {  	v17 =	vadd.s32 v15, v22  }
0x47: {  	v27 =	vld.idx.msk [tilespmem:v24+s2+$0x0], $0xffff;
	v22 =	vadd.s32 v26, v22  }
0x48: {  	v15 =	vadd.s32 $0x1880, v24;
	v26 =	vld.idx.msk [tilespmem:v49+s2+$0x0], $0xffff;
	v28 =	vadd.s32 $0xC40, v17  }
0x49: {  	v32 =	vadd.s32 $0xC40, v22;
	v33 =	vand.u32 $0x3F80, v15;
	v15 =	vand.u32 $0x7F, v24;
	v31 =	vld.idx.msk [tilespmem:v23+s2+$0x0], $0xffff  }
0x4a: {  	v33 =	vor.u32 v15, v33;
	v50 =	vld.idx.msk [tilespmem:v30+s2+$0x0], $0xffff  }
0x4b: {  	v36 =	vadd.s32 $0x1880, v17;
	v29 =	vld.idx.msk [tilespmem:v17+s2+$0x0], $0xffff  }
0x4c: {  	v37 =	vadd.s32 $0x1880, v23;
	v35 =	vld.idx.msk [tilespmem:v22+s2+$0x0], $0xffff  }
0x4d: {  	v52 =	vadd.s32 $0x1880, v22;
	v28 =	vld.idx.msk [tilespmem:v28+s2+$0x0], $0xffff  }
0x4e: {  	v38 =	vadd.s32 $0x24C0, v24;
	v32 =	vld.idx.msk [tilespmem:v32+s2+$0x0], $0xffff  }
0x4f: {  	v61 =	vadd.s32 $0x3100, v24;
	v58 =	vadd.s32 $0x24C0, v17;
	v53 =	vld.idx.msk [tilespmem:v33+s2+$0x0], $0xffff  }
0x50: {  	v5 =	vadd.s32 $0x3D40, v24;
	v42 =	vadd.s32 $0x4980, v24;
	v60 =	vadd.s32 $0x24C0, v23;
	v59 =	vld.idx.msk [tilespmem:v36+s2+$0x0], $0xffff  }
0x51: {  	v21 =	vsub.f32 v21, v18;
	v34 =	vsub.f32 v20, v16;
	v39 =	vadd.s32 $0x24C0, v22;
	v37 =	vld.idx.msk [tilespmem:v37+s2+$0x0], $0xffff  }
0x52: {  	v16 =	vsub.f32 v16, v19;
	v18 =	vsub.f32 v18, v25;
	v0 =	vadd.s32 $0x3100, v17;
	v30 =	vld.idx.msk [tilespmem:v52+s2+$0x0], $0xffff  }
0x53: {  	v42 =	vand.u32 $0x7F80, v42;
	v20 =	vmul.f32 v34, v21;
	v2 =	vadd.s32 $0x3100, v23;
	v63 =	vld.idx.msk [tilespmem:v38+s2+$0x0], $0xffff  }
0x54: {  	v21 =	vmul.f32 v21, v16;
	v19 =	vmul.f32 v34, v18;
	v40 =	vadd.s32 $0x3100, v22;
	v1 =	vld.idx.msk [tilespmem:v58+s2+$0x0], $0xffff  }
0x55: {  	v18 =	vmul.f32 v16, v18;
	v41 =	vadd.s32 $0x3D40, v23;
	v47 =	vadd.s32 $0x4980, v23;
	v34 =	vld.idx.msk [tilespmem:v60+s2+$0x0], $0xffff  }
0x56: {  	v44 =	vadd.s32 $0x6200, v23;
	v7 =	vadd.s32 $0x3D40, v17;
	v10 =	vor.u32 v15, v42;
	v4 =	vld.idx.msk [tilespmem:v39+s2+$0x0], $0xffff  }
0x57: {  	v43 =	vadd.s32 $0x3D40, v22;
	v45 =	vadd.s32 $0x4980, v17;
	v27 =	vmul.f32 v27, v20;
	v38 =	vld.idx.msk [tilespmem:v0+s2+$0x0], $0xffff  }
0x58: {  	v26 =	vmul.f32 v26, v20;
	v36 =	vand.u32 $0x7F80, v61;
	v33 =	vld.idx.msk [tilespmem:v2+s2+$0x0], $0xffff;
	v31 =	vmul.f32 v31, v19  }
0x59: {  	v9 =	vld.idx.msk [tilespmem:v40+s2+$0x0], $0xffff;
	v52 =	vadd.s32 $0x4980, v22;
	v25 =	vmul.f32 v50, v19;
	v29 =	vmul.f32 v29, v21  }
0x5a: {  	v11 =	vld.idx.msk [tilespmem:v5+s2+$0x0], $0xffff;
	v60 =	vadd.s32 $0x55C0, v24;
	v62 =	vmul.f32 v35, v18;
	v28 =	vmul.f32 v28, v21  }
0x5b: {  	v40 =	vld.idx.msk [tilespmem:v10+s2+$0x0], $0xffff;
	v61 =	vadd.s32 $0x55C0, v17;
	v3 =	vmul.f32 v32, v18;
	v16 =	vmul.f32 v53, v20  }
0x5c: {  	v46 =	vld.idx.msk [tilespmem:v7+s2+$0x0], $0xffff;
	v27 =	vadd.f32 v29, v27;
	v29 =	vmul.f32 v59, v21;
	v6 =	vmul.f32 v37, v19  }
0x5d: {  	v0 =	vadd.s32 $0x55C0, v23;
	v44 =	vld.idx.msk [tilespmem:v44+s2+$0x0], $0xffff;
	v35 =	vmul.f32 v63, v20;
	v8 =	vmul.f32 v30, v18  }
0x5e: {  	v2 =	vadd.s32 $0x6200, v17;
	v50 =	vld.idx.msk [tilespmem:v41+s2+$0x0], $0xffff;
	v34 =	vmul.f32 v34, v19;
	v53 =	vmul.f32 v4, v18  }
0x5f: {  	v36 =	vor.u32 v15, v36;
	v38 =	vmul.f32 v38, v21;
	v63 =	vld.idx.msk [tilespmem:v45+s2+$0x0], $0xffff;
	v33 =	vmul.f32 v33, v19  }
0x60: {  	v30 =	vmul.f32 v9, v18;
	v41 =	vld.idx.msk [tilespmem:v60+s2+$0x0], $0xffff;
	v5 =	vmul.f32 v40, v20;
	v9 =	vadd.s32 $0x6200, v22  }
0x61: {  	v42 =	vld.idx.msk [tilespmem:v61+s2+$0x0], $0xffff;
	v45 =	vadd.s32 $0x6E40, v23;
	v60 =	vadd.s32 $0x7A80, v17;
	v61 =	vadd.s32 $0x6E40, v22  }
0x62: {  	v59 =	vld.idx.msk [tilespmem:v43+s2+$0x0], $0xffff;
	v26 =	vadd.f32 v28, v26;
	v28 =	vmul.f32 v1, v21;
	v27 =	vadd.f32 v31, v27  }
0x63: {  	v37 =	vld.idx.msk [tilespmem:v47+s2+$0x0], $0xffff;
	v16 =	vadd.f32 v29, v16;
	v31 =	vmul.f32 v46, v21;
	v4 =	vmul.f32 v50, v19  }
0x64: {  	v36 =	vld.idx.msk [tilespmem:v36+s2+$0x0], $0xffff;
	v46 =	vadd.s32 $0x86C0, v22;
	v25 =	vadd.f32 v25, v26;
	v28 =	vadd.f32 v28, v35  }
0x65: {  	v35 =	vmul.f32 v11, v20;
	v11 =	vld.idx.msk [tilespmem:v2+s2+$0x0], $0xffff;
	v2 =	vadd.s32 $0x7A80, v22;
	v16 =	vadd.f32 v6, v16  }
0x66: {  	v27 =	vadd.f32 v62, v27;
	v62 =	vadd.s32 $0x6200, v24;
	v6 =	vld.idx.msk [tilespmem:v0+s2+$0x0], $0xffff;
	v0 =	vmul.f32 v44, v19  }
0x67: {  	v26 =	vadd.f32 v3, v25;
	v49 =	vadd.f32 v34, v28;
	v43 =	vand.u32 $0xFF80, v62  }
0x68: {  	v3 =	vadd.s32 $0x55C0, v22;
	v7 =	vmul.f32 v59, v18;
	v10 =	vmul.f32 v37, v19  }
0x69: {  	v31 =	vadd.f32 v31, v35;
	v50 =	vmul.f32 v41, v20;
	v58 =	vmul.f32 v36, v20  }
0x6a: {  	v34 =	vld.idx.msk [tilespmem:v52+s2+$0x0], $0xffff;
	v52 =	vadd.s32 $0x6E40, v17;
	v25 =	vadd.f32 v8, v16;
	v16 =	vmul.f32 v63, v21  }
0x6b: {  	v42 =	vmul.f32 v42, v21;
	v1 =	vor.u32 v15, v43;
	v32 =	vadd.f32 v38, v58;
	v38 =	vld.idx.msk [tilespmem:v9+s2+$0x0], $0xffff  }
0x6c: {  	v63 =	vadd.s32 $0x7A80, v23;
	v31 =	vadd.f32 v4, v31;
	v16 =	vadd.f32 v16, v5;
	v5 =	vld.idx.msk [tilespmem:v60+s2+$0x0], $0xffff  }
0x6d: {  	v28 =	vadd.f32 v53, v49;
	v49 =	vadd.s32 $0x6E40, v24;
	v37 =	vmul.f32 v11, v21;
	v11 =	vld.idx.msk [tilespmem:v2+s2+$0x0], $0xffff  }
0x6e: {  	v53 =	vadd.s32 $0x7A80, v24;
	v40 =	vadd.f32 v42, v50;
	v31 =	vadd.f32 v7, v31;
	v7 =	vld.idx.msk [tilespmem:v61+s2+$0x0], $0xffff  }
0x6f: {  	v50 =	vadd.s32 $0x9F40, v22;
	v43 =	vand.u32 $0xFF80, v53;
	v32 =	vadd.f32 v33, v32;
	v33 =	vld.idx.msk [tilespmem:v3+s2+$0x0], $0xffff  }
0x70: {  	v9 =	vadd.s32 $0x9300, v24;
	v53 =	vadd.s32 $0x9300, v17;
	v60 =	vadd.s32 $0x9300, v22;
	v62 =	vld.idx.msk [tilespmem:v52+s2+$0x0], $0xffff  }
0x71: {  	v2 =	vadd.s32 $0x9F40, v17;
	v59 =	vor.u32 v15, v43;
	v47 =	vand.u32 $0xBF80, v9;
	v8 =	vld.idx.msk [tilespmem:v1+s2+$0x0], $0xffff  }
0x72: {  	v16 =	vadd.f32 v10, v16;
	v58 =	vmul.f32 v34, v18;
	v3 =	vadd.s32 $0x86C0, v24;
	v1 =	vld.idx.msk [tilespmem:v45+s2+$0x0], $0xffff  }
0x73: {  	v52 =	vor.u32 v15, v47;
	v41 =	vld.idx.msk [tilespmem:v63+s2+$0x0], $0xffff;
	v63 =	vadd.s32 $0x9F40, v24;
	v29 =	vadd.f32 v30, v32  }
0x74: {  	v32 =	vmul.f32 v6, v19;
	v39 =	vld.idx.msk [tilespmem:v49+s2+$0x0], $0xffff;
	v30 =	vadd.f32 v58, v16;
	v6 =	vadd.s32 $0x86C0, v17  }
0x75: {  	v16 =	vadd.f32 v14, v48;
	v58 =	vadd.s32 $0x9300, v23;
	v49 =	vadd.s32 $0xAB80, v24;
	v44 =	vld.idx.msk [tilespmem:v60+s2+$0x0], $0xffff  }
0x76: {  	v24 =	vadd.s32 $0xB7C0, v24;
	v38 =	vmul.f32 v38, v18;
	v49 =	vand.u32 $0xFF80, v49;
	v34 =	vld.idx.msk [tilespmem:v59+s2+$0x0], $0xffff  }
0x77: {  	v32 =	vadd.f32 v32, v40;
	(erf) = vrcp.f32 v16;
	v49 =	vor.u32 v15, v49;
	v35 =	vld.idx.msk [tilespmem:v3+s2+$0x0], $0xffff  }
0x78: {  	v15 =	vadd.f32 v13, v51;
	v33 =	vmul.f32 v33, v18;
	v40 =	vmul.f32 v62, v21;
	v62 =	vld.idx.msk [tilespmem:v46+s2+$0x0], $0xffff  }
0x79: {  	v3 =	vld.idx.msk [tilespmem:v53+s2+$0x0], $0xffff;
	v53 =	vadd.s32 $0xB7C0, v17;
	v36 =	vmul.f32 v8, v20;
	v8 =	vadd.s32 $0x86C0, v23  }
0x7a: {  	v59 =	vmul.f32 v1, v19;
	v61 =	vmul.f32 v41, v19;
	v1 =	vld.idx.msk [tilespmem:v52+s2+$0x0], $0xffff;
	v32 =	vadd.f32 v33, v32  }
0x7b: {  	v50 =	vld.idx.msk [tilespmem:v50+s2+$0x0], $0xffff;
	v10 =	vmul.f32 v39, v20;
	v39 =	vmul.f32 v11, v18;
	v36 =	vadd.f32 v37, v36  }
0x7c: {  	v37 =	vld.idx.msk [tilespmem:v6+s2+$0x0], $0xffff;
	v6 =	vadd.s32 $0xAB80, v17;
	v44 =	vmul.f32 v44, v18;
	v34 =	vmul.f32 v34, v20  }
0x7d: {  	v48 =	vld.idx.msk [tilespmem:v58+s2+$0x0], $0xffff;
	v4 =	vadd.f32 v0, v36;
	v36 =	vmul.f32 v5, v21;
	v0 =	vmul.f32 v7, v18  }
0x7e: {  	v17 =	vadd.f32 v12, v54;
	v35 =	vmul.f32 v35, v20;
	v5 =	vld.idx.msk [tilespmem:v63+s2+$0x0], $0xffff;
	v41 =	vmul.f32 v62, v18  }
0x7f: {  	v43 =	vld.idx.msk [tilespmem:v8+s2+$0x0], $0xffff;
	v8 =	vadd.s32 $0xAB80, v23;
	v42 =	vmul.f32 v1, v20;
	v33 =	vadd.f32 v38, v4  }
0x80: {  	v7 =	vld.idx.msk [tilespmem:v2+s2+$0x0], $0xffff;
	v1 =	vmul.f32 v50, v18;
	v38 =	vadd.f32 v40, v10;
	v34 =	vadd.f32 v36, v34  }
0x81: {  	v49 =	vld.idx.msk [tilespmem:v49+s2+$0x0], $0xffff;
	v4 =	vadd.s32 $0x9F40, v23;
	v10 =	vadd.s32 $0xAB80, v22;
	v36 =	vmul.f32 v3, v21  }
0x82: {  	v11 =	vmul.f32 v48, v19;
	v23 =	vadd.s32 $0xB7C0, v23;
	v22 =	vadd.s32 $0xB7C0, v22  }
0x83: {  	v24 =	vld.idx.msk [tilespmem:v24+s2+$0x0], $0xffff;
	v37 =	vmul.f32 v37, v21;
	v9 =	vpop (erf);
	v38 =	vadd.f32 v59, v38;
	v34 =	vadd.f32 v61, v34  }
0x84: {  	v46 =	vld.idx.msk [tilespmem:v6+s2+$0x0], $0xffff;
	v52 =	vmul.f32 v9, v15;
	v36 =	vadd.f32 v36, v42;
	v45 =	vmul.f32 v9, v17  }
0x85: {  	v61 =	vld.idx.msk [tilespmem:v53+s2+$0x0], $0xffff;
	v35 =	vadd.f32 v37, v35;
	v40 =	vmul.f32 v5, v20;
	v37 =	vmul.f32 v7, v21  }
0x86: {  	v5 =	vmul.f32 v49, v20;
	v34 =	vadd.f32 v39, v34;
	v43 =	vmul.f32 v43, v19;
	v39 =	vld.idx.msk [tilespmem:v8+s2+$0x0], $0xffff  }
0x87: {  	v38 =	vadd.f32 v0, v38;
	v52 =	vmul.f32 $2.500000000e-01, v52;
	v59 =	vmul.f32 $2.500000000e-01, v45;
	v47 =	vld.idx.msk [tilespmem:v4+s2+$0x0], $0xffff  }
0x88: {  	v20 =	vmul.f32 v24, v20;
	v36 =	vadd.f32 v11, v36;
	v51 =	vld.idx.msk [tilespmem:v10+s2+$0x0], $0xffff;
	v37 =	vadd.f32 v37, v40  }
0x89: {  	v23 =	vld.idx.msk [tilespmem:v23+s2+$0x0], $0xffff;
	v58 =	vmax.f32 v52, $0.0e+00;
	v35 =	vadd.f32 v43, v35;
	v43 =	vmax.f32 v59, $0.0e+00  }
0x8a: {  	v22 =	vld.idx.msk [tilespmem:v22+s2+$0x0], $0xffff;
	[tilespmem:s25+$0xFFFFE000] =	vst v27;
	v36 =	vadd.f32 v44, v36;
	v6 =	vmul.f32 v46, v21;
	v43 =	vmin.f32 v43, $5.500000000e+01  }
0x8b: {  	[tilespmem:s25+$0xFFFFE400] =	vst v26;
	v48 =	vmin.f32 v58, $5.500000000e+01;
	v21 =	vmul.f32 v61, v21;
	v63 =	vtrunc.f32 v43  }
0x8c: {  	[tilespmem:s25+$0xFFFFE800] =	vst v25;
	v60 =	vtrunc.f32 v48;
	v35 =	vadd.f32 v41, v35;
	v2 =	vcvt.f32.s32 v63  }
0x8d: {  	[tilespmem:s25+$0xFFFFEC00] =	vst v28;
	v9 =	vadd.f32 v6, v5;
	v45 =	vcvt.f32.s32 v60;
	v11 =	vmul.f32 v39, v19  }
0x8e: {  	[tilespmem:s25+$0xFFFFF000] =	vst v29;
	v20 =	vadd.f32 v21, v20;
	v62 =	vmul.f32 v47, v19;
	vm7 =	vgt.s32 v2, $0x0  }
0x8f: {  	[tilespmem:s25+$0xFFFFF400] =	vst v31;
	v19 =	vmul.f32 v23, v19;
	vm6 =	vgt.s32 v45, $0x0;
	v26 =	vnsel vm7, $0x0, v2  }
0x90: {  	[tilespmem:s25+$0xFFFFF800] =	vst v30;
	v39 =	vmul.f32 v51, v18;
	v0 =	vnsel vm6, $0x0, v45;
	v8 =	vmin.u32 v26, $0x37  }
0x91: {  	[tilespmem:s25+$0xFFFFFC00] =	vst v32;
	v37 =	vadd.f32 v62, v37;
	v3 =	vmin.u32 v0, $0x37;
	v10 =	vcvt.s32.f32 v8  }
0x92: {  	[tilespmem:s25+$0x0] =	vst v33;
	v18 =	vmul.f32 v22, v18;
	v19 =	vadd.f32 v19, v20;
	v40 =	vcvt.s32.f32 v3  }
0x93: {  	[tilespmem:s25+$0x400] =	vst v38;
	v4 =	vadd.f32 v1, v37;
	v27 =	vmul.u32 $0x38, v3;
	v37 =	vadd.f32 $1.000000000e+00, v10  }
0x94: {  	[tilespmem:s25+$0x800] =	vst v34;
	v26 =	vadd.f32 v11, v9;
	v18 =	vadd.f32 v18, v19  }
0x95: {  	[tilespmem:s25+$0x1000] =	vst v36;
	v7 =	vadd.f32 $1.000000000e+00, v40;
	v23 =	vadd.s32 v8, v27;
	v41 =	vmin.f32 v37, $5.500000000e+01  }
0x96: {  	[tilespmem:s25+$0xC00] =	vst v35;
	v26 =	vadd.f32 v39, v26;
	v46 =	vadd.s32 $0xC40, v23;
	v42 =	vtrunc.f32 v41  }
0x97: {  	[tilespmem:s25+$0x1400] =	vst v4;
	v63 =	vadd.s32 $0x24C0, v23;
	v29 =	vmin.f32 v7, $5.500000000e+01;
	v22 =	vcvt.f32.s32 v42  }
0x98: {  	[tilespmem:s25+$0x1C00] =	vst v18;
	v9 =	vadd.s32 $0x3D40, v23;
	v32 =	vtrunc.f32 v29  }
0x99: {  	[tilespmem:s25+$0x1800] =	vst v26;
	v52 =	vadd.s32 $0x1880, v23;
	v21 =	vcvt.f32.s32 v32;
	v25 =	vadd.s32 v22, v27  }
0x9a: {  	v58 =	vand.u32 $0x3F80, v52;
	v45 =	vld.idx.msk [tilespmem:v23+s2+$0x0], $0xffff;
	v27 =	vand.u32 $0x7F, v23;
	v51 =	vadd.s32 $0xC40, v25  }
0x9b: {  	v21 =	vmul.u32 $0x38, v21;
	v26 =	vld.idx.msk [tilespmem:v46+s2+$0x0], $0xffff;
	v36 =	vor.u32 v27, v58  }
0x9c: {  	v6 =	vld.idx.msk [tilespmem:v63+s2+$0x0], $0xffff;
	v61 =	vadd.s32 $0x1880, v25  }
0x9d: {  	v42 =	vld.idx.msk [tilespmem:v9+s2+$0x0], $0xffff;
	v24 =	vadd.s32 v8, v21  }
0x9e: {  	v22 =	vadd.s32 v22, v21;
	v34 =	vld.idx.msk [tilespmem:v25+s2+$0x0], $0xffff  }
0x9f: {  	v8 =	vadd.s32 $0x3100, v25;
	v33 =	vld.idx.msk [tilespmem:v51+s2+$0x0], $0xffff  }
0xa0: {  	v49 =	vadd.s32 $0xC40, v24;
	v0 =	vld.idx.msk [tilespmem:v36+s2+$0x0], $0xffff  }
0xa1: {  	v44 =	vsub.f32 v41, v43;
	v29 =	vsub.f32 v29, v48;
	v53 =	vadd.s32 $0xC40, v22;
	v38 =	vld.idx.msk [tilespmem:v61+s2+$0x0], $0xffff  }
0xa2: {  	v50 =	vsub.f32 v48, v40;
	v60 =	vadd.s32 $0x1880, v24;
	v47 =	vld.idx.msk [tilespmem:v24+s2+$0x0], $0xffff  }
0xa3: {  	v52 =	vadd.s32 $0x4980, v23;
	v20 =	vmul.f32 v29, v44;
	v62 =	vadd.s32 $0x1880, v22;
	v59 =	vld.idx.msk [tilespmem:v22+s2+$0x0], $0xffff  }
0xa4: {  	v21 =	vmul.f32 v44, v50;
	v44 =	vand.u32 $0x7F80, v52;
	v1 =	vadd.s32 $0x24C0, v24;
	v40 =	vld.idx.msk [tilespmem:v8+s2+$0x0], $0xffff  }
0xa5: {  	v28 =	vsub.f32 v43, v10;
	v44 =	vor.u32 v27, v44;
	v31 =	vld.idx.msk [tilespmem:v49+s2+$0x0], $0xffff  }
0xa6: {  	v17 =	vadd.f32 v17, v54;
	v3 =	vadd.s32 $0x3100, v23;
	v4 =	vadd.s32 $0x24C0, v22;
	v35 =	vld.idx.msk [tilespmem:v53+s2+$0x0], $0xffff  }
0xa7: {  	v18 =	vmul.f32 v29, v28;
	v36 =	vand.u32 $0x7F80, v3;
	v3 =	vadd.s32 $0x55C0, v23;
	v29 =	vld.idx.msk [tilespmem:v60+s2+$0x0], $0xffff  }
0xa8: {  	v2 =	vadd.s32 $0x24C0, v25;
	v52 =	vadd.s32 $0x6E40, v23;
	v36 =	vor.u32 v27, v36;
	v39 =	vld.idx.msk [tilespmem:v62+s2+$0x0], $0xffff  }
0xa9: {  	v7 =	vadd.s32 $0x3100, v24;
	v48 =	vadd.s32 $0x3D40, v24;
	v32 =	vld.idx.msk [tilespmem:v1+s2+$0x0], $0xffff;
	v60 =	vadd.s32 $0x4980, v24  }
0xaa: {  	v9 =	vadd.s32 $0x6200, v24;
	v19 =	vmul.f32 v45, v20;
	v1 =	vadd.s32 $0x4980, v22;
	v44 =	vld.idx.msk [tilespmem:v44+s2+$0x0], $0xffff  }
0xab: {  	v5 =	vmul.f32 v26, v20;
	v42 =	vmul.f32 v42, v20;
	v51 =	vadd.s32 $0x3D40, v25;
	v11 =	vld.idx.msk [tilespmem:v4+s2+$0x0], $0xffff  }
0xac: {  	v53 =	vadd.s32 $0x3D40, v22;
	v34 =	vmul.f32 v34, v18;
	v33 =	vmul.f32 v33, v18;
	v43 =	vld.idx.msk [tilespmem:v3+s2+$0x0], $0xffff  }
0xad: {  	v62 =	vadd.s32 $0x4980, v25;
	v49 =	vmul.f32 v38, v18;
	v30 =	vmul.f32 v47, v21;
	v36 =	vld.idx.msk [tilespmem:v36+s2+$0x0], $0xffff  }
0xae: {  	v4 =	vadd.s32 $0x55C0, v24;
	v31 =	vmul.f32 v31, v21;
	v29 =	vmul.f32 v29, v21;
	v41 =	vld.idx.msk [tilespmem:v60+s2+$0x0], $0xffff  }
0xaf: {  	v32 =	vmul.f32 v32, v21;
	v38 =	vld.idx.msk [tilespmem:v1+s2+$0x0], $0xffff;
	v44 =	vmul.f32 v44, v20;
	v30 =	vadd.f32 v30, v19  }
0xb0: {  	v19 =	vmul.f32 v50, v28;
	v28 =	vmul.f32 v0, v20;
	v50 =	vadd.s32 $0x3100, v22;
	v0 =	vld.idx.msk [tilespmem:v51+s2+$0x0], $0xffff  }
0xb1: {  	v31 =	vadd.f32 v31, v5;
	v5 =	vadd.s32 $0x6200, v23;
	v30 =	vadd.f32 v34, v30;
	v34 =	vld.idx.msk [tilespmem:v2+s2+$0x0], $0xffff  }
0xb2: {  	v37 =	vmul.f32 v59, v19;
	v10 =	vmul.f32 v35, v19;
	v28 =	vadd.f32 v29, v28;
	v59 =	vld.idx.msk [tilespmem:v48+s2+$0x0], $0xffff  }
0xb3: {  	v63 =	vmul.f32 v11, v19;
	v2 =	vld.idx.msk [tilespmem:v53+s2+$0x0], $0xffff;
	v46 =	vand.u32 $0xFF80, v5;
	v11 =	vadd.s32 $0x55C0, v22  }
0xb4: {  	v39 =	vmul.f32 v39, v19;
	v31 =	vadd.f32 v33, v31;
	v33 =	vld.idx.msk [tilespmem:v62+s2+$0x0], $0xffff;
	v8 =	vor.u32 v27, v46  }
0xb5: {  	v26 =	vadd.f32 v37, v30;
	v30 =	vmul.f32 v6, v20;
	v37 =	vld.idx.msk [tilespmem:v7+s2+$0x0], $0xffff;
	v6 =	vadd.s32 $0x55C0, v25  }
0xb6: {  	v5 =	vadd.s32 $0x6E40, v22;
	v36 =	vmul.f32 v36, v20;
	v28 =	vadd.f32 v49, v28;
	v49 =	vld.idx.msk [tilespmem:v4+s2+$0x0], $0xffff  }
0xb7: {  	v62 =	vadd.s32 $0x6200, v22;
	v7 =	vmul.f32 v40, v18;
	v41 =	vmul.f32 v41, v21;
	v61 =	vld.idx.msk [tilespmem:v50+s2+$0x0], $0xffff  }
0xb8: {  	v1 =	vmul.f32 v38, v19;
	v35 =	vmul.f32 v0, v18;
	v50 =	vadd.s32 $0x6200, v25;
	v60 =	vld.idx.msk [tilespmem:v11+s2+$0x0], $0xffff  }
0xb9: {  	v0 =	vadd.s32 $0x6E40, v25;
	v30 =	vadd.f32 v32, v30;
	v58 =	vmul.f32 v34, v18;
	v51 =	vld.idx.msk [tilespmem:v8+s2+$0x0], $0xffff  }
0xba: {  	v29 =	vadd.f32 v10, v31;
	v34 =	vmul.f32 v59, v21;
	v59 =	vadd.s32 $0x6E40, v24;
	v47 =	vld.idx.msk [tilespmem:v6+s2+$0x0], $0xffff  }
0xbb: {  	v4 =	vadd.s32 $0x7A80, v24;
	v28 =	vadd.f32 v39, v28;
	v30 =	vadd.f32 v58, v30;
	v58 =	vld.idx.msk [tilespmem:v9+s2+$0x0], $0xffff  }
0xbc: {  	v53 =	vadd.f32 v41, v44;
	v48 =	vmul.f32 v2, v19;
	v11 =	vadd.s32 $0x86C0, v23;
	v6 =	vld.idx.msk [tilespmem:v62+s2+$0x0], $0xffff  }
0xbd: {  	v33 =	vmul.f32 v33, v18;
	v37 =	vmul.f32 v37, v21;
	v34 =	vadd.f32 v34, v42;
	v45 =	vld.idx.msk [tilespmem:v50+s2+$0x0], $0xffff  }
0xbe: {  	v39 =	vmul.f32 v49, v21;
	v9 =	vld.idx.msk [tilespmem:v0+s2+$0x0], $0xffff;
	v31 =	vadd.f32 v63, v30;
	v63 =	vadd.s32 $0x7A80, v23  }
0xbf: {  	v36 =	vadd.f32 v37, v36;
	v44 =	vand.u32 $0xFF80, v63;
	v40 =	vld.idx.msk [tilespmem:v59+s2+$0x0], $0xffff;
	v59 =	vadd.s32 $0x86C0, v25  }
0xc0: {  	v10 =	vmul.f32 v61, v19;
	v61 =	vmul.f32 v43, v20;
	v0 =	vld [tilespmem:$0x1FFC0];
	v2 =	vor.u32 v27, v44  }
0xc1: {  	v34 =	vadd.f32 v35, v34;
	v35 =	vld.idx.msk [tilespmem:v52+s2+$0x0], $0xffff;
	v36 =	vadd.f32 v7, v36;
	v7 =	vadd.s32 $0x7A80, v25  }
0xc2: {  	v33 =	vadd.f32 v33, v53;
	v53 =	vadd.s32 $0x86C0, v24;
	v52 =	vld.idx.msk [tilespmem:v4+s2+$0x0], $0xffff;
	v41 =	vmul.f32 v60, v19  }
0xc3: {  	v39 =	vadd.f32 v39, v61;
	v3 =	vmul.f32 v47, v18;
	v37 =	vmul.f32 v58, v21;
	v58 =	vld.idx.msk [tilespmem:v5+s2+$0x0], $0xffff  }
0xc4: {  	v60 =	vadd.s32 $0x9300, v23;
	v61 =	vadd.s32 $0x86C0, v22;
	v30 =	vadd.f32 v48, v34;
	v4 =	vld.idx.msk [tilespmem:v59+s2+$0x0], $0xffff  }
0xc5: {  	v48 =	vand.u32 $0xBF80, v60;
	v60 =	vadd.s32 $0x9F40, v22;
	v39 =	vadd.f32 v3, v39;
	v38 =	vld.idx.msk [tilespmem:v2+s2+$0x0], $0xffff  }
0xc6: {  	v34 =	vmul.f32 v51, v20;
	v63 =	vor.u32 v27, v48;
	v32 =	vadd.f32 v10, v36;
	v43 =	vld.idx.msk [tilespmem:v7+s2+$0x0], $0xffff  }
0xc7: {  	v5 =	vadd.s32 $0x9300, v22;
	v36 =	vadd.f32 v1, v33;
	v33 =	vadd.f32 v41, v39;
	v39 =	vld.idx.msk [tilespmem:v11+s2+$0x0], $0xffff  }
0xc8: {  	v42 =	vmul.f32 v6, v19;
	v8 =	vmul.f32 v45, v18;
	v10 =	vadd.s32 $0x7A80, v22;
	v2 =	vld.idx.msk [tilespmem:v53+s2+$0x0], $0xffff  }
0xc9: {  	v16 =	vadd.f32 v16, v0;
	v45 =	vmul.f32 v9, v18;
	v0 =	vadd.s32 $0x9300, v24;
	v7 =	vld.idx.msk [tilespmem:v61+s2+$0x0], $0xffff  }
0xca: {  	v34 =	vadd.f32 v37, v34;
	v35 =	vmul.f32 v35, v20;
	v37 =	vmul.f32 v52, v21;
	v50 =	vld.idx.msk [tilespmem:v60+s2+$0x0], $0xffff  }
0xcb: {  	v3 =	vadd.s32 $0x9300, v25;
	v40 =	vmul.f32 v40, v21;
	(erf) = vrcp.f32 v16;
	v9 =	vld.idx.msk [tilespmem:v63+s2+$0x0], $0xffff  }
0xcc: {  	v59 =	vadd.s32 $0xAB80, v23;
	v34 =	vadd.f32 v8, v34;
	v8 =	vadd.s32 $0x9F40, v23;
	v47 =	vld.idx.msk [tilespmem:v5+s2+$0x0], $0xffff  }
0xcd: {  	v48 =	vand.u32 $0xFF80, v59;
	v23 =	vadd.s32 $0xB7C0, v23;
	v35 =	vadd.f32 v40, v35;
	v63 =	vld [tilespmem:$0x1FFB0]  }
0xce: {  	v44 =	vmul.f32 v58, v19;
	v58 =	vadd.s32 $0x9F40, v25;
	v27 =	vor.u32 v27, v48;
	v62 =	vld.idx.msk [tilespmem:v10+s2+$0x0], $0xffff  }
0xcf: {  	v34 =	vadd.f32 v42, v34;
	v10 =	vadd.s32 $0x9F40, v24;
	v11 =	vld.idx.msk [tilespmem:v0+s2+$0x0], $0xffff;
	v35 =	vadd.f32 v45, v35  }
0xd0: {  	v41 =	vld.idx.msk [tilespmem:v3+s2+$0x0], $0xffff;
	v3 =	vadd.s32 $0xAB80, v22;
	v0 =	vmul.f32 v4, v18;
	v1 =	vmul.f32 v38, v20  }
0xd1: {  	v22 =	vadd.s32 $0xB7C0, v22;
	v6 =	vmul.f32 v43, v18;
	v39 =	vmul.f32 v39, v20  }
0xd2: {  	v35 =	vadd.f32 v44, v35;
	v38 =	vmul.f32 v2, v21;
	v43 =	vmul.f32 v7, v19  }
0xd3: {  	v61 =	vld.idx.msk [tilespmem:v8+s2+$0x0], $0xffff;
	v50 =	vmul.f32 v50, v19;
	v15 =	vadd.f32 v15, v63;
	v42 =	vmul.f32 v9, v20  }
0xd4: {  	v23 =	vld.idx.msk [tilespmem:v23+s2+$0x0], $0xffff;
	v9 =	vmul.f32 v47, v19;
	v40 =	vmul.f32 v62, v19;
	v62 =	vadd.s32 $0xAB80, v24  }
0xd5: {  	v46 =	vld.idx.msk [tilespmem:v58+s2+$0x0], $0xffff;
	v16 =	vadd.f32 v37, v1;
	v38 =	vadd.f32 v38, v39;
	v1 =	vadd.s32 $0xAB80, v25  }
0xd6: {  	v27 =	vld.idx.msk [tilespmem:v27+s2+$0x0], $0xffff;
	v37 =	vmul.f32 v11, v21;
	v24 =	vadd.s32 $0xB7C0, v24;
	v25 =	vadd.s32 $0xB7C0, v25;
	v2 =	vpop (erf)  }
0xd7: {  	v44 =	vld.idx.msk [tilespmem:v10+s2+$0x0], $0xffff;
	v41 =	vmul.f32 v41, v18;
	v16 =	vadd.f32 v6, v16;
	v15 =	vmul.f32 v2, v15  }
0xd8: {  	v5 =	vld.idx.msk [tilespmem:v3+s2+$0x0], $0xffff;
	v37 =	vadd.f32 v37, v42;
	v17 =	vmul.f32 v2, v17;
	v38 =	vadd.f32 v0, v38  }
0xd9: {  	v16 =	vadd.f32 v40, v16;
	v15 =	vmul.f32 $2.500000000e-01, v15;
	v40 =	vmul.f32 v61, v20;
	v4 =	vld.idx.msk [tilespmem:v62+s2+$0x0], $0xffff  }
0xda: {  	v17 =	vmul.f32 $2.500000000e-01, v17;
	v37 =	vadd.f32 v41, v37;
	v10 =	vmul.f32 v46, v18;
	v45 =	vld.idx.msk [tilespmem:v1+s2+$0x0], $0xffff  }
0xdb: {  	v38 =	vadd.f32 v43, v38;
	v27 =	vmul.f32 v27, v20;
	v20 =	vmul.f32 v23, v20;
	v24 =	vld.idx.msk [tilespmem:v24+s2+$0x0], $0xffff  }
0xdc: {  	v6 =	vmul.f32 v44, v21;
	v25 =	vld.idx.msk [tilespmem:v25+s2+$0x0], $0xffff;
	v15 =	vmax.f32 v15, $0.0e+00;
	v17 =	vmax.f32 v17, $0.0e+00  }
0xdd: {  	v0 =	vmul.f32 v5, v19;
	v15 =	vmin.f32 v15, $5.500000000e+01;
	v17 =	vmin.f32 v17, $5.500000000e+01  }
0xde: {  	v22 =	vld.idx.msk [tilespmem:v22+s2+$0x0], $0xffff;
	[tilespmem:s25+$0xFFFFE010] =	vst v26;
	v39 =	vadd.f32 v6, v40;
	v7 =	vtrunc.f32 v15;
	v11 =	vtrunc.f32 v17  }
0xdf: {  	[tilespmem:s25+$0xFFFFE410] =	vst v29;
	v37 =	vadd.f32 v9, v37;
	v8 =	vcvt.f32.s32 v7;
	v47 =	vcvt.f32.s32 v11  }
0xe0: {  	[tilespmem:s25+$0xFFFFE810] =	vst v28;
	v39 =	vadd.f32 v10, v39;
	v51 =	vmul.f32 v4, v21;
	v54 =	vmul.f32 v45, v18  }
0xe1: {  	[tilespmem:s25+$0xFFFFEC10] =	vst v31;
	v21 =	vmul.f32 v24, v21;
	v18 =	vmul.f32 v25, v18;
	vm8 =	vgt.s32 v8, $0x0  }
0xe2: {  	[tilespmem:s25+$0xFFFFF010] =	vst v32;
	vm9 =	vgt.s32 v47, $0x0;
	v52 =	vadd.f32 v50, v39;
	v41 =	vnsel vm8, $0x0, v8  }
0xe3: {  	[tilespmem:s25+$0xFFFFF410] =	vst v30;
	v26 =	vnsel vm9, $0x0, v47;
	v27 =	vadd.f32 v51, v27;
	v49 =	vmin.u32 v41, $0x37  }
0xe4: {  	[tilespmem:s25+$0xFFFFF810] =	vst v36;
	v20 =	vadd.f32 v21, v20;
	v26 =	vmin.u32 v26, $0x37;
	v41 =	vcvt.s32.f32 v49  }
0xe5: {  	[tilespmem:s25+$0xFFFFFC10] =	vst v33;
	v58 =	vcvt.s32.f32 v26;
	v60 =	vadd.f32 v54, v27;
	v2 =	vmul.u32 $0x38, v49  }
0xe6: {  	[tilespmem:s25+$0x10] =	vst v34;
	v19 =	vmul.f32 v22, v19;
	v18 =	vadd.f32 v18, v20;
	v53 =	vadd.f32 $1.000000000e+00, v41  }
0xe7: {  	[tilespmem:s25+$0x410] =	vst v35;
	v61 =	vadd.f32 $1.000000000e+00, v58;
	v30 =	vadd.s32 v26, v2;
	v5 =	vadd.f32 v0, v60  }
0xe8: {  	[tilespmem:s25+$0x810] =	vst v16;
	v18 =	vadd.f32 v19, v18;
	v6 =	vadd.s32 $0xC40, v30;
	v10 =	vadd.s32 $0x1880, v30  }
0xe9: {  	[tilespmem:s25+$0xC10] =	vst v38;
	v35 =	vand.u32 $0x7F, v30;
	v49 =	vadd.s32 $0x24C0, v30;
	v59 =	vmin.f32 v53, $5.500000000e+01  }
0xea: {  	[tilespmem:s25+$0x1010] =	vst v37;
	v1 =	vmin.f32 v61, $5.500000000e+01;
	v24 =	vand.u32 $0x3F80, v10;
	v53 =	vadd.s32 $0x3100, v30  }
0xeb: {  	[tilespmem:s25+$0x1410] =	vst v52;
	v62 =	vtrunc.f32 v59;
	v3 =	vtrunc.f32 v1;
	v44 =	vor.u32 v35, v24  }
0xec: {  	[tilespmem:s25+$0x1810] =	vst v5;
	v34 =	vand.u32 $0x7F80, v53;
	v63 =	vcvt.f32.s32 v62;
	v16 =	vcvt.f32.s32 v3  }
0xed: {  	[tilespmem:s25+$0x1C10] =	vst v18;
	v34 =	vor.u32 v35, v34  }
0xee: {  	v18 =	vld.idx.msk [tilespmem:v30+s2+$0x0], $0xffff;
	v4 =	vmul.u32 $0x38, v63;
	v27 =	vadd.s32 v16, v2  }
0xef: {  	v42 =	vsub.f32 v59, v15;
	v59 =	vld.idx.msk [tilespmem:v49+s2+$0x0], $0xffff;
	v9 =	vadd.s32 $0xC40, v27  }
0xf0: {  	v46 =	vadd.s32 $0x1880, v27;
	v28 =	vadd.s32 v16, v4;
	v16 =	vld.idx.msk [tilespmem:v6+s2+$0x0], $0xffff  }
0xf1: {  	v52 =	vadd.s32 $0x24C0, v27;
	v50 =	vld.idx.msk [tilespmem:v44+s2+$0x0], $0xffff  }
0xf2: {  	v29 =	vadd.s32 v26, v4;
	v34 =	vld.idx.msk [tilespmem:v34+s2+$0x0], $0xffff  }
0xf3: {  	v11 =	vld.idx.msk [tilespmem:v27+s2+$0x0], $0xffff  }
0xf4: {  	v8 =	vsub.f32 v1, v17;
	v15 =	vsub.f32 v15, v41;
	v7 =	vadd.s32 $0xC40, v29;
	v36 =	vld.idx.msk [tilespmem:v9+s2+$0x0], $0xffff  }
0xf5: {  	v17 =	vsub.f32 v17, v58;
	v40 =	vadd.s32 $0xC40, v28;
	v20 =	vld.idx.msk [tilespmem:v46+s2+$0x0], $0xffff  }
0xf6: {  	v24 =	vmul.f32 v42, v8;
	v23 =	vmul.f32 v8, v15;
	v45 =	vadd.s32 $0x1880, v29;
	v8 =	vld.idx.msk [tilespmem:v52+s2+$0x0], $0xffff  }
0xf7: {  	v22 =	vmul.f32 v42, v17;
	v47 =	vadd.s32 $0x1880, v28;
	v21 =	vld.idx.msk [tilespmem:v29+s2+$0x0], $0xffff  }
0xf8: {  	v63 =	vadd.s32 $0x3100, v27;
	v4 =	vadd.f32 v14, v57;
	v60 =	vadd.s32 $0x3100, v29;
	v43 =	vld.idx.msk [tilespmem:v28+s2+$0x0], $0xffff  }
0xf9: {  	v14 =	vadd.f32 v12, v55;
	v55 =	vadd.s32 $0x6E40, v27;
	v54 =	vadd.s32 $0x24C0, v28;
	v19 =	vld.idx.msk [tilespmem:v7+s2+$0x0], $0xffff  }
0xfa: {  	v49 =	vadd.s32 $0x4980, v29;
	v2 =	vadd.s32 $0x55C0, v29;
	v48 =	vmul.f32 v18, v24;
	v26 =	vld.idx.msk [tilespmem:v40+s2+$0x0], $0xffff  }
0xfb: {  	v18 =	vmul.f32 v15, v17;
	v15 =	vadd.s32 $0x24C0, v29;
	(erf) = vrcp.f32 v4;
	v51 =	vld.idx.msk [tilespmem:v45+s2+$0x0], $0xffff  }
0xfc: {  	v32 =	vmul.f32 v59, v24;
	v9 =	vadd.s32 $0x3100, v28;
	v46 =	vadd.s32 $0x3D40, v29;
	v37 =	vld.idx.msk [tilespmem:v47+s2+$0x0], $0xffff  }
0xfd: {  	v52 =	vadd.s32 $0x4980, v27;
	v16 =	vmul.f32 v16, v24;
	v17 =	vmul.f32 v50, v24;
	v39 =	vld.idx.msk [tilespmem:v60+s2+$0x0], $0xffff  }
0xfe: {  	v50 =	vadd.s32 $0x3D40, v28;
	v45 =	vadd.s32 $0x3D40, v30;
	v47 =	vadd.s32 $0x4980, v30;
	v40 =	vld.idx.msk [tilespmem:v63+s2+$0x0], $0xffff  }
0xff: {  	v53 =	vmul.f32 v34, v24;
	v60 =	vld.idx.msk [tilespmem:v49+s2+$0x0], $0xffff;
	v41 =	vand.u32 $0x7F80, v47;
	v25 =	vmul.f32 v11, v22  }
0x100: {  	v62 =	vld.idx.msk [tilespmem:v15+s2+$0x0], $0xffff;
	v15 =	vadd.f32 v13, v56;
	v61 =	vmul.f32 v36, v22;
	v20 =	vmul.f32 v20, v22  }
0x101: {  	v47 =	vadd.s32 $0x55C0, v28;
	v21 =	vmul.f32 v21, v23;
	v58 =	vmul.f32 v43, v18  }
0x102: {  	v56 =	vadd.s32 $0x6200, v28;
	v19 =	vmul.f32 v19, v23;
	v10 =	vmul.f32 v26, v18  }
0x103: {  	v11 =	vld.idx.msk [tilespmem:v54+s2+$0x0], $0xffff;
	v41 =	vor.u32 v35, v41;
	v31 =	vmul.f32 v51, v23;
	v54 =	vmul.f32 v39, v23  }
0x104: {  	v1 =	vld.idx.msk [tilespmem:v52+s2+$0x0], $0xffff;
	v52 =	vadd.s32 $0x6E40, v30;
	v37 =	vmul.f32 v37, v18;
	v59 =	vmul.f32 v40, v22  }
0x105: {  	v33 =	vld.idx.msk [tilespmem:v45+s2+$0x0], $0xffff;
	v6 =	vmul.f32 v60, v23;
	v45 =	vadd.s32 $0x4980, v28;
	v21 =	vadd.f32 v21, v48  }
0x106: {  	v5 =	vpop (erf);
	v48 =	vadd.s32 $0x3D40, v27;
	v36 =	vmul.f32 v62, v23;
	v62 =	vadd.s32 $0x55C0, v30  }
0x107: {  	v51 =	vld.idx.msk [tilespmem:v46+s2+$0x0], $0xffff;
	v44 =	vmul.f32 v5, v14;
	v16 =	vadd.f32 v19, v16;
	v17 =	vadd.f32 v31, v17  }
0x108: {  	v26 =	vmul.f32 v11, v18;
	v21 =	vadd.f32 v25, v21;
	v32 =	vadd.f32 v36, v32  }
0x109: {  	v11 =	vld.idx.msk [tilespmem:v2+s2+$0x0], $0xffff;
	v36 =	vmul.f32 $2.500000000e-01, v44;
	v16 =	vadd.f32 v61, v16;
	v17 =	vadd.f32 v20, v17  }
0x10a: {  	v20 =	vadd.f32 v54, v53;
	v61 =	vld.idx.msk [tilespmem:v50+s2+$0x0], $0xffff;
	v50 =	vadd.s32 $0x6200, v29;
	v53 =	vadd.s32 $0x6E40, v29  }
0x10b: {  	v25 =	vld.idx.msk [tilespmem:v9+s2+$0x0], $0xffff;
	v7 =	vadd.f32 v58, v21;
	v21 =	vmul.f32 v8, v22;
	v63 =	vmul.f32 v33, v24  }
0x10c: {  	v42 =	vld.idx.msk [tilespmem:v52+s2+$0x0], $0xffff;
	v54 =	vadd.s32 $0x6200, v27;
	v0 =	vmul.f32 v51, v23;
	v8 =	vmul.f32 v1, v22  }
0x10d: {  	v58 =	vld.idx.msk [tilespmem:v41+s2+$0x0], $0xffff;
	v36 =	vmax.f32 v36, $0.0e+00;
	v19 =	vadd.f32 v10, v16;
	v17 =	vadd.f32 v37, v17  }
0x10e: {  	v57 =	vld.idx.msk [tilespmem:v48+s2+$0x0], $0xffff;
	v20 =	vadd.f32 v59, v20;
	v10 =	vadd.s32 $0x55C0, v27;
	v48 =	vadd.s32 $0x6200, v30  }
0x10f: {  	v33 =	vld.idx.msk [tilespmem:v47+s2+$0x0], $0xffff;
	v36 =	vmin.f32 v36, $5.500000000e+01;
	[tilespmem:$0x1FF20] =	vst v7;
	v7 =	vmul.f32 v5, v15;
	v34 =	vmul.f32 v11, v23  }
0x110: {  	v21 =	vadd.f32 v21, v32;
	v51 =	vtrunc.f32 v36;
	v25 =	vmul.f32 v25, v18  }
0x111: {  	v31 =	vadd.f32 v0, v63;
	v41 =	vcvt.f32.s32 v51;
	v9 =	vmul.f32 $2.500000000e-01, v7  }
0x112: {  	v42 =	vmul.f32 v42, v24;
	v16 =	vadd.f32 v26, v21;
	v21 =	vmul.f32 v61, v18  }
0x113: {  	v26 =	vld.idx.msk [tilespmem:v62+s2+$0x0], $0xffff;
	v7 =	vadd.s32 $0x7A80, v30;
	v32 =	vmul.f32 v58, v24;
	v46 =	vmax.f32 v9, $0.0e+00  }
0x114: {  	v20 =	vadd.f32 v25, v20;
	v33 =	vmul.f32 v33, v18;
	v40 =	vmin.f32 v46, $5.500000000e+01  }
0x115: {  	vm11 =	vgt.s32 v41, $0x0;
	v3 =	vmul.f32 v57, v22;
	v49 =	vtrunc.f32 v40  }
0x116: {  	v37 =	vld.idx.msk [tilespmem:v45+s2+$0x0], $0xffff;
	v41 =	vnsel vm11, $0x0, v41;
	v25 =	vadd.f32 v6, v32;
	v38 =	vcvt.f32.s32 v49  }
0x117: {  	v63 =	vld.idx.msk [tilespmem:v55+s2+$0x0], $0xffff;
	v32 =	vand.u32 $0xFF80, v48;
	v41 =	vmin.u32 v41, $0x37;
	v31 =	vadd.f32 v3, v31  }
0x118: {  	v39 =	vld.idx.msk [tilespmem:v50+s2+$0x0], $0xffff;
	v48 =	vcvt.s32.f32 v41;
	v26 =	vmul.f32 v26, v24;
	vm10 =	vgt.s32 v38, $0x0  }
0x119: {  	v32 =	vor.u32 v35, v32;
	v21 =	vadd.f32 v21, v31;
	v31 =	vld.idx.msk [tilespmem:v10+s2+$0x0], $0xffff;
	v38 =	vnsel vm10, $0x0, v38  }
0x11a: {  	v61 =	vadd.f32 $1.000000000e+00, v48;
	v26 =	vadd.f32 v34, v26;
	v34 =	vld.idx.msk [tilespmem:v53+s2+$0x0], $0xffff;
	v38 =	vmin.u32 v38, $0x37  }
0x11b: {  	v58 =	vadd.s32 $0x6E40, v28;
	v37 =	vmul.f32 v37, v18;
	v47 =	vcvt.s32.f32 v38  }
0x11c: {  	v6 =	vmul.f32 v63, v22;
	v25 =	vadd.f32 v8, v25;
	v43 =	vmin.f32 v61, $5.500000000e+01  }
0x11d: {  	v60 =	vld.idx.msk [tilespmem:v54+s2+$0x0], $0xffff;
	v39 =	vmul.f32 v39, v23;
	v3 =	vtrunc.f32 v43;
	v57 =	vadd.f32 $1.000000000e+00, v47  }
0x11e: {  	v10 =	vsub.f32 v43, v36;
	v2 =	vmul.u32 $0x38, v38;
	v5 =	vcvt.f32.s32 v3  }
0x11f: {  	v32 =	vld.idx.msk [tilespmem:v32+s2+$0x0], $0xffff;
	v31 =	vmul.f32 v31, v22;
	v34 =	vmul.f32 v34, v23;
	v59 =	vmin.f32 v57, $5.500000000e+01  }
0x120: {  	v1 =	vld.idx.msk [tilespmem:v56+s2+$0x0], $0xffff;
	v38 =	vadd.s32 v41, v2;
	v45 =	vadd.s32 v5, v2;
	v46 =	vtrunc.f32 v59  }
0x121: {  	v31 =	vadd.f32 v31, v26;
	v8 =	vadd.s32 $0xC40, v38;
	v0 =	vcvt.f32.s32 v46  }
0x122: {  	v26 =	vadd.f32 v37, v25;
	v37 =	vmul.f32 v60, v22;
	v60 =	vadd.s32 $0x1880, v45  }
0x123: {  	v49 =	vld.idx.msk [tilespmem:v58+s2+$0x0], $0xffff;
	v47 =	vsub.f32 v40, v47;
	v25 =	vadd.f32 v33, v31;
	v33 =	vmul.u32 $0x38, v0  }
0x124: {  	v62 =	vmul.f32 v32, v24;
	v34 =	vadd.f32 v34, v42;
	v0 =	vadd.s32 $0xC40, v45  }
0x125: {  	v32 =	vmul.f32 v1, v18;
	v1 =	vadd.s32 $0x1880, v38;
	v54 =	vld.idx.msk [tilespmem:v45+s2+$0x0], $0xffff;
	v46 =	vadd.s32 v41, v33  }
0x126: {  	v3 =	vand.u32 $0x3F80, v1;
	v50 =	vsub.f32 v59, v40;
	v58 =	vld.idx.msk [tilespmem:v8+s2+$0x0], $0xffff;
	v44 =	vadd.s32 v5, v33  }
0x127: {  	v31 =	vadd.f32 v39, v62;
	v39 =	vand.u32 $0x7F, v38;
	v60 =	vld.idx.msk [tilespmem:v60+s2+$0x0], $0xffff;
	v9 =	vadd.s32 $0xC40, v46  }
0x128: {  	v33 =	vadd.f32 v6, v34;
	v34 =	vmul.f32 v49, v18;
	v49 =	vld.idx.msk [tilespmem:v38+s2+$0x0], $0xffff;
	v2 =	vadd.s32 $0xC40, v44  }
0x129: {  	v31 =	vadd.f32 v37, v31;
	v37 =	vand.u32 $0xFF80, v7;
	v6 =	vor.u32 v39, v3;
	v7 =	vld.idx.msk [tilespmem:v0+s2+$0x0], $0xffff  }
0x12a: {  	v36 =	vsub.f32 v36, v48;
	v62 =	vadd.s32 $0x24C0, v38;
	v11 =	vld.idx.msk [tilespmem:v46+s2+$0x0], $0xffff  }
0x12b: {  	v42 =	vmul.f32 v10, v47;
	v41 =	vmul.f32 v50, v10;
	v10 =	vadd.s32 $0x24C0, v46;
	v5 =	vld.idx.msk [tilespmem:v44+s2+$0x0], $0xffff  }
0x12c: {  	v59 =	vadd.s32 $0x1880, v46;
	v52 =	vld.idx.msk [tilespmem:v9+s2+$0x0], $0xffff  }
0x12d: {  	v43 =	vmul.f32 v50, v36;
	v3 =	vadd.s32 $0x3100, v46;
	v55 =	vld.idx.msk [tilespmem:v2+s2+$0x0], $0xffff  }
0x12e: {  	v1 =	vadd.s32 $0x3100, v38;
	v36 =	vmul.f32 v47, v36;
	v8 =	vadd.s32 $0x1880, v44;
	v9 =	vld.idx.msk [tilespmem:v6+s2+$0x0], $0xffff  }
0x12f: {  	v37 =	vor.u32 v35, v37;
	v54 =	vmul.f32 v54, v43;
	v0 =	vadd.s32 $0x24C0, v45;
	v2 =	vld.idx.msk [tilespmem:v62+s2+$0x0], $0xffff  }
0x130: {  	v63 =	vadd.s32 $0x24C0, v44;
	v58 =	vmul.f32 v58, v41;
	v49 =	vmul.f32 v49, v41;
	v50 =	vld.idx.msk [tilespmem:v10+s2+$0x0], $0xffff  }
0x131: {  	v6 =	vadd.s32 $0x3100, v45;
	v10 =	vadd.s32 $0x3D40, v45;
	v61 =	vmul.f32 v11, v42;
	v11 =	vld.idx.msk [tilespmem:v59+s2+$0x0], $0xffff  }
0x132: {  	v62 =	vld.idx.msk [tilespmem:v3+s2+$0x0], $0xffff;
	v3 =	vadd.s32 $0x55C0, v46;
	v48 =	vmul.f32 v7, v43;
	v7 =	vmul.f32 v60, v43  }
0x133: {  	v53 =	vld.idx.msk [tilespmem:v8+s2+$0x0], $0xffff;
	v52 =	vmul.f32 v52, v42;
	v49 =	vadd.f32 v61, v49;
	v61 =	vand.u32 $0x7F80, v1  }
0x134: {  	v59 =	vld.idx.msk [tilespmem:v0+s2+$0x0], $0xffff;
	v0 =	vadd.s32 $0x3D40, v44;
	v47 =	vmul.f32 v9, v41;
	v61 =	vor.u32 v39, v61  }
0x135: {  	v9 =	vadd.s32 $0x3100, v44;
	v52 =	vadd.f32 v52, v58;
	v49 =	vadd.f32 v54, v49  }
0x136: {  	v10 =	vld.idx.msk [tilespmem:v10+s2+$0x0], $0xffff;
	v54 =	vmul.f32 v5, v36;
	v5 =	vadd.s32 $0x3D40, v46;
	v57 =	vmul.f32 v11, v42  }
0x137: {  	v48 =	vadd.f32 v48, v52;
	v52 =	vmul.f32 v55, v36;
	v55 =	vld.idx.msk [tilespmem:v63+s2+$0x0], $0xffff;
	v63 =	vadd.s32 $0x3D40, v38  }
0x138: {  	v56 =	vmul.f32 v2, v41;
	v50 =	vmul.f32 v50, v42;
	v58 =	vld.idx.msk [tilespmem:v6+s2+$0x0], $0xffff;
	v11 =	vadd.s32 $0x4980, v38  }
0x139: {  	v53 =	vmul.f32 v53, v36;
	v11 =	vand.u32 $0x7F80, v11;
	v47 =	vadd.f32 v57, v47;
	v60 =	vld.idx.msk [tilespmem:v61+s2+$0x0], $0xffff  }
0x13a: {  	v50 =	vadd.f32 v50, v56;
	v6 =	vmul.f32 v59, v43;
	v0 =	vld.idx.msk [tilespmem:v0+s2+$0x0], $0xffff;
	v11 =	vor.u32 v39, v11  }
0x13b: {  	v57 =	vadd.f32 v7, v47;
	v7 =	vadd.s32 $0x4980, v46;
	v47 =	vadd.f32 v52, v48;
	v52 =	vld.idx.msk [tilespmem:v5+s2+$0x0], $0xffff  }
0x13c: {  	v2 =	vmul.f32 v62, v42;
	v49 =	vadd.f32 v54, v49;
	v54 =	vadd.s32 $0x4980, v45;
	v59 =	vld.idx.msk [tilespmem:v63+s2+$0x0], $0xffff  }
0x13d: {  	v1 =	vadd.s32 $0x55C0, v38;
	v9 =	vld.idx.msk [tilespmem:v9+s2+$0x0], $0xffff;
	v10 =	vmul.f32 v10, v43;
	v50 =	vadd.f32 v6, v50  }
0x13e: {  	v6 =	vadd.s32 $0x6200, v38;
	v61 =	vld.idx.msk [tilespmem:v3+s2+$0x0], $0xffff;
	v63 =	vadd.s32 $0x55C0, v45;
	v5 =	vmul.f32 v60, v41  }
0x13f: {  	v62 =	vand.u32 $0xFF80, v6;
	v58 =	vmul.f32 v58, v43;
	v55 =	vmul.f32 v55, v36;
	v11 =	vld.idx.msk [tilespmem:v11+s2+$0x0], $0xffff  }
0x140: {  	v48 =	vadd.f32 v53, v57;
	v60 =	vor.u32 v39, v62;
	v7 =	vld.idx.msk [tilespmem:v7+s2+$0x0], $0xffff;
	v56 =	vadd.f32 v2, v5  }
0x141: {  	v54 =	vld.idx.msk [tilespmem:v54+s2+$0x0], $0xffff;
	v52 =	vmul.f32 v52, v42;
	v59 =	vmul.f32 v59, v41;
	v5 =	vadd.s32 $0x6200, v46  }
0x142: {  	v53 =	vadd.s32 $0x4980, v44;
	v9 =	vmul.f32 v9, v36;
	v57 =	vld.idx.msk [tilespmem:v1+s2+$0x0], $0xffff;
	v56 =	vadd.f32 v58, v56  }
0x143: {  	v1 =	vadd.s32 $0x6200, v45;
	v50 =	vadd.f32 v55, v50;
	v55 =	vld.idx.msk [tilespmem:v63+s2+$0x0], $0xffff;
	v59 =	vadd.f32 v52, v59  }
0x144: {  	v2 =	vld.idx.msk [tilespmem:v37+s2+$0x0], $0xffff;
	v58 =	vadd.s32 $0x55C0, v44;
	v6 =	vmul.f32 v11, v41;
	v52 =	vadd.f32 v9, v56  }
0x145: {  	v7 =	vmul.f32 v7, v42;
	v10 =	vadd.f32 v10, v59;
	v56 =	vld.idx.msk [tilespmem:v60+s2+$0x0], $0xffff;
	v59 =	vadd.s32 $0x6E40, v38  }
0x146: {  	v54 =	vmul.f32 v54, v43;
	v60 =	vadd.s32 $0x6E40, v46;
	v11 =	vld.idx.msk [tilespmem:v5+s2+$0x0], $0xffff;
	v5 =	vadd.s32 $0x7A80, v38  }
0x147: {  	v53 =	vld.idx.msk [tilespmem:v53+s2+$0x0], $0xffff;
	v9 =	vadd.f32 v7, v6;
	v6 =	vadd.s32 $0x6200, v44;
	v62 =	vand.u32 $0xFF80, v5  }
0x148: {  	v61 =	vmul.f32 v61, v42;
	v57 =	vmul.f32 v57, v41;
	v1 =	vld.idx.msk [tilespmem:v1+s2+$0x0], $0xffff;
	v62 =	vor.u32 v39, v62  }
0x149: {  	v51 =	vadd.s32 $0x7A80, v29;
	v58 =	vld.idx.msk [tilespmem:v58+s2+$0x0], $0xffff;
	v9 =	vadd.f32 v54, v9;
	v54 =	vadd.s32 $0x7A80, v46  }
0x14a: {  	v8 =	vadd.s32 $0x9F40, v45;
	v7 =	vadd.f32 v61, v57;
	v57 =	vadd.s32 $0x6E40, v45;
	v59 =	vld.idx.msk [tilespmem:v59+s2+$0x0], $0xffff  }
0x14b: {  	v3 =	vadd.s32 $0x9300, v38;
	v56 =	vmul.f32 v56, v41;
	v60 =	vld.idx.msk [tilespmem:v60+s2+$0x0], $0xffff;
	v11 =	vmul.f32 v11, v42  }
0x14c: {  	v0 =	vmul.f32 v0, v36;
	v37 =	vmul.f32 v53, v36;
	v61 =	vadd.s32 $0x7A80, v45;
	v63 =	vld.idx.msk [tilespmem:v6+s2+$0x0], $0xffff  }
0x14d: {  	v55 =	vmul.f32 v55, v43;
	v1 =	vmul.f32 v1, v43;
	v11 =	vadd.f32 v11, v56;
	v56 =	vld.idx.msk [tilespmem:v62+s2+$0x0], $0xffff  }
0x14e: {  	v0 =	vadd.f32 v0, v10;
	v53 =	vadd.f32 v37, v9;
	v62 =	vadd.s32 $0x7A80, v44;
	v9 =	vld.idx.msk [tilespmem:v54+s2+$0x0], $0xffff  }
0x14f: {  	v55 =	vadd.f32 v55, v7;
	v58 =	vmul.f32 v58, v36;
	v1 =	vadd.f32 v1, v11;
	v11 =	vld.idx.msk [tilespmem:v57+s2+$0x0], $0xffff  }
0x150: {  	v10 =	vadd.s32 $0x86C0, v38;
	v37 =	vmul.f32 v59, v41;
	v59 =	vand.u32 $0xBF80, v3;
	v3 =	vld [tilespmem:$0x1FFC0]  }
0x151: {  	v6 =	vadd.s32 $0x6E40, v44;
	v54 =	vadd.f32 v58, v55;
	v58 =	vld.idx.msk [tilespmem:v61+s2+$0x0], $0xffff  }
0x152: {  	v51 =	vld.idx.msk [tilespmem:v51+s2+$0x0], $0xffff;
	v55 =	vadd.s32 $0x86C0, v46  }
0x153: {  	v57 =	vmul.f32 v60, v42;
	v61 =	vadd.s32 $0x86C0, v45;
	v60 =	vmul.f32 v63, v36;
	v62 =	vld.idx.msk [tilespmem:v62+s2+$0x0], $0xffff  }
0x154: {  	v8 =	vld.idx.msk [tilespmem:v8+s2+$0x0], $0xffff;
	v59 =	vor.u32 v39, v59;
	v56 =	vmul.f32 v56, v41;
	v9 =	vmul.f32 v9, v42  }
0x155: {  	v10 =	vld.idx.msk [tilespmem:v10+s2+$0x0], $0xffff;
	v57 =	vadd.f32 v57, v37;
	v63 =	vadd.s32 $0x9300, v46;
	v37 =	vadd.f32 v4, v3  }
0x156: {  	v6 =	vld.idx.msk [tilespmem:v6+s2+$0x0], $0xffff;
	v11 =	vmul.f32 v11, v43;
	v9 =	vadd.f32 v9, v56;
	v56 =	vmul.f32 v58, v43  }
0x157: {  	v51 =	vmul.f32 v51, v23;
	v7 =	vadd.s32 $0x86C0, v44;
	v55 =	vld.idx.msk [tilespmem:v55+s2+$0x0], $0xffff;
	(erf) = vrcp.f32 v37  }
0x158: {  	v11 =	vadd.f32 v11, v57;
	v57 =	vld.idx.msk [tilespmem:v61+s2+$0x0], $0xffff;
	v9 =	vadd.f32 v56, v9;
	v61 =	vmul.f32 v62, v36  }
0x159: {  	v1 =	vadd.f32 v60, v1;
	v3 =	vadd.s32 $0xAB80, v38;
	v58 =	vadd.s32 $0x9300, v45;
	v56 =	vld.idx.msk [tilespmem:v59+s2+$0x0], $0xffff  }
0x15a: {  	v60 =	vadd.s32 $0x9300, v44;
	v3 =	vand.u32 $0xFF80, v3;
	v9 =	vadd.f32 v61, v9;
	v61 =	vld [tilespmem:$0x1FFB0]  }
0x15b: {  	v40 =	vadd.s32 $0x7A80, v27;
	v6 =	vmul.f32 v6, v36;
	v3 =	vor.u32 v39, v3;
	v62 =	vld.idx.msk [tilespmem:v63+s2+$0x0], $0xffff  }
0x15c: {  	v12 =	vld [tilespmem:$0x1FFA0];
	v10 =	vmul.f32 v10, v41;
	v59 =	vadd.s32 $0x9F40, v38;
	v55 =	vmul.f32 v55, v42  }
0x15d: {  	v8 =	vmul.f32 v8, v43;
	v7 =	vld.idx.msk [tilespmem:v7+s2+$0x0], $0xffff;
	v63 =	vadd.s32 $0x9F40, v46;
	v6 =	vadd.f32 v6, v11  }
0x15e: {  	v11 =	vld.idx.msk [tilespmem:v58+s2+$0x0], $0xffff;
	v58 =	vadd.s32 $0x9F40, v44;
	v10 =	vadd.f32 v55, v10;
	v57 =	vmul.f32 v57, v43  }
0x15f: {  	[tilespmem:$0x1FF30] =	vst v4;
	v55 =	vld.idx.msk [tilespmem:v60+s2+$0x0], $0xffff;
	v60 =	vadd.s32 $0xAB80, v46;
	v46 =	vadd.s32 $0xB7C0, v46;
	v39 =	vadd.f32 v15, v61  }
0x160: {  	v3 =	vld.idx.msk [tilespmem:v3+s2+$0x0], $0xffff;
	v56 =	vmul.f32 v56, v41;
	v10 =	vadd.f32 v57, v10;
	v61 =	vmul.f32 v62, v42;
	v4 =	vpop (erf)  }
0x161: {  	v59 =	vld.idx.msk [tilespmem:v59+s2+$0x0], $0xffff;
	v57 =	vadd.s32 $0xAB80, v44;
	v44 =	vadd.s32 $0xB7C0, v44;
	v5 =	vmul.f32 v4, v39  }
0x162: {  	v62 =	vld.idx.msk [tilespmem:v63+s2+$0x0], $0xffff;
	v56 =	vadd.f32 v61, v56;
	v61 =	vadd.s32 $0xB7C0, v38;
	v38 =	vadd.f32 v14, v12  }
0x163: {  	v7 =	vmul.f32 v7, v36;
	v63 =	vadd.s32 $0xAB80, v45;
	v58 =	vld.idx.msk [tilespmem:v58+s2+$0x0], $0xffff;
	v5 =	vmul.f32 $2.500000000e-01, v5  }
0x164: {  	v2 =	vmul.f32 v2, v24;
	v45 =	vadd.s32 $0xB7C0, v45;
	v60 =	vld.idx.msk [tilespmem:v60+s2+$0x0], $0xffff;
	v4 =	vmul.f32 v4, v38  }
0x165: {  	v11 =	vmul.f32 v11, v43;
	v7 =	vadd.f32 v7, v10;
	v46 =	vld.idx.msk [tilespmem:v46+s2+$0x0], $0xffff;
	v5 =	vmax.f32 v5, $0.0e+00  }
0x166: {  	v55 =	vmul.f32 v55, v36;
	v57 =	vld.idx.msk [tilespmem:v57+s2+$0x0], $0xffff;
	v4 =	vmul.f32 $2.500000000e-01, v4;
	v5 =	vmin.f32 v5, $5.500000000e+01  }
0x167: {  	v11 =	vadd.f32 v11, v56;
	v44 =	vld.idx.msk [tilespmem:v44+s2+$0x0], $0xffff;
	v56 =	vmul.f32 v62, v42;
	v62 =	vtrunc.f32 v5  }
0x168: {  	v59 =	vmul.f32 v59, v41;
	v63 =	vld.idx.msk [tilespmem:v63+s2+$0x0], $0xffff;
	v4 =	vmax.f32 v4, $0.0e+00;
	v62 =	vcvt.f32.s32 v62  }
0x169: {  	v3 =	vmul.f32 v3, v41;
	v45 =	vld.idx.msk [tilespmem:v45+s2+$0x0], $0xffff;
	v11 =	vadd.f32 v55, v11;
	v4 =	vmin.f32 v4, $5.500000000e+01  }
0x16a: {  	v61 =	vld.idx.msk [tilespmem:v61+s2+$0x0], $0xffff;
	v56 =	vadd.f32 v56, v59;
	[tilespmem:s25+$0xFFFFE080] =	vst v49;
	v59 =	vtrunc.f32 v4;
	vm12 =	vgt.s32 v62, $0x0  }
0x16b: {  	[tilespmem:s25+$0xFFFFE480] =	vst v47;
	v60 =	vmul.f32 v60, v42;
	v10 =	vcvt.f32.s32 v59;
	v62 =	vnsel vm12, $0x0, v62  }
0x16c: {  	[tilespmem:s25+$0xFFFFE880] =	vst v48;
	v42 =	vmul.f32 v46, v42;
	v8 =	vadd.f32 v8, v56;
	v47 =	vmin.u32 v62, $0x37  }
0x16d: {  	[tilespmem:s25+$0xFFFFEC80] =	vst v50;
	v3 =	vadd.f32 v60, v3;
	vm13 =	vgt.s32 v10, $0x0;
	v55 =	vcvt.s32.f32 v47  }
0x16e: {  	[tilespmem:s25+$0xFFFFF080] =	vst v52;
	v52 =	vmul.f32 v63, v43;
	v56 =	vmul.f32 v45, v43;
	v10 =	vnsel vm13, $0x0, v10  }
0x16f: {  	[tilespmem:s25+$0xFFFFF480] =	vst v0;
	v59 =	vmul.f32 v58, v36;
	v10 =	vmin.u32 v10, $0x37;
	v62 =	vadd.f32 $1.000000000e+00, v55  }
0x170: {  	[tilespmem:s25+$0xFFFFF880] =	vst v53;
	v41 =	vmul.f32 v61, v41;
	v0 =	vcvt.s32.f32 v10  }
0x171: {  	[tilespmem:s25+$0xFFFFFC80] =	vst v54;
	v3 =	vadd.f32 v52, v3;
	v8 =	vadd.f32 v59, v8;
	v46 =	vmin.f32 v62, $5.500000000e+01  }
0x172: {  	[tilespmem:s25+$0x80] =	vst v1;
	v41 =	vadd.f32 v42, v41;
	v54 =	vadd.f32 $1.000000000e+00, v0;
	v49 =	vtrunc.f32 v46  }
0x173: {  	v40 =	vld.idx.msk [tilespmem:v40+s2+$0x0], $0xffff;
	[tilespmem:s25+$0x480] =	vst v6;
	v59 =	vmul.f32 v57, v36;
	v61 =	vmul.u32 $0x38, v47;
	v58 =	vcvt.f32.s32 v49  }
0x174: {  	[tilespmem:s25+$0x880] =	vst v9;
	v36 =	vmul.f32 v44, v36;
	v41 =	vadd.f32 v56, v41;
	v60 =	vmin.f32 v54, $5.500000000e+01  }
0x175: {  	[tilespmem:s25+$0xC80] =	vst v7;
	v48 =	vadd.s32 v10, v61;
	v62 =	vtrunc.f32 v60;
	v1 =	vmul.u32 $0x38, v58  }
0x176: {  	[tilespmem:s25+$0x1080] =	vst v11;
	v3 =	vadd.f32 v59, v3;
	v57 =	vadd.s32 $0xC40, v48;
	v63 =	vcvt.f32.s32 v62  }
0x177: {  	[tilespmem:s25+$0x1480] =	vst v8;
	v53 =	vadd.f32 v36, v41;
	v47 =	vadd.s32 v10, v1  }
0x178: {  	v2 =	vadd.f32 v51, v2;
	v52 =	vmul.f32 v40, v22;
	[tilespmem:s25+$0x1880] =	vst v3;
	v44 =	vadd.s32 v63, v61  }
0x179: {  	[tilespmem:s25+$0x1C80] =	vst v53;
	v45 =	vadd.s32 v63, v1  }
0x17a: {  	v36 =	vadd.f32 v52, v2;
	v6 =	vsub.f32 v46, v5;
	v7 =	vld.idx.msk [tilespmem:v48+s2+$0x0], $0xffff;
	v61 =	vadd.s32 $0xC40, v47  }
0x17b: {  	v5 =	vsub.f32 v5, v55;
	v60 =	vsub.f32 v60, v4;
	v2 =	vld.idx.msk [tilespmem:v57+s2+$0x0], $0xffff;
	v63 =	vadd.s32 $0xC40, v44  }
0x17c: {  	v52 =	vand.u32 $0x7F, v48;
	v58 =	vadd.s32 $0x1880, v48;
	v59 =	vadd.s32 $0xC40, v45;
	v62 =	vld.idx.msk [tilespmem:v47+s2+$0x0], $0xffff  }
0x17d: {  	v46 =	vmul.f32 v6, v60;
	v42 =	vmul.f32 v60, v5;
	v60 =	vadd.s32 $0x1880, v47;
	v50 =	vld.idx.msk [tilespmem:v44+s2+$0x0], $0xffff  }
0x17e: {  	v0 =	vsub.f32 v4, v0;
	v11 =	vand.u32 $0x3F80, v58;
	v58 =	vadd.s32 $0x1880, v45;
	v1 =	vld.idx.msk [tilespmem:v45+s2+$0x0], $0xffff  }
0x17f: {  	v54 =	vadd.s32 $0x9300, v30;
	v11 =	vor.u32 v52, v11;
	v4 =	vld.idx.msk [tilespmem:v61+s2+$0x0], $0xffff  }
0x180: {  	v56 =	vand.u32 $0xBF80, v54;
	v54 =	vadd.s32 $0xAB80, v30;
	v41 =	vmul.f32 v6, v0;
	v10 =	vld.idx.msk [tilespmem:v63+s2+$0x0], $0xffff  }
0x181: {  	v40 =	vmul.f32 v5, v0;
	v43 =	vor.u32 v35, v56;
	v57 =	vadd.s32 $0x1880, v44;
	v0 =	vld.idx.msk [tilespmem:v59+s2+$0x0], $0xffff  }
0x182: {  	v5 =	vadd.s32 $0x24C0, v48;
	v56 =	vadd.s32 $0x3100, v47;
	v7 =	vmul.f32 v7, v46;
	v3 =	vld.idx.msk [tilespmem:v60+s2+$0x0], $0xffff  }
0x183: {  	v2 =	vmul.f32 v2, v46;
	v60 =	vadd.s32 $0x24C0, v44;
	v55 =	vld.idx.msk [tilespmem:v58+s2+$0x0], $0xffff;
	v9 =	vmul.f32 v62, v42  }
0x184: {  	v63 =	vadd.s32 $0x24C0, v47;
	v59 =	vadd.s32 $0x3100, v48;
	v58 =	vadd.s32 $0x3D40, v47;
	v62 =	vld.idx.msk [tilespmem:v11+s2+$0x0], $0xffff  }
0x185: {  	v50 =	vmul.f32 v50, v41;
	v11 =	vand.u32 $0x7F80, v59;
	v61 =	vadd.f32 v9, v7  }
0x186: {  	v8 =	vld.idx.msk [tilespmem:v57+s2+$0x0], $0xffff;
	v1 =	vmul.f32 v1, v40;
	v4 =	vmul.f32 v4, v42;
	v11 =	vor.u32 v52, v11  }
0x187: {  	v5 =	vld.idx.msk [tilespmem:v5+s2+$0x0], $0xffff;
	v6 =	vadd.f32 v50, v61;
	v61 =	vmul.f32 v10, v41;
	v10 =	vadd.s32 $0x24C0, v45  }
0x188: {  	v3 =	vmul.f32 v3, v42;
	v7 =	vld.idx.msk [tilespmem:v60+s2+$0x0], $0xffff;
	v60 =	vadd.s32 $0x3D40, v48;
	v2 =	vadd.f32 v4, v2  }
0x189: {  	v62 =	vmul.f32 v62, v46;
	v50 =	vadd.f32 v1, v6;
	v1 =	vld.idx.msk [tilespmem:v63+s2+$0x0], $0xffff;
	v6 =	vadd.s32 $0x3100, v44  }
0x18a: {  	v56 =	vld.idx.msk [tilespmem:v56+s2+$0x0], $0xffff;
	v2 =	vadd.f32 v61, v2;
	v63 =	vadd.s32 $0x3100, v45;
	v61 =	vadd.s32 $0x4980, v48  }
0x18b: {  	v58 =	vld.idx.msk [tilespmem:v58+s2+$0x0], $0xffff;
	v57 =	vand.u32 $0x7F80, v61;
	v3 =	vadd.f32 v3, v62;
	v62 =	vmul.f32 v8, v41  }
0x18c: {  	v54 =	vand.u32 $0xFF80, v54;
	v8 =	vld.idx.msk [tilespmem:v10+s2+$0x0], $0xffff;
	v10 =	vor.u32 v52, v57  }
0x18d: {  	v4 =	vmul.f32 v55, v40;
	v11 =	vld.idx.msk [tilespmem:v11+s2+$0x0], $0xffff;
	v57 =	vadd.s32 $0x4980, v47;
	v3 =	vadd.f32 v62, v3  }
0x18e: {  	v5 =	vmul.f32 v5, v46;
	v55 =	vadd.s32 $0x3D40, v44;
	v1 =	vmul.f32 v1, v42;
	v6 =	vld.idx.msk [tilespmem:v6+s2+$0x0], $0xffff  }
0x18f: {  	v59 =	vadd.s32 $0x4980, v44;
	v0 =	vmul.f32 v0, v40;
	v9 =	vld.idx.msk [tilespmem:v63+s2+$0x0], $0xffff;
	v53 =	vadd.f32 v4, v3  }
0x190: {  	v4 =	vadd.s32 $0x4980, v45;
	v1 =	vadd.f32 v1, v5;
	v5 =	vmul.f32 v7, v41;
	v7 =	vld.idx.msk [tilespmem:v60+s2+$0x0], $0xffff  }
0x191: {  	v35 =	vor.u32 v35, v54;
	v54 =	vadd.f32 v0, v2;
	v0 =	vld.idx.msk [tilespmem:v10+s2+$0x0], $0xffff  }
0x192: {  	v56 =	vmul.f32 v56, v42;
	v11 =	vmul.f32 v11, v46;
	v60 =	vadd.s32 $0x3D40, v45;
	v3 =	vld.idx.msk [tilespmem:v57+s2+$0x0], $0xffff  }
0x193: {  	v61 =	vadd.s32 $0x55C0, v48;
	v62 =	vadd.s32 $0x6200, v48;
	v63 =	vmul.f32 v6, v41;
	v6 =	vld.idx.msk [tilespmem:v55+s2+$0x0], $0xffff  }
0x194: {  	v2 =	vadd.f32 v56, v11;
	v56 =	vadd.s32 $0x55C0, v47;
	v11 =	vand.u32 $0xFF80, v62;
	v55 =	vld.idx.msk [tilespmem:v59+s2+$0x0], $0xffff  }
0x195: {  	v1 =	vadd.f32 v5, v1;
	v5 =	vmul.f32 v9, v40;
	v4 =	vld.idx.msk [tilespmem:v4+s2+$0x0], $0xffff;
	v59 =	vadd.s32 $0x55C0, v44  }
0x196: {  	v2 =	vadd.f32 v63, v2;
	v7 =	vmul.f32 v7, v46;
	v63 =	vmul.f32 v58, v42  }
0x197: {  	v11 =	vor.u32 v52, v11;
	v9 =	vld.idx.msk [tilespmem:v60+s2+$0x0], $0xffff;
	v0 =	vmul.f32 v0, v46;
	v3 =	vmul.f32 v3, v42  }
0x198: {  	v10 =	vld.idx.msk [tilespmem:v61+s2+$0x0], $0xffff;
	v61 =	vadd.s32 $0x55C0, v45;
	v58 =	vadd.s32 $0x6200, v47;
	v7 =	vadd.f32 v63, v7  }
0x199: {  	v62 =	vld.idx.msk [tilespmem:v56+s2+$0x0], $0xffff;
	v6 =	vmul.f32 v6, v41;
	v0 =	vadd.f32 v3, v0;
	v57 =	vmul.f32 v55, v41  }
0x19a: {  	v60 =	vadd.s32 $0x6200, v44;
	v55 =	vadd.s32 $0x7A80, v48;
	v4 =	vmul.f32 v4, v40  }
0x19b: {  	v59 =	vld.idx.msk [tilespmem:v59+s2+$0x0], $0xffff;
	v55 =	vand.u32 $0xFF80, v55;
	v6 =	vadd.f32 v6, v7;
	v0 =	vadd.f32 v57, v0  }
0x19c: {  	v7 =	vmul.f32 v9, v40;
	v9 =	vld.idx.msk [tilespmem:v11+s2+$0x0], $0xffff;
	v57 =	vadd.f32 v5, v2;
	v5 =	vor.u32 v52, v55  }
0x19d: {  	v11 =	vadd.s32 $0x6200, v45;
	v55 =	vadd.f32 v4, v0;
	v0 =	vld.idx.msk [tilespmem:v61+s2+$0x0], $0xffff;
	v4 =	vadd.s32 $0x7A80, v47  }
0x19e: {  	v3 =	vld.idx.msk [tilespmem:v58+s2+$0x0], $0xffff;
	v13 =	vadd.f32 v7, v6;
	v6 =	vmul.f32 v10, v46;
	v7 =	vmul.f32 v62, v42  }
0x19f: {  	v61 =	vadd.s32 $0x7A80, v44  }
0x1a0: {  	v8 =	vmul.f32 v8, v40;
	v2 =	vld.idx.msk [tilespmem:v60+s2+$0x0], $0xffff;
	v6 =	vadd.f32 v7, v6;
	v7 =	vmul.f32 v59, v41  }
0x1a1: {  	v56 =	vadd.s32 $0x6E40, v47;
	v63 =	vadd.s32 $0x6E40, v48;
	v5 =	vld.idx.msk [tilespmem:v5+s2+$0x0], $0xffff  }
0x1a2: {  	v58 =	vadd.f32 v8, v1;
	v6 =	vadd.f32 v7, v6;
	v0 =	vmul.f32 v0, v40;
	v4 =	vld.idx.msk [tilespmem:v4+s2+$0x0], $0xffff  }
0x1a3: {  	v10 =	vadd.s32 $0x6E40, v44;
	v8 =	vld.idx.msk [tilespmem:v11+s2+$0x0], $0xffff;
	v9 =	vmul.f32 v9, v46;
	v3 =	vmul.f32 v3, v42  }
0x1a4: {  	v7 =	vadd.s32 $0x86C0, v47;
	v60 =	vadd.f32 v0, v6;
	v0 =	vld.idx.msk [tilespmem:v61+s2+$0x0], $0xffff;
	v61 =	vadd.s32 $0x9300, v48  }
0x1a5: {  	v62 =	vadd.s32 $0x6E40, v45;
	v61 =	vand.u32 $0xBF80, v61  }
0x1a6: {  	v56 =	vld.idx.msk [tilespmem:v56+s2+$0x0], $0xffff;
	v2 =	vmul.f32 v2, v41;
	v3 =	vadd.f32 v3, v9;
	v61 =	vor.u32 v52, v61  }
0x1a7: {  	v11 =	vld.idx.msk [tilespmem:v63+s2+$0x0], $0xffff;
	v5 =	vmul.f32 v5, v46;
	v4 =	vmul.f32 v4, v42  }
0x1a8: {  	v9 =	vadd.s32 $0x86C0, v48;
	v2 =	vadd.f32 v2, v3;
	v59 =	vmul.f32 v8, v40;
	v8 =	vld.idx.msk [tilespmem:v10+s2+$0x0], $0xffff  }
0x1a9: {  	v10 =	vadd.s32 $0x7A80, v45;
	v7 =	vld.idx.msk [tilespmem:v7+s2+$0x0], $0xffff;
	v4 =	vadd.f32 v4, v5;
	v0 =	vmul.f32 v0, v41  }
0x1aa: {  	v6 =	vadd.s32 $0x86C0, v44;
	v59 =	vadd.f32 v59, v2;
	v2 =	vld.idx.msk [tilespmem:v62+s2+$0x0], $0xffff  }
0x1ab: {  	v3 =	vadd.s32 $0x86C0, v45;
	v0 =	vadd.f32 v0, v4;
	v4 =	vld.idx.msk [tilespmem:v61+s2+$0x0], $0xffff  }
0x1ac: {  	v56 =	vmul.f32 v56, v42;
	v11 =	vmul.f32 v11, v46;
	v62 =	vadd.s32 $0x9300, v47;
	v61 =	vld [tilespmem:$0x1FFC0]  }
0x1ad: {  	v9 =	vld.idx.msk [tilespmem:v9+s2+$0x0], $0xffff  }
0x1ae: {  	v11 =	vadd.f32 v56, v11;
	v56 =	vadd.s32 $0x9300, v44;
	v8 =	vmul.f32 v8, v41;
	v10 =	vld.idx.msk [tilespmem:v10+s2+$0x0], $0xffff  }
0x1af: {  	v5 =	vld.idx.msk [tilespmem:v6+s2+$0x0], $0xffff;
	v6 =	vadd.s32 $0x9F40, v48  }
0x1b0: {  	v3 =	vld.idx.msk [tilespmem:v3+s2+$0x0], $0xffff;
	v8 =	vadd.f32 v8, v11;
	v11 =	vadd.s32 $0x9F40, v47  }
0x1b1: {  	v49 =	vadd.s32 $0x7A80, v28;
	v37 =	vadd.f32 v37, v61;
	v61 =	vld.idx.msk [tilespmem:v62+s2+$0x0], $0xffff  }
0x1b2: {  	v63 =	vadd.s32 $0x86C0, v29;
	v7 =	vmul.f32 v7, v42;
	v9 =	vmul.f32 v9, v46  }
0x1b3: {  	v56 =	vld.idx.msk [tilespmem:v56+s2+$0x0], $0xffff;
	v10 =	vmul.f32 v10, v40  }
0x1b4: {  	v7 =	vadd.f32 v7, v9;
	v5 =	vmul.f32 v5, v41;
	v6 =	vld.idx.msk [tilespmem:v6+s2+$0x0], $0xffff;
	v62 =	vadd.s32 $0x9300, v45  }
0x1b5: {  	v3 =	vmul.f32 v3, v40;
	v1 =	vadd.f32 v10, v0;
	v10 =	vld.idx.msk [tilespmem:v11+s2+$0x0], $0xffff  }
0x1b6: {  	v12 =	vld.idx.msk [tilespmem:v49+s2+$0x0], $0xffff;
	v5 =	vadd.f32 v5, v7;
	v4 =	vmul.f32 v4, v46;
	v61 =	vmul.f32 v61, v42  }
0x1b7: {  	v49 =	vld.idx.msk [tilespmem:v63+s2+$0x0], $0xffff;
	v0 =	vadd.s32 $0xAB80, v48;
	(erf) = vrcp.f32 v37;
	v37 =	vadd.s32 $0x9F40, v44  }
0x1b8: {  	v63 =	vld [tilespmem:$0x1FFA0];
	v56 =	vmul.f32 v56, v41;
	v7 =	vand.u32 $0xFF80, v0;
	v61 =	vadd.f32 v61, v4  }
0x1b9: {  	v3 =	vadd.f32 v3, v5;
	v7 =	vor.u32 v52, v7;
	v5 =	vmul.f32 v6, v46;
	v11 =	vld.idx.msk [tilespmem:v62+s2+$0x0], $0xffff  }
0x1ba: {  	v6 =	vmul.f32 v10, v42;
	v4 =	vadd.s32 $0xAB80, v47;
	v56 =	vadd.f32 v56, v61;
	v61 =	vld [tilespmem:$0x1FFB0]  }
0x1bb: {  	v47 =	vadd.s32 $0xB7C0, v47  }
0x1bc: {  	v37 =	vld.idx.msk [tilespmem:v37+s2+$0x0], $0xffff;
	v5 =	vadd.f32 v6, v5;
	v6 =	vadd.s32 $0xB7C0, v48  }
0x1bd: {  	v51 =	vadd.s32 $0x86C0, v30;
	v2 =	vmul.f32 v2, v40;
	v62 =	vadd.s32 $0x9F40, v45  }
0x1be: {  	v38 =	vadd.f32 v38, v63;
	v63 =	vadd.s32 $0xB7C0, v44;
	v9 =	vadd.s32 $0x86C0, v27;
	v7 =	vld.idx.msk [tilespmem:v7+s2+$0x0], $0xffff  }
0x1bf: {  	v2 =	vadd.f32 v2, v8;
	v11 =	vmul.f32 v11, v40;
	v4 =	vld.idx.msk [tilespmem:v4+s2+$0x0], $0xffff;
	v39 =	vadd.f32 v39, v61  }
0x1c0: {  	v8 =	vadd.s32 $0x86C0, v28;
	v52 =	vadd.s32 $0x9300, v29;
	v10 =	vadd.s32 $0x9300, v27;
	v48 =	vpop (erf);
	v47 =	vld.idx.msk [tilespmem:v47+s2+$0x0], $0xffff  }
0x1c1: {  	v37 =	vmul.f32 v37, v41;
	v11 =	vadd.f32 v11, v56;
	v6 =	vld.idx.msk [tilespmem:v6+s2+$0x0], $0xffff;
	v39 =	vmul.f32 v48, v39  }
0x1c2: {  	v56 =	vadd.s32 $0x9300, v28;
	v38 =	vmul.f32 v48, v38;
	v61 =	vld.idx.msk [tilespmem:v62+s2+$0x0], $0xffff;
	v62 =	vadd.s32 $0xAB80, v44  }
0x1c3: {  	v5 =	vadd.f32 v37, v5;
	v37 =	vadd.s32 $0xAB80, v45;
	v39 =	vmul.f32 $2.500000000e-01, v39  }
0x1c4: {  	v63 =	vld.idx.msk [tilespmem:v63+s2+$0x0], $0xffff;
	v7 =	vmul.f32 v7, v46;
	v45 =	vadd.s32 $0xB7C0, v45;
	v38 =	vmul.f32 $2.500000000e-01, v38  }
0x1c5: {  	v51 =	vld.idx.msk [tilespmem:v51+s2+$0x0], $0xffff;
	v48 =	vadd.s32 $0x9F40, v30;
	v4 =	vmul.f32 v4, v42;
	v39 =	vmax.f32 v39, $0.0e+00  }
0x1c6: {  	v9 =	vld.idx.msk [tilespmem:v9+s2+$0x0], $0xffff;
	v47 =	vmul.f32 v47, v42;
	v6 =	vmul.f32 v6, v46;
	v44 =	vmin.f32 v39, $5.500000000e+01  }
0x1c7: {  	v38 =	vmax.f32 v38, $0.0e+00;
	v0 =	vmul.f32 v61, v40;
	v61 =	vld.idx.msk [tilespmem:v62+s2+$0x0], $0xffff;
	v39 =	vtrunc.f32 v44  }
0x1c8: {  	v37 =	vld.idx.msk [tilespmem:v37+s2+$0x0], $0xffff;
	v4 =	vadd.f32 v4, v7;
	v7 =	vadd.s32 $0x9F40, v29;
	v62 =	vcvt.f32.s32 v39  }
0x1c9: {  	v6 =	vadd.f32 v47, v6;
	v47 =	vmul.f32 v63, v41;
	v39 =	vmin.f32 v38, $5.500000000e+01;
	v38 =	vld.idx.msk [tilespmem:v45+s2+$0x0], $0xffff;
	[tilespmem:s25+$0xFFFFE090] =	vst v50  }
0x1ca: {  	v8 =	vld.idx.msk [tilespmem:v8+s2+$0x0], $0xffff;
	v5 =	vadd.f32 v0, v5;
	[tilespmem:s25+$0xFFFFE490] =	vst v54;
	v0 =	vtrunc.f32 v39;
	vm14 =	vgt.s32 v62, $0x0  }
0x1cb: {  	v46 =	vld.idx.msk [tilespmem:v43+s2+$0x0], $0xffff;
	v50 =	vadd.s32 $0x9F40, v27;
	[tilespmem:s25+$0xFFFFE890] =	vst v53;
	v43 =	vcvt.f32.s32 v0;
	v0 =	vnsel vm14, $0x0, v62  }
0x1cc: {  	v54 =	vadd.s32 $0xAB80, v29;
	v53 =	vld.idx.msk [tilespmem:v56+s2+$0x0], $0xffff;
	[tilespmem:s25+$0xFFFFEC90] =	vst v58;
	v56 =	vadd.s32 $0xAB80, v27;
	v45 =	vmin.u32 v0, $0x37  }
0x1cd: {  	v52 =	vld.idx.msk [tilespmem:v52+s2+$0x0], $0xffff;
	v58 =	vadd.s32 $0xAB80, v28;
	[tilespmem:s25+$0xFFFFF090] =	vst v57;
	vm15 =	vgt.s32 v43, $0x0;
	v42 =	vcvt.s32.f32 v45  }
0x1ce: {  	v10 =	vld.idx.msk [tilespmem:v10+s2+$0x0], $0xffff;
	v57 =	vadd.s32 $0xB7C0, v30;
	[tilespmem:s25+$0xFFFFF490] =	vst v13;
	v13 =	vadd.s32 $0xB7C0, v29;
	v43 =	vnsel vm15, $0x0, v43  }
0x1cf: {  	v48 =	vld.idx.msk [tilespmem:v48+s2+$0x0], $0xffff;
	[tilespmem:s25+$0xFFFFF890] =	vst v55;
	v29 =	vmul.f32 v61, v41;
	v0 =	vmin.u32 v43, $0x37;
	v30 =	vadd.f32 $1.000000000e+00, v42  }
0x1d0: {  	v27 =	vadd.s32 $0xB7C0, v27;
	v55 =	vadd.s32 $0xB7C0, v28;
	[tilespmem:s25+$0xFFFFFC90] =	vst v60;
	v60 =	vld.idx.msk [tilespmem:v35+s2+$0x0], $0xffff;
	v43 =	vcvt.s32.f32 v0  }
0x1d1: {  	[tilespmem:s25+$0x90] =	vst v59;
	v7 =	vld.idx.msk [tilespmem:v7+s2+$0x0], $0xffff;
	v62 =	vadd.s32 $0x9F40, v28;
	v4 =	vadd.f32 v29, v4;
	v61 =	vmin.f32 v30, $5.500000000e+01  }
0x1d2: {  	[tilespmem:s25+$0x490] =	vst v2;
	v50 =	vld.idx.msk [tilespmem:v50+s2+$0x0], $0xffff;
	v63 =	vmul.u32 $0x38, v45;
	v28 =	vadd.f32 $1.000000000e+00, v43;
	v29 =	vtrunc.f32 v61  }
0x1d3: {  	v6 =	vadd.f32 v47, v6;
	[tilespmem:s25+$0x890] =	vst v1;
	v59 =	vmul.f32 v37, v40;
	v41 =	vld.idx.msk [tilespmem:v54+s2+$0x0], $0xffff;
	v29 =	vcvt.f32.s32 v29  }
0x1d4: {  	[tilespmem:s25+$0xC90] =	vst v3;
	v37 =	vld.idx.msk [tilespmem:v56+s2+$0x0], $0xffff;
	v38 =	vmul.f32 v38, v40;
	v30 =	vadd.s32 v0, v63;
	v2 =	vmin.f32 v28, $5.500000000e+01  }
0x1d5: {  	[tilespmem:s25+$0x1090] =	vst v11;
	v47 =	vld.idx.msk [tilespmem:v58+s2+$0x0], $0xffff;
	v4 =	vadd.f32 v59, v4;
	v54 =	vtrunc.f32 v2;
	v56 =	vmul.u32 $0x38, v29  }
0x1d6: {  	[tilespmem:s25+$0x1490] =	vst v5;
	v3 =	vld.idx.msk [tilespmem:v57+s2+$0x0], $0xffff;
	v6 =	vadd.f32 v38, v6;
	v1 =	vcvt.f32.s32 v54  }
0x1d7: {  	v51 =	vmul.f32 v51, v24;
	v11 =	vld.idx.msk [tilespmem:v27+s2+$0x0], $0xffff;
	[tilespmem:s25+$0x1890] =	vst v4;
	v29 =	vadd.s32 v0, v56  }
0x1d8: {  	v9 =	vmul.f32 v9, v22;
	v62 =	vld.idx.msk [tilespmem:v62+s2+$0x0], $0xffff;
	[tilespmem:s25+$0x1C90] =	vst v6;
	v28 =	vadd.s32 v1, v63  }
0x1d9: {  	v8 =	vmul.f32 v8, v18;
	v10 =	vmul.f32 v10, v22;
	v6 =	vld.idx.msk [tilespmem:v30+s2+$0x0], $0xffff;
	v27 =	vadd.s32 v1, v56  }
0x1da: {  	v35 =	vadd.f32 v32, v31;
	v32 =	vadd.f32 v34, v33;
	v0 =	vld.idx.msk [tilespmem:v13+s2+$0x0], $0xffff;
	v63 =	vadd.s32 $0xC40, v30  }
0x1db: {  	v46 =	vmul.f32 v46, v24;
	v48 =	vmul.f32 v48, v24;
	v1 =	vld.idx.msk [tilespmem:v55+s2+$0x0], $0xffff;
	[tilespmem:s25+$0xFFFFF420] =	vst v21;
	v21 =	vadd.s32 $0x9F40, v30  }
0x1dc: {  	v59 =	vmul.f32 v12, v18;
	v13 =	vmul.f32 v49, v23;
	v12 =	vadd.s32 $0xC40, v29;
	v33 =	vld.idx.msk [tilespmem:v29+s2+$0x0], $0xffff  }
0x1dd: {  	v58 =	vmul.f32 v52, v23;
	v60 =	vmul.f32 v60, v24;
	v54 =	vadd.s32 $0xC40, v28;
	v45 =	vld.idx.msk [tilespmem:v28+s2+$0x0], $0xffff  }
0x1de: {  	v7 =	vmul.f32 v7, v23;
	v56 =	vadd.s32 $0xC40, v27;
	v5 =	vadd.f32 v13, v51;
	v13 =	vld.idx.msk [tilespmem:v27+s2+$0x0], $0xffff  }
0x1df: {  	v31 =	vadd.f32 v59, v36;
	v41 =	vmul.f32 v41, v23;
	v59 =	vadd.s32 $0x1880, v29;
	v4 =	vld.idx.msk [tilespmem:v63+s2+$0x0], $0xffff  }
0x1e0: {  	v46 =	vadd.f32 v58, v46;
	v42 =	vsub.f32 v44, v42;
	v36 =	vadd.s32 $0x1880, v27;
	v21 =	vld.idx.msk [tilespmem:v21+s2+$0x0], $0xffff  }
0x1e1: {  	v41 =	vadd.f32 v41, v60;
	v60 =	vadd.s32 $0x3100, v28;
	v5 =	vadd.f32 v9, v5;
	v9 =	vld.idx.msk [tilespmem:v12+s2+$0x0], $0xffff  }
0x1e2: {  	v7 =	vadd.f32 v7, v48;
	v55 =	vadd.s32 $0x1880, v30;
	[tilespmem:s25+$0xFFFFE820] =	vst v17;
	v17 =	vadd.s32 $0x9300, v27;
	v49 =	vld.idx.msk [tilespmem:v54+s2+$0x0], $0xffff  }
0x1e3: {  	v34 =	vand.u32 $0x7F, v30;
	[tilespmem:s25+$0xFFFFFC20] =	vst v25;
	v57 =	vand.u32 $0x3F80, v55;
	v25 =	vadd.s32 $0x9F40, v28;
	v52 =	vld.idx.msk [tilespmem:v56+s2+$0x0], $0xffff  }
0x1e4: {  	v10 =	vadd.f32 v10, v46;
	v46 =	vmul.f32 v53, v18;
	v40 =	vor.u32 v34, v57;
	v48 =	vld.idx.msk [tilespmem:v59+s2+$0x0], $0xffff  }
0x1e5: {  	v50 =	vmul.f32 v50, v22;
	v2 =	vsub.f32 v2, v39;
	v51 =	vadd.s32 $0x24C0, v28;
	v57 =	vld.idx.msk [tilespmem:v36+s2+$0x0], $0xffff  }
0x1e6: {  	v3 =	vmul.f32 v3, v24;
	v11 =	vmul.f32 v11, v22;
	v63 =	vadd.s32 $0x24C0, v30;
	v56 =	vld.idx.msk [tilespmem:v60+s2+$0x0], $0xffff  }
0x1e7: {  	v7 =	vadd.f32 v50, v7;
	v24 =	vmul.f32 v2, v42;
	v55 =	vadd.s32 $0x24C0, v27;
	v17 =	vld.idx.msk [tilespmem:v17+s2+$0x0], $0xffff  }
0x1e8: {  	v58 =	vadd.s32 $0x3D40, v27;
	v12 =	vadd.s32 $0x1880, v28;
	v59 =	vadd.s32 $0x3100, v30;
	v25 =	vld.idx.msk [tilespmem:v25+s2+$0x0], $0xffff  }
0x1e9: {  	v38 =	vadd.f32 v8, v5;
	v8 =	vadd.s32 $0x3100, v27;
	v60 =	vsub.f32 v61, v44;
	v53 =	vld.idx.msk [tilespmem:v40+s2+$0x0], $0xffff  }
0x1ea: {  	v61 =	vsub.f32 v39, v43;
	v39 =	vadd.s32 $0x4980, v27;
	v54 =	vand.u32 $0x7F80, v59;
	v5 =	vld.idx.msk [tilespmem:v51+s2+$0x0], $0xffff  }
0x1eb: {  	v0 =	vmul.f32 v0, v23;
	v36 =	vmul.f32 v62, v18;
	v54 =	vor.u32 v34, v54;
	v50 =	vld.idx.msk [tilespmem:v63+s2+$0x0], $0xffff  }
0x1ec: {  	v62 =	vadd.s32 $0x3100, v29;
	v63 =	vmul.f32 v37, v22;
	v37 =	vadd.f32 v46, v10;
	v10 =	vld.idx.msk [tilespmem:v55+s2+$0x0], $0xffff  }
0x1ed: {  	[tilespmem:s25+$0x20] =	vst v35;
	v35 =	vadd.s32 $0x9F40, v27;
	v40 =	vadd.s32 $0x24C0, v29;
	v0 =	vadd.f32 v0, v3;
	v12 =	vld.idx.msk [tilespmem:v12+s2+$0x0], $0xffff  }
0x1ee: {  	v1 =	vmul.f32 v1, v18;
	v51 =	vadd.s32 $0x3D40, v29;
	v36 =	vadd.f32 v36, v7;
	v8 =	vld.idx.msk [tilespmem:v8+s2+$0x0], $0xffff  }
0x1ef: {  	v0 =	vadd.f32 v11, v0;
	v46 =	vmul.f32 v47, v18;
	v55 =	vadd.s32 $0x3D40, v28;
	v11 =	vld.idx.msk [tilespmem:v39+s2+$0x0], $0xffff  }
0x1f0: {  	v22 =	vmul.f32 v42, v61;
	v39 =	vadd.s32 $0x6200, v29;
	v7 =	vadd.f32 v63, v41;
	v47 =	vld.idx.msk [tilespmem:v54+s2+$0x0], $0xffff  }
0x1f1: {  	v9 =	vmul.f32 v9, v24;
	v41 =	vadd.s32 $0x3D40, v30;
	v54 =	vld.idx.msk [tilespmem:v62+s2+$0x0], $0xffff;
	v62 =	vadd.s32 $0x4980, v30  }
0x1f2: {  	v59 =	vld.idx.msk [tilespmem:v40+s2+$0x0], $0xffff;
	v63 =	vadd.s32 $0x4980, v28;
	v23 =	vand.u32 $0x7F80, v62;
	v40 =	vadd.f32 v46, v7  }
0x1f3: {  	v7 =	vadd.s32 $0x4980, v29;
	v44 =	vor.u32 v34, v23;
	v23 =	vmul.f32 v60, v2;
	v2 =	vld.idx.msk [tilespmem:v51+s2+$0x0], $0xffff  }
0x1f4: {  	v48 =	vmul.f32 v48, v24;
	v0 =	vadd.f32 v1, v0;
	v46 =	vadd.s32 $0x55C0, v28;
	v43 =	vld.idx.msk [tilespmem:v55+s2+$0x0], $0xffff  }
0x1f5: {  	v62 =	vmul.f32 v33, v24;
	v33 =	vmul.f32 v60, v61;
	v61 =	vadd.s32 $0x6E40, v30;
	v51 =	vld.idx.msk [tilespmem:v58+s2+$0x0], $0xffff  }
0x1f6: {  	v13 =	vmul.f32 v13, v22;
	v55 =	vadd.s32 $0x55C0, v30;
	v10 =	vmul.f32 v10, v22;
	v3 =	vld.idx.msk [tilespmem:v41+s2+$0x0], $0xffff  }
0x1f7: {  	v58 =	vadd.s32 $0x6200, v30;
	v45 =	vmul.f32 v45, v33;
	v12 =	vmul.f32 v12, v33;
	v60 =	vld.idx.msk [tilespmem:v63+s2+$0x0], $0xffff  }
0x1f8: {  	v58 =	vand.u32 $0xFF80, v58;
	v5 =	vmul.f32 v5, v33;
	v6 =	vmul.f32 v6, v23;
	v7 =	vld.idx.msk [tilespmem:v7+s2+$0x0], $0xffff  }
0x1f9: {  	[tilespmem:s25+$0xFFFFE420] =	vst v19;
	v19 =	vmul.f32 v56, v33;
	v56 =	vadd.s32 $0x86C0, v27;
	v4 =	vmul.f32 v4, v23;
	v46 =	vld.idx.msk [tilespmem:v46+s2+$0x0], $0xffff  }
0x1fa: {  	v63 =	vadd.s32 $0x55C0, v27;
	v18 =	vor.u32 v34, v58;
	v6 =	vadd.f32 v62, v6;
	v1 =	vld.idx.msk [tilespmem:v61+s2+$0x0], $0xffff  }
0x1fb: {  	v53 =	vmul.f32 v53, v23;
	v4 =	vadd.f32 v9, v4;
	v9 =	vmul.f32 v49, v33;
	v42 =	vld.idx.msk [tilespmem:v44+s2+$0x0], $0xffff  }
0x1fc: {  	v8 =	vmul.f32 v8, v22;
	v58 =	vadd.s32 $0x6200, v27;
	v6 =	vadd.f32 v45, v6;
	v45 =	vld.idx.msk [tilespmem:v55+s2+$0x0], $0xffff  }
0x1fd: {  	v41 =	vadd.f32 v48, v53;
	v53 =	vadd.s32 $0x6E40, v29;
	v4 =	vadd.f32 v9, v4;
	v9 =	vld.idx.msk [tilespmem:v39+s2+$0x0], $0xffff  }
0x1fe: {  	[tilespmem:s25+$0xFFFFF020] =	vst v20;
	v11 =	vmul.f32 v11, v22;
	v47 =	vmul.f32 v47, v23;
	v62 =	vadd.s32 $0x6E40, v28;
	v20 =	vld.idx.msk [tilespmem:v56+s2+$0x0], $0xffff  }
0x1ff: {  	v54 =	vmul.f32 v54, v24;
	v61 =	vadd.s32 $0x86C0, v30;
	v39 =	vadd.s32 $0x7A80, v30;
	v49 =	vld.idx.msk [tilespmem:v63+s2+$0x0], $0xffff  }
0x200: {  	v44 =	vadd.s32 $0x55C0, v29;
	v48 =	vld.idx.msk [tilespmem:v18+s2+$0x0], $0xffff;
	v18 =	vand.u32 $0xFF80, v39;
	v39 =	vmul.f32 v52, v22  }
0x201: {  	v55 =	vadd.s32 $0x6200, v28;
	v12 =	vadd.f32 v12, v41;
	v52 =	vmul.f32 v57, v22;
	v57 =	vld.idx.msk [tilespmem:v58+s2+$0x0], $0xffff  }
0x202: {  	v47 =	vadd.f32 v54, v47;
	v63 =	vadd.s32 $0x6E40, v27;
	v39 =	vadd.f32 v39, v4;
	v4 =	vld.idx.msk [tilespmem:v53+s2+$0x0], $0xffff  }
0x203: {  	v54 =	vadd.s32 $0x86C0, v28;
	v58 =	vor.u32 v34, v18;
	v18 =	vadd.f32 v52, v12;
	v52 =	vld.idx.msk [tilespmem:v62+s2+$0x0], $0xffff  }
0x204: {  	v41 =	vadd.f32 v13, v6;
	v13 =	vmul.f32 v50, v23;
	v50 =	vmul.f32 v59, v24;
	v62 =	vld [tilespmem:$0x1FF20]  }
0x205: {  	v2 =	vmul.f32 v2, v24;
	v3 =	vmul.f32 v3, v23;
	v6 =	vadd.s32 $0x7A80, v29;
	v44 =	vld.idx.msk [tilespmem:v44+s2+$0x0], $0xffff  }
0x206: {  	v12 =	vadd.s32 $0x7A80, v28;
	v53 =	vadd.s32 $0x7A80, v27;
	v13 =	vadd.f32 v50, v13;
	v55 =	vld.idx.msk [tilespmem:v55+s2+$0x0], $0xffff  }
0x207: {  	v2 =	vadd.f32 v2, v3;
	v7 =	vmul.f32 v7, v24;
	v9 =	vmul.f32 v9, v24;
	v59 =	vld.idx.msk [tilespmem:v63+s2+$0x0], $0xffff  }
0x208: {  	[tilespmem:s25+$0x1820] =	vst v40;
	v5 =	vadd.f32 v5, v13;
	v63 =	vadd.f32 v19, v47;
	v19 =	vld.idx.msk [tilespmem:v61+s2+$0x0], $0xffff;
	v61 =	vadd.s32 $0x9300, v29  }
0x209: {  	v40 =	vmul.f32 v48, v23;
	v50 =	vld.idx.msk [tilespmem:v58+s2+$0x0], $0xffff;
	v58 =	vadd.s32 $0x86C0, v29;
	[tilespmem:s25+$0xFFFFE020] =	vst v62;
	v62 =	vadd.s32 $0x9300, v30  }
0x20a: {  	v6 =	vld.idx.msk [tilespmem:v6+s2+$0x0], $0xffff;
	v5 =	vadd.f32 v10, v5;
	v8 =	vadd.f32 v8, v63;
	v62 =	vand.u32 $0xBF80, v62  }
0x20b: {  	v13 =	vld.idx.msk [tilespmem:v53+s2+$0x0], $0xffff;
	v63 =	vmul.f32 v42, v23;
	v9 =	vadd.f32 v9, v40;
	v53 =	vor.u32 v34, v62  }
0x20c: {  	v12 =	vld.idx.msk [tilespmem:v12+s2+$0x0], $0xffff;
	v44 =	vmul.f32 v44, v24;
	v62 =	vmul.f32 v43, v33;
	v43 =	vadd.s32 $0x9F40, v29  }
0x20d: {  	v7 =	vadd.f32 v7, v63;
	v63 =	vmul.f32 v45, v23;
	v3 =	vld.idx.msk [tilespmem:v61+s2+$0x0], $0xffff;
	v61 =	vadd.s32 $0xAB80, v30  }
0x20e: {  	[tilespmem:s25+$0xFFFFEC20] =	vst v16;
	v10 =	vld.idx.msk [tilespmem:v54+s2+$0x0], $0xffff;
	v30 =	vadd.s32 $0xB7C0, v30;
	v2 =	vadd.f32 v62, v2;
	v62 =	vmul.f32 v60, v33  }
0x20f: {  	[tilespmem:s25+$0xC20] =	vst v38;
	v19 =	vmul.f32 v19, v23;
	v38 =	vmul.f32 v59, v22;
	v16 =	vld.idx.msk [tilespmem:v58+s2+$0x0], $0xffff;
	v58 =	vadd.s32 $0x9300, v28  }
0x210: {  	[tilespmem:s25+$0x420] =	vst v32;
	v47 =	vand.u32 $0xFF80, v61;
	v60 =	vadd.s32 $0xAB80, v28;
	v7 =	vadd.f32 v62, v7;
	v42 =	vld.idx.msk [tilespmem:v53+s2+$0x0], $0xffff  }
0x211: {  	[tilespmem:s25+$0x820] =	vst v31;
	v32 =	vadd.f32 v44, v63;
	v61 =	vmul.f32 v46, v33;
	v28 =	vadd.s32 $0xB7C0, v28;
	v31 =	vld.idx.msk [tilespmem:v43+s2+$0x0], $0xffff  }
0x212: {  	v63 =	vmul.f32 v49, v22;
	v34 =	vor.u32 v34, v47;
	v7 =	vadd.f32 v11, v7;
	v11 =	vld.idx.msk [tilespmem:v35+s2+$0x0], $0xffff  }
0x213: {  	v46 =	vmul.f32 v1, v23;
	v47 =	vmul.f32 v51, v22;
	v62 =	vadd.s32 $0xAB80, v27;
	v30 =	vld.idx.msk [tilespmem:v30+s2+$0x0], $0xffff  }
0x214: {  	[tilespmem:s25+$0xFFFFF820] =	vst v26;
	v49 =	vmul.f32 v55, v33;
	v6 =	vmul.f32 v6, v24;
	v27 =	vadd.s32 $0xB7C0, v27;
	v26 =	vld.idx.msk [tilespmem:v58+s2+$0x0], $0xffff  }
0x215: {  	v2 =	vadd.f32 v47, v2;
	v47 =	vmul.f32 v4, v24;
	v58 =	vadd.s32 $0xAB80, v29;
	v4 =	vld.idx.msk [tilespmem:v60+s2+$0x0], $0xffff  }
0x216: {  	[tilespmem:s25+$0x1420] =	vst v36;
	v44 =	vmul.f32 v17, v22;
	v32 =	vadd.f32 v61, v32;
	v29 =	vadd.s32 $0xB7C0, v29;
	v28 =	vld.idx.msk [tilespmem:v28+s2+$0x0], $0xffff  }
0x217: {  	[tilespmem:s25+$0x1020] =	vst v37;
	v12 =	vmul.f32 v12, v33;
	v61 =	vmul.f32 v57, v22;
	v34 =	vld.idx.msk [tilespmem:v34+s2+$0x0], $0xffff  }
0x218: {  	v9 =	vadd.f32 v49, v9;
	v32 =	vadd.f32 v63, v32;
	v63 =	vmul.f32 v50, v23;
	v60 =	vld.idx.msk [tilespmem:v62+s2+$0x0], $0xffff  }
0x219: {  	[tilespmem:s25+$0x1C20] =	vst v0;
	v10 =	vmul.f32 v10, v33;
	v43 =	vmul.f32 v21, v23;
	v27 =	vld.idx.msk [tilespmem:v27+s2+$0x0], $0xffff  }
0x21a: {  	v1 =	vadd.f32 v61, v9;
	v16 =	vmul.f32 v16, v24;
	v6 =	vadd.f32 v6, v63;
	v37 =	vld.idx.msk [tilespmem:v58+s2+$0x0], $0xffff  }
0x21b: {  	v0 =	vadd.f32 v47, v46;
	v62 =	vmul.f32 v52, v33;
	v29 =	vld.idx.msk [tilespmem:v29+s2+$0x0], $0xffff;
	[tilespmem:s25+$0xFFFFE0A0] =	vst v41  }
0x21c: {  	v3 =	vmul.f32 v3, v24;
	v40 =	vadd.f32 v16, v19;
	v6 =	vadd.f32 v12, v6;
	[tilespmem:s25+$0xFFFFE4A0] =	vst v39  }
0x21d: {  	v12 =	vmul.f32 v13, v22;
	v13 =	vmul.f32 v42, v23;
	v0 =	vadd.f32 v62, v0;
	[tilespmem:s25+$0xFFFFE8A0] =	vst v18  }
0x21e: {  	v9 =	vadd.f32 v10, v40;
	v47 =	vmul.f32 v30, v23;
	v50 =	vmul.f32 v11, v22;
	[tilespmem:s25+$0xFFFFECA0] =	vst v5  }
0x21f: {  	v41 =	vmul.f32 v20, v22;
	v6 =	vadd.f32 v12, v6;
	v12 =	vmul.f32 v31, v24;
	[tilespmem:s25+$0xFFFFF0A0] =	vst v8  }
0x220: {  	v42 =	vmul.f32 v26, v33;
	v3 =	vadd.f32 v3, v13;
	v13 =	vmul.f32 v25, v33;
	[tilespmem:s25+$0xFFFFF4A0] =	vst v2  }
0x221: {  	[tilespmem:s25+$0xFFFFF8A0] =	vst v7;
	v46 =	vmul.f32 v34, v23;
	v45 =	vadd.f32 v12, v43;
	v12 =	vmul.f32 v37, v24  }
0x222: {  	v56 =	vld [tilespmem:$0x1FFE0];
	[tilespmem:s25+$0xFFFFFCA0] =	vst v32;
	v0 =	vadd.f32 v38, v0;
	v9 =	vadd.f32 v41, v9;
	v49 =	vmul.f32 v29, v24  }
0x223: {  	v55 =	vld [tilespmem:$0x1FFD0];
	v4 =	vmul.f32 v4, v33;
	[tilespmem:s25+$0xA0] =	vst v1;
	v3 =	vadd.f32 v42, v3;
	v10 =	vadd.f32 v12, v46  }
0x224: {  	s24 =	sadd.s32 $0x2, s24;
	v57 =	vld [tilespmem:$0x1FFF0];
	v52 =	vmul.f32 v28, v33;
	[tilespmem:s25+$0x8A0] =	vst v6;
	v2 =	vadd.f32 v13, v45;
	v5 =	vadd.f32 v49, v47  }
0x225: {  	p1 =	slt.u32 s24, $0x6;
	v63 =	vld [tilespmem:$0x1FF30];
	v59 =	vmul.f32 v60, v22;
	[tilespmem:s25+$0x4A0] =	vst v0;
	v53 =	vadd.f32 v44, v3;
	v58 =	vadd.f32 v4, v10  }
.Ltmp0:
0x226: {  	v61 =	vmul.f32 v27, v22;
	[tilespmem:s25+$0xCA0] =	vst v9;
	v1 =	vadd.f32 v50, v2;
	v60 =	vadd.f32 v52, v5;
	(pc) =	sbr.rel @p1 .LBB2_4-.Ltmp0, $4  }
0x227: {  	[tilespmem:s25+$0x10A0] =	vst v53;
	v3 =	vadd.f32 v59, v58  }
0x228: {  	v48 =	vld [tilespmem:$0x1FFC0];
	[tilespmem:s25+$0x14A0] =	vst v1;
	v62 =	vadd.f32 v61, v60  }
0x229: {  	v54 =	vld [tilespmem:$0x1FFA0];
	v13 =	vadd.f32 v15, v56;
	[tilespmem:s25+$0x18A0] =	vst v3  }
0x22a: {  	v51 =	vld [tilespmem:$0x1FFB0];
	v12 =	vadd.f32 v14, v55;
	v14 =	vadd.f32 v63, v57;
	[tilespmem:s25+$0x1CA0] =	vst v62;
	s25 =	sadd.s32 $0x100, s25  }
0x22b: {  	s24 =	sshll.u32 s23, $0xB  }
0x22c: {  	s25 =	sadd.s32 s20, s24  }
0x22d: {  	s25 =	sshrl.u32 s25, $0x3  }
0x22e: {  	s25 =	sadd.s32 s1, s25  }
0x22f: {  	[hbm4b:s25+s12] =	stream.strided.scatter [tilespmem:s14], [sflag:$0x1], $0x4000, s13, s12, $0x38;
	[tilespmem:$0x14C00] =	vst v63  }
0x230: {  	s25 =	simm.s32 @!p0 $0x2  }
0x231: {  	_ =	swait.ge @!p0 [sflag:s25], $0x4000  }
0x232: {  	[sflag:s25] =	ssyncset.done @!p0 $0x0  }
0x233: {  	s26 =	simm.s32 $0x12C00;
	[sflag:s25] =	ssyncadd.s32 @!p0 $0xFFFFC000;
	s25 =	simm.s32 $0xFFFFFFFE  }
.LBB2_6:
0x234: {  	_ = 	snop  }
0x235: {  	(erf) = vrcp.f32 v14;
	_ =	sdelay $0x8  }
0x236: {  	v0 =	vpop (erf)  }
0x237: {  	v1 =	vmul.f32 v0, v13  }
0x238: {  	v0 =	vmul.f32 v0, v12  }
0x239: {  	v1 =	vmul.f32 $2.500000000e-01, v1  }
0x23a: {  	v0 =	vmul.f32 $2.500000000e-01, v0  }
0x23b: {  	v1 =	vmax.f32 v1, $0.0e+00  }
0x23c: {  	v0 =	vmax.f32 v0, $0.0e+00;
	v1 =	vmin.f32 v1, $5.500000000e+01  }
0x23d: {  	v0 =	vmin.f32 v0, $5.500000000e+01;
	v2 =	vtrunc.f32 v1  }
0x23e: {  	v3 =	vtrunc.f32 v0;
	v2 =	vcvt.f32.s32 v2  }
0x23f: {  	v3 =	vcvt.f32.s32 v3  }
0x240: {  	vm0 =	vgt.s32 v2, $0x0  }
0x241: {  	vm5 =	vgt.s32 v3, $0x0;
	v2 =	vnsel vm0, $0x0, v2  }
0x242: {  	v3 =	vnsel vm5, $0x0, v3;
	v2 =	vmin.u32 v2, $0x37  }
0x243: {  	v3 =	vmin.u32 v3, $0x37;
	v4 =	vcvt.s32.f32 v2  }
0x244: {  	v6 =	vcvt.s32.f32 v3  }
0x245: {  	v5 =	vadd.f32 $1.000000000e+00, v4  }
0x246: {  	v7 =	vadd.f32 $1.000000000e+00, v6  }
0x247: {  	v5 =	vmin.f32 v5, $5.500000000e+01  }
0x248: {  	v2 =	vmul.u32 $0x38, v2;
	v7 =	vmin.f32 v7, $5.500000000e+01;
	v8 =	vtrunc.f32 v5  }
0x249: {  	v9 =	vtrunc.f32 v7;
	v8 =	vcvt.f32.s32 v8  }
0x24a: {  	v24 =	vadd.s32 v3, v2;
	v9 =	vcvt.f32.s32 v9  }
0x24b: {  	v30 =	vadd.s32 $0xC40, v24;
	v8 =	vmul.u32 $0x38, v8  }
0x24c: {  	v23 =	vadd.s32 v9, v2  }
0x24d: {  	v17 =	vadd.s32 v3, v8  }
0x24e: {  	v22 =	vadd.s32 v9, v8  }
0x24f: {  	v31 =	vld.idx.msk [tilespmem:v24+s2+$0x0], $0xffff;
	v32 =	vadd.s32 $0xC40, v17  }
0x250: {  	v11 =	vadd.s32 $0x1880, v24;
	v2 =	vld.idx.msk [tilespmem:v30+s2+$0x0], $0xffff;
	v10 =	vadd.s32 $0xC40, v23  }
0x251: {  	v15 =	vand.u32 $0x7F, v24;
	v11 =	vand.u32 $0x3F80, v11;
	v18 =	vadd.s32 $0xC40, v22;
	v16 =	vld.idx.msk [tilespmem:v23+s2+$0x0], $0xffff  }
0x252: {  	v11 =	vor.u32 v15, v11;
	v33 =	vld.idx.msk [tilespmem:v17+s2+$0x0], $0xffff  }
0x253: {  	v25 =	vadd.s32 $0x1880, v17;
	v34 =	vld.idx.msk [tilespmem:v22+s2+$0x0], $0xffff  }
0x254: {  	v27 =	vadd.s32 $0x24C0, v24;
	v36 =	vadd.s32 $0x1880, v23;
	v35 =	vld.idx.msk [tilespmem:v32+s2+$0x0], $0xffff  }
0x255: {  	v43 =	vadd.s32 $0x3100, v24;
	v7 =	vsub.f32 v7, v0;
	v38 =	vadd.s32 $0x1880, v22;
	v37 =	vld.idx.msk [tilespmem:v10+s2+$0x0], $0xffff  }
0x256: {  	v50 =	vadd.s32 $0x3D40, v24;
	v5 =	vsub.f32 v5, v1;
	v1 =	vsub.f32 v1, v4;
	v26 =	vld.idx.msk [tilespmem:v18+s2+$0x0], $0xffff  }
0x257: {  	v59 =	vadd.s32 $0x4980, v24;
	v0 =	vsub.f32 v0, v6;
	v40 =	vadd.s32 $0x24C0, v17;
	v39 =	vld.idx.msk [tilespmem:v11+s2+$0x0], $0xffff  }
0x258: {  	v20 =	vmul.f32 v5, v7;
	v21 =	vmul.f32 v7, v1;
	v44 =	vadd.s32 $0x24C0, v22;
	v41 =	vld.idx.msk [tilespmem:v25+s2+$0x0], $0xffff  }
0x259: {  	v19 =	vmul.f32 v5, v0;
	v42 =	vadd.s32 $0x24C0, v23;
	v46 =	vadd.s32 $0x3100, v17;
	v8 =	vld.idx.msk [tilespmem:v36+s2+$0x0], $0xffff  }
0x25a: {  	v47 =	vadd.s32 $0x3100, v23;
	v28 =	vadd.s32 $0x3100, v22;
	v58 =	vadd.s32 $0x3D40, v17;
	v10 =	vld.idx.msk [tilespmem:v38+s2+$0x0], $0xffff  }
0x25b: {  	v3 =	vmul.f32 v31, v20;
	v31 =	vadd.s32 $0x3D40, v23;
	v2 =	vmul.f32 v2, v20;
	v45 =	vld.idx.msk [tilespmem:v27+s2+$0x0], $0xffff  }
0x25c: {  	v18 =	vmul.f32 v1, v0;
	v11 =	vand.u32 $0x7F80, v43;
	v1 =	vld.idx.msk [tilespmem:v40+s2+$0x0], $0xffff;
	v32 =	vadd.s32 $0x3D40, v22  }
0x25d: {  	v29 =	vld.idx.msk [tilespmem:v44+s2+$0x0], $0xffff;
	v38 =	vadd.s32 $0x4980, v22;
	v16 =	vmul.f32 v16, v19;
	v9 =	vmul.f32 v33, v21  }
0x25e: {  	v30 =	vld.idx.msk [tilespmem:v46+s2+$0x0], $0xffff;
	v46 =	vadd.s32 $0x6200, v24;
	v4 =	vmul.f32 v34, v18;
	v7 =	vmul.f32 v35, v21  }
0x25f: {  	v61 =	vld.idx.msk [tilespmem:v28+s2+$0x0], $0xffff;
	v11 =	vor.u32 v15, v11;
	v6 =	vmul.f32 v37, v19;
	v0 =	vmul.f32 v39, v20  }
0x260: {  	v63 =	vld.idx.msk [tilespmem:v50+s2+$0x0], $0xffff;
	v33 =	vadd.s32 $0x4980, v17;
	v5 =	vmul.f32 v41, v21;
	v49 =	vmul.f32 v26, v18  }
0x261: {  	v34 =	vld.idx.msk [tilespmem:v58+s2+$0x0], $0xffff;
	v58 =	vadd.s32 $0x55C0, v22;
	v52 =	vmul.f32 v8, v19;
	v1 =	vmul.f32 v1, v21  }
0x262: {  	v26 =	vand.u32 $0x7F80, v59;
	v60 =	vmul.f32 v10, v18;
	v35 =	vadd.s32 $0x4980, v23;
	v37 =	vld.idx.msk [tilespmem:v31+s2+$0x0], $0xffff  }
0x263: {  	v39 =	vmul.f32 v29, v18;
	v41 =	vld.idx.msk [tilespmem:v32+s2+$0x0], $0xffff;
	v43 =	vmul.f32 v30, v21;
	v31 =	vand.u32 $0xFF80, v46  }
0x264: {  	v3 =	vadd.f32 v9, v3;
	v9 =	vld.idx.msk [tilespmem:v42+s2+$0x0], $0xffff;
	v62 =	vor.u32 v15, v26;
	v42 =	vadd.s32 $0x55C0, v24  }
0x265: {  	v53 =	vld.idx.msk [tilespmem:v11+s2+$0x0], $0xffff;
	v50 =	vor.u32 v15, v31;
	v2 =	vadd.f32 v7, v2;
	v0 =	vadd.f32 v5, v0  }
0x266: {  	v7 =	vld.idx.msk [tilespmem:v47+s2+$0x0], $0xffff;
	v3 =	vadd.f32 v16, v3;
	v16 =	vmul.f32 v45, v20;
	v45 =	vadd.s32 $0x55C0, v17  }
0x267: {  	v2 =	vadd.f32 v6, v2;
	v0 =	vadd.f32 v52, v0;
	v47 =	vld.idx.msk [tilespmem:v33+s2+$0x0], $0xffff;
	v52 =	vadd.s32 $0x6200, v17  }
0x268: {  	v10 =	vld.idx.msk [tilespmem:v58+s2+$0x0], $0xffff;
	v1 =	vadd.f32 v1, v16;
	v27 =	vadd.f32 v4, v3;
	v16 =	vmul.f32 v63, v20  }
0x269: {  	v4 =	vld.idx.msk [tilespmem:v38+s2+$0x0], $0xffff;
	v38 =	vadd.s32 $0x6E40, v24;
	v9 =	vmul.f32 v9, v19;
	v26 =	vadd.f32 v49, v2  }
0x26a: {  	v3 =	vld.idx.msk [tilespmem:v35+s2+$0x0], $0xffff;
	v25 =	vadd.f32 v60, v0;
	v40 =	vmul.f32 v53, v20;
	v49 =	vadd.s32 $0x55C0, v23  }
0x26b: {  	v44 =	vld.idx.msk [tilespmem:v62+s2+$0x0], $0xffff;
	v2 =	vmul.f32 v34, v21;
	v53 =	vmul.f32 v61, v18;
	v60 =	vadd.s32 $0x6200, v23  }
0x26c: {  	v62 =	vmul.f32 v41, v18;
	v63 =	vld.idx.msk [tilespmem:v50+s2+$0x0], $0xffff;
	v41 =	vadd.s32 $0x6E40, v23;
	v34 =	vadd.s32 $0x86C0, v22  }
0x26d: {  	v7 =	vmul.f32 v7, v19;
	v36 =	vadd.f32 v9, v1;
	v6 =	vadd.f32 v43, v40;
	v9 =	vld.idx.msk [tilespmem:v42+s2+$0x0], $0xffff  }
0x26e: {  	v2 =	vadd.f32 v2, v16;
	v1 =	vmul.f32 v37, v19;
	v59 =	vld.idx.msk [tilespmem:v45+s2+$0x0], $0xffff;
	v40 =	vadd.s32 $0x7A80, v24  }
0x26f: {  	v45 =	vadd.s32 $0x6E40, v22;
	v0 =	vmul.f32 v47, v21;
	v37 =	vld.idx.msk [tilespmem:v52+s2+$0x0], $0xffff;
	v31 =	vand.u32 $0xFF80, v40  }
0x270: {  	v46 =	vmul.f32 v10, v18;
	v40 =	vadd.s32 $0x86C0, v23;
	v28 =	vadd.f32 v39, v36;
	v11 =	vld.idx.msk [tilespmem:v38+s2+$0x0], $0xffff  }
0x271: {  	v6 =	vadd.f32 v7, v6;
	v1 =	vadd.f32 v1, v2;
	v36 =	vadd.s32 $0x6200, v22;
	v5 =	vld.idx.msk [tilespmem:v49+s2+$0x0], $0xffff  }
0x272: {  	v3 =	vmul.f32 v3, v19;
	v39 =	vadd.s32 $0x6E40, v17;
	v42 =	vmul.f32 v4, v18;
	v32 =	vld.idx.msk [tilespmem:v60+s2+$0x0], $0xffff  }
0x273: {  	v43 =	vor.u32 v15, v31;
	v38 =	vadd.s32 $0x9F40, v22;
	v61 =	vmul.f32 v44, v20;
	v52 =	vld.idx.msk [tilespmem:v41+s2+$0x0], $0xffff  }
0x274: {  	v44 =	vadd.s32 $0x7A80, v17;
	v7 =	vmul.f32 v63, v20;
	v49 =	vadd.s32 $0x7A80, v23;
	v63 =	vld.idx.msk [tilespmem:v45+s2+$0x0], $0xffff  }
0x275: {  	v41 =	vadd.s32 $0x9300, v24;
	v29 =	vadd.f32 v53, v6;
	v53 =	vadd.s32 $0x7A80, v22;
	v31 =	vld.idx.msk [tilespmem:v40+s2+$0x0], $0xffff  }
0x276: {  	v1 =	vadd.f32 v62, v1;
	v62 =	vadd.s32 $0x86C0, v17;
	v35 =	vand.u32 $0xBF80, v41;
	v8 =	vld.idx.msk [tilespmem:v36+s2+$0x0], $0xffff  }
0x277: {  	v41 =	vadd.s32 $0xB7C0, v17;
	v0 =	vadd.f32 v0, v61;
	v9 =	vmul.f32 v9, v20;
	v47 =	vld.idx.msk [tilespmem:v39+s2+$0x0], $0xffff  }
0x278: {  	v16 =	vmul.f32 v59, v21;
	v59 =	vadd.s32 $0x86C0, v24;
	v45 =	vadd.s32 $0x9300, v17;
	v58 =	vld.idx.msk [tilespmem:v43+s2+$0x0], $0xffff  }
0x279: {  	v6 =	vmul.f32 v37, v21;
	v37 =	vadd.s32 $0xAB80, v24;
	v0 =	vadd.f32 v3, v0;
	v38 =	vld.idx.msk [tilespmem:v38+s2+$0x0], $0xffff  }
0x27a: {  	v9 =	vadd.f32 v16, v9;
	v16 =	vadd.f32 v14, v48;
	v36 =	vadd.s32 $0x9300, v23;
	v61 =	vld.idx.msk [tilespmem:v44+s2+$0x0], $0xffff  }
0x27b: {  	v37 =	vand.u32 $0xFF80, v37;
	v39 =	vadd.s32 $0xAB80, v22;
	v5 =	vmul.f32 v5, v19;
	v30 =	vld.idx.msk [tilespmem:v49+s2+$0x0], $0xffff  }
0x27c: {  	v6 =	vadd.f32 v6, v7;
	v50 =	vmul.f32 v32, v19;
	v44 =	vor.u32 v15, v35;
	v43 =	vld.idx.msk [tilespmem:v53+s2+$0x0], $0xffff  }
0x27d: {  	v37 =	vor.u32 v15, v37;
	v15 =	vadd.f32 v13, v51;
	v0 =	vadd.f32 v42, v0;
	v7 =	vld.idx.msk [tilespmem:v62+s2+$0x0], $0xffff  }
0x27e: {  	v42 =	vmul.f32 v11, v20;
	(erf) = vrcp.f32 v16;
	v53 =	vadd.s32 $0x9F40, v17;
	v3 =	vld.idx.msk [tilespmem:v59+s2+$0x0], $0xffff  }
0x27f: {  	v5 =	vadd.f32 v5, v9;
	v60 =	vadd.f32 v50, v6;
	v2 =	vmul.f32 v58, v20;
	v58 =	vld.idx.msk [tilespmem:v45+s2+$0x0], $0xffff  }
0x280: {  	v50 =	vadd.s32 $0x9F40, v24;
	v9 =	vmul.f32 v63, v18;
	v59 =	vadd.s32 $0x9F40, v23;
	v36 =	vld.idx.msk [tilespmem:v36+s2+$0x0], $0xffff  }
0x281: {  	v63 =	vadd.s32 $0xAB80, v23;
	v24 =	vadd.s32 $0xB7C0, v24;
	v49 =	vmul.f32 v30, v19;
	v30 =	vld.idx.msk [tilespmem:v34+s2+$0x0], $0xffff  }
0x282: {  	v31 =	vmul.f32 v31, v19;
	v4 =	vadd.f32 v46, v5;
	v46 =	vmul.f32 v52, v19;
	v52 =	vld.idx.msk [tilespmem:v44+s2+$0x0], $0xffff  }
0x283: {  	v23 =	vadd.s32 $0xB7C0, v23;
	v8 =	vmul.f32 v8, v18;
	v10 =	vmul.f32 v47, v21;
	v37 =	vld.idx.msk [tilespmem:v37+s2+$0x0], $0xffff  }
0x284: {  	v47 =	vadd.s32 $0x9300, v22;
	v22 =	vadd.s32 $0xB7C0, v22;
	v6 =	vmul.f32 v61, v21;
	v62 =	vld.idx.msk [tilespmem:v53+s2+$0x0], $0xffff  }
0x285: {  	v61 =	vadd.s32 $0xAB80, v17;
	v5 =	vadd.f32 v8, v60;
	v8 =	vadd.f32 v10, v42;
	v60 =	vld.idx.msk [tilespmem:v50+s2+$0x0], $0xffff  }
0x286: {  	v11 =	vmul.f32 v43, v18;
	v7 =	vmul.f32 v7, v21;
	v2 =	vadd.f32 v6, v2;
	v35 =	vld.idx.msk [tilespmem:v59+s2+$0x0], $0xffff  }
0x287: {  	v17 =	vadd.f32 v12, v54;
	v3 =	vmul.f32 v3, v20;
	v24 =	vld.idx.msk [tilespmem:v24+s2+$0x0], $0xffff;
	v59 =	vmul.f32 v38, v18  }
0x288: {  	v50 =	vld.idx.msk [tilespmem:v41+s2+$0x0], $0xffff;
	v8 =	vadd.f32 v46, v8;
	v2 =	vadd.f32 v49, v2;
	v6 =	vmul.f32 v58, v21  }
0x289: {  	v32 =	vld.idx.msk [tilespmem:v47+s2+$0x0], $0xffff;
	v3 =	vadd.f32 v7, v3;
	v45 =	vmul.f32 v36, v19;
	v10 =	vmul.f32 v52, v20  }
0x28a: {  	v8 =	vadd.f32 v9, v8;
	v44 =	vpop (erf);
	v34 =	vld.idx.msk [tilespmem:v61+s2+$0x0], $0xffff;
	v30 =	vmul.f32 v30, v18;
	v61 =	vmul.f32 v37, v20  }
0x28b: {  	v22 =	vld.idx.msk [tilespmem:v22+s2+$0x0], $0xffff;
	v2 =	vadd.f32 v11, v2;
	v40 =	vmul.f32 v44, v15;
	v33 =	vmul.f32 v44, v17  }
0x28c: {  	v7 =	vmul.f32 v62, v21;
	v3 =	vadd.f32 v31, v3;
	v9 =	vmul.f32 v60, v20  }
0x28d: {  	v39 =	vld.idx.msk [tilespmem:v39+s2+$0x0], $0xffff;
	v6 =	vadd.f32 v6, v10;
	v52 =	vmul.f32 v35, v19;
	v20 =	vmul.f32 v24, v20  }
0x28e: {  	v10 =	vmul.f32 v50, v21;
	v40 =	vmul.f32 $2.500000000e-01, v40;
	v3 =	vadd.f32 v30, v3  }
0x28f: {  	v23 =	vld.idx.msk [tilespmem:v23+s2+$0x0], $0xffff;
	v47 =	vmul.f32 $2.500000000e-01, v33;
	v6 =	vadd.f32 v45, v6;
	v7 =	vadd.f32 v7, v9  }
0x290: {  	v11 =	vld.idx.msk [tilespmem:v63+s2+$0x0], $0xffff;
	v32 =	vmul.f32 v32, v18;
	v43 =	vmul.f32 v22, v18;
	v46 =	vmax.f32 v40, $0.0e+00  }
0x291: {  	v31 =	vmax.f32 v47, $0.0e+00;
	v62 =	vmul.f32 v34, v21;
	v36 =	vmin.f32 v46, $5.500000000e+01  }
0x292: {  	[tilespmem:s26+$0xFFFFE000] =	vst v27;
	v40 =	vmul.f32 v39, v18;
	v31 =	vmin.f32 v31, $5.500000000e+01;
	v49 =	vtrunc.f32 v36  }
0x293: {  	[tilespmem:s26+$0xFFFFE400] =	vst v26;
	v10 =	vadd.f32 v10, v20;
	v53 =	vtrunc.f32 v31;
	v33 =	vcvt.f32.s32 v49  }
0x294: {  	[tilespmem:s26+$0xFFFFE800] =	vst v25;
	v7 =	vadd.f32 v52, v7;
	v6 =	vadd.f32 v32, v6;
	v9 =	vcvt.f32.s32 v53  }
0x295: {  	[tilespmem:s26+$0xFFFFEC00] =	vst v28;
	v11 =	vmul.f32 v11, v19;
	v19 =	vmul.f32 v23, v19;
	vm6 =	vgt.s32 v33, $0x0  }
0x296: {  	[tilespmem:s26+$0xFFFFF000] =	vst v29;
	v7 =	vadd.f32 v59, v7;
	vm7 =	vgt.s32 v9, $0x0;
	v58 =	vnsel vm6, $0x0, v33  }
0x297: {  	[tilespmem:s26+$0xFFFFF400] =	vst v1;
	v9 =	vnsel vm7, $0x0, v9;
	v33 =	vadd.f32 v62, v61;
	v60 =	vmin.u32 v58, $0x37  }
0x298: {  	[tilespmem:s26+$0xFFFFF800] =	vst v0;
	v10 =	vadd.f32 v19, v10;
	v32 =	vmin.u32 v9, $0x37;
	v27 =	vcvt.s32.f32 v60  }
0x299: {  	[tilespmem:s26+$0xFFFFFC00] =	vst v4;
	v34 =	vcvt.s32.f32 v32;
	v9 =	vadd.f32 v11, v33;
	v41 =	vmul.u32 $0x38, v60  }
0x29a: {  	[tilespmem:s26+$0x0] =	vst v5;
	v45 =	vadd.f32 v43, v10;
	v63 =	vadd.f32 $1.000000000e+00, v27  }
0x29b: {  	[tilespmem:s26+$0x400] =	vst v8;
	v38 =	vadd.f32 $1.000000000e+00, v34;
	v23 =	vadd.s32 v32, v41;
	v9 =	vadd.f32 v40, v9  }
0x29c: {  	[tilespmem:s26+$0x800] =	vst v2;
	v58 =	vsub.f32 v36, v27;
	v49 =	vadd.s32 $0xC40, v23;
	v59 =	vadd.s32 $0x1880, v23  }
0x29d: {  	[tilespmem:s26+$0xC00] =	vst v3;
	v27 =	vand.u32 $0x7F, v23;
	v35 =	vmin.f32 v63, $5.500000000e+01;
	v42 =	vmin.f32 v38, $5.500000000e+01  }
0x29e: {  	[tilespmem:s26+$0x1800] =	vst v9;
	v9 =	vand.u32 $0x3F80, v59;
	v37 =	vtrunc.f32 v35;
	v44 =	vtrunc.f32 v42  }
0x29f: {  	[tilespmem:s26+$0x1000] =	vst v6;
	v9 =	vor.u32 v27, v9;
	v4 =	vcvt.f32.s32 v37;
	v3 =	vcvt.f32.s32 v44  }
0x2a0: {  	[tilespmem:s26+$0x1400] =	vst v7;
	v50 =	vsub.f32 v35, v36;
	v36 =	vadd.s32 $0x24C0, v23  }
0x2a1: {  	[tilespmem:s26+$0x1C00] =	vst v45;
	v4 =	vmul.u32 $0x38, v4;
	v25 =	vadd.s32 v3, v41  }
0x2a2: {  	v47 =	vld.idx.msk [tilespmem:v23+s2+$0x0], $0xffff;
	v8 =	vadd.s32 $0xC40, v25  }
0x2a3: {  	v24 =	vadd.s32 v32, v4;
	v22 =	vadd.s32 v3, v4;
	v3 =	vld.idx.msk [tilespmem:v49+s2+$0x0], $0xffff  }
0x2a4: {  	v37 =	vld.idx.msk [tilespmem:v9+s2+$0x0], $0xffff  }
0x2a5: {  	v16 =	vadd.f32 v16, v48;
	v32 =	vadd.s32 $0x1880, v25;
	v43 =	vld.idx.msk [tilespmem:v36+s2+$0x0], $0xffff  }
0x2a6: {  	v53 =	vadd.s32 $0xC40, v24;
	v60 =	vld.idx.msk [tilespmem:v25+s2+$0x0], $0xffff  }
0x2a7: {  	(erf) = vrcp.f32 v16;
	v61 =	vadd.s32 $0xC40, v22;
	v8 =	vld.idx.msk [tilespmem:v8+s2+$0x0], $0xffff  }
0x2a8: {  	v15 =	vadd.f32 v15, v51;
	v46 =	vsub.f32 v42, v31;
	v63 =	vadd.s32 $0x1880, v24;
	v52 =	vld.idx.msk [tilespmem:v24+s2+$0x0], $0xffff  }
0x2a9: {  	v17 =	vadd.f32 v17, v54;
	v0 =	vsub.f32 v31, v34;
	v33 =	vadd.s32 $0x1880, v22;
	v62 =	vld.idx.msk [tilespmem:v22+s2+$0x0], $0xffff  }
0x2aa: {  	v40 =	vadd.s32 $0x3100, v23;
	v20 =	vmul.f32 v50, v46;
	v38 =	vadd.s32 $0x24C0, v24;
	v41 =	vld.idx.msk [tilespmem:v32+s2+$0x0], $0xffff  }
0x2ab: {  	v19 =	vmul.f32 v58, v0;
	v21 =	vmul.f32 v46, v58;
	v42 =	vadd.s32 $0x24C0, v22;
	v6 =	vld.idx.msk [tilespmem:v53+s2+$0x0], $0xffff  }
0x2ac: {  	v9 =	vand.u32 $0x7F80, v40;
	v2 =	vmul.f32 v47, v20;
	v47 =	vadd.s32 $0x3D40, v23;
	v35 =	vld.idx.msk [tilespmem:v61+s2+$0x0], $0xffff  }
0x2ad: {  	v18 =	vmul.f32 v50, v0;
	v39 =	vadd.s32 $0x24C0, v25;
	v9 =	vor.u32 v27, v9;
	v4 =	vld.idx.msk [tilespmem:v63+s2+$0x0], $0xffff  }
0x2ae: {  	v46 =	vadd.s32 $0x3100, v25;
	v59 =	vadd.s32 $0x3D40, v25;
	v44 =	vadd.s32 $0x3100, v24;
	v28 =	vld.idx.msk [tilespmem:v33+s2+$0x0], $0xffff  }
0x2af: {  	v58 =	vadd.s32 $0x3100, v22;
	v3 =	vmul.f32 v3, v20;
	v0 =	vmul.f32 v37, v20;
	v7 =	vld.idx.msk [tilespmem:v38+s2+$0x0], $0xffff  }
0x2b0: {  	v37 =	vadd.s32 $0x4980, v24;
	v50 =	vld.idx.msk [tilespmem:v42+s2+$0x0], $0xffff;
	v61 =	vadd.s32 $0x3D40, v22;
	v42 =	vadd.s32 $0x4980, v22  }
0x2b1: {  	v11 =	vld.idx.msk [tilespmem:v47+s2+$0x0], $0xffff;
	v47 =	vadd.s32 $0x6200, v23;
	v34 =	vmul.f32 v60, v18;
	v60 =	vadd.s32 $0x4980, v23  }
0x2b2: {  	v9 =	vld.idx.msk [tilespmem:v9+s2+$0x0], $0xffff;
	v45 =	vmul.f32 v8, v18;
	v29 =	vand.u32 $0x7F80, v60;
	v5 =	vmul.f32 v52, v21  }
0x2b3: {  	v8 =	vld.idx.msk [tilespmem:v46+s2+$0x0], $0xffff;
	v46 =	vadd.s32 $0x55C0, v24;
	v1 =	vmul.f32 v62, v19;
	v53 =	vmul.f32 v41, v18  }
0x2b4: {  	v38 =	vld.idx.msk [tilespmem:v58+s2+$0x0], $0xffff;
	v52 =	vadd.s32 $0x3D40, v24;
	v6 =	vmul.f32 v6, v21;
	v4 =	vmul.f32 v4, v21  }
0x2b5: {  	v63 =	vor.u32 v27, v29;
	v41 =	vld.idx.msk [tilespmem:v59+s2+$0x0], $0xffff;
	v49 =	vmul.f32 v35, v19;
	v7 =	vmul.f32 v7, v21  }
0x2b6: {  	v30 =	vld.idx.msk [tilespmem:v37+s2+$0x0], $0xffff;
	v37 =	vadd.s32 $0x6E40, v23;
	v62 =	vmul.f32 v28, v19;
	v40 =	vmul.f32 v50, v19  }
0x2b7: {  	v9 =	vmul.f32 v9, v20;
	v2 =	vadd.f32 v5, v2;
	v5 =	vld.idx.msk [tilespmem:v39+s2+$0x0], $0xffff;
	v39 =	vadd.s32 $0x4980, v25  }
0x2b8: {  	v11 =	vmul.f32 v11, v20;
	v3 =	vadd.f32 v6, v3;
	v0 =	vadd.f32 v4, v0;
	v6 =	vld.idx.msk [tilespmem:v42+s2+$0x0], $0xffff  }
0x2b9: {  	v42 =	vadd.s32 $0x6200, v22;
	v2 =	vadd.f32 v34, v2;
	v34 =	vand.u32 $0xFF80, v47;
	v60 =	vld.idx.msk [tilespmem:v46+s2+$0x0], $0xffff  }
0x2ba: {  	v8 =	vmul.f32 v8, v18;
	v3 =	vadd.f32 v45, v3;
	v36 =	vld.idx.msk [tilespmem:v52+s2+$0x0], $0xffff;
	v50 =	vor.u32 v27, v34  }
0x2bb: {  	v0 =	vadd.f32 v53, v0;
	v45 =	vld.idx.msk [tilespmem:v63+s2+$0x0], $0xffff;
	v52 =	vadd.s32 $0x6200, v24;
	v53 =	vadd.s32 $0x55C0, v22  }
0x2bc: {  	v63 =	vmul.f32 v30, v21;
	v26 =	vadd.f32 v1, v2;
	v2 =	vld.idx.msk [tilespmem:v44+s2+$0x0], $0xffff;
	v44 =	vadd.s32 $0x55C0, v23  }
0x2bd: {  	v1 =	vmul.f32 v43, v20;
	v43 =	vld.idx.msk [tilespmem:v61+s2+$0x0], $0xffff;
	v61 =	vadd.s32 $0x6200, v25;
	v5 =	vmul.f32 v5, v18  }
0x2be: {  	v29 =	vadd.f32 v49, v3;
	v28 =	vadd.f32 v62, v0;
	v49 =	vadd.s32 $0x55C0, v25;
	v3 =	vld.idx.msk [tilespmem:v39+s2+$0x0], $0xffff  }
0x2bf: {  	v0 =	vmul.f32 v38, v19;
	v1 =	vadd.f32 v7, v1;
	v7 =	vmul.f32 v36, v21;
	v36 =	vld.idx.msk [tilespmem:v50+s2+$0x0], $0xffff  }
0x2c0: {  	v39 =	vadd.s32 $0x6E40, v24;
	v10 =	vmul.f32 v60, v21;
	v60 =	vadd.s32 $0x86C0, v23;
	v38 =	vld.idx.msk [tilespmem:v52+s2+$0x0], $0xffff  }
0x2c1: {  	v1 =	vadd.f32 v5, v1;
	v5 =	vmul.f32 v41, v18;
	v62 =	vmul.f32 v45, v20;
	v58 =	vld.idx.msk [tilespmem:v44+s2+$0x0], $0xffff  }
0x2c2: {  	v45 =	vmul.f32 v6, v19;
	v50 =	vadd.s32 $0x6E40, v22;
	v52 =	vadd.s32 $0x7A80, v25;
	v33 =	vld.idx.msk [tilespmem:v61+s2+$0x0], $0xffff  }
0x2c3: {  	v2 =	vmul.f32 v2, v21;
	v59 =	vmul.f32 v43, v19;
	v43 =	vadd.s32 $0x7A80, v23;
	v35 =	vld.idx.msk [tilespmem:v49+s2+$0x0], $0xffff  }
0x2c4: {  	v44 =	vadd.s32 $0x6E40, v25;
	v7 =	vadd.f32 v7, v11;
	v31 =	vadd.f32 v40, v1;
	v40 =	vld.idx.msk [tilespmem:v53+s2+$0x0], $0xffff  }
0x2c5: {  	v1 =	vadd.f32 v63, v62;
	v3 =	vmul.f32 v3, v18;
	v2 =	vadd.f32 v2, v9;
	v9 =	vld.idx.msk [tilespmem:v42+s2+$0x0], $0xffff  }
0x2c6: {  	v11 =	vand.u32 $0xFF80, v43;
	v49 =	vadd.s32 $0x7A80, v24;
	v5 =	vadd.f32 v5, v7;
	v6 =	vld.idx.msk [tilespmem:v60+s2+$0x0], $0xffff  }
0x2c7: {  	v62 =	vadd.s32 $0x86C0, v24;
	v46 =	vor.u32 v27, v11;
	v1 =	vadd.f32 v3, v1;
	v63 =	vld.idx.msk [tilespmem:v50+s2+$0x0], $0xffff  }
0x2c8: {  	v42 =	vadd.s32 $0x86C0, v22;
	v2 =	vadd.f32 v8, v2;
	v30 =	vadd.f32 v59, v5;
	v5 =	vld.idx.msk [tilespmem:v39+s2+$0x0], $0xffff  }
0x2c9: {  	v60 =	vadd.s32 $0x9F40, v22;
	v4 =	vmul.f32 v38, v21;
	v41 =	vmul.f32 v58, v20;
	v34 =	vld.idx.msk [tilespmem:v44+s2+$0x0], $0xffff  }
0x2ca: {  	v53 =	vmul.f32 v33, v18;
	v58 =	vadd.s32 $0x7A80, v22;
	v32 =	vadd.f32 v0, v2;
	v2 =	vld.idx.msk [tilespmem:v37+s2+$0x0], $0xffff  }
0x2cb: {  	v1 =	vadd.f32 v45, v1;
	v44 =	vadd.s32 $0x9300, v24;
	v47 =	vmul.f32 v35, v18;
	v61 =	vld.idx.msk [tilespmem:v49+s2+$0x0], $0xffff  }
0x2cc: {  	v45 =	vadd.s32 $0x9300, v25;
	v0 =	vmul.f32 v36, v20;
	v7 =	vmul.f32 v40, v19;
	v59 =	vld.idx.msk [tilespmem:v46+s2+$0x0], $0xffff  }
0x2cd: {  	v40 =	vadd.s32 $0x86C0, v25;
	v49 =	vadd.s32 $0x9F40, v23;
	v8 =	vadd.f32 v10, v41;
	v10 =	vld.idx.msk [tilespmem:v52+s2+$0x0], $0xffff  }
0x2ce: {  	v41 =	vadd.s32 $0x9300, v23;
	v9 =	vmul.f32 v9, v19;
	v46 =	vadd.s32 $0x9300, v22;
	v48 =	vld.idx.msk [tilespmem:v42+s2+$0x0], $0xffff  }
0x2cf: {  	v52 =	vadd.s32 $0x9F40, v24;
	v42 =	vadd.s32 $0xAB80, v25;
	v0 =	vadd.f32 v4, v0;
	v38 =	vld.idx.msk [tilespmem:v60+s2+$0x0], $0xffff  }
0x2d0: {  	v35 =	vand.u32 $0xBF80, v41;
	v6 =	vmul.f32 v6, v20;
	v8 =	vadd.f32 v47, v8;
	v43 =	vld.idx.msk [tilespmem:v58+s2+$0x0], $0xffff  }
0x2d1: {  	v35 =	vor.u32 v27, v35;
	v0 =	vadd.f32 v53, v0;
	v5 =	vmul.f32 v5, v21;
	v53 =	vld.idx.msk [tilespmem:v44+s2+$0x0], $0xffff  }
0x2d2: {  	v34 =	vmul.f32 v34, v18;
	v58 =	vadd.s32 $0x9F40, v25;
	v16 =	vld.idx.msk [tilespmem:v45+s2+$0x0], $0xffff;
	v44 =	vadd.s32 $0xAB80, v22  }
0x2d3: {  	v25 =	vadd.s32 $0xB7C0, v25;
	v33 =	vadd.f32 v7, v8;
	v2 =	vmul.f32 v2, v20;
	v7 =	vld.idx.msk [tilespmem:v62+s2+$0x0], $0xffff  }
0x2d4: {  	v22 =	vadd.s32 $0xB7C0, v22;
	v4 =	vmul.f32 v61, v21;
	v8 =	vmul.f32 v63, v19;
	v11 =	vld.idx.msk [tilespmem:v40+s2+$0x0], $0xffff  }
0x2d5: {  	v61 =	vld.idx.msk [tilespmem:v49+s2+$0x0], $0xffff;
	v62 =	vadd.s32 $0xAB80, v24;
	v24 =	vadd.s32 $0xB7C0, v24;
	v3 =	vmul.f32 v59, v20  }
0x2d6: {  	v47 =	vmul.f32 v10, v18;
	v0 =	vadd.f32 v9, v0;
	v9 =	vld.idx.msk [tilespmem:v52+s2+$0x0], $0xffff;
	v2 =	vadd.f32 v5, v2  }
0x2d7: {  	v59 =	vadd.s32 $0xAB80, v23;
	v23 =	vadd.s32 $0xB7C0, v23;
	v10 =	vmul.f32 v48, v19;
	v50 =	vld.idx.msk [tilespmem:v35+s2+$0x0], $0xffff  }
0x2d8: {  	v36 =	vand.u32 $0xFF80, v59;
	v59 =	vmul.f32 v38, v19;
	v2 =	vadd.f32 v34, v2;
	v34 =	vld.idx.msk [tilespmem:v46+s2+$0x0], $0xffff  }
0x2d9: {  	v3 =	vadd.f32 v4, v3;
	v5 =	vmul.f32 v43, v19;
	v35 =	vld.idx.msk [tilespmem:v58+s2+$0x0], $0xffff;
	v4 =	vmul.f32 v53, v21  }
0x2da: {  	v27 =	vor.u32 v27, v36;
	v43 =	vpop (erf);
	v16 =	vmul.f32 v16, v18;
	v46 =	vld.idx.msk [tilespmem:v44+s2+$0x0], $0xffff;
	v7 =	vmul.f32 v7, v21  }
0x2db: {  	v52 =	vld.idx.msk [tilespmem:v25+s2+$0x0], $0xffff;
	v3 =	vadd.f32 v47, v3;
	v15 =	vmul.f32 v43, v15;
	v17 =	vmul.f32 v43, v17  }
0x2dc: {  	v63 =	vmul.f32 v11, v18;
	v45 =	vld.idx.msk [tilespmem:v62+s2+$0x0], $0xffff;
	v2 =	vadd.f32 v8, v2;
	v47 =	vmul.f32 v9, v21  }
0x2dd: {  	v11 =	vld.idx.msk [tilespmem:v42+s2+$0x0], $0xffff;
	v6 =	vadd.f32 v7, v6;
	v15 =	vmul.f32 $2.500000000e-01, v15;
	v17 =	vmul.f32 $2.500000000e-01, v17  }
0x2de: {  	v22 =	vld.idx.msk [tilespmem:v22+s2+$0x0], $0xffff;
	v3 =	vadd.f32 v5, v3;
	v5 =	vmul.f32 v61, v20;
	v8 =	vmul.f32 v50, v20  }
0x2df: {  	v48 =	vld.idx.msk [tilespmem:v23+s2+$0x0], $0xffff;
	v15 =	vmax.f32 v15, $0.0e+00;
	v6 =	vadd.f32 v63, v6;
	v17 =	vmax.f32 v17, $0.0e+00  }
0x2e0: {  	v51 =	vmul.f32 v34, v19;
	v5 =	vadd.f32 v47, v5;
	v53 =	vmul.f32 v35, v18  }
0x2e1: {  	v27 =	vld.idx.msk [tilespmem:v27+s2+$0x0], $0xffff;
	v7 =	vmul.f32 v52, v18;
	v41 =	vmul.f32 v46, v19;
	v4 =	vadd.f32 v4, v8  }
0x2e2: {  	v50 =	vld.idx.msk [tilespmem:v24+s2+$0x0], $0xffff;
	v15 =	vmin.f32 v15, $5.500000000e+01;
	v8 =	vmul.f32 v45, v21;
	v11 =	vmul.f32 v11, v18  }
0x2e3: {  	[tilespmem:s26+$0xFFFFE010] =	vst v26;
	v17 =	vmin.f32 v17, $5.500000000e+01;
	v45 =	vmul.f32 v22, v19;
	v49 =	vtrunc.f32 v15  }
0x2e4: {  	[tilespmem:s26+$0xFFFFE410] =	vst v29;
	v54 =	vtrunc.f32 v17;
	v5 =	vadd.f32 v53, v5;
	v9 =	vmul.f32 v48, v20  }
0x2e5: {  	[tilespmem:s26+$0xFFFFE810] =	vst v28;
	v6 =	vadd.f32 v10, v6;
	v23 =	vcvt.f32.s32 v49;
	v58 =	vcvt.f32.s32 v54  }
0x2e6: {  	[tilespmem:s26+$0xFFFFEC10] =	vst v31;
	v4 =	vadd.f32 v16, v4;
	v61 =	vmul.f32 v27, v20;
	v5 =	vadd.f32 v59, v5  }
0x2e7: {  	[tilespmem:s26+$0xFFFFF010] =	vst v32;
	v16 =	vmul.f32 v50, v21;
	vm8 =	vgt.s32 v23, $0x0;
	vm9 =	vgt.s32 v58, $0x0  }
0x2e8: {  	[tilespmem:s26+$0xFFFFF410] =	vst v30;
	v23 =	vnsel vm8, $0x0, v23;
	v10 =	vnsel vm9, $0x0, v58;
	v8 =	vadd.f32 v8, v61  }
0x2e9: {  	[tilespmem:s26+$0xFFFFF810] =	vst v1;
	v9 =	vadd.f32 v16, v9;
	v23 =	vmin.u32 v23, $0x37;
	v10 =	vmin.u32 v10, $0x37  }
0x2ea: {  	[tilespmem:s26+$0xFFFFFC10] =	vst v33;
	v4 =	vadd.f32 v51, v4;
	v60 =	vcvt.s32.f32 v23;
	v63 =	vcvt.s32.f32 v10  }
0x2eb: {  	[tilespmem:s26+$0x10] =	vst v0;
	v8 =	vadd.f32 v11, v8;
	v43 =	vmul.u32 $0x38, v23;
	v7 =	vadd.f32 v7, v9  }
0x2ec: {  	[tilespmem:s26+$0x410] =	vst v2;
	v62 =	vadd.f32 $1.000000000e+00, v60;
	v38 =	vadd.f32 $1.000000000e+00, v63  }
0x2ed: {  	[tilespmem:s26+$0x810] =	vst v3;
	v30 =	vadd.s32 v10, v43;
	v46 =	vadd.f32 v41, v8;
	v47 =	vadd.f32 v45, v7  }
0x2ee: {  	[tilespmem:s26+$0xC10] =	vst v6;
	v48 =	vadd.s32 $0xC40, v30;
	v52 =	vadd.s32 $0x1880, v30;
	v35 =	vand.u32 $0x7F, v30  }
0x2ef: {  	[tilespmem:s26+$0x1410] =	vst v5;
	v25 =	vadd.s32 $0x24C0, v30;
	v37 =	vmin.f32 v62, $5.500000000e+01;
	v42 =	vmin.f32 v38, $5.500000000e+01  }
0x2f0: {  	[tilespmem:s26+$0x1010] =	vst v4;
	v7 =	vand.u32 $0x3F80, v52;
	v39 =	vtrunc.f32 v37;
	v44 =	vtrunc.f32 v42  }
0x2f1: {  	[tilespmem:s26+$0x1810] =	vst v46;
	v7 =	vor.u32 v35, v7;
	v40 =	vcvt.f32.s32 v39;
	v3 =	vcvt.f32.s32 v44  }
0x2f2: {  	[tilespmem:s26+$0x1C10] =	vst v47;
	v47 =	vadd.s32 $0x3D40, v30  }
0x2f3: {  	v49 =	vld.idx.msk [tilespmem:v30+s2+$0x0], $0xffff;
	v0 =	vmul.u32 $0x38, v40;
	v27 =	vadd.s32 v3, v43  }
0x2f4: {  	v38 =	vld.idx.msk [tilespmem:v25+s2+$0x0], $0xffff;
	v51 =	vadd.s32 $0xC40, v27  }
0x2f5: {  	v61 =	vadd.s32 $0x1880, v27;
	v29 =	vadd.s32 v10, v0;
	v28 =	vadd.s32 v3, v0;
	v0 =	vld.idx.msk [tilespmem:v48+s2+$0x0], $0xffff  }
0x2f6: {  	v33 =	vadd.s32 $0x24C0, v27;
	v26 =	vld.idx.msk [tilespmem:v7+s2+$0x0], $0xffff  }
0x2f7: {  	v10 =	vld.idx.msk [tilespmem:v47+s2+$0x0], $0xffff  }
0x2f8: {  	v53 =	vld.idx.msk [tilespmem:v27+s2+$0x0], $0xffff  }
0x2f9: {  	v50 =	vadd.s32 $0xC40, v29;
	v6 =	vld.idx.msk [tilespmem:v51+s2+$0x0], $0xffff  }
0x2fa: {  	v58 =	vsub.f32 v15, v60;
	v54 =	vadd.s32 $0xC40, v28;
	v4 =	vld.idx.msk [tilespmem:v61+s2+$0x0], $0xffff  }
0x2fb: {  	v62 =	vsub.f32 v17, v63;
	v1 =	vsub.f32 v37, v15;
	v15 =	vadd.s32 $0x1880, v29;
	v43 =	vld.idx.msk [tilespmem:v33+s2+$0x0], $0xffff  }
0x2fc: {  	v2 =	vsub.f32 v42, v17;
	v31 =	vadd.s32 $0x24C0, v29;
	v5 =	vld.idx.msk [tilespmem:v29+s2+$0x0], $0xffff  }
0x2fd: {  	v18 =	vmul.f32 v58, v62;
	v34 =	vadd.s32 $0x24C0, v28;
	v59 =	vld.idx.msk [tilespmem:v28+s2+$0x0], $0xffff  }
0x2fe: {  	v24 =	vmul.f32 v1, v2;
	v23 =	vmul.f32 v2, v58;
	v39 =	vadd.s32 $0x3100, v29;
	v60 =	vld.idx.msk [tilespmem:v50+s2+$0x0], $0xffff  }
0x2ff: {  	v22 =	vmul.f32 v1, v62;
	v42 =	vadd.s32 $0x3100, v27;
	v52 =	vadd.s32 $0x4980, v29;
	v9 =	vld.idx.msk [tilespmem:v54+s2+$0x0], $0xffff  }
0x300: {  	v63 =	vadd.s32 $0x1880, v28;
	v3 =	vmul.f32 v49, v24;
	v49 =	vadd.s32 $0x3D40, v29;
	v32 =	vld.idx.msk [tilespmem:v15+s2+$0x0], $0xffff  }
0x301: {  	v44 =	vadd.s32 $0x3100, v28;
	v11 =	vmul.f32 v38, v24;
	v51 =	vadd.s32 $0x3D40, v27;
	v41 =	vld.idx.msk [tilespmem:v31+s2+$0x0], $0xffff  }
0x302: {  	v33 =	vadd.s32 $0x55C0, v30;
	v0 =	vmul.f32 v0, v24;
	v1 =	vmul.f32 v26, v24;
	v46 =	vld.idx.msk [tilespmem:v34+s2+$0x0], $0xffff  }
0x303: {  	v15 =	vadd.s32 $0x3100, v30;
	v50 =	vadd.s32 $0x4980, v30;
	v19 =	vld.idx.msk [tilespmem:v39+s2+$0x0], $0xffff;
	v34 =	vmul.f32 v10, v24  }
0x304: {  	v31 =	vld.idx.msk [tilespmem:v52+s2+$0x0], $0xffff;
	v39 =	vadd.s32 $0x55C0, v29;
	v52 =	vadd.s32 $0x6200, v29;
	v15 =	vand.u32 $0x7F80, v15  }
0x305: {  	v21 =	vand.u32 $0x7F80, v50;
	v54 =	vld.idx.msk [tilespmem:v49+s2+$0x0], $0xffff;
	v49 =	vadd.s32 $0x55C0, v28;
	v50 =	vadd.s32 $0x6200, v30  }
0x306: {  	v17 =	vld.idx.msk [tilespmem:v63+s2+$0x0], $0xffff;
	v8 =	vmul.f32 v53, v22;
	v36 =	vor.u32 v35, v15;
	v21 =	vor.u32 v35, v21  }
0x307: {  	v53 =	vadd.s32 $0x3D40, v28;
	v40 =	vmul.f32 v6, v22;
	v4 =	vmul.f32 v4, v22  }
0x308: {  	v15 =	vadd.f32 v13, v56;
	v5 =	vmul.f32 v5, v23;
	v37 =	vmul.f32 v59, v18  }
0x309: {  	v56 =	vadd.s32 $0x6200, v27;
	v2 =	vmul.f32 v60, v23;
	v45 =	vmul.f32 v9, v18  }
0x30a: {  	v7 =	vld.idx.msk [tilespmem:v42+s2+$0x0], $0xffff;
	v60 =	vadd.f32 v14, v57;
	v6 =	vmul.f32 v41, v23;
	v59 =	vmul.f32 v19, v23  }
0x30b: {  	v25 =	vld.idx.msk [tilespmem:v51+s2+$0x0], $0xffff;
	v57 =	vadd.s32 $0x4980, v27;
	v17 =	vmul.f32 v17, v18;
	v61 =	vmul.f32 v46, v18  }
0x30c: {  	v42 =	vmul.f32 v31, v23;
	v14 =	vadd.f32 v12, v55;
	v10 =	vld.idx.msk [tilespmem:v52+s2+$0x0], $0xffff;
	(erf) = vrcp.f32 v60  }
0x30d: {  	v55 =	vadd.s32 $0x6E40, v29;
	v3 =	vadd.f32 v5, v3;
	v5 =	vmul.f32 v32, v23;
	v48 =	vld.idx.msk [tilespmem:v36+s2+$0x0], $0xffff  }
0x30e: {  	v0 =	vadd.f32 v2, v0;
	v6 =	vadd.f32 v6, v11;
	v62 =	vld.idx.msk [tilespmem:v21+s2+$0x0], $0xffff;
	v36 =	vmul.f32 v54, v23  }
0x30f: {  	v21 =	vmul.f32 v7, v22;
	v32 =	vld.idx.msk [tilespmem:v53+s2+$0x0], $0xffff;
	v3 =	vadd.f32 v8, v3;
	v1 =	vadd.f32 v5, v1  }
0x310: {  	v54 =	vadd.s32 $0x6E40, v30;
	v8 =	vld.idx.msk [tilespmem:v44+s2+$0x0], $0xffff;
	v0 =	vadd.f32 v40, v0;
	v2 =	vadd.f32 v36, v34  }
0x311: {  	v5 =	vld.idx.msk [tilespmem:v49+s2+$0x0], $0xffff;
	v40 =	vmul.f32 v25, v22;
	v3 =	vadd.f32 v37, v3;
	v1 =	vadd.f32 v4, v1  }
0x312: {  	v37 =	vld.idx.msk [tilespmem:v57+s2+$0x0], $0xffff;
	v57 =	vadd.s32 $0x6E40, v27;
	v10 =	vmul.f32 v10, v23;
	v19 =	vadd.f32 v45, v0  }
0x313: {  	v2 =	vadd.f32 v40, v2;
	v45 =	vadd.s32 $0x55C0, v27;
	[tilespmem:$0x1FF00] =	vst v3;
	v3 =	vmul.f32 v43, v22  }
0x314: {  	v58 =	vmul.f32 v48, v24;
	v17 =	vadd.f32 v17, v1;
	v9 =	vmul.f32 v62, v24  }
0x315: {  	v1 =	vmul.f32 v32, v18;
	v48 =	vadd.s32 $0x4980, v28;
	v62 =	vadd.s32 $0x6E40, v28;
	v41 =	vpop (erf)  }
0x316: {  	v38 =	vmul.f32 v8, v18;
	v8 =	vand.u32 $0xFF80, v50;
	v47 =	vmul.f32 v41, v14  }
0x317: {  	v5 =	vmul.f32 v5, v18;
	v3 =	vadd.f32 v3, v6;
	v63 =	vadd.f32 v59, v58  }
0x318: {  	v46 =	vld.idx.msk [tilespmem:v39+s2+$0x0], $0xffff;
	v8 =	vor.u32 v35, v8;
	v43 =	vmul.f32 v41, v15;
	v6 =	vmul.f32 $2.500000000e-01, v47  }
0x319: {  	v58 =	vadd.s32 $0x6200, v28;
	v16 =	vadd.f32 v61, v3;
	v0 =	vadd.f32 v21, v63;
	v3 =	vld.idx.msk [tilespmem:v33+s2+$0x0], $0xffff  }
0x31a: {  	v44 =	vmul.f32 v37, v22;
	v7 =	vld.idx.msk [tilespmem:v48+s2+$0x0], $0xffff;
	v4 =	vmul.f32 $2.500000000e-01, v43;
	v6 =	vmax.f32 v6, $0.0e+00  }
0x31b: {  	v21 =	vadd.f32 v1, v2;
	v1 =	vld.idx.msk [tilespmem:v45+s2+$0x0], $0xffff;
	v20 =	vadd.f32 v38, v0;
	v6 =	vmin.f32 v6, $5.500000000e+01  }
0x31c: {  	v0 =	vadd.f32 v42, v9;
	v4 =	vmax.f32 v4, $0.0e+00;
	v53 =	vtrunc.f32 v6  }
0x31d: {  	v2 =	vmul.f32 v46, v23;
	v8 =	vld.idx.msk [tilespmem:v8+s2+$0x0], $0xffff;
	v4 =	vmin.f32 v4, $5.500000000e+01;
	v11 =	vcvt.f32.s32 v53  }
0x31e: {  	v63 =	vld.idx.msk [tilespmem:v56+s2+$0x0], $0xffff;
	v0 =	vadd.f32 v44, v0;
	v3 =	vmul.f32 v3, v24;
	v51 =	vtrunc.f32 v4  }
0x31f: {  	v61 =	vld.idx.msk [tilespmem:v54+s2+$0x0], $0xffff;
	v7 =	vmul.f32 v7, v18;
	v9 =	vcvt.f32.s32 v51;
	vm11 =	vgt.s32 v11, $0x0  }
0x320: {  	v43 =	vld.idx.msk [tilespmem:v57+s2+$0x0], $0xffff;
	v1 =	vmul.f32 v1, v22;
	v2 =	vadd.f32 v2, v3;
	v11 =	vnsel vm11, $0x0, v11  }
0x321: {  	v26 =	vadd.f32 v7, v0;
	vm10 =	vgt.s32 v9, $0x0;
	v11 =	vmin.u32 v11, $0x37  }
0x322: {  	v42 =	vmul.f32 v8, v24;
	v9 =	vnsel vm10, $0x0, v9;
	v37 =	vcvt.s32.f32 v11  }
0x323: {  	v0 =	vmul.f32 v63, v22;
	v1 =	vadd.f32 v1, v2;
	v9 =	vmin.u32 v9, $0x37  }
0x324: {  	v36 =	vcvt.s32.f32 v9;
	v9 =	vmul.u32 $0x38, v9;
	v39 =	vadd.f32 $1.000000000e+00, v37  }
0x325: {  	v52 =	vmul.f32 v43, v22;
	v2 =	vmul.f32 v61, v24;
	v25 =	vadd.f32 v5, v1  }
0x326: {  	v59 =	vadd.f32 $1.000000000e+00, v36;
	v38 =	vadd.s32 v11, v9;
	v7 =	vmin.f32 v39, $5.500000000e+01  }
0x327: {  	v3 =	vld.idx.msk [tilespmem:v55+s2+$0x0], $0xffff;
	v1 =	vadd.f32 v10, v42;
	v54 =	vadd.s32 $0xC40, v38;
	v50 =	vtrunc.f32 v7  }
0x328: {  	v56 =	vadd.s32 $0x1880, v38;
	v40 =	vmin.f32 v59, $5.500000000e+01;
	v51 =	vcvt.f32.s32 v50  }
0x329: {  	v39 =	vand.u32 $0x7F, v38;
	v41 =	vtrunc.f32 v40;
	v61 =	vsub.f32 v7, v6  }
0x32a: {  	v43 =	vsub.f32 v40, v4;
	v48 =	vcvt.f32.s32 v41;
	v45 =	vadd.s32 v51, v9  }
0x32b: {  	v34 =	vld.idx.msk [tilespmem:v62+s2+$0x0], $0xffff;
	v4 =	vsub.f32 v4, v36;
	v9 =	vand.u32 $0x3F80, v56;
	v55 =	vadd.s32 $0xC40, v45  }
0x32c: {  	v49 =	vld.idx.msk [tilespmem:v58+s2+$0x0], $0xffff;
	v3 =	vmul.f32 v3, v23;
	v8 =	vmul.u32 $0x38, v48;
	v9 =	vor.u32 v39, v9  }
0x32d: {  	v58 =	vld.idx.msk [tilespmem:v38+s2+$0x0], $0xffff;
	v41 =	vmul.f32 v43, v61;
	v42 =	vmul.f32 v61, v4;
	v61 =	vadd.s32 $0x24C0, v45  }
0x32e: {  	v31 =	vadd.f32 v0, v1;
	v1 =	vld.idx.msk [tilespmem:v54+s2+$0x0], $0xffff;
	v46 =	vadd.s32 v11, v8  }
0x32f: {  	v2 =	vadd.f32 v3, v2;
	v44 =	vadd.s32 v51, v8;
	v59 =	vadd.s32 $0xC40, v46;
	v57 =	vld.idx.msk [tilespmem:v45+s2+$0x0], $0xffff  }
0x330: {  	v63 =	vadd.s32 $0xC40, v44;
	v8 =	vld.idx.msk [tilespmem:v55+s2+$0x0], $0xffff  }
0x331: {  	v33 =	vadd.f32 v52, v2;
	v52 =	vadd.s32 $0x1880, v46;
	v55 =	vld.idx.msk [tilespmem:v9+s2+$0x0], $0xffff  }
0x332: {  	v54 =	vadd.s32 $0x1880, v44;
	v9 =	vld.idx.msk [tilespmem:v61+s2+$0x0], $0xffff  }
0x333: {  	v32 =	vmul.f32 v49, v18;
	v49 =	vadd.s32 $0x24C0, v38;
	v62 =	vld.idx.msk [tilespmem:v46+s2+$0x0], $0xffff  }
0x334: {  	v6 =	vsub.f32 v6, v37;
	v2 =	vmul.f32 v58, v41;
	v58 =	vadd.s32 $0x24C0, v46;
	v3 =	vld.idx.msk [tilespmem:v59+s2+$0x0], $0xffff  }
0x335: {  	v53 =	vadd.s32 $0x7A80, v30;
	v11 =	vld.idx.msk [tilespmem:v63+s2+$0x0], $0xffff  }
0x336: {  	v0 =	vand.u32 $0xFF80, v53;
	v43 =	vmul.f32 v43, v6;
	v36 =	vmul.f32 v4, v6;
	v59 =	vld.idx.msk [tilespmem:v52+s2+$0x0], $0xffff  }
0x337: {  	v53 =	vadd.s32 $0x1880, v45;
	v50 =	vadd.s32 $0x24C0, v44;
	v56 =	vadd.s32 $0x3100, v46;
	v37 =	vld.idx.msk [tilespmem:v54+s2+$0x0], $0xffff  }
0x338: {  	v1 =	vmul.f32 v1, v41;
	v61 =	vadd.s32 $0x4980, v38;
	v63 =	vld.idx.msk [tilespmem:v49+s2+$0x0], $0xffff;
	v52 =	vadd.s32 $0x3100, v44  }
0x339: {  	v49 =	vand.u32 $0x7F80, v61;
	v6 =	vld.idx.msk [tilespmem:v58+s2+$0x0], $0xffff;
	v58 =	vadd.s32 $0x3100, v45;
	v10 =	vmul.f32 v57, v43  }
0x33a: {  	v47 =	vld.idx.msk [tilespmem:v44+s2+$0x0], $0xffff;
	v57 =	vmul.f32 v8, v43;
	v4 =	vmul.f32 v55, v41;
	v55 =	vadd.s32 $0x3D40, v44  }
0x33b: {  	v9 =	vmul.f32 v9, v43;
	v7 =	vmul.f32 v62, v42;
	v62 =	vadd.s32 $0x3100, v38  }
0x33c: {  	v48 =	vand.u32 $0x7F80, v62;
	v3 =	vmul.f32 v3, v42;
	v62 =	vmul.f32 v37, v36  }
0x33d: {  	v5 =	vld.idx.msk [tilespmem:v53+s2+$0x0], $0xffff;
	v2 =	vadd.f32 v7, v2;
	v48 =	vor.u32 v39, v48;
	v7 =	vmul.f32 v59, v42  }
0x33e: {  	v53 =	vld.idx.msk [tilespmem:v56+s2+$0x0], $0xffff;
	v59 =	vadd.s32 $0x3D40, v38;
	v6 =	vmul.f32 v6, v42;
	v1 =	vadd.f32 v3, v1  }
0x33f: {  	v37 =	vld.idx.msk [tilespmem:v52+s2+$0x0], $0xffff;
	v3 =	vmul.f32 v11, v36;
	v2 =	vadd.f32 v10, v2;
	v10 =	vmul.f32 v47, v36  }
0x340: {  	v8 =	vld.idx.msk [tilespmem:v58+s2+$0x0], $0xffff;
	v47 =	vmul.f32 v63, v41;
	v1 =	vadd.f32 v57, v1;
	v57 =	vadd.s32 $0x4980, v46  }
0x341: {  	v11 =	vld.idx.msk [tilespmem:v50+s2+$0x0], $0xffff;
	v63 =	vor.u32 v39, v49;
	v49 =	vadd.f32 v10, v2;
	v2 =	vadd.s32 $0x4980, v45  }
0x342: {  	v4 =	vadd.f32 v7, v4;
	v6 =	vadd.f32 v6, v47;
	v10 =	vadd.s32 $0x55C0, v38;
	v7 =	vld.idx.msk [tilespmem:v48+s2+$0x0], $0xffff  }
0x343: {  	v48 =	vadd.s32 $0x3D40, v46;
	v56 =	vld.idx.msk [tilespmem:v59+s2+$0x0], $0xffff  }
0x344: {  	v54 =	vadd.s32 $0x3D40, v45;
	v59 =	vadd.f32 v9, v6;
	v9 =	vld.idx.msk [tilespmem:v55+s2+$0x0], $0xffff  }
0x345: {  	v5 =	vmul.f32 v5, v43;
	v47 =	vadd.f32 v3, v1;
	v3 =	vld.idx.msk [tilespmem:v57+s2+$0x0], $0xffff  }
0x346: {  	v0 =	vor.u32 v35, v0;
	v2 =	vld.idx.msk [tilespmem:v2+s2+$0x0], $0xffff  }
0x347: {  	v58 =	vadd.s32 $0x6200, v38;
	v4 =	vadd.f32 v5, v4;
	v6 =	vadd.s32 $0x55C0, v45;
	v10 =	vld.idx.msk [tilespmem:v10+s2+$0x0], $0xffff  }
0x348: {  	v5 =	vadd.s32 $0x4980, v44;
	v8 =	vmul.f32 v8, v43;
	v61 =	vmul.f32 v11, v36;
	v1 =	vld.idx.msk [tilespmem:v48+s2+$0x0], $0xffff  }
0x349: {  	v48 =	vadd.f32 v62, v4;
	v4 =	vld.idx.msk [tilespmem:v54+s2+$0x0], $0xffff;
	v7 =	vmul.f32 v7, v41;
	v62 =	vmul.f32 v53, v42  }
0x34a: {  	v55 =	vadd.s32 $0x6200, v46;
	v53 =	vld.idx.msk [tilespmem:v63+s2+$0x0], $0xffff;
	v63 =	vadd.s32 $0x55C0, v46;
	v54 =	vand.u32 $0xFF80, v58  }
0x34b: {  	v12 =	vld [tilespmem:$0x1FFC0];
	v50 =	vadd.f32 v61, v59;
	v11 =	vor.u32 v39, v54;
	v7 =	vadd.f32 v62, v7  }
0x34c: {  	v61 =	vmul.f32 v37, v36;
	v59 =	vmul.f32 v56, v41;
	v6 =	vld.idx.msk [tilespmem:v6+s2+$0x0], $0xffff;
	v62 =	vadd.s32 $0x55C0, v44  }
0x34d: {  	v0 =	vld.idx.msk [tilespmem:v0+s2+$0x0], $0xffff;
	v3 =	vmul.f32 v3, v42;
	v7 =	vadd.f32 v8, v7;
	v2 =	vmul.f32 v2, v43  }
0x34e: {  	v40 =	vadd.s32 $0x7A80, v27;
	v5 =	vld.idx.msk [tilespmem:v5+s2+$0x0], $0xffff;
	v10 =	vmul.f32 v10, v41;
	v1 =	vmul.f32 v1, v42  }
0x34f: {  	v4 =	vmul.f32 v4, v43;
	v54 =	vld.idx.msk [tilespmem:v63+s2+$0x0], $0xffff;
	v63 =	vadd.s32 $0x6200, v45;
	v52 =	vadd.f32 v61, v7  }
0x350: {  	v8 =	vld.idx.msk [tilespmem:v11+s2+$0x0], $0xffff;
	v11 =	vadd.s32 $0x6E40, v46;
	v61 =	vadd.s32 $0x7A80, v38;
	v1 =	vadd.f32 v1, v59  }
0x351: {  	v7 =	vld.idx.msk [tilespmem:v55+s2+$0x0], $0xffff;
	v6 =	vmul.f32 v6, v43;
	v55 =	vadd.s32 $0x6E40, v44;
	v59 =	vmul.f32 v53, v41  }
0x352: {  	v37 =	vld.idx.msk [tilespmem:v62+s2+$0x0], $0xffff;
	v62 =	vadd.s32 $0x6200, v44;
	v53 =	vand.u32 $0xFF80, v61;
	v1 =	vadd.f32 v4, v1  }
0x353: {  	v40 =	vld.idx.msk [tilespmem:v40+s2+$0x0], $0xffff;
	v4 =	vmul.f32 v9, v36;
	v9 =	vadd.s32 $0x6E40, v38;
	v3 =	vadd.f32 v3, v59  }
0x354: {  	v53 =	vor.u32 v39, v53;
	v54 =	vmul.f32 v54, v42;
	v56 =	vld.idx.msk [tilespmem:v63+s2+$0x0], $0xffff;
	v63 =	vadd.s32 $0x6E40, v45  }
0x355: {  	v2 =	vadd.f32 v2, v3;
	v3 =	vmul.f32 v5, v36;
	v5 =	vadd.s32 $0x7A80, v46;
	v11 =	vld.idx.msk [tilespmem:v11+s2+$0x0], $0xffff  }
0x356: {  	v8 =	vmul.f32 v8, v41;
	v7 =	vmul.f32 v7, v42;
	v55 =	vld.idx.msk [tilespmem:v55+s2+$0x0], $0xffff;
	v10 =	vadd.f32 v54, v10  }
0x357: {  	v58 =	vadd.s32 $0x7A80, v45;
	v61 =	vmul.f32 v37, v36;
	v37 =	vld.idx.msk [tilespmem:v62+s2+$0x0], $0xffff  }
0x358: {  	v59 =	vadd.s32 $0x7A80, v44;
	v7 =	vadd.f32 v7, v8;
	v9 =	vld.idx.msk [tilespmem:v9+s2+$0x0], $0xffff;
	v6 =	vadd.f32 v6, v10  }
0x359: {  	v62 =	vmul.f32 v56, v43;
	v56 =	vld.idx.msk [tilespmem:v53+s2+$0x0], $0xffff;
	v53 =	vadd.f32 v3, v2;
	v3 =	vadd.s32 $0x86C0, v38  }
0x35a: {  	v1 =	vadd.f32 v4, v1;
	v2 =	vld.idx.msk [tilespmem:v5+s2+$0x0], $0xffff;
	v54 =	vadd.f32 v61, v6;
	v6 =	vadd.s32 $0x86C0, v46  }
0x35b: {  	v5 =	vld.idx.msk [tilespmem:v63+s2+$0x0], $0xffff;
	v63 =	vmul.f32 v11, v42;
	v61 =	vadd.s32 $0x9300, v38;
	v4 =	vadd.f32 v62, v7  }
0x35c: {  	[tilespmem:$0x1FF10] =	vst v60;
	v11 =	vmul.f32 v37, v36;
	v37 =	vadd.f32 v60, v12;
	v60 =	vadd.s32 $0x9300, v46;
	v12 =	vld [tilespmem:$0x1FFB0]  }
0x35d: {  	v10 =	vand.u32 $0xBF80, v61;
	v61 =	vadd.s32 $0x86C0, v44;
	v7 =	vmul.f32 v9, v41;
	v9 =	vld.idx.msk [tilespmem:v58+s2+$0x0], $0xffff  }
0x35e: {  	v0 =	vmul.f32 v0, v24;
	v62 =	vadd.s32 $0x86C0, v45;
	(erf) = vrcp.f32 v37;
	v3 =	vld.idx.msk [tilespmem:v3+s2+$0x0], $0xffff  }
0x35f: {  	v56 =	vmul.f32 v56, v41;
	v7 =	vadd.f32 v63, v7;
	v63 =	vld.idx.msk [tilespmem:v59+s2+$0x0], $0xffff;
	v2 =	vmul.f32 v2, v42  }
0x360: {  	v40 =	vmul.f32 v40, v22;
	v55 =	vmul.f32 v55, v36;
	v10 =	vor.u32 v39, v10;
	v6 =	vld.idx.msk [tilespmem:v6+s2+$0x0], $0xffff  }
0x361: {  	v5 =	vmul.f32 v5, v43;
	v57 =	vld.idx.msk [tilespmem:v60+s2+$0x0], $0xffff;
	v2 =	vadd.f32 v2, v56;
	v56 =	vadd.s32 $0x9300, v45  }
0x362: {  	v4 =	vadd.f32 v11, v4;
	v11 =	vadd.s32 $0x9300, v44;
	v58 =	vadd.s32 $0x9F40, v46;
	v59 =	vld.idx.msk [tilespmem:v61+s2+$0x0], $0xffff  }
0x363: {  	v61 =	vadd.s32 $0xAB80, v38;
	v5 =	vadd.f32 v5, v7;
	v7 =	vld.idx.msk [tilespmem:v62+s2+$0x0], $0xffff;
	v9 =	vmul.f32 v9, v43  }
0x364: {  	v60 =	vadd.s32 $0x9F40, v45;
	v61 =	vand.u32 $0xFF80, v61;
	v3 =	vmul.f32 v3, v41  }
0x365: {  	v5 =	vadd.f32 v55, v5;
	v2 =	vadd.f32 v9, v2;
	v9 =	vld.idx.msk [tilespmem:v10+s2+$0x0], $0xffff;
	v8 =	vmul.f32 v63, v36  }
0x366: {  	v10 =	vadd.s32 $0x9F40, v38;
	v6 =	vmul.f32 v6, v42;
	v55 =	vld.idx.msk [tilespmem:v56+s2+$0x0], $0xffff;
	v56 =	vadd.s32 $0x9F40, v44  }
0x367: {  	v2 =	vadd.f32 v8, v2;
	v8 =	vor.u32 v39, v61;
	v39 =	vadd.f32 v15, v12;
	v12 =	vld [tilespmem:$0x1FFA0]  }
0x368: {  	v58 =	vld.idx.msk [tilespmem:v58+s2+$0x0], $0xffff;
	v57 =	vmul.f32 v57, v42;
	v3 =	vadd.f32 v6, v3;
	v7 =	vmul.f32 v7, v43;
	v62 =	vpop (erf)  }
0x369: {  	v59 =	vmul.f32 v59, v36;
	v6 =	vld.idx.msk [tilespmem:v11+s2+$0x0], $0xffff;
	v11 =	vadd.s32 $0xAB80, v46;
	v63 =	vmul.f32 v62, v39  }
0x36a: {  	v61 =	vadd.s32 $0xAB80, v45;
	v3 =	vadd.f32 v7, v3;
	v7 =	vld.idx.msk [tilespmem:v60+s2+$0x0], $0xffff;
	v9 =	vmul.f32 v9, v41  }
0x36b: {  	v46 =	vadd.s32 $0xB7C0, v46;
	v45 =	vadd.s32 $0xB7C0, v45;
	v10 =	vld.idx.msk [tilespmem:v10+s2+$0x0], $0xffff;
	v63 =	vmul.f32 $2.500000000e-01, v63  }
0x36c: {  	v9 =	vadd.f32 v57, v9;
	v56 =	vld.idx.msk [tilespmem:v56+s2+$0x0], $0xffff;
	v57 =	vadd.s32 $0xB7C0, v38;
	v38 =	vadd.f32 v14, v12  }
0x36d: {  	v60 =	vadd.s32 $0xAB80, v44;
	v44 =	vadd.s32 $0xB7C0, v44;
	v8 =	vld.idx.msk [tilespmem:v8+s2+$0x0], $0xffff;
	v55 =	vmul.f32 v55, v43  }
0x36e: {  	v11 =	vld.idx.msk [tilespmem:v11+s2+$0x0], $0xffff;
	v6 =	vmul.f32 v6, v36;
	v63 =	vmax.f32 v63, $0.0e+00;
	v62 =	vmul.f32 v62, v38  }
0x36f: {  	v61 =	vld.idx.msk [tilespmem:v61+s2+$0x0], $0xffff;
	v63 =	vmin.f32 v63, $5.500000000e+01;
	v9 =	vadd.f32 v55, v9;
	v55 =	vmul.f32 v58, v42  }
0x370: {  	v46 =	vld.idx.msk [tilespmem:v46+s2+$0x0], $0xffff;
	v58 =	vtrunc.f32 v63;
	v62 =	vmul.f32 $2.500000000e-01, v62  }
0x371: {  	v51 =	vadd.s32 $0x7A80, v29;
	v45 =	vld.idx.msk [tilespmem:v45+s2+$0x0], $0xffff;
	v10 =	vmul.f32 v10, v41;
	v58 =	vcvt.f32.s32 v58  }
0x372: {  	v60 =	vld.idx.msk [tilespmem:v60+s2+$0x0], $0xffff;
	v7 =	vmul.f32 v7, v43;
	v6 =	vadd.f32 v6, v9;
	v62 =	vmax.f32 v62, $0.0e+00  }
0x373: {  	v44 =	vld.idx.msk [tilespmem:v44+s2+$0x0], $0xffff;
	v10 =	vadd.f32 v55, v10;
	vm12 =	vgt.s32 v58, $0x0;
	v55 =	vmin.f32 v62, $5.500000000e+01  }
0x374: {  	v57 =	vld.idx.msk [tilespmem:v57+s2+$0x0], $0xffff;
	[tilespmem:s26+$0xFFFFE080] =	vst v49;
	v8 =	vmul.f32 v8, v41;
	v58 =	vnsel vm12, $0x0, v58;
	v62 =	vtrunc.f32 v55  }
0x375: {  	[tilespmem:s26+$0xFFFFE480] =	vst v47;
	v11 =	vmul.f32 v11, v42;
	v9 =	vmin.u32 v58, $0x37;
	v49 =	vcvt.f32.s32 v62  }
0x376: {  	v3 =	vadd.f32 v59, v3;
	[tilespmem:s26+$0xFFFFE880] =	vst v48;
	v62 =	vmul.f32 v56, v36;
	v56 =	vcvt.s32.f32 v9  }
0x377: {  	[tilespmem:s26+$0xFFFFEC80] =	vst v50;
	v50 =	vmul.f32 v61, v43;
	v42 =	vmul.f32 v46, v42;
	vm13 =	vgt.s32 v49, $0x0  }
0x378: {  	[tilespmem:s26+$0xFFFFFC80] =	vst v54;
	v54 =	vmul.f32 v45, v43;
	v48 =	vnsel vm13, $0x0, v49;
	v49 =	vadd.f32 $1.000000000e+00, v56  }
0x379: {  	[tilespmem:s26+$0xFFFFF080] =	vst v52;
	v7 =	vadd.f32 v7, v10;
	v8 =	vadd.f32 v11, v8;
	v10 =	vmin.u32 v48, $0x37  }
0x37a: {  	[tilespmem:s26+$0xFFFFF480] =	vst v1;
	v58 =	vmul.f32 v60, v36;
	v1 =	vcvt.s32.f32 v10;
	v52 =	vmin.f32 v49, $5.500000000e+01  }
0x37b: {  	v51 =	vld.idx.msk [tilespmem:v51+s2+$0x0], $0xffff;
	[tilespmem:s26+$0xFFFFF880] =	vst v53;
	v8 =	vadd.f32 v50, v8;
	v41 =	vmul.f32 v57, v41;
	v47 =	vtrunc.f32 v52  }
0x37c: {  	[tilespmem:s26+$0x80] =	vst v4;
	v9 =	vmul.u32 $0x38, v9;
	v53 =	vadd.f32 $1.000000000e+00, v1;
	v57 =	vcvt.f32.s32 v47  }
0x37d: {  	[tilespmem:s26+$0x480] =	vst v5;
	v36 =	vmul.f32 v44, v36;
	v7 =	vadd.f32 v62, v7;
	v41 =	vadd.f32 v42, v41  }
0x37e: {  	[tilespmem:s26+$0x880] =	vst v2;
	v62 =	vadd.f32 v58, v8;
	v59 =	vmin.f32 v53, $5.500000000e+01;
	v4 =	vmul.u32 $0x38, v57  }
0x37f: {  	[tilespmem:s26+$0xC80] =	vst v3;
	v60 =	vadd.f32 v54, v41;
	v48 =	vadd.s32 v10, v9;
	v61 =	vtrunc.f32 v59  }
0x380: {  	v51 =	vmul.f32 v51, v23;
	[tilespmem:s26+$0x1080] =	vst v6;
	v2 =	vcvt.f32.s32 v61;
	v47 =	vadd.s32 v10, v4  }
0x381: {  	v42 =	vadd.s32 $0x9300, v30;
	[tilespmem:s26+$0x1880] =	vst v62;
	v41 =	vadd.f32 v36, v60;
	v62 =	vadd.s32 $0xC40, v47  }
0x382: {  	v0 =	vadd.f32 v51, v0;
	[tilespmem:s26+$0x1480] =	vst v7;
	v43 =	vand.u32 $0xBF80, v42;
	v44 =	vadd.s32 v2, v9  }
0x383: {  	v43 =	vor.u32 v35, v43;
	v50 =	vadd.s32 $0x3100, v48;
	[tilespmem:s26+$0x1C80] =	vst v41;
	v45 =	vadd.s32 v2, v4  }
0x384: {  	v57 =	vadd.s32 $0x1880, v48;
	v60 =	vsub.f32 v59, v55;
	v61 =	vld.idx.msk [tilespmem:v48+s2+$0x0], $0xffff;
	v2 =	vadd.s32 $0xC40, v48  }
0x385: {  	v10 =	vand.u32 $0x3F80, v57;
	v4 =	vsub.f32 v52, v63;
	v9 =	vadd.s32 $0xC40, v44;
	v8 =	vld.idx.msk [tilespmem:v47+s2+$0x0], $0xffff  }
0x386: {  	v63 =	vsub.f32 v63, v56;
	v52 =	vand.u32 $0x7F, v48;
	v59 =	vadd.s32 $0xC40, v45;
	v6 =	vld.idx.msk [tilespmem:v62+s2+$0x0], $0xffff  }
0x387: {  	v36 =	vadd.f32 v40, v0;
	v1 =	vsub.f32 v55, v1;
	v10 =	vor.u32 v52, v10;
	v58 =	vld.idx.msk [tilespmem:v44+s2+$0x0], $0xffff  }
0x388: {  	v46 =	vmul.f32 v4, v60;
	v42 =	vmul.f32 v60, v63;
	v60 =	vadd.s32 $0x1880, v47;
	v0 =	vld.idx.msk [tilespmem:v45+s2+$0x0], $0xffff  }
0x389: {  	v53 =	vadd.s32 $0xAB80, v30;
	v54 =	vadd.s32 $0x1880, v44;
	v41 =	vmul.f32 v4, v1;
	v2 =	vld.idx.msk [tilespmem:v2+s2+$0x0], $0xffff  }
0x38a: {  	v4 =	vadd.s32 $0x24C0, v48;
	v5 =	vmul.f32 v61, v46;
	v9 =	vld.idx.msk [tilespmem:v9+s2+$0x0], $0xffff;
	v8 =	vmul.f32 v8, v42  }
0x38b: {  	v53 =	vand.u32 $0xFF80, v53;
	v40 =	vmul.f32 v63, v1;
	v63 =	vadd.s32 $0x24C0, v47;
	v1 =	vld.idx.msk [tilespmem:v59+s2+$0x0], $0xffff  }
0x38c: {  	v61 =	vadd.s32 $0x1880, v45;
	v62 =	vld.idx.msk [tilespmem:v10+s2+$0x0], $0xffff;
	v5 =	vadd.f32 v8, v5;
	v11 =	vmul.f32 v58, v41  }
0x38d: {  	v35 =	vor.u32 v35, v53;
	v55 =	vadd.s32 $0x3100, v47;
	v3 =	vld.idx.msk [tilespmem:v60+s2+$0x0], $0xffff;
	v60 =	vadd.s32 $0x24C0, v44  }
0x38e: {  	v10 =	vand.u32 $0x7F80, v50;
	v54 =	vld.idx.msk [tilespmem:v54+s2+$0x0], $0xffff;
	v0 =	vmul.f32 v0, v40;
	v5 =	vadd.f32 v11, v5  }
0x38f: {  	v10 =	vor.u32 v52, v10;
	v4 =	vld.idx.msk [tilespmem:v4+s2+$0x0], $0xffff;
	v6 =	vmul.f32 v6, v42;
	v2 =	vmul.f32 v2, v46  }
0x390: {  	v59 =	vadd.s32 $0x4980, v47;
	v58 =	vadd.s32 $0x3D40, v47;
	v50 =	vadd.f32 v0, v5;
	v0 =	vld.idx.msk [tilespmem:v63+s2+$0x0], $0xffff  }
0x391: {  	v11 =	vld.idx.msk [tilespmem:v61+s2+$0x0], $0xffff;
	v2 =	vadd.f32 v6, v2;
	v61 =	vmul.f32 v9, v41;
	v5 =	vadd.s32 $0x3100, v44  }
0x392: {  	v62 =	vmul.f32 v62, v46;
	v7 =	vld.idx.msk [tilespmem:v60+s2+$0x0], $0xffff;
	v3 =	vmul.f32 v3, v42;
	v63 =	vadd.s32 $0x3100, v45  }
0x393: {  	v55 =	vld.idx.msk [tilespmem:v55+s2+$0x0], $0xffff;
	v60 =	vadd.s32 $0x3D40, v48;
	v2 =	vadd.f32 v61, v2;
	v61 =	vadd.s32 $0x4980, v48  }
0x394: {  	v10 =	vld.idx.msk [tilespmem:v10+s2+$0x0], $0xffff;
	v3 =	vadd.f32 v3, v62;
	v62 =	vmul.f32 v54, v41;
	v57 =	vand.u32 $0x7F80, v61  }
0x395: {  	v4 =	vmul.f32 v4, v46;
	v58 =	vld.idx.msk [tilespmem:v58+s2+$0x0], $0xffff;
	v57 =	vor.u32 v52, v57;
	v0 =	vmul.f32 v0, v42  }
0x396: {  	v56 =	vadd.s32 $0x4980, v44;
	v3 =	vadd.f32 v62, v3;
	v6 =	vmul.f32 v11, v40;
	v5 =	vld.idx.msk [tilespmem:v5+s2+$0x0], $0xffff  }
0x397: {  	v11 =	vadd.s32 $0x3D40, v44;
	v8 =	vld.idx.msk [tilespmem:v63+s2+$0x0], $0xffff;
	v0 =	vadd.f32 v0, v4;
	v4 =	vmul.f32 v7, v41  }
0x398: {  	v55 =	vmul.f32 v55, v42;
	v1 =	vmul.f32 v1, v40;
	v53 =	vadd.f32 v6, v3;
	v3 =	vld.idx.msk [tilespmem:v59+s2+$0x0], $0xffff  }
0x399: {  	v10 =	vmul.f32 v10, v46;
	v7 =	vld.idx.msk [tilespmem:v60+s2+$0x0], $0xffff;
	v0 =	vadd.f32 v4, v0;
	v4 =	vadd.s32 $0x4980, v45  }
0x39a: {  	v54 =	vadd.f32 v1, v2;
	v60 =	vadd.s32 $0x3D40, v45;
	v1 =	vld.idx.msk [tilespmem:v57+s2+$0x0], $0xffff  }
0x39b: {  	v9 =	vadd.s32 $0x24C0, v45;
	v61 =	vadd.s32 $0x55C0, v48;
	v63 =	vadd.f32 v55, v10;
	v55 =	vld.idx.msk [tilespmem:v56+s2+$0x0], $0xffff  }
0x39c: {  	v62 =	vadd.s32 $0x6200, v48;
	v56 =	vadd.s32 $0x55C0, v47;
	v6 =	vld.idx.msk [tilespmem:v11+s2+$0x0], $0xffff;
	v5 =	vmul.f32 v5, v41  }
0x39d: {  	v59 =	vadd.s32 $0x55C0, v44;
	v11 =	vand.u32 $0xFF80, v62;
	v3 =	vmul.f32 v3, v42  }
0x39e: {  	v2 =	vadd.f32 v5, v63;
	v5 =	vmul.f32 v8, v40;
	v7 =	vmul.f32 v7, v46;
	v4 =	vld.idx.msk [tilespmem:v4+s2+$0x0], $0xffff  }
0x39f: {  	v11 =	vor.u32 v52, v11;
	v8 =	vld.idx.msk [tilespmem:v60+s2+$0x0], $0xffff;
	v63 =	vmul.f32 v58, v42;
	v1 =	vmul.f32 v1, v46  }
0x3a0: {  	v10 =	vld.idx.msk [tilespmem:v61+s2+$0x0], $0xffff;
	v61 =	vadd.s32 $0x55C0, v45;
	v57 =	vmul.f32 v55, v41;
	v55 =	vadd.s32 $0x7A80, v48  }
0x3a1: {  	v62 =	vld.idx.msk [tilespmem:v56+s2+$0x0], $0xffff;
	v6 =	vmul.f32 v6, v41;
	v7 =	vadd.f32 v63, v7;
	v1 =	vadd.f32 v3, v1  }
0x3a2: {  	v9 =	vld.idx.msk [tilespmem:v9+s2+$0x0], $0xffff;
	v55 =	vand.u32 $0xFF80, v55;
	v58 =	vadd.s32 $0x6200, v47;
	v60 =	vadd.s32 $0x6200, v44  }
0x3a3: {  	v59 =	vld.idx.msk [tilespmem:v59+s2+$0x0], $0xffff;
	v6 =	vadd.f32 v6, v7;
	v1 =	vadd.f32 v57, v1;
	v4 =	vmul.f32 v4, v40  }
0x3a4: {  	v57 =	vadd.f32 v5, v2;
	v5 =	vor.u32 v52, v55;
	v7 =	vmul.f32 v8, v40;
	v8 =	vld.idx.msk [tilespmem:v11+s2+$0x0], $0xffff  }
0x3a5: {  	v11 =	vadd.s32 $0x6200, v45;
	v55 =	vadd.f32 v4, v1;
	v1 =	vld.idx.msk [tilespmem:v61+s2+$0x0], $0xffff;
	v4 =	vadd.s32 $0x7A80, v47  }
0x3a6: {  	v13 =	vadd.f32 v7, v6;
	v6 =	vmul.f32 v10, v46;
	v7 =	vmul.f32 v62, v42  }
0x3a7: {  	v3 =	vld.idx.msk [tilespmem:v58+s2+$0x0], $0xffff;
	v61 =	vadd.s32 $0x7A80, v44  }
0x3a8: {  	v2 =	vld.idx.msk [tilespmem:v60+s2+$0x0], $0xffff;
	v6 =	vadd.f32 v7, v6;
	v7 =	vmul.f32 v59, v41  }
0x3a9: {  	v9 =	vmul.f32 v9, v40;
	v56 =	vadd.s32 $0x6E40, v47;
	v5 =	vld.idx.msk [tilespmem:v5+s2+$0x0], $0xffff  }
0x3aa: {  	v63 =	vadd.s32 $0x6E40, v48;
	v6 =	vadd.f32 v7, v6;
	v1 =	vmul.f32 v1, v40;
	v4 =	vld.idx.msk [tilespmem:v4+s2+$0x0], $0xffff  }
0x3ab: {  	v58 =	vadd.f32 v9, v0;
	v10 =	vadd.s32 $0x6E40, v44;
	v9 =	vld.idx.msk [tilespmem:v11+s2+$0x0], $0xffff;
	v8 =	vmul.f32 v8, v46  }
0x3ac: {  	v3 =	vmul.f32 v3, v42;
	v60 =	vadd.f32 v1, v6;
	v1 =	vld.idx.msk [tilespmem:v61+s2+$0x0], $0xffff;
	v61 =	vadd.s32 $0x9300, v48  }
0x3ad: {  	v62 =	vadd.s32 $0x6E40, v45;
	v61 =	vand.u32 $0xBF80, v61  }
0x3ae: {  	v56 =	vld.idx.msk [tilespmem:v56+s2+$0x0], $0xffff;
	v2 =	vmul.f32 v2, v41;
	v3 =	vadd.f32 v3, v8;
	v61 =	vor.u32 v52, v61  }
0x3af: {  	v11 =	vld.idx.msk [tilespmem:v63+s2+$0x0], $0xffff;
	v5 =	vmul.f32 v5, v46;
	v4 =	vmul.f32 v4, v42  }
0x3b0: {  	v2 =	vadd.f32 v2, v3;
	v59 =	vmul.f32 v9, v40  }
0x3b1: {  	v9 =	vld.idx.msk [tilespmem:v10+s2+$0x0], $0xffff;
	v10 =	vadd.s32 $0x7A80, v45;
	v4 =	vadd.f32 v4, v5;
	v1 =	vmul.f32 v1, v41  }
0x3b2: {  	v7 =	vadd.s32 $0x86C0, v47;
	v59 =	vadd.f32 v59, v2;
	v2 =	vld.idx.msk [tilespmem:v62+s2+$0x0], $0xffff  }
0x3b3: {  	v8 =	vadd.s32 $0x86C0, v48;
	v1 =	vadd.f32 v1, v4;
	v4 =	vld.idx.msk [tilespmem:v61+s2+$0x0], $0xffff  }
0x3b4: {  	v56 =	vmul.f32 v56, v42;
	v11 =	vmul.f32 v11, v46;
	v62 =	vadd.s32 $0x9300, v47;
	v61 =	vld [tilespmem:$0x1FFC0]  }
0x3b5: {  	v6 =	vadd.s32 $0x86C0, v44  }
0x3b6: {  	v3 =	vadd.s32 $0x86C0, v45;
	v11 =	vadd.f32 v56, v11;
	v9 =	vmul.f32 v9, v41;
	v10 =	vld.idx.msk [tilespmem:v10+s2+$0x0], $0xffff  }
0x3b7: {  	v7 =	vld.idx.msk [tilespmem:v7+s2+$0x0], $0xffff;
	v56 =	vadd.s32 $0x9300, v44  }
0x3b8: {  	v8 =	vld.idx.msk [tilespmem:v8+s2+$0x0], $0xffff;
	v9 =	vadd.f32 v9, v11;
	v11 =	vadd.s32 $0x9F40, v47  }
0x3b9: {  	v37 =	vadd.f32 v37, v61;
	v61 =	vld.idx.msk [tilespmem:v62+s2+$0x0], $0xffff;
	v62 =	vadd.s32 $0x9300, v45  }
0x3ba: {  	v5 =	vld.idx.msk [tilespmem:v6+s2+$0x0], $0xffff;
	v6 =	vadd.s32 $0x9F40, v48  }
0x3bb: {  	v3 =	vld.idx.msk [tilespmem:v3+s2+$0x0], $0xffff;
	v10 =	vmul.f32 v10, v40  }
0x3bc: {  	v49 =	vadd.s32 $0x7A80, v28;
	v7 =	vmul.f32 v7, v42;
	v56 =	vld.idx.msk [tilespmem:v56+s2+$0x0], $0xffff  }
0x3bd: {  	v8 =	vmul.f32 v8, v46;
	v1 =	vadd.f32 v10, v1;
	v10 =	vld.idx.msk [tilespmem:v11+s2+$0x0], $0xffff;
	v4 =	vmul.f32 v4, v46  }
0x3be: {  	(erf) = vrcp.f32 v37;
	v37 =	vadd.s32 $0x9F40, v44;
	v11 =	vld.idx.msk [tilespmem:v62+s2+$0x0], $0xffff;
	v61 =	vmul.f32 v61, v42  }
0x3bf: {  	v7 =	vadd.f32 v7, v8;
	v6 =	vld.idx.msk [tilespmem:v6+s2+$0x0], $0xffff  }
0x3c0: {  	v5 =	vmul.f32 v5, v41;
	v4 =	vadd.f32 v61, v4;
	v61 =	vadd.s32 $0xAB80, v47  }
0x3c1: {  	v0 =	vadd.s32 $0xAB80, v48;
	v63 =	vadd.s32 $0x86C0, v29;
	v56 =	vmul.f32 v56, v41  }
0x3c2: {  	v12 =	vld.idx.msk [tilespmem:v49+s2+$0x0], $0xffff;
	v8 =	vadd.s32 $0x86C0, v27;
	v3 =	vmul.f32 v3, v40;
	v5 =	vadd.f32 v5, v7  }
0x3c3: {  	v7 =	vand.u32 $0xFF80, v0;
	v0 =	vld.idx.msk [tilespmem:v37+s2+$0x0], $0xffff;
	v4 =	vadd.f32 v56, v4;
	v11 =	vmul.f32 v11, v40  }
0x3c4: {  	v51 =	vadd.s32 $0x86C0, v30;
	v3 =	vadd.f32 v3, v5;
	v5 =	vmul.f32 v6, v46;
	v56 =	vld [tilespmem:$0x1FFB0]  }
0x3c5: {  	v6 =	vmul.f32 v10, v42;
	v62 =	vadd.s32 $0x9F40, v45;
	v4 =	vadd.f32 v11, v4;
	v11 =	vld.idx.msk [tilespmem:v61+s2+$0x0], $0xffff  }
0x3c6: {  	v7 =	vor.u32 v52, v7;
	v61 =	vld [tilespmem:$0x1FFA0]  }
0x3c7: {  	v49 =	vld.idx.msk [tilespmem:v63+s2+$0x0], $0xffff;
	v5 =	vadd.f32 v6, v5;
	v6 =	vadd.s32 $0xB7C0, v48  }
0x3c8: {  	v8 =	vld.idx.msk [tilespmem:v8+s2+$0x0], $0xffff;
	v10 =	vadd.s32 $0x9300, v27  }
0x3c9: {  	v37 =	vld.idx.msk [tilespmem:v51+s2+$0x0], $0xffff;
	v47 =	vadd.s32 $0xB7C0, v47;
	v39 =	vadd.f32 v39, v56  }
0x3ca: {  	v51 =	vld.idx.msk [tilespmem:v62+s2+$0x0], $0xffff;
	v62 =	vadd.s32 $0xB7C0, v44;
	v48 =	vpop (erf);
	v0 =	vmul.f32 v0, v41  }
0x3cb: {  	v7 =	vld.idx.msk [tilespmem:v7+s2+$0x0], $0xffff;
	v56 =	vadd.s32 $0xAB80, v44;
	v39 =	vmul.f32 v48, v39;
	v38 =	vadd.f32 v38, v61  }
0x3cc: {  	v2 =	vmul.f32 v2, v40;
	v6 =	vld.idx.msk [tilespmem:v6+s2+$0x0], $0xffff;
	v0 =	vadd.f32 v0, v5;
	v5 =	vadd.s32 $0xAB80, v45  }
0x3cd: {  	v10 =	vld.idx.msk [tilespmem:v10+s2+$0x0], $0xffff;
	v45 =	vadd.s32 $0xB7C0, v45;
	v39 =	vmul.f32 $2.500000000e-01, v39;
	v38 =	vmul.f32 v48, v38  }
0x3ce: {  	v34 =	vmul.f32 v34, v18;
	v2 =	vadd.f32 v2, v9;
	v9 =	vadd.s32 $0x86C0, v28;
	v47 =	vld.idx.msk [tilespmem:v47+s2+$0x0], $0xffff  }
0x3cf: {  	v8 =	vmul.f32 v8, v22;
	v62 =	vld.idx.msk [tilespmem:v62+s2+$0x0], $0xffff;
	v39 =	vmax.f32 v39, $0.0e+00;
	v38 =	vmul.f32 $2.500000000e-01, v38  }
0x3d0: {  	v7 =	vmul.f32 v7, v46;
	v63 =	vmul.f32 v51, v40;
	v51 =	vld.idx.msk [tilespmem:v56+s2+$0x0], $0xffff;
	v44 =	vmin.f32 v39, $5.500000000e+01  }
0x3d1: {  	v6 =	vmul.f32 v6, v46;
	v5 =	vld.idx.msk [tilespmem:v5+s2+$0x0], $0xffff;
	v39 =	vtrunc.f32 v44;
	v38 =	vmax.f32 v38, $0.0e+00  }
0x3d2: {  	v61 =	vadd.s32 $0x9300, v28;
	v56 =	vcvt.f32.s32 v39;
	v39 =	vmin.f32 v38, $5.500000000e+01;
	v38 =	vld.idx.msk [tilespmem:v45+s2+$0x0], $0xffff;
	[tilespmem:s26+$0xFFFFE090] =	vst v50  }
0x3d3: {  	v52 =	vadd.s32 $0x9300, v29;
	v11 =	vmul.f32 v11, v42;
	v47 =	vmul.f32 v47, v42;
	[tilespmem:s26+$0xFFFFE490] =	vst v54  }
0x3d4: {  	v10 =	vmul.f32 v10, v22;
	v0 =	vadd.f32 v63, v0;
	v48 =	vadd.s32 $0x9F40, v30;
	[tilespmem:s26+$0xFFFFE890] =	vst v53  }
0x3d5: {  	v7 =	vadd.f32 v11, v7;
	v11 =	vadd.s32 $0x9F40, v29;
	v6 =	vadd.f32 v47, v6;
	[tilespmem:s26+$0xFFFFEC90] =	vst v58  }
0x3d6: {  	v50 =	vadd.s32 $0x9F40, v27;
	v54 =	vadd.s32 $0xAB80, v29;
	v58 =	vadd.s32 $0xAB80, v27;
	[tilespmem:s26+$0xFFFFF090] =	vst v57  }
0x3d7: {  	v53 =	vld.idx.msk [tilespmem:v61+s2+$0x0], $0xffff;
	v61 =	vadd.s32 $0xAB80, v28;
	v57 =	vadd.s32 $0xB7C0, v30;
	[tilespmem:s26+$0xFFFFF490] =	vst v13;
	v13 =	vadd.s32 $0xB7C0, v29  }
0x3d8: {  	v9 =	vld.idx.msk [tilespmem:v9+s2+$0x0], $0xffff;
	v29 =	vmul.f32 v51, v41;
	v63 =	vtrunc.f32 v39;
	vm14 =	vgt.s32 v56, $0x0  }
0x3d9: {  	v46 =	vld.idx.msk [tilespmem:v43+s2+$0x0], $0xffff;
	v27 =	vadd.s32 $0xB7C0, v27;
	v43 =	vcvt.f32.s32 v63;
	v63 =	vnsel vm14, $0x0, v56  }
0x3da: {  	v51 =	vadd.s32 $0xB7C0, v28;
	[tilespmem:s26+$0xFFFFFC90] =	vst v60;
	v60 =	vld.idx.msk [tilespmem:v35+s2+$0x0], $0xffff;
	v35 =	vmul.f32 v62, v41;
	v45 =	vmin.u32 v63, $0x37  }
0x3db: {  	v52 =	vld.idx.msk [tilespmem:v52+s2+$0x0], $0xffff;
	v5 =	vmul.f32 v5, v40;
	vm15 =	vgt.s32 v43, $0x0;
	v42 =	vcvt.s32.f32 v45  }
0x3dc: {  	v48 =	vld.idx.msk [tilespmem:v48+s2+$0x0], $0xffff;
	v62 =	vmul.f32 v37, v24;
	v56 =	vadd.s32 $0x9F40, v28;
	v43 =	vnsel vm15, $0x0, v43  }
0x3dd: {  	v11 =	vld.idx.msk [tilespmem:v11+s2+$0x0], $0xffff;
	[tilespmem:s26+$0xFFFFF890] =	vst v55;
	v7 =	vadd.f32 v29, v7;
	v63 =	vmin.u32 v43, $0x37;
	v30 =	vadd.f32 $1.000000000e+00, v42  }
0x3de: {  	[tilespmem:s26+$0x90] =	vst v59;
	v6 =	vadd.f32 v35, v6;
	v35 =	vadd.f32 v32, v31;
	v50 =	vld.idx.msk [tilespmem:v50+s2+$0x0], $0xffff;
	v43 =	vcvt.s32.f32 v63  }
0x3df: {  	[tilespmem:s26+$0x490] =	vst v2;
	v5 =	vadd.f32 v5, v7;
	v41 =	vld.idx.msk [tilespmem:v54+s2+$0x0], $0xffff;
	v54 =	vmul.u32 $0x38, v45;
	v55 =	vmin.f32 v30, $5.500000000e+01  }
0x3e0: {  	[tilespmem:s26+$0x890] =	vst v1;
	v45 =	vld.idx.msk [tilespmem:v58+s2+$0x0], $0xffff;
	v38 =	vmul.f32 v38, v40;
	v28 =	vadd.f32 $1.000000000e+00, v43;
	v29 =	vtrunc.f32 v55  }
0x3e1: {  	[tilespmem:s26+$0xC90] =	vst v3;
	v47 =	vld.idx.msk [tilespmem:v61+s2+$0x0], $0xffff;
	v48 =	vmul.f32 v48, v24;
	v30 =	vadd.s32 v63, v54;
	v29 =	vcvt.f32.s32 v29  }
0x3e2: {  	v3 =	vld.idx.msk [tilespmem:v57+s2+$0x0], $0xffff;
	[tilespmem:s26+$0x1890] =	vst v5;
	v6 =	vadd.f32 v38, v6;
	v5 =	vadd.s32 $0xC40, v30;
	v2 =	vmin.f32 v28, $5.500000000e+01  }
0x3e3: {  	[tilespmem:s26+$0x1090] =	vst v4;
	v4 =	vld.idx.msk [tilespmem:v13+s2+$0x0], $0xffff;
	v37 =	vadd.s32 $0x24C0, v30;
	v58 =	vtrunc.f32 v2;
	v59 =	vmul.u32 $0x38, v29  }
0x3e4: {  	[tilespmem:s26+$0x1490] =	vst v0;
	v32 =	vadd.f32 v34, v33;
	v7 =	vld.idx.msk [tilespmem:v27+s2+$0x0], $0xffff;
	v11 =	vmul.f32 v11, v23;
	v1 =	vcvt.f32.s32 v58  }
0x3e5: {  	v13 =	vmul.f32 v49, v23;
	v56 =	vld.idx.msk [tilespmem:v56+s2+$0x0], $0xffff;
	[tilespmem:s26+$0x1C90] =	vst v6;
	v29 =	vadd.s32 v63, v59  }
0x3e6: {  	v11 =	vadd.f32 v11, v48;
	v50 =	vmul.f32 v50, v22;
	v6 =	vld.idx.msk [tilespmem:v30+s2+$0x0], $0xffff;
	v28 =	vadd.s32 v1, v54  }
0x3e7: {  	v61 =	vmul.f32 v12, v18;
	v42 =	vsub.f32 v44, v42;
	v5 =	vld.idx.msk [tilespmem:v5+s2+$0x0], $0xffff;
	v27 =	vadd.s32 v1, v59  }
0x3e8: {  	v0 =	vadd.f32 v13, v62;
	v11 =	vadd.f32 v50, v11;
	v50 =	vld.idx.msk [tilespmem:v37+s2+$0x0], $0xffff;
	v12 =	vadd.s32 $0xC40, v29  }
0x3e9: {  	v31 =	vadd.f32 v61, v36;
	v61 =	vmul.f32 v52, v23;
	v1 =	vld.idx.msk [tilespmem:v51+s2+$0x0], $0xffff;
	v62 =	vadd.s32 $0x1880, v29  }
0x3ea: {  	v34 =	vand.u32 $0x7F, v30;
	v0 =	vadd.f32 v8, v0;
	[tilespmem:s26+$0xFFFFF420] =	vst v21;
	v21 =	vadd.s32 $0x9F40, v30;
	v33 =	vld.idx.msk [tilespmem:v29+s2+$0x0], $0xffff  }
0x3eb: {  	v8 =	vmul.f32 v9, v18;
	v55 =	vsub.f32 v55, v44;
	v63 =	vadd.s32 $0xC40, v28;
	v49 =	vld.idx.msk [tilespmem:v28+s2+$0x0], $0xffff  }
0x3ec: {  	v41 =	vmul.f32 v41, v23;
	v45 =	vmul.f32 v45, v22;
	v57 =	vadd.s32 $0xC40, v27;
	v13 =	vld.idx.msk [tilespmem:v27+s2+$0x0], $0xffff  }
0x3ed: {  	v3 =	vmul.f32 v3, v24;
	v4 =	vmul.f32 v4, v23;
	v36 =	vadd.s32 $0x1880, v27;
	v9 =	vld.idx.msk [tilespmem:v12+s2+$0x0], $0xffff  }
0x3ee: {  	v54 =	vadd.s32 $0x1880, v30;
	v59 =	vmul.f32 v46, v24;
	[tilespmem:s26+$0xFFFFE820] =	vst v17;
	v17 =	vadd.s32 $0x9300, v27;
	v48 =	vld.idx.msk [tilespmem:v62+s2+$0x0], $0xffff  }
0x3ef: {  	v7 =	vmul.f32 v7, v22;
	[tilespmem:s26+$0xFFFFFC20] =	vst v25;
	v58 =	vand.u32 $0x3F80, v54;
	v25 =	vadd.s32 $0x9F40, v28;
	v21 =	vld.idx.msk [tilespmem:v21+s2+$0x0], $0xffff  }
0x3f0: {  	v38 =	vor.u32 v34, v58;
	v40 =	vadd.f32 v61, v59;
	v61 =	vadd.s32 $0x3100, v30;
	v46 =	vld.idx.msk [tilespmem:v63+s2+$0x0], $0xffff  }
0x3f1: {  	v2 =	vsub.f32 v2, v39;
	v51 =	vadd.s32 $0x24C0, v28;
	v54 =	vand.u32 $0x7F80, v61;
	v52 =	vld.idx.msk [tilespmem:v57+s2+$0x0], $0xffff  }
0x3f2: {  	v3 =	vadd.f32 v4, v3;
	v61 =	vadd.s32 $0x3D40, v29;
	v54 =	vor.u32 v34, v54;
	v59 =	vld.idx.msk [tilespmem:v36+s2+$0x0], $0xffff  }
0x3f3: {  	v10 =	vadd.f32 v10, v40;
	v40 =	vmul.f32 v53, v18;
	v62 =	vmul.f32 v60, v24;
	v17 =	vld.idx.msk [tilespmem:v17+s2+$0x0], $0xffff  }
0x3f4: {  	v12 =	vadd.s32 $0x1880, v28;
	v60 =	vadd.s32 $0x3100, v28;
	v63 =	vadd.s32 $0x24C0, v29;
	v25 =	vld.idx.msk [tilespmem:v25+s2+$0x0], $0xffff  }
0x3f5: {  	v57 =	vadd.s32 $0x24C0, v27;
	v36 =	vmul.f32 v56, v18;
	v53 =	vld.idx.msk [tilespmem:v38+s2+$0x0], $0xffff;
	v41 =	vadd.f32 v41, v62  }
0x3f6: {  	v56 =	vadd.s32 $0x3100, v29;
	v38 =	vadd.f32 v8, v0;
	v0 =	vld.idx.msk [tilespmem:v51+s2+$0x0], $0xffff;
	v62 =	vadd.s32 $0x4980, v30  }
0x3f7: {  	v37 =	vadd.f32 v40, v10;
	v23 =	vand.u32 $0x7F80, v62;
	v10 =	vadd.f32 v45, v41;
	v45 =	vld.idx.msk [tilespmem:v54+s2+$0x0], $0xffff  }
0x3f8: {  	v24 =	vmul.f32 v2, v42;
	v44 =	vor.u32 v34, v23;
	v23 =	vmul.f32 v55, v2;
	v2 =	vld.idx.msk [tilespmem:v61+s2+$0x0], $0xffff  }
0x3f9: {  	v8 =	vadd.s32 $0x3100, v27;
	v12 =	vld.idx.msk [tilespmem:v12+s2+$0x0], $0xffff  }
0x3fa: {  	v3 =	vadd.f32 v7, v3;
	v1 =	vmul.f32 v1, v18;
	v41 =	vadd.s32 $0x3D40, v30;
	v58 =	vld.idx.msk [tilespmem:v63+s2+$0x0], $0xffff  }
0x3fb: {  	v36 =	vadd.f32 v36, v11;
	v54 =	vadd.s32 $0x3D40, v28;
	v11 =	vld.idx.msk [tilespmem:v57+s2+$0x0], $0xffff  }
0x3fc: {  	v1 =	vadd.f32 v1, v3;
	v51 =	vld.idx.msk [tilespmem:v56+s2+$0x0], $0xffff  }
0x3fd: {  	v61 =	vsub.f32 v39, v43;
	v39 =	vadd.s32 $0x4980, v27;
	v62 =	vmul.f32 v33, v24;
	v56 =	vld.idx.msk [tilespmem:v60+s2+$0x0], $0xffff  }
0x3fe: {  	v9 =	vmul.f32 v9, v24;
	v48 =	vmul.f32 v48, v24;
	v57 =	vadd.s32 $0x3D40, v27;
	v8 =	vld.idx.msk [tilespmem:v8+s2+$0x0], $0xffff  }
0x3ff: {  	v63 =	vmul.f32 v47, v18;
	v60 =	vadd.s32 $0x4980, v28;
	v6 =	vmul.f32 v6, v23;
	v4 =	vld.idx.msk [tilespmem:v41+s2+$0x0], $0xffff  }
0x400: {  	v33 =	vmul.f32 v55, v61;
	v22 =	vmul.f32 v42, v61;
	v47 =	vadd.s32 $0x55C0, v28;
	v43 =	vld.idx.msk [tilespmem:v54+s2+$0x0], $0xffff  }
0x401: {  	v55 =	vadd.s32 $0x6200, v30;
	v5 =	vmul.f32 v5, v23;
	v61 =	vadd.s32 $0x6E40, v30;
	v42 =	vld.idx.msk [tilespmem:v44+s2+$0x0], $0xffff  }
0x402: {  	v55 =	vand.u32 $0xFF80, v55;
	v40 =	vadd.f32 v63, v10;
	v63 =	vadd.s32 $0x4980, v29;
	v7 =	vld.idx.msk [tilespmem:v39+s2+$0x0], $0xffff  }
0x403: {  	v53 =	vmul.f32 v53, v23;
	v6 =	vadd.f32 v62, v6;
	v18 =	vor.u32 v34, v55;
	v54 =	vld.idx.msk [tilespmem:v57+s2+$0x0], $0xffff  }
0x404: {  	v49 =	vmul.f32 v49, v33;
	v13 =	vmul.f32 v13, v22;
	v55 =	vadd.s32 $0x6200, v28;
	v60 =	vld.idx.msk [tilespmem:v60+s2+$0x0], $0xffff  }
0x405: {  	v5 =	vadd.f32 v9, v5;
	v9 =	vmul.f32 v46, v33;
	v39 =	vadd.s32 $0x6200, v29;
	v47 =	vld.idx.msk [tilespmem:v47+s2+$0x0], $0xffff  }
0x406: {  	v62 =	vadd.s32 $0x6E40, v28;
	v0 =	vmul.f32 v0, v33;
	v44 =	vadd.s32 $0x55C0, v29;
	v3 =	vld.idx.msk [tilespmem:v61+s2+$0x0], $0xffff  }
0x407: {  	v41 =	vadd.f32 v48, v53;
	v12 =	vmul.f32 v12, v33;
	v57 =	vadd.s32 $0x55C0, v30;
	v10 =	vld.idx.msk [tilespmem:v63+s2+$0x0], $0xffff  }
0x408: {  	v53 =	vadd.s32 $0x6E40, v29;
	v45 =	vmul.f32 v45, v23;
	v6 =	vadd.f32 v49, v6;
	v48 =	vld.idx.msk [tilespmem:v18+s2+$0x0], $0xffff  }
0x409: {  	v5 =	vadd.f32 v9, v5;
	v51 =	vmul.f32 v51, v24;
	v12 =	vadd.f32 v12, v41;
	v55 =	vld.idx.msk [tilespmem:v55+s2+$0x0], $0xffff  }
0x40a: {  	v41 =	vadd.f32 v13, v6;
	v13 =	vmul.f32 v50, v23;
	v9 =	vld.idx.msk [tilespmem:v39+s2+$0x0], $0xffff;
	v39 =	vadd.s32 $0x7A80, v30  }
0x40b: {  	v63 =	vadd.s32 $0x55C0, v27;
	v44 =	vld.idx.msk [tilespmem:v44+s2+$0x0], $0xffff;
	v18 =	vand.u32 $0xFF80, v39;
	v39 =	vmul.f32 v52, v22  }
0x40c: {  	v6 =	vadd.s32 $0x7A80, v29;
	v50 =	vmul.f32 v58, v24;
	v52 =	vmul.f32 v59, v22;
	v49 =	vld.idx.msk [tilespmem:v57+s2+$0x0], $0xffff  }
0x40d: {  	v45 =	vadd.f32 v51, v45;
	v51 =	vadd.s32 $0x86C0, v28;
	v39 =	vadd.f32 v39, v5;
	v5 =	vld.idx.msk [tilespmem:v53+s2+$0x0], $0xffff  }
0x40e: {  	v13 =	vadd.f32 v50, v13;
	v59 =	vor.u32 v34, v18;
	v18 =	vadd.f32 v52, v12;
	v52 =	vld.idx.msk [tilespmem:v62+s2+$0x0], $0xffff  }
0x40f: {  	[tilespmem:s26+$0x20] =	vst v35;
	v35 =	vadd.s32 $0x9F40, v27;
	v2 =	vmul.f32 v2, v24;
	v12 =	vadd.s32 $0x7A80, v28;
	v62 =	vld [tilespmem:$0x1FF00]  }
0x410: {  	v11 =	vmul.f32 v11, v22;
	v0 =	vadd.f32 v0, v13;
	v46 =	vld.idx.msk [tilespmem:v63+s2+$0x0], $0xffff;
	v63 =	vadd.s32 $0x6E40, v27  }
0x411: {  	[tilespmem:s26+$0xFFFFE420] =	vst v19;
	v61 =	vadd.s32 $0x86C0, v30;
	v19 =	vmul.f32 v56, v33;
	v56 =	vadd.s32 $0x86C0, v27;
	v6 =	vld.idx.msk [tilespmem:v6+s2+$0x0], $0xffff  }
0x412: {  	v4 =	vmul.f32 v4, v23;
	v53 =	vadd.s32 $0x7A80, v27;
	v0 =	vadd.f32 v11, v0;
	v11 =	vld.idx.msk [tilespmem:v51+s2+$0x0], $0xffff  }
0x413: {  	v8 =	vmul.f32 v8, v22;
	v7 =	vmul.f32 v7, v22;
	v57 =	vadd.s32 $0x6200, v27;
	v50 =	vld.idx.msk [tilespmem:v59+s2+$0x0], $0xffff  }
0x414: {  	v2 =	vadd.f32 v2, v4;
	v51 =	vmul.f32 v42, v23;
	v10 =	vmul.f32 v10, v24;
	v12 =	vld.idx.msk [tilespmem:v12+s2+$0x0], $0xffff  }
0x415: {  	v44 =	vmul.f32 v44, v24;
	v59 =	vadd.s32 $0x86C0, v29;
	[tilespmem:s26+$0xFFFFE020] =	vst v62;
	v62 =	vadd.s32 $0x9300, v30;
	v58 =	vld.idx.msk [tilespmem:v63+s2+$0x0], $0xffff  }
0x416: {  	v62 =	vand.u32 $0xBF80, v62;
	v63 =	vadd.f32 v19, v45;
	v19 =	vld.idx.msk [tilespmem:v61+s2+$0x0], $0xffff;
	v61 =	vadd.s32 $0x9300, v29  }
0x417: {  	v9 =	vmul.f32 v9, v24;
	v10 =	vadd.f32 v10, v51;
	v13 =	vld.idx.msk [tilespmem:v53+s2+$0x0], $0xffff;
	v53 =	vor.u32 v34, v62  }
0x418: {  	[tilespmem:s26+$0xFFFFF020] =	vst v20;
	v20 =	vld.idx.msk [tilespmem:v56+s2+$0x0], $0xffff;
	v62 =	vadd.s32 $0x9300, v28;
	v8 =	vadd.f32 v8, v63;
	v63 =	vmul.f32 v43, v33  }
0x419: {  	[tilespmem:s26+$0xFFFFEC20] =	vst v16;
	v57 =	vld.idx.msk [tilespmem:v57+s2+$0x0], $0xffff;
	v6 =	vmul.f32 v6, v24;
	v11 =	vmul.f32 v11, v33;
	v43 =	vadd.s32 $0x9F40, v29  }
0x41a: {  	[tilespmem:s26+$0xFFFFF820] =	vst v26;
	v16 =	vld.idx.msk [tilespmem:v59+s2+$0x0], $0xffff;
	v59 =	vadd.s32 $0xAB80, v29;
	v2 =	vadd.f32 v63, v2;
	v63 =	vmul.f32 v49, v23  }
0x41b: {  	[tilespmem:s26+$0x420] =	vst v32;
	v29 =	vadd.s32 $0xB7C0, v29;
	v49 =	vmul.f32 v55, v33;
	v12 =	vmul.f32 v12, v33;
	v4 =	vld.idx.msk [tilespmem:v61+s2+$0x0], $0xffff  }
0x41c: {  	[tilespmem:s26+$0x820] =	vst v31;
	v61 =	vadd.s32 $0xAB80, v30;
	v30 =	vadd.s32 $0xB7C0, v30;
	v19 =	vmul.f32 v19, v23;
	v42 =	vld.idx.msk [tilespmem:v53+s2+$0x0], $0xffff  }
0x41d: {  	[tilespmem:s26+$0xC20] =	vst v38;
	v38 =	vmul.f32 v58, v22;
	v26 =	vld.idx.msk [tilespmem:v62+s2+$0x0], $0xffff;
	v45 =	vand.u32 $0xFF80, v61;
	v62 =	vmul.f32 v60, v33  }
0x41e: {  	[tilespmem:s26+$0x1020] =	vst v37;
	v60 =	vadd.s32 $0xAB80, v28;
	v32 =	vadd.f32 v44, v63;
	v61 =	vmul.f32 v47, v33;
	v31 =	vld.idx.msk [tilespmem:v43+s2+$0x0], $0xffff  }
0x41f: {  	[tilespmem:s26+$0x1C20] =	vst v1;
	v63 =	vmul.f32 v46, v22;
	v28 =	vadd.s32 $0xB7C0, v28;
	v10 =	vadd.f32 v62, v10;
	v37 =	vld.idx.msk [tilespmem:v59+s2+$0x0], $0xffff  }
0x420: {  	v46 =	vmul.f32 v3, v23;
	v47 =	vmul.f32 v5, v24;
	v34 =	vor.u32 v34, v45;
	v29 =	vld.idx.msk [tilespmem:v29+s2+$0x0], $0xffff  }
0x421: {  	[tilespmem:s26+$0x1420] =	vst v36;
	v45 =	vmul.f32 v54, v22;
	v62 =	vadd.s32 $0xAB80, v27;
	v7 =	vadd.f32 v7, v10;
	v10 =	vld.idx.msk [tilespmem:v35+s2+$0x0], $0xffff  }
0x422: {  	[tilespmem:s26+$0x1820] =	vst v40;
	v44 =	vmul.f32 v21, v23;
	v32 =	vadd.f32 v61, v32;
	v27 =	vadd.s32 $0xB7C0, v27;
	v30 =	vld.idx.msk [tilespmem:v30+s2+$0x0], $0xffff  }
0x423: {  	v16 =	vmul.f32 v16, v24;
	v2 =	vadd.f32 v45, v2;
	v45 =	vmul.f32 v48, v23;
	v5 =	vld.idx.msk [tilespmem:v60+s2+$0x0], $0xffff  }
0x424: {  	v1 =	vadd.f32 v47, v46;
	v32 =	vadd.f32 v63, v32;
	v63 =	vmul.f32 v50, v23;
	v28 =	vld.idx.msk [tilespmem:v28+s2+$0x0], $0xffff  }
0x425: {  	v61 =	vmul.f32 v57, v22;
	v40 =	vadd.f32 v16, v19;
	v9 =	vadd.f32 v9, v45;
	v34 =	vld.idx.msk [tilespmem:v34+s2+$0x0], $0xffff  }
0x426: {  	v43 =	vmul.f32 v26, v33;
	v45 =	vmul.f32 v17, v22;
	v6 =	vadd.f32 v6, v63;
	v60 =	vld.idx.msk [tilespmem:v62+s2+$0x0], $0xffff  }
0x427: {  	v62 =	vmul.f32 v52, v33;
	v9 =	vadd.f32 v49, v9;
	v27 =	vld.idx.msk [tilespmem:v27+s2+$0x0], $0xffff;
	[tilespmem:s26+$0xFFFFE0A0] =	vst v41  }
0x428: {  	[tilespmem:s26+$0xFFFFE4A0] =	vst v39;
	v41 =	vmul.f32 v20, v22;
	v50 =	vmul.f32 v29, v24;
	v6 =	vadd.f32 v12, v6  }
0x429: {  	[tilespmem:s26+$0xFFFFE8A0] =	vst v18;
	v12 =	vmul.f32 v13, v22;
	v13 =	vmul.f32 v42, v23;
	v1 =	vadd.f32 v62, v1  }
0x42a: {  	[tilespmem:s26+$0xFFFFECA0] =	vst v0;
	v42 =	vmul.f32 v4, v24;
	v3 =	vadd.f32 v61, v9;
	v9 =	vadd.f32 v11, v40  }
0x42b: {  	[tilespmem:s26+$0xFFFFF0A0] =	vst v8;
	v49 =	vmul.f32 v30, v23;
	v6 =	vadd.f32 v12, v6;
	v12 =	vmul.f32 v31, v24  }
0x42c: {  	[tilespmem:s26+$0xFFFFF4A0] =	vst v2;
	v0 =	vadd.f32 v42, v13;
	v13 =	vmul.f32 v25, v33;
	v5 =	vmul.f32 v5, v33  }
0x42d: {  	[tilespmem:s26+$0xFFFFF8A0] =	vst v7;
	v53 =	vmul.f32 v28, v33;
	v1 =	vadd.f32 v38, v1;
	v47 =	vmul.f32 v34, v23  }
0x42e: {  	v56 =	vld [tilespmem:$0x1FFE0];
	[tilespmem:s26+$0xFFFFFCA0] =	vst v32;
	v4 =	vadd.f32 v50, v49;
	v46 =	vadd.f32 v12, v44;
	v12 =	vmul.f32 v37, v24  }
0x42f: {  	v55 =	vld [tilespmem:$0x1FFD0];
	v9 =	vadd.f32 v41, v9;
	[tilespmem:s26+$0xA0] =	vst v3;
	v0 =	vadd.f32 v43, v0;
	v59 =	vmul.f32 v60, v22  }
0x430: {  	s25 =	sadd.s32 $0x2, s25;
	v57 =	vld [tilespmem:$0x1FFF0];
	[tilespmem:s26+$0x8A0] =	vst v6;
	v61 =	vmul.f32 v27, v22;
	v60 =	vadd.f32 v53, v4;
	v11 =	vadd.f32 v12, v47  }
0x431: {  	p0 =	slt.u32 s25, $0x6;
	v63 =	vld [tilespmem:$0x1FF10];
	v52 =	vmul.f32 v10, v22;
	[tilespmem:s26+$0x4A0] =	vst v1;
	v2 =	vadd.f32 v13, v46;
	v0 =	vadd.f32 v45, v0  }
.Ltmp1:
0x432: {  	[tilespmem:s26+$0xCA0] =	vst v9;
	v62 =	vadd.f32 v61, v60;
	v58 =	vadd.f32 v5, v11;
	(pc) =	sbr.rel @p0 .LBB2_6-.Ltmp1, $4  }
0x433: {  	v2 =	vadd.f32 v52, v2;
	[tilespmem:s26+$0x10A0] =	vst v0  }
0x434: {  	v51 =	vld [tilespmem:$0x1FFB0];
	[tilespmem:s26+$0x1CA0] =	vst v62;
	v1 =	vadd.f32 v59, v58  }
0x435: {  	v54 =	vld [tilespmem:$0x1FFA0];
	v12 =	vadd.f32 v14, v55;
	[tilespmem:s26+$0x14A0] =	vst v2  }
0x436: {  	v48 =	vld [tilespmem:$0x1FFC0];
	v13 =	vadd.f32 v15, v56;
	v14 =	vadd.f32 v63, v57;
	[tilespmem:s26+$0x18A0] =	vst v1;
	s26 =	sadd.s32 $0x100, s26  }
0x437: {  	s23 =	sadd.s32 $0x1, s23  }
0x438: {  	p0 =	sne.s32 s23, $0x3  }
.Ltmp2:
0x439: {  	_ = 	snop;
	(pc) =	sbr.rel @p0 .LBB2_3-.Ltmp2, $4  }
0x43a: {  	s24 =	sadd.s32 s24, s22  }
0x43b: {  	s24 =	sshrl.u32 s24, $0x3  }
0x43c: {  	s24 =	sadd.s32 s1, s24  }
0x43d: {  	[hbm4b:s24+s12] =	stream.strided.scatter [tilespmem:s15], [sflag:$0x2], $0x4000, s13, s12, $0x38;
	[tilespmem:$0x14C00] =	vst v63  }
0x43e: {  	v12 =	vld [tilespmem:$0x1FF60]  }
0x43f: {  	v0 =	vld [tilespmem:$0x1FF70]  }
0x440: {  	v13 =	vld [tilespmem:$0x1FF50]  }
0x441: {  	v62 =	vld [tilespmem:$0x1FF80]  }
0x442: {  	s19 =	sadd.s32 $0x1, s19;
	v14 =	vld [tilespmem:$0x1FF40]  }
0x443: {  	v63 =	vld [tilespmem:$0x1FF90];
	p0 =	sne.s32 s19, $0x18  }
.Ltmp3:
0x444: {  	_ = 	snop;
	(pc) =	sbr.rel @p0 .LBB2_2-.Ltmp3, $3  }
0x445: {  	_ =	sdelay $0x1  }
0x446: {  	v12 =	vadd.f32 v12, v0  }
0x447: {  	v13 =	vadd.f32 v13, v62;
	v14 =	vadd.f32 v14, v63  }
0x448: {  	s18 =	sadd.s32 $0x1, s18  }
0x449: {  	_ =	swait.ge [sflag:s16], $0x4000;
	p0 =	sne.s32 s18, s8  }
.Ltmp4:
0x44a: {  	[sflag:s16] =	ssyncset.done $0x0;
	(pc) =	sbr.rel @p0 .LBB2_1-.Ltmp4, $4  }
0x44b: {  	[sflag:s16] =	ssyncadd.s32 $0xFFFFC000  }
0x44c: {  	_ =	swait.ge [sflag:s17], $0x4000  }
0x44d: {  	[sflag:s17] =	ssyncset.done $0x0  }
0x44e: {  	[sflag:s17] =	ssyncadd.s32 $0xFFFFC000  }
0x44f: {  	_ =	sfence.sel $0x180000  }
0x450: {  	[bflag:$0x0] =	sbarrier.arrive $0xFFFF  }
0x451: {  	p0 =	sne.s32 s3, $0x0;
	_ =	strace $0x90000047  }
0x452: {  	s0 =	sadd.s32 @!p0 $0x100000, s0;
	[bflag:$0x2] =	sbarrier.arrive $0xFFFF  }
0x453: {  	[sflag:s0] =	ssyncadd.tile.s32 @!p0 $0x1;
	_ =	shalt  }
.Lfunc_end2:
_tile_overlayer_lowered:
.L_overlay_start_2:
0x454: {  	(tag) =	ssettag $0x2  }
0x455: {  	s0 =	rddreg [dreg:$0x0];
	s2 =	stileid.u32  }
0x456: {  	s1 =	rddreg [dreg:$0x1];
	p0 =	sne.s32 s2, $0x0  }
0x457: {  	s3 =	rddreg [dreg:$0x2];
	[bflag:$0x3] =	sbarrier.arrive $0xFFFF;
	s2 =	simm.s32 @!p0 $0x1C03  }
0x458: {  	[timem:s3], [sflag:s2] =	dma.local @!p0 [hbm:s0], s1  }
0x459: {  	s0 =	simm.s32 @!p0 $0x3  }
0x45a: {  	_ =	swait.ge @!p0 [sflag:s0], s1  }
0x45b: {  	s1 =	ssub.s32 @!p0 $0x0, s1;
	[sflag:s0] =	ssyncset.done @!p0 $0x0  }
0x45c: {  	[sflag:s0] =	ssyncadd.s32 @!p0 s1  }
0x45d: {  	[bflag:$0x3] =	sbarrier.arrive $0xFFFF  }
0x45e: {  	_ =	shalt  }

</sc_bundles>
